<compile_context>
chip_gen: v7x
topology: tpu7x:2x2x1
jax: 0.10.2.dev20260603
libtpu: 0.0.44.dev20260713+nightly
codegen_flags: <defaults>
</compile_context>

<pallas_src>
import functools

import jax
import jax.numpy as jnp
from jax import lax
from jax.experimental import pallas as pl
from jax.experimental.pallas import tpu as pltpu
from jax.experimental.pallas import tpu_sc as plsc

N = 10000
E = 320000
D = 128
L = 5
G = 64

NC = 2
NS = 16
CHUNK = 128
NCHUNK = 79
EDGES_PER_TILE = NCHUNK * CHUNK
REAL_PER_TILE = E // (NC * NS)
ROWS_PER_TILE = 640
N_PAD = NS * ROWS_PER_TILE


def _segment_sum_sc(h, src2d, dst2d):
    mesh = plsc.VectorSubcoreMesh(core_axis_name="c", subcore_axis_name="s")

    @functools.partial(
        pl.kernel,
        out_type=jax.ShapeDtypeStruct((NC, N_PAD, D), jnp.float32),
        mesh=mesh,
        scratch_types=[
            pltpu.VMEM((EDGES_PER_TILE,), jnp.int32),
            pltpu.VMEM((8, CHUNK), jnp.int32),
            pltpu.VMEM((8, CHUNK), jnp.int32),
            pltpu.VMEM((2, CHUNK, D), jnp.float32),
            pltpu.VMEM_SHARED((N_PAD, D), jnp.float32),
            pltpu.SemaphoreType.DMA,
            pltpu.SemaphoreType.DMA,
            pltpu.SemaphoreType.DMA,
            pltpu.SemaphoreType.DMA,
        ],
    )
    def k(h_hbm, src_hbm, dst_hbm, out_hbm, sidx, didxa, didxb, rows, acc,
          gsem0, gsem1, dsem0, dsem1):
        cid = lax.axis_index("c")
        sid = lax.axis_index("s")
        tid = cid * NS + sid

        zeros16 = jnp.zeros((16,), jnp.float32)

        pltpu.async_copy(
            src_hbm.at[pl.ds(tid * EDGES_PER_TILE, EDGES_PER_TILE)], sidx,
            gsem0)

        def zrow(r, carry):
            for j in range(D // 16):
                rows[0, r, pl.ds(j * 16, 16)] = zeros16
            return carry

        lax.fori_loop(0, CHUNK, zrow, 0)
        for t in range(ROWS_PER_TILE // CHUNK):
            pltpu.sync_copy(
                rows.at[0],
                acc.at[pl.ds(sid * ROWS_PER_TILE + t * CHUNK, CHUNK)])
        _rem = ROWS_PER_TILE % CHUNK
        if _rem:
            pltpu.sync_copy(
                rows.at[0, pl.ds(0, _rem)],
                acc.at[pl.ds(sid * ROWS_PER_TILE
                             + (ROWS_PER_TILE // CHUNK) * CHUNK, _rem)])

        pltpu.make_async_copy(
            src_hbm.at[pl.ds(tid * EDGES_PER_TILE, EDGES_PER_TILE)], sidx,
            gsem0).wait()
        plsc.subcore_barrier()

        gsems = (gsem0, gsem1)
        dsems = (dsem0, dsem1)
        didxs = (didxa, didxb)

        def fetch_didx(cur, b):
            pltpu.async_copy(dst_hbm.at[tid, cur],
                             didxs[b].at[pl.ds(0, 1)], dsems[b])

        def wait_didx(cur, b):
            pltpu.make_async_copy(dst_hbm.at[tid, cur],
                                  didxs[b].at[pl.ds(0, 1)], dsems[b]).wait()

        pltpu.async_copy(h_hbm.at[sidx.at[pl.ds(0, CHUNK)]], rows.at[0],
                         gsem0)
        fetch_didx(0, 0)

        def chunk_pair(kk, carry):
            for p in range(2):
                cur = kk * 2 + p

                @pl.when(cur + 1 < NCHUNK)
                def _prefetch():
                    pltpu.async_copy(
                        h_hbm.at[sidx.at[pl.ds((cur + 1) * CHUNK, CHUNK)]],
                        rows.at[1 - p], gsems[1 - p])
                    fetch_didx(cur + 1, 1 - p)

                pltpu.make_async_copy(
                    h_hbm.at[sidx.at[pl.ds(cur * CHUNK, CHUNK)]],
                    rows.at[p], gsems[p]).wait()
                wait_didx(cur, p)
                pltpu.sync_copy(rows.at[p], acc.at[didxs[p].at[0]], add=True)
            return carry

        assert NCHUNK % 2 == 1
        lax.fori_loop(0, NCHUNK // 2, chunk_pair, 0)
        last = NCHUNK - 1
        pltpu.make_async_copy(
            h_hbm.at[sidx.at[pl.ds(last * CHUNK, CHUNK)]],
            rows.at[0], gsem0).wait()
        wait_didx(last, 0)
        pltpu.sync_copy(rows.at[0], acc.at[didxs[0].at[0]], add=True)

        plsc.subcore_barrier()

        pltpu.sync_copy(
            acc.at[pl.ds(sid * ROWS_PER_TILE, ROWS_PER_TILE)],
            out_hbm.at[cid, pl.ds(sid * ROWS_PER_TILE, ROWS_PER_TILE)])

    return k(h, src2d, dst2d)


_BLK = 2000
_GRID = N // _BLK


def _mlp_tc(h, msg, scale, W1, b1, W2, b2, gamma, beta):

    def body(scale_ref, h_ref, m0_ref, m1_ref, W1_ref, b1_ref, W2_ref,
             b2_ref, g_ref, be_ref, o_ref):
        z = scale_ref[0] * h_ref[...] + m0_ref[...] + m1_ref[...]
        a = jnp.dot(z, W1_ref[...], preferred_element_type=jnp.float32)
        a = jnp.maximum(a + b1_ref[...], 0.0)
        zz = jnp.dot(a, W2_ref[...], preferred_element_type=jnp.float32)
        zz = (zz + b2_ref[...]) * g_ref[...] + be_ref[...]
        o_ref[...] = jnp.maximum(zz, 0.0)

    full = lambda s: pl.BlockSpec(s, lambda i: (0,) * len(s))
    return pl.pallas_call(
        body,
        grid=(_GRID,),
        in_specs=[
            pl.BlockSpec(memory_space=pltpu.SMEM),
            pl.BlockSpec((_BLK, D), lambda i: (i, 0)),
            pl.BlockSpec((None, _BLK, D), lambda i: (0, i, 0)),
            pl.BlockSpec((None, _BLK, D), lambda i: (1, i, 0)),
            full((D, 2 * D)),
            full((1, 2 * D)),
            full((2 * D, D)),
            full((1, D)),
            full((1, D)),
            full((1, D)),
        ],
        out_specs=pl.BlockSpec((_BLK, D), lambda i: (i, 0)),
        out_shape=jax.ShapeDtypeStruct((N, D), jnp.float32),
    )(scale, h, msg, msg, W1, b1, W2, b2, gamma, beta)


def _mlp_pool_tc(h, msg, scale, W1, b1, W2, b2, gamma, beta, batch,
                 Wh1, bh1, Wh2, bh2, Wg1, bg1, Wg2, bg2):

    def body(scale_ref, h_ref, m0_ref, m1_ref, W1_ref, b1_ref, W2_ref,
             b2_ref, g_ref, be_ref, batch_ref,
             Wh1_ref, bh1_ref, Wh2_ref, bh2_ref,
             Wg1_ref, bg1_ref, Wg2_ref, bg2_ref,
             o1_ref, o2_ref, P_acc, c_acc):
        i = pl.program_id(0)

        @pl.when(i == 0)
        def _init():
            P_acc[...] = jnp.zeros_like(P_acc)
            c_acc[...] = jnp.zeros_like(c_acc)

        z = scale_ref[0] * h_ref[...] + m0_ref[...] + m1_ref[...]
        a = jnp.dot(z, W1_ref[...], preferred_element_type=jnp.float32)
        a = jnp.maximum(a + b1_ref[...], 0.0)
        zz = jnp.dot(a, W2_ref[...], preferred_element_type=jnp.float32)
        zz = (zz + b2_ref[...]) * g_ref[...] + be_ref[...]

        gids = lax.broadcasted_iota(jnp.int32, (_BLK, G), 1)
        onehot = jnp.where(batch_ref[...] == gids, 1.0, 0.0)
        P_acc[...] += jax.lax.dot_general(
            onehot, zz, (((0,), (0,)), ((), ())),
            preferred_element_type=jnp.float32)
        c_acc[...] += jnp.sum(onehot, axis=0, keepdims=True)

        @pl.when(i == _GRID - 1)
        def _fin():
            cnt = c_acc[...].reshape(G, 1)
            g1 = jnp.dot(P_acc[...], Wh1_ref[...],
                         preferred_element_type=jnp.float32) + cnt * bh1_ref[...]
            g2 = jnp.dot(P_acc[...], Wh2_ref[...],
                         preferred_element_type=jnp.float32) + cnt * bh2_ref[...]
            o1_ref[...] = jnp.dot(g1, Wg1_ref[...],
                                  preferred_element_type=jnp.float32) + bg1_ref[...]
            o2_ref[...] = jnp.dot(g2, Wg2_ref[...],
                                  preferred_element_type=jnp.float32) + bg2_ref[...]

    full = lambda s: pl.BlockSpec(s, lambda i: (0,) * len(s))
    return pl.pallas_call(
        body,
        grid=(_GRID,),
        in_specs=[
            pl.BlockSpec(memory_space=pltpu.SMEM),
            pl.BlockSpec((_BLK, D), lambda i: (i, 0)),
            pl.BlockSpec((None, _BLK, D), lambda i: (0, i, 0)),
            pl.BlockSpec((None, _BLK, D), lambda i: (1, i, 0)),
            full((D, 2 * D)),
            full((1, 2 * D)),
            full((2 * D, D)),
            full((1, D)),
            full((1, D)),
            full((1, D)),
            pl.BlockSpec((_BLK, 1), lambda i: (i, 0)),
            full((D, D)), full((1, D)),
            full((D, D)), full((1, D)),
            full((D, D)), full((1, D)),
            full((D, D)), full((1, D)),
        ],
        out_specs=[full((G, D)), full((G, D))],
        out_shape=[jax.ShapeDtypeStruct((G, D), jnp.float32),
                   jax.ShapeDtypeStruct((G, D), jnp.float32)],
        scratch_shapes=[pltpu.VMEM((G, D), jnp.float32),
                        pltpu.VMEM((1, G), jnp.float32)],
    )(scale, h, msg, msg, W1, b1, W2, b2, gamma, beta, batch,
      Wh1, bh1, Wh2, bh2, Wg1, bg1, Wg2, bg2)


def kernel(x, edge_index, batch, W1, b1, W2, b2, eps, gamma, beta,
           Wh1, bh1, Wh2, bh2, Wg1, bg1, Wg2, bg2):
    nw = NC * NS
    pad_w = EDGES_PER_TILE - REAL_PER_TILE
    spare = N_PAD - N
    pad_dst = N + (jnp.arange(pad_w, dtype=jnp.int32) % spare)
    pad_src = jnp.arange(pad_w, dtype=jnp.int32) * 89 % N
    src = jnp.concatenate(
        [edge_index[0].reshape(nw, REAL_PER_TILE),
         jnp.broadcast_to(pad_src, (nw, pad_w))],
        axis=1).reshape(nw * EDGES_PER_TILE)
    dst = jnp.concatenate(
        [edge_index[1].reshape(nw, REAL_PER_TILE),
         jnp.broadcast_to(pad_dst, (nw, pad_w))],
        axis=1).reshape(nw, NCHUNK, 1, CHUNK)
    batch2d = batch.reshape(N, 1)

    h = x
    for l in range(L):
        msg = _segment_sum_sc(h, src, dst)
        scale = (1.0 + eps[l]).reshape(1)
        if l < L - 1:
            h = _mlp_tc(h, msg, scale, W1[l], b1[l].reshape(1, 2 * D),
                        W2[l], b2[l].reshape(1, D),
                        gamma[l].reshape(1, D), beta[l].reshape(1, D))
        else:
            out1, out2 = _mlp_pool_tc(
                h, msg, scale, W1[l], b1[l].reshape(1, 2 * D),
                W2[l], b2[l].reshape(1, D),
                gamma[l].reshape(1, D), beta[l].reshape(1, D), batch2d,
                Wh1, bh1.reshape(1, D), Wh2, bh2.reshape(1, D),
                Wg1, bg1.reshape(1, D), Wg2, bg2.reshape(1, D))
    return (out1, out2)

# --- scband reference (transcript-rebuilt; emitter-appended) ---
"""Pipeline reference for scband-gnn-mta-62225486184607 (READ-ONLY COPY).

The authoritative reference and input builder live on the scoring server;
editing this copy changes nothing except your own understanding.
"""

import jax, jax.numpy as jnp
import numpy as np

N = 10000
E = 320000
D = 128
L = 5
G = 64


def setup_inputs(seed: int = 0) -> dict:
    key = jax.random.key(seed)
    ks = jax.random.split(key, 24)
    x = jax.random.normal(ks[0], (N, D), dtype=jnp.float32)
    edge_index = jax.random.randint(ks[1], (2, E), 0, N)
    batch = jnp.sort(jax.random.randint(ks[2], (N,), 0, G))
    s = 0.05
    # GIN conv MLP params per layer: Linear(D, 2D) -> ReLU -> Linear(2D, D), BN affine, eps
    W1 = jax.random.normal(ks[3], (L, D, 2 * D), dtype=jnp.float32) * s
    b1 = jnp.zeros((L, 2 * D), dtype=jnp.float32)
    W2 = jax.random.normal(ks[4], (L, 2 * D, D), dtype=jnp.float32) * s
    b2 = jnp.zeros((L, D), dtype=jnp.float32)
    eps = jnp.zeros((L,), dtype=jnp.float32)
    gamma = jnp.ones((L, D), dtype=jnp.float32)
    beta = jnp.zeros((L, D), dtype=jnp.float32)
    # two node-level heads (num_heads=2, MTA)
    Wh1 = jax.random.normal(ks[5], (D, D), dtype=jnp.float32) * s
    bh1 = jnp.zeros((D,), dtype=jnp.float32)
    Wh2 = jax.random.normal(ks[6], (D, D), dtype=jnp.float32) * s
    bh2 = jnp.zeros((D,), dtype=jnp.float32)
    # graph_pred_linear_1[0] and graph_pred_linear_2[0]: Linear(emb_dim, emb_dim)
    Wg1 = jax.random.normal(ks[7], (D, D), dtype=jnp.float32) * s
    bg1 = jnp.zeros((D,), dtype=jnp.float32)
    Wg2 = jax.random.normal(ks[8], (D, D), dtype=jnp.float32) * s
    bg2 = jnp.zeros((D,), dtype=jnp.float32)
    return {"x": x, "edge_index": edge_index, "batch": batch,
            "W1": W1, "b1": b1, "W2": W2, "b2": b2, "eps": eps,
            "gamma": gamma, "beta": beta,
            "Wh1": Wh1, "bh1": bh1, "Wh2": Wh2, "bh2": bh2,
            "Wg1": Wg1, "bg1": bg1, "Wg2": Wg2, "bg2": bg2}


def reference(x, edge_index, batch, W1, b1, W2, b2, eps, gamma, beta,
              Wh1, bh1, Wh2, bh2, Wg1, bg1, Wg2, bg2):
    src = edge_index[0]
    dst = edge_index[1]
    h = x
    for l in range(L):
        # GIN message passing: sum-aggregate neighbor features to dst nodes
        msg = jax.ops.segment_sum(h[src], dst, num_segments=N)
        z = (1.0 + eps[l]) * h + msg
        z = jax.nn.relu(z @ W1[l] + b1[l])
        z = z @ W2[l] + b2[l]
        # BatchNorm (eval-mode affine)
        z = z * gamma[l] + beta[l]
        if l < L - 1:
            z = jax.nn.relu(z)
        # dropout is identity in eval mode
        h = z
    # two MTA node heads
    h1 = h @ Wh1 + bh1
    h2 = h @ Wh2 + bh2
    # global_add_pool over batch assignment
    g1 = jax.ops.segment_sum(h1, batch, num_segments=G)
    g2 = jax.ops.segment_sum(h2, batch, num_segments=G)
    out1 = g1 @ Wg1 + bg1
    out2 = g2 @ Wg2 + bg2
    return (out1, out2)

if __name__ == "__main__":
    import jax
    _d = setup_inputs()
    print(jax.jit(kernel)(*tuple(_d.values())))

</pallas_src>

<mosaic_0001>
#map = affine_map<(d0, d1) -> (0, 0)>
#map1 = affine_map<(d0, d1) -> (0)>
#map2 = affine_map<(d0, d1) -> (0, 0, 0, 0)>
#map3 = affine_map<(d0, d1) -> (0, 0, 0)>
module attributes {stable_mosaic.version = 14 : i64} {
  func.func @k(%arg0: i32, %arg1: i32, %arg2: memref<10000x128xf32, #tpu.memory_space<hbm>>, %arg3: memref<323584xi32, #tpu.memory_space<hbm>>, %arg4: memref<32x79x1x128xi32, #tpu.memory_space<hbm>>, %arg5: memref<2x10240x128xf32, #tpu.memory_space<hbm>>, %arg6: memref<10112xi32, #tpu.memory_space<vmem>>, %arg7: memref<8x128xi32, #tpu.memory_space<vmem>>, %arg8: memref<8x128xi32, #tpu.memory_space<vmem>>, %arg9: memref<2x128x128xf32, #tpu.memory_space<vmem>>, %arg10: memref<10240x128xf32, #tpu.memory_space<vmem_shared>>, %arg11: memref<!tpu.dma_semaphore, #tpu.memory_space<semaphore_mem>>, %arg12: memref<!tpu.dma_semaphore, #tpu.memory_space<semaphore_mem>>, %arg13: memref<!tpu.dma_semaphore, #tpu.memory_space<semaphore_mem>>, %arg14: memref<!tpu.dma_semaphore, #tpu.memory_space<semaphore_mem>>) attributes {dimension_semantics = [#tpu.dimension_semantics<core_parallel>, #tpu.dimension_semantics<subcore_parallel>], iteration_bounds = array<i64: 2, 16>, scalar_prefetch = 0 : i64, scratch_operands = 9 : i64, tpu.core_type = #tpu.core_type<sc_vector_subcore>, window_params = [{transform_indices = #map}, {transform_indices = #map1}, {transform_indices = #map2}, {transform_indices = #map3}]} {
    %mul3A = arith.constant 16 : i32
    %mul3A_0 = arith.muli %arg0, %mul3A : i32
    %add3A = arith.addi %mul3A_0, %arg1 : i32
    %broadcast_in_dim3A = arith.constant 0.000000e+00 : f32
    %broadcast_in_dim3A_1 = vector.broadcast %broadcast_in_dim3A : f32 to vector<16xf32>
    %mul3A_2 = arith.constant 10112 : i32
    %mul3A_3 = arith.muli %add3A, %mul3A_2 : i32
    %dma_start3A = tpu.memref_slice %arg3[%mul3A_3] : memref<323584xi32, #tpu.memory_space<hbm>> -> memref<10112xi32, #tpu.memory_space<hbm>>
    %dma_start3A_4 = tpu.memref_slice %arg3[%mul3A_3] : memref<323584xi32, #tpu.memory_space<hbm>> -> memref<10112xi32, #tpu.memory_space<hbm>>
    tpu.enqueue_dma source(%dma_start3A_4 : memref<10112xi32, #tpu.memory_space<hbm>>) target(%arg6 : memref<10112xi32, #tpu.memory_space<vmem>>) target_semaphore(%arg11 : memref<!tpu.dma_semaphore, #tpu.memory_space<semaphore_mem>>)
    %scan3A = arith.constant 0 : i32
    %scan3A_5 = arith.constant 0 : i32
    %scan3A_6 = arith.constant 128 : i32
    %scan3A_7 = arith.addi %scan3A_5, %scan3A_6 : i32
    %scan3A_8 = arith.constant 1 : i32
    scf.for %scan3A_100 = %scan3A_5 to %scan3A_7 step %scan3A_8  : i32 {
      %swap3A = arith.constant 0 : i32
      %swap3A_101 = arith.index_cast %swap3A : i32 to index
      %swap3A_102 = arith.index_cast %scan3A_100 : i32 to index
      %swap3A_103 = arith.constant 0 : index
      %swap3A_104 = tpu.vector_load %arg9[%swap3A_101, %swap3A_102, %swap3A_103] {strides = array<i32>} : memref<2x128x128xf32, #tpu.memory_space<vmem>>, vector<1x1x16xf32>,
      %swap3A_105 = vector.shape_cast %swap3A_104 : vector<1x1x16xf32> to vector<16xf32>
      %swap3A_106 = vector.shape_cast %broadcast_in_dim3A_1 : vector<16xf32> to vector<1x1x16xf32>
      tpu.vector_store %arg9[%swap3A_101, %swap3A_102, %swap3A_103], %swap3A_106 {strides = array<i32>} : memref<2x128x128xf32, #tpu.memory_space<vmem>>, vector<1x1x16xf32>,
      %swap3A_107 = arith.constant 0 : i32
      %swap3A_108 = arith.index_cast %swap3A_107 : i32 to index
      %swap3A_109 = arith.index_cast %scan3A_100 : i32 to index
      %swap3A_110 = arith.constant 16 : index
      %swap3A_111 = tpu.vector_load %arg9[%swap3A_108, %swap3A_109, %swap3A_110] {strides = array<i32>} : memref<2x128x128xf32, #tpu.memory_space<vmem>>, vector<1x1x16xf32>,
      %swap3A_112 = vector.shape_cast %swap3A_111 : vector<1x1x16xf32> to vector<16xf32>
      %swap3A_113 = vector.shape_cast %broadcast_in_dim3A_1 : vector<16xf32> to vector<1x1x16xf32>
      tpu.vector_store %arg9[%swap3A_108, %swap3A_109, %swap3A_110], %swap3A_113 {strides = array<i32>} : memref<2x128x128xf32, #tpu.memory_space<vmem>>, vector<1x1x16xf32>,
      %swap3A_114 = arith.constant 0 : i32
      %swap3A_115 = arith.index_cast %swap3A_114 : i32 to index
      %swap3A_116 = arith.index_cast %scan3A_100 : i32 to index
      %swap3A_117 = arith.constant 32 : index
      %swap3A_118 = tpu.vector_load %arg9[%swap3A_115, %swap3A_116, %swap3A_117] {strides = array<i32>} : memref<2x128x128xf32, #tpu.memory_space<vmem>>, vector<1x1x16xf32>,
      %swap3A_119 = vector.shape_cast %swap3A_118 : vector<1x1x16xf32> to vector<16xf32>
      %swap3A_120 = vector.shape_cast %broadcast_in_dim3A_1 : vector<16xf32> to vector<1x1x16xf32>
      tpu.vector_store %arg9[%swap3A_115, %swap3A_116, %swap3A_117], %swap3A_120 {strides = array<i32>} : memref<2x128x128xf32, #tpu.memory_space<vmem>>, vector<1x1x16xf32>,
      %swap3A_121 = arith.constant 0 : i32
      %swap3A_122 = arith.index_cast %swap3A_121 : i32 to index
      %swap3A_123 = arith.index_cast %scan3A_100 : i32 to index
      %swap3A_124 = arith.constant 48 : index
      %swap3A_125 = tpu.vector_load %arg9[%swap3A_122, %swap3A_123, %swap3A_124] {strides = array<i32>} : memref<2x128x128xf32, #tpu.memory_space<vmem>>, vector<1x1x16xf32>,
      %swap3A_126 = vector.shape_cast %swap3A_125 : vector<1x1x16xf32> to vector<16xf32>
      %swap3A_127 = vector.shape_cast %broadcast_in_dim3A_1 : vector<16xf32> to vector<1x1x16xf32>
      tpu.vector_store %arg9[%swap3A_122, %swap3A_123, %swap3A_124], %swap3A_127 {strides = array<i32>} : memref<2x128x128xf32, #tpu.memory_space<vmem>>, vector<1x1x16xf32>,
      %swap3A_128 = arith.constant 0 : i32
      %swap3A_129 = arith.index_cast %swap3A_128 : i32 to index
      %swap3A_130 = arith.index_cast %scan3A_100 : i32 to index
      %swap3A_131 = arith.constant 64 : index
      %swap3A_132 = tpu.vector_load %arg9[%swap3A_129, %swap3A_130, %swap3A_131] {strides = array<i32>} : memref<2x128x128xf32, #tpu.memory_space<vmem>>, vector<1x1x16xf32>,
      %swap3A_133 = vector.shape_cast %swap3A_132 : vector<1x1x16xf32> to vector<16xf32>
      %swap3A_134 = vector.shape_cast %broadcast_in_dim3A_1 : vector<16xf32> to vector<1x1x16xf32>
      tpu.vector_store %arg9[%swap3A_129, %swap3A_130, %swap3A_131], %swap3A_134 {strides = array<i32>} : memref<2x128x128xf32, #tpu.memory_space<vmem>>, vector<1x1x16xf32>,
      %swap3A_135 = arith.constant 0 : i32
      %swap3A_136 = arith.index_cast %swap3A_135 : i32 to index
      %swap3A_137 = arith.index_cast %scan3A_100 : i32 to index
      %swap3A_138 = arith.constant 80 : index
      %swap3A_139 = tpu.vector_load %arg9[%swap3A_136, %swap3A_137, %swap3A_138] {strides = array<i32>} : memref<2x128x128xf32, #tpu.memory_space<vmem>>, vector<1x1x16xf32>,
      %swap3A_140 = vector.shape_cast %swap3A_139 : vector<1x1x16xf32> to vector<16xf32>
      %swap3A_141 = vector.shape_cast %broadcast_in_dim3A_1 : vector<16xf32> to vector<1x1x16xf32>
      tpu.vector_store %arg9[%swap3A_136, %swap3A_137, %swap3A_138], %swap3A_141 {strides = array<i32>} : memref<2x128x128xf32, #tpu.memory_space<vmem>>, vector<1x1x16xf32>,
      %swap3A_142 = arith.constant 0 : i32
      %swap3A_143 = arith.index_cast %swap3A_142 : i32 to index
      %swap3A_144 = arith.index_cast %scan3A_100 : i32 to index
      %swap3A_145 = arith.constant 96 : index
      %swap3A_146 = tpu.vector_load %arg9[%swap3A_143, %swap3A_144, %swap3A_145] {strides = array<i32>} : memref<2x128x128xf32, #tpu.memory_space<vmem>>, vector<1x1x16xf32>,
      %swap3A_147 = vector.shape_cast %swap3A_146 : vector<1x1x16xf32> to vector<16xf32>
      %swap3A_148 = vector.shape_cast %broadcast_in_dim3A_1 : vector<16xf32> to vector<1x1x16xf32>
      tpu.vector_store %arg9[%swap3A_143, %swap3A_144, %swap3A_145], %swap3A_148 {strides = array<i32>} : memref<2x128x128xf32, #tpu.memory_space<vmem>>, vector<1x1x16xf32>,
      %swap3A_149 = arith.constant 0 : i32
      %swap3A_150 = arith.index_cast %swap3A_149 : i32 to index
      %swap3A_151 = arith.index_cast %scan3A_100 : i32 to index
      %swap3A_152 = arith.constant 112 : index
      %swap3A_153 = tpu.vector_load %arg9[%swap3A_150, %swap3A_151, %swap3A_152] {strides = array<i32>} : memref<2x128x128xf32, #tpu.memory_space<vmem>>, vector<1x1x16xf32>,
      %swap3A_154 = vector.shape_cast %swap3A_153 : vector<1x1x16xf32> to vector<16xf32>
      %swap3A_155 = vector.shape_cast %broadcast_in_dim3A_1 : vector<16xf32> to vector<1x1x16xf32>
      tpu.vector_store %arg9[%swap3A_150, %swap3A_151, %swap3A_152], %swap3A_155 {strides = array<i32>} : memref<2x128x128xf32, #tpu.memory_space<vmem>>, vector<1x1x16xf32>,
    }
    %scan3A_9 = arith.constant 128 : i32
    %mul3A_10 = arith.constant 640 : i32
    %mul3A_11 = arith.muli %arg1, %mul3A_10 : i32
    %add3A_12 = arith.constant 0 : i32
    %add3A_13 = arith.addi %mul3A_11, %add3A_12 : i32
    %run_scoped3A = arith.constant 0 : i32
    "tpu.region"() ({
      %run_scoped3A_100 = tpu.sem_alloc : memref<!tpu.dma_semaphore, #tpu.memory_space<semaphore_mem>>
      %dma_start3A_101 = arith.constant 0 : i32
      %dma_start3A_102 = arith.constant 0 : i32
      %dma_start3A_103 = tpu.memref_slice %arg9[%run_scoped3A, %dma_start3A_101, %dma_start3A_102] : memref<2x128x128xf32, #tpu.memory_space<vmem>> -> memref<1x128x128xf32, #tpu.memory_space<vmem>>
      %dma_start3A_104 = tpu.memref_squeeze %dma_start3A_103 : memref<1x128x128xf32, #tpu.memory_space<vmem>> -> memref<128x128xf32, #tpu.memory_space<vmem>>
      %dma_start3A_105 = arith.constant 0 : i32
      %dma_start3A_106 = tpu.memref_slice %arg10[%add3A_13, %dma_start3A_105] : memref<10240x128xf32, #tpu.memory_space<vmem_shared>> -> memref<128x128xf32, #tpu.memory_space<vmem_shared>>
      %dma_start3A_107 = arith.constant 0 : i32
      %dma_start3A_108 = tpu.memref_slice %arg10[%add3A_13, %dma_start3A_107] : memref<10240x128xf32, #tpu.memory_space<vmem_shared>> -> memref<128x128xf32, #tpu.memory_space<vmem_shared>>
      %dma_start3A_109 = arith.constant 0 : i32
      %dma_start3A_110 = arith.constant 0 : i32
      %dma_start3A_111 = tpu.memref_slice %arg9[%run_scoped3A, %dma_start3A_109, %dma_start3A_110] : memref<2x128x128xf32, #tpu.memory_space<vmem>> -> memref<1x128x128xf32, #tpu.memory_space<vmem>>
      %dma_start3A_112 = tpu.memref_squeeze %dma_start3A_111 : memref<1x128x128xf32, #tpu.memory_space<vmem>> -> memref<128x128xf32, #tpu.memory_space<vmem>>
      tpu.enqueue_dma source(%dma_start3A_112 : memref<128x128xf32, #tpu.memory_space<vmem>>) target(%dma_start3A_108 : memref<128x128xf32, #tpu.memory_space<vmem_shared>>) target_semaphore(%run_scoped3A_100 : memref<!tpu.dma_semaphore, #tpu.memory_space<semaphore_mem>>)
      %dma_wait3A_113 = arith.constant 0 : i32
      %dma_wait3A_114 = arith.constant 0 : i32
      %dma_wait3A_115 = tpu.memref_slice %arg9[%run_scoped3A, %dma_wait3A_113, %dma_wait3A_114] : memref<2x128x128xf32, #tpu.memory_space<vmem>> -> memref<1x128x128xf32, #tpu.memory_space<vmem>>
      %dma_wait3A_116 = tpu.memref_squeeze %dma_wait3A_115 : memref<1x128x128xf32, #tpu.memory_space<vmem>> -> memref<128x128xf32, #tpu.memory_space<vmem>>
      %dma_wait3A_117 = arith.constant 0 : i32
      %dma_wait3A_118 = tpu.memref_slice %arg10[%add3A_13, %dma_wait3A_117] : memref<10240x128xf32, #tpu.memory_space<vmem_shared>> -> memref<128x128xf32, #tpu.memory_space<vmem_shared>>
      %dma_wait3A_119 = arith.constant 0 : i32
      %dma_wait3A_120 = tpu.memref_slice %arg10[%add3A_13, %dma_wait3A_119] : memref<10240x128xf32, #tpu.memory_space<vmem_shared>> -> memref<128x128xf32, #tpu.memory_space<vmem_shared>>
      %dma_wait3A_121 = arith.constant 0 : i32
      %dma_wait3A_122 = arith.constant 0 : i32
      %dma_wait3A_123 = tpu.memref_slice %arg9[%run_scoped3A, %dma_wait3A_121, %dma_wait3A_122] : memref<2x128x128xf32, #tpu.memory_space<vmem>> -> memref<1x128x128xf32, #tpu.memory_space<vmem>>
      %dma_wait3A_124 = tpu.memref_squeeze %dma_wait3A_123 : memref<1x128x128xf32, #tpu.memory_space<vmem>> -> memref<128x128xf32, #tpu.memory_space<vmem>>
      tpu.wait_dma2 semaphore(%run_scoped3A_100 : memref<!tpu.dma_semaphore, #tpu.memory_space<semaphore_mem>>) src(%dma_wait3A_124 : memref<128x128xf32, #tpu.memory_space<vmem>>) dst(%dma_wait3A_120 : memref<128x128xf32, #tpu.memory_space<vmem_shared>>)
      tpu.yield
    }) : () -> ()
    %mul3A_14 = arith.constant 640 : i32
    %mul3A_15 = arith.muli %arg1, %mul3A_14 : i32
    %add3A_16 = arith.constant 128 : i32
    %add3A_17 = arith.addi %mul3A_15, %add3A_16 : i32
    %run_scoped3A_18 = arith.constant 0 : i32
    "tpu.region"() ({
      %run_scoped3A_100 = tpu.sem_alloc : memref<!tpu.dma_semaphore, #tpu.memory_space<semaphore_mem>>
      %dma_start3A_101 = arith.constant 0 : i32
      %dma_start3A_102 = arith.constant 0 : i32
      %dma_start3A_103 = tpu.memref_slice %arg9[%run_scoped3A_18, %dma_start3A_101, %dma_start3A_102] : memref<2x128x128xf32, #tpu.memory_space<vmem>> -> memref<1x128x128xf32, #tpu.memory_space<vmem>>
      %dma_start3A_104 = tpu.memref_squeeze %dma_start3A_103 : memref<1x128x128xf32, #tpu.memory_space<vmem>> -> memref<128x128xf32, #tpu.memory_space<vmem>>
      %dma_start3A_105 = arith.constant 0 : i32
      %dma_start3A_106 = tpu.memref_slice %arg10[%add3A_17, %dma_start3A_105] : memref<10240x128xf32, #tpu.memory_space<vmem_shared>> -> memref<128x128xf32, #tpu.memory_space<vmem_shared>>
      %dma_start3A_107 = arith.constant 0 : i32
      %dma_start3A_108 = tpu.memref_slice %arg10[%add3A_17, %dma_start3A_107] : memref<10240x128xf32, #tpu.memory_space<vmem_shared>> -> memref<128x128xf32, #tpu.memory_space<vmem_shared>>
      %dma_start3A_109 = arith.constant 0 : i32
      %dma_start3A_110 = arith.constant 0 : i32
      %dma_start3A_111 = tpu.memref_slice %arg9[%run_scoped3A_18, %dma_start3A_109, %dma_start3A_110] : memref<2x128x128xf32, #tpu.memory_space<vmem>> -> memref<1x128x128xf32, #tpu.memory_space<vmem>>
      %dma_start3A_112 = tpu.memref_squeeze %dma_start3A_111 : memref<1x128x128xf32, #tpu.memory_space<vmem>> -> memref<128x128xf32, #tpu.memory_space<vmem>>
      tpu.enqueue_dma source(%dma_start3A_112 : memref<128x128xf32, #tpu.memory_space<vmem>>) target(%dma_start3A_108 : memref<128x128xf32, #tpu.memory_space<vmem_shared>>) target_semaphore(%run_scoped3A_100 : memref<!tpu.dma_semaphore, #tpu.memory_space<semaphore_mem>>)
      %dma_wait3A_113 = arith.constant 0 : i32
      %dma_wait3A_114 = arith.constant 0 : i32
      %dma_wait3A_115 = tpu.memref_slice %arg9[%run_scoped3A_18, %dma_wait3A_113, %dma_wait3A_114] : memref<2x128x128xf32, #tpu.memory_space<vmem>> -> memref<1x128x128xf32, #tpu.memory_space<vmem>>
      %dma_wait3A_116 = tpu.memref_squeeze %dma_wait3A_115 : memref<1x128x128xf32, #tpu.memory_space<vmem>> -> memref<128x128xf32, #tpu.memory_space<vmem>>
      %dma_wait3A_117 = arith.constant 0 : i32
      %dma_wait3A_118 = tpu.memref_slice %arg10[%add3A_17, %dma_wait3A_117] : memref<10240x128xf32, #tpu.memory_space<vmem_shared>> -> memref<128x128xf32, #tpu.memory_space<vmem_shared>>
      %dma_wait3A_119 = arith.constant 0 : i32
      %dma_wait3A_120 = tpu.memref_slice %arg10[%add3A_17, %dma_wait3A_119] : memref<10240x128xf32, #tpu.memory_space<vmem_shared>> -> memref<128x128xf32, #tpu.memory_space<vmem_shared>>
      %dma_wait3A_121 = arith.constant 0 : i32
      %dma_wait3A_122 = arith.constant 0 : i32
      %dma_wait3A_123 = tpu.memref_slice %arg9[%run_scoped3A_18, %dma_wait3A_121, %dma_wait3A_122] : memref<2x128x128xf32, #tpu.memory_space<vmem>> -> memref<1x128x128xf32, #tpu.memory_space<vmem>>
      %dma_wait3A_124 = tpu.memref_squeeze %dma_wait3A_123 : memref<1x128x128xf32, #tpu.memory_space<vmem>> -> memref<128x128xf32, #tpu.memory_space<vmem>>
      tpu.wait_dma2 semaphore(%run_scoped3A_100 : memref<!tpu.dma_semaphore, #tpu.memory_space<semaphore_mem>>) src(%dma_wait3A_124 : memref<128x128xf32, #tpu.memory_space<vmem>>) dst(%dma_wait3A_120 : memref<128x128xf32, #tpu.memory_space<vmem_shared>>)
      tpu.yield
    }) : () -> ()
    %mul3A_19 = arith.constant 640 : i32
    %mul3A_20 = arith.muli %arg1, %mul3A_19 : i32
    %add3A_21 = arith.constant 256 : i32
    %add3A_22 = arith.addi %mul3A_20, %add3A_21 : i32
    %run_scoped3A_23 = arith.constant 0 : i32
    "tpu.region"() ({
      %run_scoped3A_100 = tpu.sem_alloc : memref<!tpu.dma_semaphore, #tpu.memory_space<semaphore_mem>>
      %dma_start3A_101 = arith.constant 0 : i32
      %dma_start3A_102 = arith.constant 0 : i32
      %dma_start3A_103 = tpu.memref_slice %arg9[%run_scoped3A_23, %dma_start3A_101, %dma_start3A_102] : memref<2x128x128xf32, #tpu.memory_space<vmem>> -> memref<1x128x128xf32, #tpu.memory_space<vmem>>
      %dma_start3A_104 = tpu.memref_squeeze %dma_start3A_103 : memref<1x128x128xf32, #tpu.memory_space<vmem>> -> memref<128x128xf32, #tpu.memory_space<vmem>>
      %dma_start3A_105 = arith.constant 0 : i32
      %dma_start3A_106 = tpu.memref_slice %arg10[%add3A_22, %dma_start3A_105] : memref<10240x128xf32, #tpu.memory_space<vmem_shared>> -> memref<128x128xf32, #tpu.memory_space<vmem_shared>>
      %dma_start3A_107 = arith.constant 0 : i32
      %dma_start3A_108 = tpu.memref_slice %arg10[%add3A_22, %dma_start3A_107] : memref<10240x128xf32, #tpu.memory_space<vmem_shared>> -> memref<128x128xf32, #tpu.memory_space<vmem_shared>>
      %dma_start3A_109 = arith.constant 0 : i32
      %dma_start3A_110 = arith.constant 0 : i32
      %dma_start3A_111 = tpu.memref_slice %arg9[%run_scoped3A_23, %dma_start3A_109, %dma_start3A_110] : memref<2x128x128xf32, #tpu.memory_space<vmem>> -> memref<1x128x128xf32, #tpu.memory_space<vmem>>
      %dma_start3A_112 = tpu.memref_squeeze %dma_start3A_111 : memref<1x128x128xf32, #tpu.memory_space<vmem>> -> memref<128x128xf32, #tpu.memory_space<vmem>>
      tpu.enqueue_dma source(%dma_start3A_112 : memref<128x128xf32, #tpu.memory_space<vmem>>) target(%dma_start3A_108 : memref<128x128xf32, #tpu.memory_space<vmem_shared>>) target_semaphore(%run_scoped3A_100 : memref<!tpu.dma_semaphore, #tpu.memory_space<semaphore_mem>>)
      %dma_wait3A_113 = arith.constant 0 : i32
      %dma_wait3A_114 = arith.constant 0 : i32
      %dma_wait3A_115 = tpu.memref_slice %arg9[%run_scoped3A_23, %dma_wait3A_113, %dma_wait3A_114] : memref<2x128x128xf32, #tpu.memory_space<vmem>> -> memref<1x128x128xf32, #tpu.memory_space<vmem>>
      %dma_wait3A_116 = tpu.memref_squeeze %dma_wait3A_115 : memref<1x128x128xf32, #tpu.memory_space<vmem>> -> memref<128x128xf32, #tpu.memory_space<vmem>>
      %dma_wait3A_117 = arith.constant 0 : i32
      %dma_wait3A_118 = tpu.memref_slice %arg10[%add3A_22, %dma_wait3A_117] : memref<10240x128xf32, #tpu.memory_space<vmem_shared>> -> memref<128x128xf32, #tpu.memory_space<vmem_shared>>
      %dma_wait3A_119 = arith.constant 0 : i32
      %dma_wait3A_120 = tpu.memref_slice %arg10[%add3A_22, %dma_wait3A_119] : memref<10240x128xf32, #tpu.memory_space<vmem_shared>> -> memref<128x128xf32, #tpu.memory_space<vmem_shared>>
      %dma_wait3A_121 = arith.constant 0 : i32
      %dma_wait3A_122 = arith.constant 0 : i32
      %dma_wait3A_123 = tpu.memref_slice %arg9[%run_scoped3A_23, %dma_wait3A_121, %dma_wait3A_122] : memref<2x128x128xf32, #tpu.memory_space<vmem>> -> memref<1x128x128xf32, #tpu.memory_space<vmem>>
      %dma_wait3A_124 = tpu.memref_squeeze %dma_wait3A_123 : memref<1x128x128xf32, #tpu.memory_space<vmem>> -> memref<128x128xf32, #tpu.memory_space<vmem>>
      tpu.wait_dma2 semaphore(%run_scoped3A_100 : memref<!tpu.dma_semaphore, #tpu.memory_space<semaphore_mem>>) src(%dma_wait3A_124 : memref<128x128xf32, #tpu.memory_space<vmem>>) dst(%dma_wait3A_120 : memref<128x128xf32, #tpu.memory_space<vmem_shared>>)
      tpu.yield
    }) : () -> ()
    %mul3A_24 = arith.constant 640 : i32
    %mul3A_25 = arith.muli %arg1, %mul3A_24 : i32
    %add3A_26 = arith.constant 384 : i32
    %add3A_27 = arith.addi %mul3A_25, %add3A_26 : i32
    %run_scoped3A_28 = arith.constant 0 : i32
    "tpu.region"() ({
      %run_scoped3A_100 = tpu.sem_alloc : memref<!tpu.dma_semaphore, #tpu.memory_space<semaphore_mem>>
      %dma_start3A_101 = arith.constant 0 : i32
      %dma_start3A_102 = arith.constant 0 : i32
      %dma_start3A_103 = tpu.memref_slice %arg9[%run_scoped3A_28, %dma_start3A_101, %dma_start3A_102] : memref<2x128x128xf32, #tpu.memory_space<vmem>> -> memref<1x128x128xf32, #tpu.memory_space<vmem>>
      %dma_start3A_104 = tpu.memref_squeeze %dma_start3A_103 : memref<1x128x128xf32, #tpu.memory_space<vmem>> -> memref<128x128xf32, #tpu.memory_space<vmem>>
      %dma_start3A_105 = arith.constant 0 : i32
      %dma_start3A_106 = tpu.memref_slice %arg10[%add3A_27, %dma_start3A_105] : memref<10240x128xf32, #tpu.memory_space<vmem_shared>> -> memref<128x128xf32, #tpu.memory_space<vmem_shared>>
      %dma_start3A_107 = arith.constant 0 : i32
      %dma_start3A_108 = tpu.memref_slice %arg10[%add3A_27, %dma_start3A_107] : memref<10240x128xf32, #tpu.memory_space<vmem_shared>> -> memref<128x128xf32, #tpu.memory_space<vmem_shared>>
      %dma_start3A_109 = arith.constant 0 : i32
      %dma_start3A_110 = arith.constant 0 : i32
      %dma_start3A_111 = tpu.memref_slice %arg9[%run_scoped3A_28, %dma_start3A_109, %dma_start3A_110] : memref<2x128x128xf32, #tpu.memory_space<vmem>> -> memref<1x128x128xf32, #tpu.memory_space<vmem>>
      %dma_start3A_112 = tpu.memref_squeeze %dma_start3A_111 : memref<1x128x128xf32, #tpu.memory_space<vmem>> -> memref<128x128xf32, #tpu.memory_space<vmem>>
      tpu.enqueue_dma source(%dma_start3A_112 : memref<128x128xf32, #tpu.memory_space<vmem>>) target(%dma_start3A_108 : memref<128x128xf32, #tpu.memory_space<vmem_shared>>) target_semaphore(%run_scoped3A_100 : memref<!tpu.dma_semaphore, #tpu.memory_space<semaphore_mem>>)
      %dma_wait3A_113 = arith.constant 0 : i32
      %dma_wait3A_114 = arith.constant 0 : i32
      %dma_wait3A_115 = tpu.memref_slice %arg9[%run_scoped3A_28, %dma_wait3A_113, %dma_wait3A_114] : memref<2x128x128xf32, #tpu.memory_space<vmem>> -> memref<1x128x128xf32, #tpu.memory_space<vmem>>
      %dma_wait3A_116 = tpu.memref_squeeze %dma_wait3A_115 : memref<1x128x128xf32, #tpu.memory_space<vmem>> -> memref<128x128xf32, #tpu.memory_space<vmem>>
      %dma_wait3A_117 = arith.constant 0 : i32
      %dma_wait3A_118 = tpu.memref_slice %arg10[%add3A_27, %dma_wait3A_117] : memref<10240x128xf32, #tpu.memory_space<vmem_shared>> -> memref<128x128xf32, #tpu.memory_space<vmem_shared>>
      %dma_wait3A_119 = arith.constant 0 : i32
      %dma_wait3A_120 = tpu.memref_slice %arg10[%add3A_27, %dma_wait3A_119] : memref<10240x128xf32, #tpu.memory_space<vmem_shared>> -> memref<128x128xf32, #tpu.memory_space<vmem_shared>>
      %dma_wait3A_121 = arith.constant 0 : i32
      %dma_wait3A_122 = arith.constant 0 : i32
      %dma_wait3A_123 = tpu.memref_slice %arg9[%run_scoped3A_28, %dma_wait3A_121, %dma_wait3A_122] : memref<2x128x128xf32, #tpu.memory_space<vmem>> -> memref<1x128x128xf32, #tpu.memory_space<vmem>>
      %dma_wait3A_124 = tpu.memref_squeeze %dma_wait3A_123 : memref<1x128x128xf32, #tpu.memory_space<vmem>> -> memref<128x128xf32, #tpu.memory_space<vmem>>
      tpu.wait_dma2 semaphore(%run_scoped3A_100 : memref<!tpu.dma_semaphore, #tpu.memory_space<semaphore_mem>>) src(%dma_wait3A_124 : memref<128x128xf32, #tpu.memory_space<vmem>>) dst(%dma_wait3A_120 : memref<128x128xf32, #tpu.memory_space<vmem_shared>>)
      tpu.yield
    }) : () -> ()
    %mul3A_29 = arith.constant 640 : i32
    %mul3A_30 = arith.muli %arg1, %mul3A_29 : i32
    %add3A_31 = arith.constant 512 : i32
    %add3A_32 = arith.addi %mul3A_30, %add3A_31 : i32
    %run_scoped3A_33 = arith.constant 0 : i32
    "tpu.region"() ({
      %run_scoped3A_100 = tpu.sem_alloc : memref<!tpu.dma_semaphore, #tpu.memory_space<semaphore_mem>>
      %dma_start3A_101 = arith.constant 0 : i32
      %dma_start3A_102 = arith.constant 0 : i32
      %dma_start3A_103 = tpu.memref_slice %arg9[%run_scoped3A_33, %dma_start3A_101, %dma_start3A_102] : memref<2x128x128xf32, #tpu.memory_space<vmem>> -> memref<1x128x128xf32, #tpu.memory_space<vmem>>
      %dma_start3A_104 = tpu.memref_squeeze %dma_start3A_103 : memref<1x128x128xf32, #tpu.memory_space<vmem>> -> memref<128x128xf32, #tpu.memory_space<vmem>>
      %dma_start3A_105 = arith.constant 0 : i32
      %dma_start3A_106 = tpu.memref_slice %arg10[%add3A_32, %dma_start3A_105] : memref<10240x128xf32, #tpu.memory_space<vmem_shared>> -> memref<128x128xf32, #tpu.memory_space<vmem_shared>>
      %dma_start3A_107 = arith.constant 0 : i32
      %dma_start3A_108 = tpu.memref_slice %arg10[%add3A_32, %dma_start3A_107] : memref<10240x128xf32, #tpu.memory_space<vmem_shared>> -> memref<128x128xf32, #tpu.memory_space<vmem_shared>>
      %dma_start3A_109 = arith.constant 0 : i32
      %dma_start3A_110 = arith.constant 0 : i32
      %dma_start3A_111 = tpu.memref_slice %arg9[%run_scoped3A_33, %dma_start3A_109, %dma_start3A_110] : memref<2x128x128xf32, #tpu.memory_space<vmem>> -> memref<1x128x128xf32, #tpu.memory_space<vmem>>
      %dma_start3A_112 = tpu.memref_squeeze %dma_start3A_111 : memref<1x128x128xf32, #tpu.memory_space<vmem>> -> memref<128x128xf32, #tpu.memory_space<vmem>>
      tpu.enqueue_dma source(%dma_start3A_112 : memref<128x128xf32, #tpu.memory_space<vmem>>) target(%dma_start3A_108 : memref<128x128xf32, #tpu.memory_space<vmem_shared>>) target_semaphore(%run_scoped3A_100 : memref<!tpu.dma_semaphore, #tpu.memory_space<semaphore_mem>>)
      %dma_wait3A_113 = arith.constant 0 : i32
      %dma_wait3A_114 = arith.constant 0 : i32
      %dma_wait3A_115 = tpu.memref_slice %arg9[%run_scoped3A_33, %dma_wait3A_113, %dma_wait3A_114] : memref<2x128x128xf32, #tpu.memory_space<vmem>> -> memref<1x128x128xf32, #tpu.memory_space<vmem>>
      %dma_wait3A_116 = tpu.memref_squeeze %dma_wait3A_115 : memref<1x128x128xf32, #tpu.memory_space<vmem>> -> memref<128x128xf32, #tpu.memory_space<vmem>>
      %dma_wait3A_117 = arith.constant 0 : i32
      %dma_wait3A_118 = tpu.memref_slice %arg10[%add3A_32, %dma_wait3A_117] : memref<10240x128xf32, #tpu.memory_space<vmem_shared>> -> memref<128x128xf32, #tpu.memory_space<vmem_shared>>
      %dma_wait3A_119 = arith.constant 0 : i32
      %dma_wait3A_120 = tpu.memref_slice %arg10[%add3A_32, %dma_wait3A_119] : memref<10240x128xf32, #tpu.memory_space<vmem_shared>> -> memref<128x128xf32, #tpu.memory_space<vmem_shared>>
      %dma_wait3A_121 = arith.constant 0 : i32
      %dma_wait3A_122 = arith.constant 0 : i32
      %dma_wait3A_123 = tpu.memref_slice %arg9[%run_scoped3A_33, %dma_wait3A_121, %dma_wait3A_122] : memref<2x128x128xf32, #tpu.memory_space<vmem>> -> memref<1x128x128xf32, #tpu.memory_space<vmem>>
      %dma_wait3A_124 = tpu.memref_squeeze %dma_wait3A_123 : memref<1x128x128xf32, #tpu.memory_space<vmem>> -> memref<128x128xf32, #tpu.memory_space<vmem>>
      tpu.wait_dma2 semaphore(%run_scoped3A_100 : memref<!tpu.dma_semaphore, #tpu.memory_space<semaphore_mem>>) src(%dma_wait3A_124 : memref<128x128xf32, #tpu.memory_space<vmem>>) dst(%dma_wait3A_120 : memref<128x128xf32, #tpu.memory_space<vmem_shared>>)
      tpu.yield
    }) : () -> ()
    %mul3A_34 = arith.constant 10112 : i32
    %mul3A_35 = arith.muli %add3A, %mul3A_34 : i32
    %dma_wait3A = tpu.memref_slice %arg3[%mul3A_35] : memref<323584xi32, #tpu.memory_space<hbm>> -> memref<10112xi32, #tpu.memory_space<hbm>>
    %dma_wait3A_36 = tpu.memref_slice %arg3[%mul3A_35] : memref<323584xi32, #tpu.memory_space<hbm>> -> memref<10112xi32, #tpu.memory_space<hbm>>
    tpu.wait_dma2 semaphore(%arg11 : memref<!tpu.dma_semaphore, #tpu.memory_space<semaphore_mem>>) src(%dma_wait3A_36 : memref<10112xi32, #tpu.memory_space<hbm>>) dst(%arg6 : memref<10112xi32, #tpu.memory_space<vmem>>)
    %barrier3A = arith.constant 0 : index
    tpu.barrier barrier_id(%barrier3A)
    %dma_start3A_37 = arith.constant 0 : i32
    %dma_start3A_38 = arith.constant 0 : i32
    %dma_start3A_39 = arith.constant 0 : i32
    %dma_start3A_40 = tpu.memref_slice %arg9[%dma_start3A_37, %dma_start3A_38, %dma_start3A_39] : memref<2x128x128xf32, #tpu.memory_space<vmem>> -> memref<1x128x128xf32, #tpu.memory_space<vmem>>
    %dma_start3A_41 = tpu.memref_squeeze %dma_start3A_40 : memref<1x128x128xf32, #tpu.memory_space<vmem>> -> memref<128x128xf32, #tpu.memory_space<vmem>>
    %dma_start3A_42 = arith.constant 0 : i32
    %dma_start3A_43 = tpu.memref_slice %arg6[%dma_start3A_42] : memref<10112xi32, #tpu.memory_space<vmem>> -> memref<128xi32, #tpu.memory_space<vmem>>
    %dma_start3A_44 = arith.constant 0 : i32
    %dma_start3A_45 = arith.constant 0 : i32
    %dma_start3A_46 = tpu.memref_slice %arg2[%dma_start3A_44, %dma_start3A_45] : memref<10000x128xf32, #tpu.memory_space<hbm>> -> memref<10000x128xf32, #tpu.memory_space<hbm>>
    tpu.enqueue_indirect_dma source(%dma_start3A_46 : memref<10000x128xf32, #tpu.memory_space<hbm>>) target(%dma_start3A_41 : memref<128x128xf32, #tpu.memory_space<vmem>>) offsets(%dma_start3A_43 : memref<128xi32, #tpu.memory_space<vmem>>) semaphore(%arg11 : memref<!tpu.dma_semaphore, #tpu.memory_space<semaphore_mem>>)
    %dma_start3A_47 = arith.constant 0 : i32
    %dma_start3A_48 = arith.constant 0 : i32
    %dma_start3A_49 = arith.constant 0 : i32
    %dma_start3A_50 = tpu.memref_slice %arg7[%dma_start3A_48, %dma_start3A_49] : memref<8x128xi32, #tpu.memory_space<vmem>> -> memref<1x128xi32, #tpu.memory_space<vmem>>
    %dma_start3A_51 = arith.constant 0 : i32
    %dma_start3A_52 = arith.constant 0 : i32
    %dma_start3A_53 = tpu.memref_slice %arg4[%add3A, %dma_start3A_47, %dma_start3A_51, %dma_start3A_52] : memref<32x79x1x128xi32, #tpu.memory_space<hbm>> -> memref<1x1x1x128xi32, #tpu.memory_space<hbm>>
    %dma_start3A_54 = tpu.memref_squeeze %dma_start3A_53 : memref<1x1x1x128xi32, #tpu.memory_space<hbm>> -> memref<1x128xi32, #tpu.memory_space<hbm>>
    %dma_start3A_55 = arith.constant 0 : i32
    %dma_start3A_56 = arith.constant 0 : i32
    %dma_start3A_57 = tpu.memref_slice %arg7[%dma_start3A_55, %dma_start3A_56] : memref<8x128xi32, #tpu.memory_space<vmem>> -> memref<1x128xi32, #tpu.memory_space<vmem>>
    %dma_start3A_58 = arith.constant 0 : i32
    %dma_start3A_59 = arith.constant 0 : i32
    %dma_start3A_60 = tpu.memref_slice %arg4[%add3A, %dma_start3A_47, %dma_start3A_58, %dma_start3A_59] : memref<32x79x1x128xi32, #tpu.memory_space<hbm>> -> memref<1x1x1x128xi32, #tpu.memory_space<hbm>>
    %dma_start3A_61 = tpu.memref_squeeze %dma_start3A_60 : memref<1x1x1x128xi32, #tpu.memory_space<hbm>> -> memref<1x128xi32, #tpu.memory_space<hbm>>
    tpu.enqueue_dma source(%dma_start3A_61 : memref<1x128xi32, #tpu.memory_space<hbm>>) target(%dma_start3A_57 : memref<1x128xi32, #tpu.memory_space<vmem>>) target_semaphore(%arg13 : memref<!tpu.dma_semaphore, #tpu.memory_space<semaphore_mem>>)
    %scan3A_62 = arith.constant 0 : i32
    %scan3A_63 = arith.constant 0 : i32
    %scan3A_64 = arith.constant 39 : i32
    %scan3A_65 = arith.addi %scan3A_63, %scan3A_64 : i32
    %scan3A_66 = arith.constant 1 : i32
    scf.for %scan3A_100 = %scan3A_63 to %scan3A_65 step %scan3A_66  : i32 {
      %mul3A_101 = arith.constant 2 : i32
      %mul3A_102 = arith.muli %scan3A_100, %mul3A_101 : i32
      %add3A_103 = arith.constant 0 : i32
      %add3A_104 = arith.addi %mul3A_102, %add3A_103 : i32
      %add3A_105 = arith.constant 1 : i32
      %add3A_106 = arith.addi %add3A_104, %add3A_105 : i32
      %lt3A = arith.constant 79 : i32
      %lt3A_107 = arith.cmpi slt, %add3A_106, %lt3A : i32
      %convert_element_type3A = arith.extui %lt3A_107 : i1 to i32
      %cond3A = arith.constant 0 : i32
      %cond3A_108 = arith.cmpi ne, %convert_element_type3A, %cond3A : i32
      scf.if %cond3A_108 {
        %add3A_174 = arith.constant 1 : i32
        %add3A_175 = arith.addi %add3A_104, %add3A_174 : i32
        %mul3A_176 = arith.constant 128 : i32
        %mul3A_177 = arith.muli %add3A_175, %mul3A_176 : i32
        %dma_start3A_178 = arith.constant 1 : i32
        %dma_start3A_179 = arith.constant 0 : i32
        %dma_start3A_180 = arith.constant 0 : i32
        %dma_start3A_181 = tpu.memref_slice %arg9[%dma_start3A_178, %dma_start3A_179, %dma_start3A_180] : memref<2x128x128xf32, #tpu.memory_space<vmem>> -> memref<1x128x128xf32, #tpu.memory_space<vmem>>
        %dma_start3A_182 = tpu.memref_squeeze %dma_start3A_181 : memref<1x128x128xf32, #tpu.memory_space<vmem>> -> memref<128x128xf32, #tpu.memory_space<vmem>>
        %dma_start3A_183 = tpu.memref_slice %arg6[%mul3A_177] : memref<10112xi32, #tpu.memory_space<vmem>> -> memref<128xi32, #tpu.memory_space<vmem>>
        %dma_start3A_184 = arith.constant 0 : i32
        %dma_start3A_185 = arith.constant 0 : i32
        %dma_start3A_186 = tpu.memref_slice %arg2[%dma_start3A_184, %dma_start3A_185] : memref<10000x128xf32, #tpu.memory_space<hbm>> -> memref<10000x128xf32, #tpu.memory_space<hbm>>
        tpu.enqueue_indirect_dma source(%dma_start3A_186 : memref<10000x128xf32, #tpu.memory_space<hbm>>) target(%dma_start3A_182 : memref<128x128xf32, #tpu.memory_space<vmem>>) offsets(%dma_start3A_183 : memref<128xi32, #tpu.memory_space<vmem>>) semaphore(%arg12 : memref<!tpu.dma_semaphore, #tpu.memory_space<semaphore_mem>>)
        %add3A_187 = arith.constant 1 : i32
        %add3A_188 = arith.addi %add3A_104, %add3A_187 : i32
        %dma_start3A_189 = arith.constant 0 : i32
        %dma_start3A_190 = arith.constant 0 : i32
        %dma_start3A_191 = tpu.memref_slice %arg8[%dma_start3A_189, %dma_start3A_190] : memref<8x128xi32, #tpu.memory_space<vmem>> -> memref<1x128xi32, #tpu.memory_space<vmem>>
        %dma_start3A_192 = arith.constant 0 : i32
        %dma_start3A_193 = arith.constant 0 : i32
        %dma_start3A_194 = tpu.memref_slice %arg4[%add3A, %add3A_188, %dma_start3A_192, %dma_start3A_193] : memref<32x79x1x128xi32, #tpu.memory_space<hbm>> -> memref<1x1x1x128xi32, #tpu.memory_space<hbm>>
        %dma_start3A_195 = tpu.memref_squeeze %dma_start3A_194 : memref<1x1x1x128xi32, #tpu.memory_space<hbm>> -> memref<1x128xi32, #tpu.memory_space<hbm>>
        %dma_start3A_196 = arith.constant 0 : i32
        %dma_start3A_197 = arith.constant 0 : i32
        %dma_start3A_198 = tpu.memref_slice %arg8[%dma_start3A_196, %dma_start3A_197] : memref<8x128xi32, #tpu.memory_space<vmem>> -> memref<1x128xi32, #tpu.memory_space<vmem>>
        %dma_start3A_199 = arith.constant 0 : i32
        %dma_start3A_200 = arith.constant 0 : i32
        %dma_start3A_201 = tpu.memref_slice %arg4[%add3A, %add3A_188, %dma_start3A_199, %dma_start3A_200] : memref<32x79x1x128xi32, #tpu.memory_space<hbm>> -> memref<1x1x1x128xi32, #tpu.memory_space<hbm>>
        %dma_start3A_202 = tpu.memref_squeeze %dma_start3A_201 : memref<1x1x1x128xi32, #tpu.memory_space<hbm>> -> memref<1x128xi32, #tpu.memory_space<hbm>>
        tpu.enqueue_dma source(%dma_start3A_202 : memref<1x128xi32, #tpu.memory_space<hbm>>) target(%dma_start3A_198 : memref<1x128xi32, #tpu.memory_space<vmem>>) target_semaphore(%arg14 : memref<!tpu.dma_semaphore, #tpu.memory_space<semaphore_mem>>)
      } else {
      }
      %mul3A_109 = arith.constant 128 : i32
      %mul3A_110 = arith.muli %add3A_104, %mul3A_109 : i32
      %dma_wait3A_111 = arith.constant 0 : i32
      %dma_wait3A_112 = arith.constant 0 : i32
      %dma_wait3A_113 = arith.constant 0 : i32
      %dma_wait3A_114 = tpu.memref_slice %arg9[%dma_wait3A_111, %dma_wait3A_112, %dma_wait3A_113] : memref<2x128x128xf32, #tpu.memory_space<vmem>> -> memref<1x128x128xf32, #tpu.memory_space<vmem>>
      %dma_wait3A_115 = tpu.memref_squeeze %dma_wait3A_114 : memref<1x128x128xf32, #tpu.memory_space<vmem>> -> memref<128x128xf32, #tpu.memory_space<vmem>>
      %dma_wait3A_116 = tpu.memref_slice %arg6[%mul3A_110] : memref<10112xi32, #tpu.memory_space<vmem>> -> memref<128xi32, #tpu.memory_space<vmem>>
      %dma_wait3A_117 = arith.constant 0 : i32
      %dma_wait3A_118 = arith.constant 0 : i32
      %dma_wait3A_119 = tpu.memref_slice %arg2[%dma_wait3A_117, %dma_wait3A_118] : memref<10000x128xf32, #tpu.memory_space<hbm>> -> memref<10000x128xf32, #tpu.memory_space<hbm>>
      tpu.wait_indirect_dma semaphore(%arg11 : memref<!tpu.dma_semaphore, #tpu.memory_space<semaphore_mem>>) src(%dma_wait3A_119 : memref<10000x128xf32, #tpu.memory_space<hbm>>) dst(%dma_wait3A_115 : memref<128x128xf32, #tpu.memory_space<vmem>>)
      %dma_wait3A_120 = arith.constant 0 : i32
      %dma_wait3A_121 = arith.constant 0 : i32
      %dma_wait3A_122 = tpu.memref_slice %arg7[%dma_wait3A_120, %dma_wait3A_121] : memref<8x128xi32, #tpu.memory_space<vmem>> -> memref<1x128xi32, #tpu.memory_space<vmem>>
      %dma_wait3A_123 = arith.constant 0 : i32
      %dma_wait3A_124 = arith.constant 0 : i32
      %dma_wait3A_125 = tpu.memref_slice %arg4[%add3A, %add3A_104, %dma_wait3A_123, %dma_wait3A_124] : memref<32x79x1x128xi32, #tpu.memory_space<hbm>> -> memref<1x1x1x128xi32, #tpu.memory_space<hbm>>
      %dma_wait3A_126 = tpu.memref_squeeze %dma_wait3A_125 : memref<1x1x1x128xi32, #tpu.memory_space<hbm>> -> memref<1x128xi32, #tpu.memory_space<hbm>>
      %dma_wait3A_127 = arith.constant 0 : i32
      %dma_wait3A_128 = arith.constant 0 : i32
      %dma_wait3A_129 = tpu.memref_slice %arg7[%dma_wait3A_127, %dma_wait3A_128] : memref<8x128xi32, #tpu.memory_space<vmem>> -> memref<1x128xi32, #tpu.memory_space<vmem>>
      %dma_wait3A_130 = arith.constant 0 : i32
      %dma_wait3A_131 = arith.constant 0 : i32
      %dma_wait3A_132 = tpu.memref_slice %arg4[%add3A, %add3A_104, %dma_wait3A_130, %dma_wait3A_131] : memref<32x79x1x128xi32, #tpu.memory_space<hbm>> -> memref<1x1x1x128xi32, #tpu.memory_space<hbm>>
      %dma_wait3A_133 = tpu.memref_squeeze %dma_wait3A_132 : memref<1x1x1x128xi32, #tpu.memory_space<hbm>> -> memref<1x128xi32, #tpu.memory_space<hbm>>
      tpu.wait_dma2 semaphore(%arg13 : memref<!tpu.dma_semaphore, #tpu.memory_space<semaphore_mem>>) src(%dma_wait3A_133 : memref<1x128xi32, #tpu.memory_space<hbm>>) dst(%dma_wait3A_129 : memref<1x128xi32, #tpu.memory_space<vmem>>)
      %run_scoped3A_134 = arith.constant 0 : i32
      %run_scoped3A_135 = arith.constant 0 : i32
      "tpu.region"() ({
        %run_scoped3A_174 = tpu.sem_alloc : memref<!tpu.dma_semaphore, #tpu.memory_space<semaphore_mem>>
        %dma_start3A_175 = arith.constant 0 : i32
        %dma_start3A_176 = arith.constant 0 : i32
        %dma_start3A_177 = tpu.memref_slice %arg9[%run_scoped3A_134, %dma_start3A_175, %dma_start3A_176] : memref<2x128x128xf32, #tpu.memory_space<vmem>> -> memref<1x128x128xf32, #tpu.memory_space<vmem>>
        %dma_start3A_178 = tpu.memref_squeeze %dma_start3A_177 : memref<1x128x128xf32, #tpu.memory_space<vmem>> -> memref<128x128xf32, #tpu.memory_space<vmem>>
        %dma_start3A_179 = arith.constant 0 : i32
        %dma_start3A_180 = tpu.memref_slice %arg7[%run_scoped3A_135, %dma_start3A_179] : memref<8x128xi32, #tpu.memory_space<vmem>> -> memref<1x128xi32, #tpu.memory_space<vmem>>
        %dma_start3A_181 = tpu.memref_squeeze %dma_start3A_180 : memref<1x128xi32, #tpu.memory_space<vmem>> -> memref<128xi32, #tpu.memory_space<vmem>>
        %dma_start3A_182 = arith.constant 0 : i32
        %dma_start3A_183 = arith.constant 0 : i32
        %dma_start3A_184 = tpu.memref_slice %arg10[%dma_start3A_182, %dma_start3A_183] : memref<10240x128xf32, #tpu.memory_space<vmem_shared>> -> memref<10240x128xf32, #tpu.memory_space<vmem_shared>>
        tpu.enqueue_indirect_dma source(%dma_start3A_178 : memref<128x128xf32, #tpu.memory_space<vmem>>) target(%dma_start3A_184 : memref<10240x128xf32, #tpu.memory_space<vmem_shared>>) offsets(%dma_start3A_181 : memref<128xi32, #tpu.memory_space<vmem>>) semaphore(%run_scoped3A_174 : memref<!tpu.dma_semaphore, #tpu.memory_space<semaphore_mem>>) {add = true}
        %dma_wait3A_185 = arith.constant 0 : i32
        %dma_wait3A_186 = arith.constant 0 : i32
        %dma_wait3A_187 = tpu.memref_slice %arg9[%run_scoped3A_134, %dma_wait3A_185, %dma_wait3A_186] : memref<2x128x128xf32, #tpu.memory_space<vmem>> -> memref<1x128x128xf32, #tpu.memory_space<vmem>>
        %dma_wait3A_188 = tpu.memref_squeeze %dma_wait3A_187 : memref<1x128x128xf32, #tpu.memory_space<vmem>> -> memref<128x128xf32, #tpu.memory_space<vmem>>
        %dma_wait3A_189 = arith.constant 0 : i32
        %dma_wait3A_190 = tpu.memref_slice %arg7[%run_scoped3A_135, %dma_wait3A_189] : memref<8x128xi32, #tpu.memory_space<vmem>> -> memref<1x128xi32, #tpu.memory_space<vmem>>
        %dma_wait3A_191 = tpu.memref_squeeze %dma_wait3A_190 : memref<1x128xi32, #tpu.memory_space<vmem>> -> memref<128xi32, #tpu.memory_space<vmem>>
        %dma_wait3A_192 = arith.constant 0 : i32
        %dma_wait3A_193 = arith.constant 0 : i32
        %dma_wait3A_194 = tpu.memref_slice %arg10[%dma_wait3A_192, %dma_wait3A_193] : memref<10240x128xf32, #tpu.memory_space<vmem_shared>> -> memref<10240x128xf32, #tpu.memory_space<vmem_shared>>
        tpu.wait_indirect_dma semaphore(%run_scoped3A_174 : memref<!tpu.dma_semaphore, #tpu.memory_space<semaphore_mem>>) src(%dma_wait3A_188 : memref<128x128xf32, #tpu.memory_space<vmem>>) dst(%dma_wait3A_194 : memref<10240x128xf32, #tpu.memory_space<vmem_shared>>)
        tpu.yield
      }) : () -> ()
      %mul3A_136 = arith.constant 2 : i32
      %mul3A_137 = arith.muli %scan3A_100, %mul3A_136 : i32
      %add3A_138 = arith.constant 1 : i32
      %add3A_139 = arith.addi %mul3A_137, %add3A_138 : i32
      %add3A_140 = arith.constant 1 : i32
      %add3A_141 = arith.addi %add3A_139, %add3A_140 : i32
      %lt3A_142 = arith.constant 79 : i32
      %lt3A_143 = arith.cmpi slt, %add3A_141, %lt3A_142 : i32
      %convert_element_type3A_144 = arith.extui %lt3A_143 : i1 to i32
      %cond3A_145 = arith.constant 0 : i32
      %cond3A_146 = arith.cmpi ne, %convert_element_type3A_144, %cond3A_145 : i32
      scf.if %cond3A_146 {
        %add3A_174 = arith.constant 1 : i32
        %add3A_175 = arith.addi %add3A_139, %add3A_174 : i32
        %mul3A_176 = arith.constant 128 : i32
        %mul3A_177 = arith.muli %add3A_175, %mul3A_176 : i32
        %dma_start3A_178 = arith.constant 0 : i32
        %dma_start3A_179 = arith.constant 0 : i32
        %dma_start3A_180 = arith.constant 0 : i32
        %dma_start3A_181 = tpu.memref_slice %arg9[%dma_start3A_178, %dma_start3A_179, %dma_start3A_180] : memref<2x128x128xf32, #tpu.memory_space<vmem>> -> memref<1x128x128xf32, #tpu.memory_space<vmem>>
        %dma_start3A_182 = tpu.memref_squeeze %dma_start3A_181 : memref<1x128x128xf32, #tpu.memory_space<vmem>> -> memref<128x128xf32, #tpu.memory_space<vmem>>
        %dma_start3A_183 = tpu.memref_slice %arg6[%mul3A_177] : memref<10112xi32, #tpu.memory_space<vmem>> -> memref<128xi32, #tpu.memory_space<vmem>>
        %dma_start3A_184 = arith.constant 0 : i32
        %dma_start3A_185 = arith.constant 0 : i32
        %dma_start3A_186 = tpu.memref_slice %arg2[%dma_start3A_184, %dma_start3A_185] : memref<10000x128xf32, #tpu.memory_space<hbm>> -> memref<10000x128xf32, #tpu.memory_space<hbm>>
        tpu.enqueue_indirect_dma source(%dma_start3A_186 : memref<10000x128xf32, #tpu.memory_space<hbm>>) target(%dma_start3A_182 : memref<128x128xf32, #tpu.memory_space<vmem>>) offsets(%dma_start3A_183 : memref<128xi32, #tpu.memory_space<vmem>>) semaphore(%arg11 : memref<!tpu.dma_semaphore, #tpu.memory_space<semaphore_mem>>)
        %add3A_187 = arith.constant 1 : i32
        %add3A_188 = arith.addi %add3A_139, %add3A_187 : i32
        %dma_start3A_189 = arith.constant 0 : i32
        %dma_start3A_190 = arith.constant 0 : i32
        %dma_start3A_191 = tpu.memref_slice %arg7[%dma_start3A_189, %dma_start3A_190] : memref<8x128xi32, #tpu.memory_space<vmem>> -> memref<1x128xi32, #tpu.memory_space<vmem>>
        %dma_start3A_192 = arith.constant 0 : i32
        %dma_start3A_193 = arith.constant 0 : i32
        %dma_start3A_194 = tpu.memref_slice %arg4[%add3A, %add3A_188, %dma_start3A_192, %dma_start3A_193] : memref<32x79x1x128xi32, #tpu.memory_space<hbm>> -> memref<1x1x1x128xi32, #tpu.memory_space<hbm>>
        %dma_start3A_195 = tpu.memref_squeeze %dma_start3A_194 : memref<1x1x1x128xi32, #tpu.memory_space<hbm>> -> memref<1x128xi32, #tpu.memory_space<hbm>>
        %dma_start3A_196 = arith.constant 0 : i32
        %dma_start3A_197 = arith.constant 0 : i32
        %dma_start3A_198 = tpu.memref_slice %arg7[%dma_start3A_196, %dma_start3A_197] : memref<8x128xi32, #tpu.memory_space<vmem>> -> memref<1x128xi32, #tpu.memory_space<vmem>>
        %dma_start3A_199 = arith.constant 0 : i32
        %dma_start3A_200 = arith.constant 0 : i32
        %dma_start3A_201 = tpu.memref_slice %arg4[%add3A, %add3A_188, %dma_start3A_199, %dma_start3A_200] : memref<32x79x1x128xi32, #tpu.memory_space<hbm>> -> memref<1x1x1x128xi32, #tpu.memory_space<hbm>>
        %dma_start3A_202 = tpu.memref_squeeze %dma_start3A_201 : memref<1x1x1x128xi32, #tpu.memory_space<hbm>> -> memref<1x128xi32, #tpu.memory_space<hbm>>
        tpu.enqueue_dma source(%dma_start3A_202 : memref<1x128xi32, #tpu.memory_space<hbm>>) target(%dma_start3A_198 : memref<1x128xi32, #tpu.memory_space<vmem>>) target_semaphore(%arg13 : memref<!tpu.dma_semaphore, #tpu.memory_space<semaphore_mem>>)
      } else {
      }
      %mul3A_147 = arith.constant 128 : i32
      %mul3A_148 = arith.muli %add3A_139, %mul3A_147 : i32
      %dma_wait3A_149 = arith.constant 1 : i32
      %dma_wait3A_150 = arith.constant 0 : i32
      %dma_wait3A_151 = arith.constant 0 : i32
      %dma_wait3A_152 = tpu.memref_slice %arg9[%dma_wait3A_149, %dma_wait3A_150, %dma_wait3A_151] : memref<2x128x128xf32, #tpu.memory_space<vmem>> -> memref<1x128x128xf32, #tpu.memory_space<vmem>>
      %dma_wait3A_153 = tpu.memref_squeeze %dma_wait3A_152 : memref<1x128x128xf32, #tpu.memory_space<vmem>> -> memref<128x128xf32, #tpu.memory_space<vmem>>
      %dma_wait3A_154 = tpu.memref_slice %arg6[%mul3A_148] : memref<10112xi32, #tpu.memory_space<vmem>> -> memref<128xi32, #tpu.memory_space<vmem>>
      %dma_wait3A_155 = arith.constant 0 : i32
      %dma_wait3A_156 = arith.constant 0 : i32
      %dma_wait3A_157 = tpu.memref_slice %arg2[%dma_wait3A_155, %dma_wait3A_156] : memref<10000x128xf32, #tpu.memory_space<hbm>> -> memref<10000x128xf32, #tpu.memory_space<hbm>>
      tpu.wait_indirect_dma semaphore(%arg12 : memref<!tpu.dma_semaphore, #tpu.memory_space<semaphore_mem>>) src(%dma_wait3A_157 : memref<10000x128xf32, #tpu.memory_space<hbm>>) dst(%dma_wait3A_153 : memref<128x128xf32, #tpu.memory_space<vmem>>)
      %dma_wait3A_158 = arith.constant 0 : i32
      %dma_wait3A_159 = arith.constant 0 : i32
      %dma_wait3A_160 = tpu.memref_slice %arg8[%dma_wait3A_158, %dma_wait3A_159] : memref<8x128xi32, #tpu.memory_space<vmem>> -> memref<1x128xi32, #tpu.memory_space<vmem>>
      %dma_wait3A_161 = arith.constant 0 : i32
      %dma_wait3A_162 = arith.constant 0 : i32
      %dma_wait3A_163 = tpu.memref_slice %arg4[%add3A, %add3A_139, %dma_wait3A_161, %dma_wait3A_162] : memref<32x79x1x128xi32, #tpu.memory_space<hbm>> -> memref<1x1x1x128xi32, #tpu.memory_space<hbm>>
      %dma_wait3A_164 = tpu.memref_squeeze %dma_wait3A_163 : memref<1x1x1x128xi32, #tpu.memory_space<hbm>> -> memref<1x128xi32, #tpu.memory_space<hbm>>
      %dma_wait3A_165 = arith.constant 0 : i32
      %dma_wait3A_166 = arith.constant 0 : i32
      %dma_wait3A_167 = tpu.memref_slice %arg8[%dma_wait3A_165, %dma_wait3A_166] : memref<8x128xi32, #tpu.memory_space<vmem>> -> memref<1x128xi32, #tpu.memory_space<vmem>>
      %dma_wait3A_168 = arith.constant 0 : i32
      %dma_wait3A_169 = arith.constant 0 : i32
      %dma_wait3A_170 = tpu.memref_slice %arg4[%add3A, %add3A_139, %dma_wait3A_168, %dma_wait3A_169] : memref<32x79x1x128xi32, #tpu.memory_space<hbm>> -> memref<1x1x1x128xi32, #tpu.memory_space<hbm>>
      %dma_wait3A_171 = tpu.memref_squeeze %dma_wait3A_170 : memref<1x1x1x128xi32, #tpu.memory_space<hbm>> -> memref<1x128xi32, #tpu.memory_space<hbm>>
      tpu.wait_dma2 semaphore(%arg14 : memref<!tpu.dma_semaphore, #tpu.memory_space<semaphore_mem>>) src(%dma_wait3A_171 : memref<1x128xi32, #tpu.memory_space<hbm>>) dst(%dma_wait3A_167 : memref<1x128xi32, #tpu.memory_space<vmem>>)
      %run_scoped3A_172 = arith.constant 1 : i32
      %run_scoped3A_173 = arith.constant 0 : i32
      "tpu.region"() ({
        %run_scoped3A_174 = tpu.sem_alloc : memref<!tpu.dma_semaphore, #tpu.memory_space<semaphore_mem>>
        %dma_start3A_175 = arith.constant 0 : i32
        %dma_start3A_176 = arith.constant 0 : i32
        %dma_start3A_177 = tpu.memref_slice %arg9[%run_scoped3A_172, %dma_start3A_175, %dma_start3A_176] : memref<2x128x128xf32, #tpu.memory_space<vmem>> -> memref<1x128x128xf32, #tpu.memory_space<vmem>>
        %dma_start3A_178 = tpu.memref_squeeze %dma_start3A_177 : memref<1x128x128xf32, #tpu.memory_space<vmem>> -> memref<128x128xf32, #tpu.memory_space<vmem>>
        %dma_start3A_179 = arith.constant 0 : i32
        %dma_start3A_180 = tpu.memref_slice %arg8[%run_scoped3A_173, %dma_start3A_179] : memref<8x128xi32, #tpu.memory_space<vmem>> -> memref<1x128xi32, #tpu.memory_space<vmem>>
        %dma_start3A_181 = tpu.memref_squeeze %dma_start3A_180 : memref<1x128xi32, #tpu.memory_space<vmem>> -> memref<128xi32, #tpu.memory_space<vmem>>
        %dma_start3A_182 = arith.constant 0 : i32
        %dma_start3A_183 = arith.constant 0 : i32
        %dma_start3A_184 = tpu.memref_slice %arg10[%dma_start3A_182, %dma_start3A_183] : memref<10240x128xf32, #tpu.memory_space<vmem_shared>> -> memref<10240x128xf32, #tpu.memory_space<vmem_shared>>
        tpu.enqueue_indirect_dma source(%dma_start3A_178 : memref<128x128xf32, #tpu.memory_space<vmem>>) target(%dma_start3A_184 : memref<10240x128xf32, #tpu.memory_space<vmem_shared>>) offsets(%dma_start3A_181 : memref<128xi32, #tpu.memory_space<vmem>>) semaphore(%run_scoped3A_174 : memref<!tpu.dma_semaphore, #tpu.memory_space<semaphore_mem>>) {add = true}
        %dma_wait3A_185 = arith.constant 0 : i32
        %dma_wait3A_186 = arith.constant 0 : i32
        %dma_wait3A_187 = tpu.memref_slice %arg9[%run_scoped3A_172, %dma_wait3A_185, %dma_wait3A_186] : memref<2x128x128xf32, #tpu.memory_space<vmem>> -> memref<1x128x128xf32, #tpu.memory_space<vmem>>
        %dma_wait3A_188 = tpu.memref_squeeze %dma_wait3A_187 : memref<1x128x128xf32, #tpu.memory_space<vmem>> -> memref<128x128xf32, #tpu.memory_space<vmem>>
        %dma_wait3A_189 = arith.constant 0 : i32
        %dma_wait3A_190 = tpu.memref_slice %arg8[%run_scoped3A_173, %dma_wait3A_189] : memref<8x128xi32, #tpu.memory_space<vmem>> -> memref<1x128xi32, #tpu.memory_space<vmem>>
        %dma_wait3A_191 = tpu.memref_squeeze %dma_wait3A_190 : memref<1x128xi32, #tpu.memory_space<vmem>> -> memref<128xi32, #tpu.memory_space<vmem>>
        %dma_wait3A_192 = arith.constant 0 : i32
        %dma_wait3A_193 = arith.constant 0 : i32
        %dma_wait3A_194 = tpu.memref_slice %arg10[%dma_wait3A_192, %dma_wait3A_193] : memref<10240x128xf32, #tpu.memory_space<vmem_shared>> -> memref<10240x128xf32, #tpu.memory_space<vmem_shared>>
        tpu.wait_indirect_dma semaphore(%run_scoped3A_174 : memref<!tpu.dma_semaphore, #tpu.memory_space<semaphore_mem>>) src(%dma_wait3A_188 : memref<128x128xf32, #tpu.memory_space<vmem>>) dst(%dma_wait3A_194 : memref<10240x128xf32, #tpu.memory_space<vmem_shared>>)
        tpu.yield
      }) : () -> ()
    }
    %scan3A_67 = arith.constant 39 : i32
    %dma_wait3A_68 = arith.constant 0 : i32
    %dma_wait3A_69 = arith.constant 0 : i32
    %dma_wait3A_70 = arith.constant 0 : i32
    %dma_wait3A_71 = tpu.memref_slice %arg9[%dma_wait3A_68, %dma_wait3A_69, %dma_wait3A_70] : memref<2x128x128xf32, #tpu.memory_space<vmem>> -> memref<1x128x128xf32, #tpu.memory_space<vmem>>
    %dma_wait3A_72 = tpu.memref_squeeze %dma_wait3A_71 : memref<1x128x128xf32, #tpu.memory_space<vmem>> -> memref<128x128xf32, #tpu.memory_space<vmem>>
    %dma_wait3A_73 = arith.constant 9984 : i32
    %dma_wait3A_74 = tpu.memref_slice %arg6[%dma_wait3A_73] : memref<10112xi32, #tpu.memory_space<vmem>> -> memref<128xi32, #tpu.memory_space<vmem>>
    %dma_wait3A_75 = arith.constant 0 : i32
    %dma_wait3A_76 = arith.constant 0 : i32
    %dma_wait3A_77 = tpu.memref_slice %arg2[%dma_wait3A_75, %dma_wait3A_76] : memref<10000x128xf32, #tpu.memory_space<hbm>> -> memref<10000x128xf32, #tpu.memory_space<hbm>>
    tpu.wait_indirect_dma semaphore(%arg11 : memref<!tpu.dma_semaphore, #tpu.memory_space<semaphore_mem>>) src(%dma_wait3A_77 : memref<10000x128xf32, #tpu.memory_space<hbm>>) dst(%dma_wait3A_72 : memref<128x128xf32, #tpu.memory_space<vmem>>)
    %dma_wait3A_78 = arith.constant 78 : i32
    %dma_wait3A_79 = arith.constant 0 : i32
    %dma_wait3A_80 = arith.constant 0 : i32
    %dma_wait3A_81 = tpu.memref_slice %arg7[%dma_wait3A_79, %dma_wait3A_80] : memref<8x128xi32, #tpu.memory_space<vmem>> -> memref<1x128xi32, #tpu.memory_space<vmem>>
    %dma_wait3A_82 = arith.constant 0 : i32
    %dma_wait3A_83 = arith.constant 0 : i32
    %dma_wait3A_84 = tpu.memref_slice %arg4[%add3A, %dma_wait3A_78, %dma_wait3A_82, %dma_wait3A_83] : memref<32x79x1x128xi32, #tpu.memory_space<hbm>> -> memref<1x1x1x128xi32, #tpu.memory_space<hbm>>
    %dma_wait3A_85 = tpu.memref_squeeze %dma_wait3A_84 : memref<1x1x1x128xi32, #tpu.memory_space<hbm>> -> memref<1x128xi32, #tpu.memory_space<hbm>>
    %dma_wait3A_86 = arith.constant 0 : i32
    %dma_wait3A_87 = arith.constant 0 : i32
    %dma_wait3A_88 = tpu.memref_slice %arg7[%dma_wait3A_86, %dma_wait3A_87] : memref<8x128xi32, #tpu.memory_space<vmem>> -> memref<1x128xi32, #tpu.memory_space<vmem>>
    %dma_wait3A_89 = arith.constant 0 : i32
    %dma_wait3A_90 = arith.constant 0 : i32
    %dma_wait3A_91 = tpu.memref_slice %arg4[%add3A, %dma_wait3A_78, %dma_wait3A_89, %dma_wait3A_90] : memref<32x79x1x128xi32, #tpu.memory_space<hbm>> -> memref<1x1x1x128xi32, #tpu.memory_space<hbm>>
    %dma_wait3A_92 = tpu.memref_squeeze %dma_wait3A_91 : memref<1x1x1x128xi32, #tpu.memory_space<hbm>> -> memref<1x128xi32, #tpu.memory_space<hbm>>
    tpu.wait_dma2 semaphore(%arg13 : memref<!tpu.dma_semaphore, #tpu.memory_space<semaphore_mem>>) src(%dma_wait3A_92 : memref<1x128xi32, #tpu.memory_space<hbm>>) dst(%dma_wait3A_88 : memref<1x128xi32, #tpu.memory_space<vmem>>)
    %run_scoped3A_93 = arith.constant 0 : i32
    %run_scoped3A_94 = arith.constant 0 : i32
    "tpu.region"() ({
      %run_scoped3A_100 = tpu.sem_alloc : memref<!tpu.dma_semaphore, #tpu.memory_space<semaphore_mem>>
      %dma_start3A_101 = arith.constant 0 : i32
      %dma_start3A_102 = arith.constant 0 : i32
      %dma_start3A_103 = tpu.memref_slice %arg9[%run_scoped3A_93, %dma_start3A_101, %dma_start3A_102] : memref<2x128x128xf32, #tpu.memory_space<vmem>> -> memref<1x128x128xf32, #tpu.memory_space<vmem>>
      %dma_start3A_104 = tpu.memref_squeeze %dma_start3A_103 : memref<1x128x128xf32, #tpu.memory_space<vmem>> -> memref<128x128xf32, #tpu.memory_space<vmem>>
      %dma_start3A_105 = arith.constant 0 : i32
      %dma_start3A_106 = tpu.memref_slice %arg7[%run_scoped3A_94, %dma_start3A_105] : memref<8x128xi32, #tpu.memory_space<vmem>> -> memref<1x128xi32, #tpu.memory_space<vmem>>
      %dma_start3A_107 = tpu.memref_squeeze %dma_start3A_106 : memref<1x128xi32, #tpu.memory_space<vmem>> -> memref<128xi32, #tpu.memory_space<vmem>>
      %dma_start3A_108 = arith.constant 0 : i32
      %dma_start3A_109 = arith.constant 0 : i32
      %dma_start3A_110 = tpu.memref_slice %arg10[%dma_start3A_108, %dma_start3A_109] : memref<10240x128xf32, #tpu.memory_space<vmem_shared>> -> memref<10240x128xf32, #tpu.memory_space<vmem_shared>>
      tpu.enqueue_indirect_dma source(%dma_start3A_104 : memref<128x128xf32, #tpu.memory_space<vmem>>) target(%dma_start3A_110 : memref<10240x128xf32, #tpu.memory_space<vmem_shared>>) offsets(%dma_start3A_107 : memref<128xi32, #tpu.memory_space<vmem>>) semaphore(%run_scoped3A_100 : memref<!tpu.dma_semaphore, #tpu.memory_space<semaphore_mem>>) {add = true}
      %dma_wait3A_111 = arith.constant 0 : i32
      %dma_wait3A_112 = arith.constant 0 : i32
      %dma_wait3A_113 = tpu.memref_slice %arg9[%run_scoped3A_93, %dma_wait3A_111, %dma_wait3A_112] : memref<2x128x128xf32, #tpu.memory_space<vmem>> -> memref<1x128x128xf32, #tpu.memory_space<vmem>>
      %dma_wait3A_114 = tpu.memref_squeeze %dma_wait3A_113 : memref<1x128x128xf32, #tpu.memory_space<vmem>> -> memref<128x128xf32, #tpu.memory_space<vmem>>
      %dma_wait3A_115 = arith.constant 0 : i32
      %dma_wait3A_116 = tpu.memref_slice %arg7[%run_scoped3A_94, %dma_wait3A_115] : memref<8x128xi32, #tpu.memory_space<vmem>> -> memref<1x128xi32, #tpu.memory_space<vmem>>
      %dma_wait3A_117 = tpu.memref_squeeze %dma_wait3A_116 : memref<1x128xi32, #tpu.memory_space<vmem>> -> memref<128xi32, #tpu.memory_space<vmem>>
      %dma_wait3A_118 = arith.constant 0 : i32
      %dma_wait3A_119 = arith.constant 0 : i32
      %dma_wait3A_120 = tpu.memref_slice %arg10[%dma_wait3A_118, %dma_wait3A_119] : memref<10240x128xf32, #tpu.memory_space<vmem_shared>> -> memref<10240x128xf32, #tpu.memory_space<vmem_shared>>
      tpu.wait_indirect_dma semaphore(%run_scoped3A_100 : memref<!tpu.dma_semaphore, #tpu.memory_space<semaphore_mem>>) src(%dma_wait3A_114 : memref<128x128xf32, #tpu.memory_space<vmem>>) dst(%dma_wait3A_120 : memref<10240x128xf32, #tpu.memory_space<vmem_shared>>)
      tpu.yield
    }) : () -> ()
    %barrier3A_95 = arith.constant 0 : index
    tpu.barrier barrier_id(%barrier3A_95)
    %mul3A_96 = arith.constant 640 : i32
    %mul3A_97 = arith.muli %arg1, %mul3A_96 : i32
    %mul3A_98 = arith.constant 640 : i32
    %mul3A_99 = arith.muli %arg1, %mul3A_98 : i32
    "tpu.region"() ({
      %run_scoped3A_100 = tpu.sem_alloc : memref<!tpu.dma_semaphore, #tpu.memory_space<semaphore_mem>>
      %dma_start3A_101 = arith.constant 0 : i32
      %dma_start3A_102 = tpu.memref_slice %arg5[%arg0, %mul3A_99, %dma_start3A_101] : memref<2x10240x128xf32, #tpu.memory_space<hbm>> -> memref<1x640x128xf32, #tpu.memory_space<hbm>>
      %dma_start3A_103 = tpu.memref_squeeze %dma_start3A_102 : memref<1x640x128xf32, #tpu.memory_space<hbm>> -> memref<640x128xf32, #tpu.memory_space<hbm>>
      %dma_start3A_104 = arith.constant 0 : i32
      %dma_start3A_105 = tpu.memref_slice %arg10[%mul3A_97, %dma_start3A_104] : memref<10240x128xf32, #tpu.memory_space<vmem_shared>> -> memref<640x128xf32, #tpu.memory_space<vmem_shared>>
      tpu.enqueue_dma source(%dma_start3A_105 : memref<640x128xf32, #tpu.memory_space<vmem_shared>>) target(%dma_start3A_103 : memref<640x128xf32, #tpu.memory_space<hbm>>) target_semaphore(%run_scoped3A_100 : memref<!tpu.dma_semaphore, #tpu.memory_space<semaphore_mem>>)
      %dma_wait3A_106 = arith.constant 0 : i32
      %dma_wait3A_107 = tpu.memref_slice %arg5[%arg0, %mul3A_99, %dma_wait3A_106] : memref<2x10240x128xf32, #tpu.memory_space<hbm>> -> memref<1x640x128xf32, #tpu.memory_space<hbm>>
      %dma_wait3A_108 = tpu.memref_squeeze %dma_wait3A_107 : memref<1x640x128xf32, #tpu.memory_space<hbm>> -> memref<640x128xf32, #tpu.memory_space<hbm>>
      %dma_wait3A_109 = arith.constant 0 : i32
      %dma_wait3A_110 = tpu.memref_slice %arg10[%mul3A_97, %dma_wait3A_109] : memref<10240x128xf32, #tpu.memory_space<vmem_shared>> -> memref<640x128xf32, #tpu.memory_space<vmem_shared>>
      tpu.wait_dma2 semaphore(%run_scoped3A_100 : memref<!tpu.dma_semaphore, #tpu.memory_space<semaphore_mem>>) src(%dma_wait3A_110 : memref<640x128xf32, #tpu.memory_space<vmem_shared>>) dst(%dma_wait3A_108 : memref<640x128xf32, #tpu.memory_space<hbm>>)
      tpu.yield
    }) : () -> ()
    return
  }
}

#map = affine_map<(d0, d1) -> (0, 0)>
#map1 = affine_map<(d0, d1) -> (0)>
#map2 = affine_map<(d0, d1) -> (0, 0, 0, 0)>
#map3 = affine_map<(d0, d1) -> (0, 0, 0)>
module attributes {stable_mosaic.version = 14 : i64} {
  func.func @k(%arg0: i32, %arg1: i32, %arg2: memref<10000x128xf32, #tpu.memory_space<hbm>>, %arg3: memref<323584xi32, #tpu.memory_space<hbm>>, %arg4: memref<32x79x1x128xi32, #tpu.memory_space<hbm>>, %arg5: memref<2x10240x128xf32, #tpu.memory_space<hbm>>, %arg6: memref<10112xi32, #tpu.memory_space<vmem>>, %arg7: memref<8x128xi32, #tpu.memory_space<vmem>>, %arg8: memref<8x128xi32, #tpu.memory_space<vmem>>, %arg9: memref<2x128x128xf32, #tpu.memory_space<vmem>>, %arg10: memref<10240x128xf32, #tpu.memory_space<vmem_shared>>, %arg11: memref<!tpu.dma_semaphore, #tpu.memory_space<semaphore_mem>>, %arg12: memref<!tpu.dma_semaphore, #tpu.memory_space<semaphore_mem>>, %arg13: memref<!tpu.dma_semaphore, #tpu.memory_space<semaphore_mem>>, %arg14: memref<!tpu.dma_semaphore, #tpu.memory_space<semaphore_mem>>) attributes {dimension_semantics = [#tpu.dimension_semantics<core_parallel>, #tpu.dimension_semantics<subcore_parallel>], iteration_bounds = array<i64: 2, 16>, scalar_prefetch = 0 : i64, scratch_operands = 9 : i64, tpu.core_type = #tpu.core_type<sc_vector_subcore>, window_params = [{transform_indices = #map}, {transform_indices = #map1}, {transform_indices = #map2}, {transform_indices = #map3}]} {
    %mul3A = arith.constant 16 : i32
    %mul3A_0 = arith.muli %arg0, %mul3A : i32
    %add3A = arith.addi %mul3A_0, %arg1 : i32
    %broadcast_in_dim3A = arith.constant 0.000000e+00 : f32
    %broadcast_in_dim3A_1 = vector.broadcast %broadcast_in_dim3A : f32 to vector<16xf32>
    %mul3A_2 = arith.constant 10112 : i32
    %mul3A_3 = arith.muli %add3A, %mul3A_2 : i32
    %dma_start3A = tpu.memref_slice %arg3[%mul3A_3] : memref<323584xi32, #tpu.memory_space<hbm>> -> memref<10112xi32, #tpu.memory_space<hbm>>
    %dma_start3A_4 = tpu.memref_slice %arg3[%mul3A_3] : memref<323584xi32, #tpu.memory_space<hbm>> -> memref<10112xi32, #tpu.memory_space<hbm>>
    tpu.enqueue_dma source(%dma_start3A_4 : memref<10112xi32, #tpu.memory_space<hbm>>) target(%arg6 : memref<10112xi32, #tpu.memory_space<vmem>>) target_semaphore(%arg11 : memref<!tpu.dma_semaphore, #tpu.memory_space<semaphore_mem>>)
    %scan3A = arith.constant 0 : i32
    %scan3A_5 = arith.constant 0 : i32
    %scan3A_6 = arith.constant 128 : i32
    %scan3A_7 = arith.addi %scan3A_5, %scan3A_6 : i32
    %scan3A_8 = arith.constant 1 : i32
    scf.for %scan3A_100 = %scan3A_5 to %scan3A_7 step %scan3A_8  : i32 {
      %swap3A = arith.constant 0 : i32
      %swap3A_101 = arith.index_cast %swap3A : i32 to index
      %swap3A_102 = arith.index_cast %scan3A_100 : i32 to index
      %swap3A_103 = arith.constant 0 : index
      %swap3A_104 = tpu.vector_load %arg9[%swap3A_101, %swap3A_102, %swap3A_103] {strides = array<i32>} : memref<2x128x128xf32, #tpu.memory_space<vmem>>, vector<1x1x16xf32>,
      %swap3A_105 = vector.shape_cast %swap3A_104 : vector<1x1x16xf32> to vector<16xf32>
      %swap3A_106 = vector.shape_cast %broadcast_in_dim3A_1 : vector<16xf32> to vector<1x1x16xf32>
      tpu.vector_store %arg9[%swap3A_101, %swap3A_102, %swap3A_103], %swap3A_106 {strides = array<i32>} : memref<2x128x128xf32, #tpu.memory_space<vmem>>, vector<1x1x16xf32>,
      %swap3A_107 = arith.constant 0 : i32
      %swap3A_108 = arith.index_cast %swap3A_107 : i32 to index
      %swap3A_109 = arith.index_cast %scan3A_100 : i32 to index
      %swap3A_110 = arith.constant 16 : index
      %swap3A_111 = tpu.vector_load %arg9[%swap3A_108, %swap3A_109, %swap3A_110] {strides = array<i32>} : memref<2x128x128xf32, #tpu.memory_space<vmem>>, vector<1x1x16xf32>,
      %swap3A_112 = vector.shape_cast %swap3A_111 : vector<1x1x16xf32> to vector<16xf32>
      %swap3A_113 = vector.shape_cast %broadcast_in_dim3A_1 : vector<16xf32> to vector<1x1x16xf32>
      tpu.vector_store %arg9[%swap3A_108, %swap3A_109, %swap3A_110], %swap3A_113 {strides = array<i32>} : memref<2x128x128xf32, #tpu.memory_space<vmem>>, vector<1x1x16xf32>,
      %swap3A_114 = arith.constant 0 : i32
      %swap3A_115 = arith.index_cast %swap3A_114 : i32 to index
      %swap3A_116 = arith.index_cast %scan3A_100 : i32 to index
      %swap3A_117 = arith.constant 32 : index
      %swap3A_118 = tpu.vector_load %arg9[%swap3A_115, %swap3A_116, %swap3A_117] {strides = array<i32>} : memref<2x128x128xf32, #tpu.memory_space<vmem>>, vector<1x1x16xf32>,
      %swap3A_119 = vector.shape_cast %swap3A_118 : vector<1x1x16xf32> to vector<16xf32>
      %swap3A_120 = vector.shape_cast %broadcast_in_dim3A_1 : vector<16xf32> to vector<1x1x16xf32>
      tpu.vector_store %arg9[%swap3A_115, %swap3A_116, %swap3A_117], %swap3A_120 {strides = array<i32>} : memref<2x128x128xf32, #tpu.memory_space<vmem>>, vector<1x1x16xf32>,
      %swap3A_121 = arith.constant 0 : i32
      %swap3A_122 = arith.index_cast %swap3A_121 : i32 to index
      %swap3A_123 = arith.index_cast %scan3A_100 : i32 to index
      %swap3A_124 = arith.constant 48 : index
      %swap3A_125 = tpu.vector_load %arg9[%swap3A_122, %swap3A_123, %swap3A_124] {strides = array<i32>} : memref<2x128x128xf32, #tpu.memory_space<vmem>>, vector<1x1x16xf32>,
      %swap3A_126 = vector.shape_cast %swap3A_125 : vector<1x1x16xf32> to vector<16xf32>
      %swap3A_127 = vector.shape_cast %broadcast_in_dim3A_1 : vector<16xf32> to vector<1x1x16xf32>
      tpu.vector_store %arg9[%swap3A_122, %swap3A_123, %swap3A_124], %swap3A_127 {strides = array<i32>} : memref<2x128x128xf32, #tpu.memory_space<vmem>>, vector<1x1x16xf32>,
      %swap3A_128 = arith.constant 0 : i32
      %swap3A_129 = arith.index_cast %swap3A_128 : i32 to index
      %swap3A_130 = arith.index_cast %scan3A_100 : i32 to index
      %swap3A_131 = arith.constant 64 : index
      %swap3A_132 = tpu.vector_load %arg9[%swap3A_129, %swap3A_130, %swap3A_131] {strides = array<i32>} : memref<2x128x128xf32, #tpu.memory_space<vmem>>, vector<1x1x16xf32>,
      %swap3A_133 = vector.shape_cast %swap3A_132 : vector<1x1x16xf32> to vector<16xf32>
      %swap3A_134 = vector.shape_cast %broadcast_in_dim3A_1 : vector<16xf32> to vector<1x1x16xf32>
      tpu.vector_store %arg9[%swap3A_129, %swap3A_130, %swap3A_131], %swap3A_134 {strides = array<i32>} : memref<2x128x128xf32, #tpu.memory_space<vmem>>, vector<1x1x16xf32>,
      %swap3A_135 = arith.constant 0 : i32
      %swap3A_136 = arith.index_cast %swap3A_135 : i32 to index
      %swap3A_137 = arith.index_cast %scan3A_100 : i32 to index
      %swap3A_138 = arith.constant 80 : index
      %swap3A_139 = tpu.vector_load %arg9[%swap3A_136, %swap3A_137, %swap3A_138] {strides = array<i32>} : memref<2x128x128xf32, #tpu.memory_space<vmem>>, vector<1x1x16xf32>,
      %swap3A_140 = vector.shape_cast %swap3A_139 : vector<1x1x16xf32> to vector<16xf32>
      %swap3A_141 = vector.shape_cast %broadcast_in_dim3A_1 : vector<16xf32> to vector<1x1x16xf32>
      tpu.vector_store %arg9[%swap3A_136, %swap3A_137, %swap3A_138], %swap3A_141 {strides = array<i32>} : memref<2x128x128xf32, #tpu.memory_space<vmem>>, vector<1x1x16xf32>,
      %swap3A_142 = arith.constant 0 : i32
      %swap3A_143 = arith.index_cast %swap3A_142 : i32 to index
      %swap3A_144 = arith.index_cast %scan3A_100 : i32 to index
      %swap3A_145 = arith.constant 96 : index
      %swap3A_146 = tpu.vector_load %arg9[%swap3A_143, %swap3A_144, %swap3A_145] {strides = array<i32>} : memref<2x128x128xf32, #tpu.memory_space<vmem>>, vector<1x1x16xf32>,
      %swap3A_147 = vector.shape_cast %swap3A_146 : vector<1x1x16xf32> to vector<16xf32>
      %swap3A_148 = vector.shape_cast %broadcast_in_dim3A_1 : vector<16xf32> to vector<1x1x16xf32>
      tpu.vector_store %arg9[%swap3A_143, %swap3A_144, %swap3A_145], %swap3A_148 {strides = array<i32>} : memref<2x128x128xf32, #tpu.memory_space<vmem>>, vector<1x1x16xf32>,
      %swap3A_149 = arith.constant 0 : i32
      %swap3A_150 = arith.index_cast %swap3A_149 : i32 to index
      %swap3A_151 = arith.index_cast %scan3A_100 : i32 to index
      %swap3A_152 = arith.constant 112 : index
      %swap3A_153 = tpu.vector_load %arg9[%swap3A_150, %swap3A_151, %swap3A_152] {strides = array<i32>} : memref<2x128x128xf32, #tpu.memory_space<vmem>>, vector<1x1x16xf32>,
      %swap3A_154 = vector.shape_cast %swap3A_153 : vector<1x1x16xf32> to vector<16xf32>
      %swap3A_155 = vector.shape_cast %broadcast_in_dim3A_1 : vector<16xf32> to vector<1x1x16xf32>
      tpu.vector_store %arg9[%swap3A_150, %swap3A_151, %swap3A_152], %swap3A_155 {strides = array<i32>} : memref<2x128x128xf32, #tpu.memory_space<vmem>>, vector<1x1x16xf32>,
    }
    %scan3A_9 = arith.constant 128 : i32
    %mul3A_10 = arith.constant 640 : i32
    %mul3A_11 = arith.muli %arg1, %mul3A_10 : i32
    %add3A_12 = arith.constant 0 : i32
    %add3A_13 = arith.addi %mul3A_11, %add3A_12 : i32
    %run_scoped3A = arith.constant 0 : i32
    "tpu.region"() ({
      %run_scoped3A_100 = tpu.sem_alloc : memref<!tpu.dma_semaphore, #tpu.memory_space<semaphore_mem>>
      %dma_start3A_101 = arith.constant 0 : i32
      %dma_start3A_102 = arith.constant 0 : i32
      %dma_start3A_103 = tpu.memref_slice %arg9[%run_scoped3A, %dma_start3A_101, %dma_start3A_102] : memref<2x128x128xf32, #tpu.memory_space<vmem>> -> memref<1x128x128xf32, #tpu.memory_space<vmem>>
      %dma_start3A_104 = tpu.memref_squeeze %dma_start3A_103 : memref<1x128x128xf32, #tpu.memory_space<vmem>> -> memref<128x128xf32, #tpu.memory_space<vmem>>
      %dma_start3A_105 = arith.constant 0 : i32
      %dma_start3A_106 = tpu.memref_slice %arg10[%add3A_13, %dma_start3A_105] : memref<10240x128xf32, #tpu.memory_space<vmem_shared>> -> memref<128x128xf32, #tpu.memory_space<vmem_shared>>
      %dma_start3A_107 = arith.constant 0 : i32
      %dma_start3A_108 = tpu.memref_slice %arg10[%add3A_13, %dma_start3A_107] : memref<10240x128xf32, #tpu.memory_space<vmem_shared>> -> memref<128x128xf32, #tpu.memory_space<vmem_shared>>
      %dma_start3A_109 = arith.constant 0 : i32
      %dma_start3A_110 = arith.constant 0 : i32
      %dma_start3A_111 = tpu.memref_slice %arg9[%run_scoped3A, %dma_start3A_109, %dma_start3A_110] : memref<2x128x128xf32, #tpu.memory_space<vmem>> -> memref<1x128x128xf32, #tpu.memory_space<vmem>>
      %dma_start3A_112 = tpu.memref_squeeze %dma_start3A_111 : memref<1x128x128xf32, #tpu.memory_space<vmem>> -> memref<128x128xf32, #tpu.memory_space<vmem>>
      tpu.enqueue_dma source(%dma_start3A_112 : memref<128x128xf32, #tpu.memory_space<vmem>>) target(%dma_start3A_108 : memref<128x128xf32, #tpu.memory_space<vmem_shared>>) target_semaphore(%run_scoped3A_100 : memref<!tpu.dma_semaphore, #tpu.memory_space<semaphore_mem>>)
      %dma_wait3A_113 = arith.constant 0 : i32
      %dma_wait3A_114 = arith.constant 0 : i32
      %dma_wait3A_115 = tpu.memref_slice %arg9[%run_scoped3A, %dma_wait3A_113, %dma_wait3A_114] : memref<2x128x128xf32, #tpu.memory_space<vmem>> -> memref<1x128x128xf32, #tpu.memory_space<vmem>>
      %dma_wait3A_116 = tpu.memref_squeeze %dma_wait3A_115 : memref<1x128x128xf32, #tpu.memory_space<vmem>> -> memref<128x128xf32, #tpu.memory_space<vmem>>
      %dma_wait3A_117 = arith.constant 0 : i32
      %dma_wait3A_118 = tpu.memref_slice %arg10[%add3A_13, %dma_wait3A_117] : memref<10240x128xf32, #tpu.memory_space<vmem_shared>> -> memref<128x128xf32, #tpu.memory_space<vmem_shared>>
      %dma_wait3A_119 = arith.constant 0 : i32
      %dma_wait3A_120 = tpu.memref_slice %arg10[%add3A_13, %dma_wait3A_119] : memref<10240x128xf32, #tpu.memory_space<vmem_shared>> -> memref<128x128xf32, #tpu.memory_space<vmem_shared>>
      %dma_wait3A_121 = arith.constant 0 : i32
      %dma_wait3A_122 = arith.constant 0 : i32
      %dma_wait3A_123 = tpu.memref_slice %arg9[%run_scoped3A, %dma_wait3A_121, %dma_wait3A_122] : memref<2x128x128xf32, #tpu.memory_space<vmem>> -> memref<1x128x128xf32, #tpu.memory_space<vmem>>
      %dma_wait3A_124 = tpu.memref_squeeze %dma_wait3A_123 : memref<1x128x128xf32, #tpu.memory_space<vmem>> -> memref<128x128xf32, #tpu.memory_space<vmem>>
      tpu.wait_dma2 semaphore(%run_scoped3A_100 : memref<!tpu.dma_semaphore, #tpu.memory_space<semaphore_mem>>) src(%dma_wait3A_124 : memref<128x128xf32, #tpu.memory_space<vmem>>) dst(%dma_wait3A_120 : memref<128x128xf32, #tpu.memory_space<vmem_shared>>)
      tpu.yield
    }) : () -> ()
    %mul3A_14 = arith.constant 640 : i32
    %mul3A_15 = arith.muli %arg1, %mul3A_14 : i32
    %add3A_16 = arith.constant 128 : i32
    %add3A_17 = arith.addi %mul3A_15, %add3A_16 : i32
    %run_scoped3A_18 = arith.constant 0 : i32
    "tpu.region"() ({
      %run_scoped3A_100 = tpu.sem_alloc : memref<!tpu.dma_semaphore, #tpu.memory_space<semaphore_mem>>
      %dma_start3A_101 = arith.constant 0 : i32
      %dma_start3A_102 = arith.constant 0 : i32
      %dma_start3A_103 = tpu.memref_slice %arg9[%run_scoped3A_18, %dma_start3A_101, %dma_start3A_102] : memref<2x128x128xf32, #tpu.memory_space<vmem>> -> memref<1x128x128xf32, #tpu.memory_space<vmem>>
      %dma_start3A_104 = tpu.memref_squeeze %dma_start3A_103 : memref<1x128x128xf32, #tpu.memory_space<vmem>> -> memref<128x128xf32, #tpu.memory_space<vmem>>
      %dma_start3A_105 = arith.constant 0 : i32
      %dma_start3A_106 = tpu.memref_slice %arg10[%add3A_17, %dma_start3A_105] : memref<10240x128xf32, #tpu.memory_space<vmem_shared>> -> memref<128x128xf32, #tpu.memory_space<vmem_shared>>
      %dma_start3A_107 = arith.constant 0 : i32
      %dma_start3A_108 = tpu.memref_slice %arg10[%add3A_17, %dma_start3A_107] : memref<10240x128xf32, #tpu.memory_space<vmem_shared>> -> memref<128x128xf32, #tpu.memory_space<vmem_shared>>
      %dma_start3A_109 = arith.constant 0 : i32
      %dma_start3A_110 = arith.constant 0 : i32
      %dma_start3A_111 = tpu.memref_slice %arg9[%run_scoped3A_18, %dma_start3A_109, %dma_start3A_110] : memref<2x128x128xf32, #tpu.memory_space<vmem>> -> memref<1x128x128xf32, #tpu.memory_space<vmem>>
      %dma_start3A_112 = tpu.memref_squeeze %dma_start3A_111 : memref<1x128x128xf32, #tpu.memory_space<vmem>> -> memref<128x128xf32, #tpu.memory_space<vmem>>
      tpu.enqueue_dma source(%dma_start3A_112 : memref<128x128xf32, #tpu.memory_space<vmem>>) target(%dma_start3A_108 : memref<128x128xf32, #tpu.memory_space<vmem_shared>>) target_semaphore(%run_scoped3A_100 : memref<!tpu.dma_semaphore, #tpu.memory_space<semaphore_mem>>)
      %dma_wait3A_113 = arith.constant 0 : i32
      %dma_wait3A_114 = arith.constant 0 : i32
      %dma_wait3A_115 = tpu.memref_slice %arg9[%run_scoped3A_18, %dma_wait3A_113, %dma_wait3A_114] : memref<2x128x128xf32, #tpu.memory_space<vmem>> -> memref<1x128x128xf32, #tpu.memory_space<vmem>>
      %dma_wait3A_116 = tpu.memref_squeeze %dma_wait3A_115 : memref<1x128x128xf32, #tpu.memory_space<vmem>> -> memref<128x128xf32, #tpu.memory_space<vmem>>
      %dma_wait3A_117 = arith.constant 0 : i32
      %dma_wait3A_118 = tpu.memref_slice %arg10[%add3A_17, %dma_wait3A_117] : memref<10240x128xf32, #tpu.memory_space<vmem_shared>> -> memref<128x128xf32, #tpu.memory_space<vmem_shared>>
      %dma_wait3A_119 = arith.constant 0 : i32
      %dma_wait3A_120 = tpu.memref_slice %arg10[%add3A_17, %dma_wait3A_119] : memref<10240x128xf32, #tpu.memory_space<vmem_shared>> -> memref<128x128xf32, #tpu.memory_space<vmem_shared>>
      %dma_wait3A_121 = arith.constant 0 : i32
      %dma_wait3A_122 = arith.constant 0 : i32
      %dma_wait3A_123 = tpu.memref_slice %arg9[%run_scoped3A_18, %dma_wait3A_121, %dma_wait3A_122] : memref<2x128x128xf32, #tpu.memory_space<vmem>> -> memref<1x128x128xf32, #tpu.memory_space<vmem>>
      %dma_wait3A_124 = tpu.memref_squeeze %dma_wait3A_123 : memref<1x128x128xf32, #tpu.memory_space<vmem>> -> memref<128x128xf32, #tpu.memory_space<vmem>>
      tpu.wait_dma2 semaphore(%run_scoped3A_100 : memref<!tpu.dma_semaphore, #tpu.memory_space<semaphore_mem>>) src(%dma_wait3A_124 : memref<128x128xf32, #tpu.memory_space<vmem>>) dst(%dma_wait3A_120 : memref<128x128xf32, #tpu.memory_space<vmem_shared>>)
      tpu.yield
    }) : () -> ()
    %mul3A_19 = arith.constant 640 : i32
    %mul3A_20 = arith.muli %arg1, %mul3A_19 : i32
    %add3A_21 = arith.constant 256 : i32
    %add3A_22 = arith.addi %mul3A_20, %add3A_21 : i32
    %run_scoped3A_23 = arith.constant 0 : i32
    "tpu.region"() ({
      %run_scoped3A_100 = tpu.sem_alloc : memref<!tpu.dma_semaphore, #tpu.memory_space<semaphore_mem>>
      %dma_start3A_101 = arith.constant 0 : i32
      %dma_start3A_102 = arith.constant 0 : i32
      %dma_start3A_103 = tpu.memref_slice %arg9[%run_scoped3A_23, %dma_start3A_101, %dma_start3A_102] : memref<2x128x128xf32, #tpu.memory_space<vmem>> -> memref<1x128x128xf32, #tpu.memory_space<vmem>>
      %dma_start3A_104 = tpu.memref_squeeze %dma_start3A_103 : memref<1x128x128xf32, #tpu.memory_space<vmem>> -> memref<128x128xf32, #tpu.memory_space<vmem>>
      %dma_start3A_105 = arith.constant 0 : i32
      %dma_start3A_106 = tpu.memref_slice %arg10[%add3A_22, %dma_start3A_105] : memref<10240x128xf32, #tpu.memory_space<vmem_shared>> -> memref<128x128xf32, #tpu.memory_space<vmem_shared>>
      %dma_start3A_107 = arith.constant 0 : i32
      %dma_start3A_108 = tpu.memref_slice %arg10[%add3A_22, %dma_start3A_107] : memref<10240x128xf32, #tpu.memory_space<vmem_shared>> -> memref<128x128xf32, #tpu.memory_space<vmem_shared>>
      %dma_start3A_109 = arith.constant 0 : i32
      %dma_start3A_110 = arith.constant 0 : i32
      %dma_start3A_111 = tpu.memref_slice %arg9[%run_scoped3A_23, %dma_start3A_109, %dma_start3A_110] : memref<2x128x128xf32, #tpu.memory_space<vmem>> -> memref<1x128x128xf32, #tpu.memory_space<vmem>>
      %dma_start3A_112 = tpu.memref_squeeze %dma_start3A_111 : memref<1x128x128xf32, #tpu.memory_space<vmem>> -> memref<128x128xf32, #tpu.memory_space<vmem>>
      tpu.enqueue_dma source(%dma_start3A_112 : memref<128x128xf32, #tpu.memory_space<vmem>>) target(%dma_start3A_108 : memref<128x128xf32, #tpu.memory_space<vmem_shared>>) target_semaphore(%run_scoped3A_100 : memref<!tpu.dma_semaphore, #tpu.memory_space<semaphore_mem>>)
      %dma_wait3A_113 = arith.constant 0 : i32
      %dma_wait3A_114 = arith.constant 0 : i32
      %dma_wait3A_115 = tpu.memref_slice %arg9[%run_scoped3A_23, %dma_wait3A_113, %dma_wait3A_114] : memref<2x128x128xf32, #tpu.memory_space<vmem>> -> memref<1x128x128xf32, #tpu.memory_space<vmem>>
      %dma_wait3A_116 = tpu.memref_squeeze %dma_wait3A_115 : memref<1x128x128xf32, #tpu.memory_space<vmem>> -> memref<128x128xf32, #tpu.memory_space<vmem>>
      %dma_wait3A_117 = arith.constant 0 : i32
      %dma_wait3A_118 = tpu.memref_slice %arg10[%add3A_22, %dma_wait3A_117] : memref<10240x128xf32, #tpu.memory_space<vmem_shared>> -> memref<128x128xf32, #tpu.memory_space<vmem_shared>>
      %dma_wait3A_119 = arith.constant 0 : i32
      %dma_wait3A_120 = tpu.memref_slice %arg10[%add3A_22, %dma_wait3A_119] : memref<10240x128xf32, #tpu.memory_space<vmem_shared>> -> memref<128x128xf32, #tpu.memory_space<vmem_shared>>
      %dma_wait3A_121 = arith.constant 0 : i32
      %dma_wait3A_122 = arith.constant 0 : i32
      %dma_wait3A_123 = tpu.memref_slice %arg9[%run_scoped3A_23, %dma_wait3A_121, %dma_wait3A_122] : memref<2x128x128xf32, #tpu.memory_space<vmem>> -> memref<1x128x128xf32, #tpu.memory_space<vmem>>
      %dma_wait3A_124 = tpu.memref_squeeze %dma_wait3A_123 : memref<1x128x128xf32, #tpu.memory_space<vmem>> -> memref<128x128xf32, #tpu.memory_space<vmem>>
      tpu.wait_dma2 semaphore(%run_scoped3A_100 : memref<!tpu.dma_semaphore, #tpu.memory_space<semaphore_mem>>) src(%dma_wait3A_124 : memref<128x128xf32, #tpu.memory_space<vmem>>) dst(%dma_wait3A_120 : memref<128x128xf32, #tpu.memory_space<vmem_shared>>)
      tpu.yield
    }) : () -> ()
    %mul3A_24 = arith.constant 640 : i32
    %mul3A_25 = arith.muli %arg1, %mul3A_24 : i32
    %add3A_26 = arith.constant 384 : i32
    %add3A_27 = arith.addi %mul3A_25, %add3A_26 : i32
    %run_scoped3A_28 = arith.constant 0 : i32
    "tpu.region"() ({
      %run_scoped3A_100 = tpu.sem_alloc : memref<!tpu.dma_semaphore, #tpu.memory_space<semaphore_mem>>
      %dma_start3A_101 = arith.constant 0 : i32
      %dma_start3A_102 = arith.constant 0 : i32
      %dma_start3A_103 = tpu.memref_slice %arg9[%run_scoped3A_28, %dma_start3A_101, %dma_start3A_102] : memref<2x128x128xf32, #tpu.memory_space<vmem>> -> memref<1x128x128xf32, #tpu.memory_space<vmem>>
      %dma_start3A_104 = tpu.memref_squeeze %dma_start3A_103 : memref<1x128x128xf32, #tpu.memory_space<vmem>> -> memref<128x128xf32, #tpu.memory_space<vmem>>
      %dma_start3A_105 = arith.constant 0 : i32
      %dma_start3A_106 = tpu.memref_slice %arg10[%add3A_27, %dma_start3A_105] : memref<10240x128xf32, #tpu.memory_space<vmem_shared>> -> memref<128x128xf32, #tpu.memory_space<vmem_shared>>
      %dma_start3A_107 = arith.constant 0 : i32
      %dma_start3A_108 = tpu.memref_slice %arg10[%add3A_27, %dma_start3A_107] : memref<10240x128xf32, #tpu.memory_space<vmem_shared>> -> memref<128x128xf32, #tpu.memory_space<vmem_shared>>
      %dma_start3A_109 = arith.constant 0 : i32
      %dma_start3A_110 = arith.constant 0 : i32
      %dma_start3A_111 = tpu.memref_slice %arg9[%run_scoped3A_28, %dma_start3A_109, %dma_start3A_110] : memref<2x128x128xf32, #tpu.memory_space<vmem>> -> memref<1x128x128xf32, #tpu.memory_space<vmem>>
      %dma_start3A_112 = tpu.memref_squeeze %dma_start3A_111 : memref<1x128x128xf32, #tpu.memory_space<vmem>> -> memref<128x128xf32, #tpu.memory_space<vmem>>
      tpu.enqueue_dma source(%dma_start3A_112 : memref<128x128xf32, #tpu.memory_space<vmem>>) target(%dma_start3A_108 : memref<128x128xf32, #tpu.memory_space<vmem_shared>>) target_semaphore(%run_scoped3A_100 : memref<!tpu.dma_semaphore, #tpu.memory_space<semaphore_mem>>)
      %dma_wait3A_113 = arith.constant 0 : i32
      %dma_wait3A_114 = arith.constant 0 : i32
      %dma_wait3A_115 = tpu.memref_slice %arg9[%run_scoped3A_28, %dma_wait3A_113, %dma_wait3A_114] : memref<2x128x128xf32, #tpu.memory_space<vmem>> -> memref<1x128x128xf32, #tpu.memory_space<vmem>>
      %dma_wait3A_116 = tpu.memref_squeeze %dma_wait3A_115 : memref<1x128x128xf32, #tpu.memory_space<vmem>> -> memref<128x128xf32, #tpu.memory_space<vmem>>
      %dma_wait3A_117 = arith.constant 0 : i32
      %dma_wait3A_118 = tpu.memref_slice %arg10[%add3A_27, %dma_wait3A_117] : memref<10240x128xf32, #tpu.memory_space<vmem_shared>> -> memref<128x128xf32, #tpu.memory_space<vmem_shared>>
      %dma_wait3A_119 = arith.constant 0 : i32
      %dma_wait3A_120 = tpu.memref_slice %arg10[%add3A_27, %dma_wait3A_119] : memref<10240x128xf32, #tpu.memory_space<vmem_shared>> -> memref<128x128xf32, #tpu.memory_space<vmem_shared>>
      %dma_wait3A_121 = arith.constant 0 : i32
      %dma_wait3A_122 = arith.constant 0 : i32
      %dma_wait3A_123 = tpu.memref_slice %arg9[%run_scoped3A_28, %dma_wait3A_121, %dma_wait3A_122] : memref<2x128x128xf32, #tpu.memory_space<vmem>> -> memref<1x128x128xf32, #tpu.memory_space<vmem>>
      %dma_wait3A_124 = tpu.memref_squeeze %dma_wait3A_123 : memref<1x128x128xf32, #tpu.memory_space<vmem>> -> memref<128x128xf32, #tpu.memory_space<vmem>>
      tpu.wait_dma2 semaphore(%run_scoped3A_100 : memref<!tpu.dma_semaphore, #tpu.memory_space<semaphore_mem>>) src(%dma_wait3A_124 : memref<128x128xf32, #tpu.memory_space<vmem>>) dst(%dma_wait3A_120 : memref<128x128xf32, #tpu.memory_space<vmem_shared>>)
      tpu.yield
    }) : () -> ()
    %mul3A_29 = arith.constant 640 : i32
    %mul3A_30 = arith.muli %arg1, %mul3A_29 : i32
    %add3A_31 = arith.constant 512 : i32
    %add3A_32 = arith.addi %mul3A_30, %add3A_31 : i32
    %run_scoped3A_33 = arith.constant 0 : i32
    "tpu.region"() ({
      %run_scoped3A_100 = tpu.sem_alloc : memref<!tpu.dma_semaphore, #tpu.memory_space<semaphore_mem>>
      %dma_start3A_101 = arith.constant 0 : i32
      %dma_start3A_102 = arith.constant 0 : i32
      %dma_start3A_103 = tpu.memref_slice %arg9[%run_scoped3A_33, %dma_start3A_101, %dma_start3A_102] : memref<2x128x128xf32, #tpu.memory_space<vmem>> -> memref<1x128x128xf32, #tpu.memory_space<vmem>>
      %dma_start3A_104 = tpu.memref_squeeze %dma_start3A_103 : memref<1x128x128xf32, #tpu.memory_space<vmem>> -> memref<128x128xf32, #tpu.memory_space<vmem>>
      %dma_start3A_105 = arith.constant 0 : i32
      %dma_start3A_106 = tpu.memref_slice %arg10[%add3A_32, %dma_start3A_105] : memref<10240x128xf32, #tpu.memory_space<vmem_shared>> -> memref<128x128xf32, #tpu.memory_space<vmem_shared>>
      %dma_start3A_107 = arith.constant 0 : i32
      %dma_start3A_108 = tpu.memref_slice %arg10[%add3A_32, %dma_start3A_107] : memref<10240x128xf32, #tpu.memory_space<vmem_shared>> -> memref<128x128xf32, #tpu.memory_space<vmem_shared>>
      %dma_start3A_109 = arith.constant 0 : i32
      %dma_start3A_110 = arith.constant 0 : i32
      %dma_start3A_111 = tpu.memref_slice %arg9[%run_scoped3A_33, %dma_start3A_109, %dma_start3A_110] : memref<2x128x128xf32, #tpu.memory_space<vmem>> -> memref<1x128x128xf32, #tpu.memory_space<vmem>>
      %dma_start3A_112 = tpu.memref_squeeze %dma_start3A_111 : memref<1x128x128xf32, #tpu.memory_space<vmem>> -> memref<128x128xf32, #tpu.memory_space<vmem>>
      tpu.enqueue_dma source(%dma_start3A_112 : memref<128x128xf32, #tpu.memory_space<vmem>>) target(%dma_start3A_108 : memref<128x128xf32, #tpu.memory_space<vmem_shared>>) target_semaphore(%run_scoped3A_100 : memref<!tpu.dma_semaphore, #tpu.memory_space<semaphore_mem>>)
      %dma_wait3A_113 = arith.constant 0 : i32
      %dma_wait3A_114 = arith.constant 0 : i32
      %dma_wait3A_115 = tpu.memref_slice %arg9[%run_scoped3A_33, %dma_wait3A_113, %dma_wait3A_114] : memref<2x128x128xf32, #tpu.memory_space<vmem>> -> memref<1x128x128xf32, #tpu.memory_space<vmem>>
      %dma_wait3A_116 = tpu.memref_squeeze %dma_wait3A_115 : memref<1x128x128xf32, #tpu.memory_space<vmem>> -> memref<128x128xf32, #tpu.memory_space<vmem>>
      %dma_wait3A_117 = arith.constant 0 : i32
      %dma_wait3A_118 = tpu.memref_slice %arg10[%add3A_32, %dma_wait3A_117] : memref<10240x128xf32, #tpu.memory_space<vmem_shared>> -> memref<128x128xf32, #tpu.memory_space<vmem_shared>>
      %dma_wait3A_119 = arith.constant 0 : i32
      %dma_wait3A_120 = tpu.memref_slice %arg10[%add3A_32, %dma_wait3A_119] : memref<10240x128xf32, #tpu.memory_space<vmem_shared>> -> memref<128x128xf32, #tpu.memory_space<vmem_shared>>
      %dma_wait3A_121 = arith.constant 0 : i32
      %dma_wait3A_122 = arith.constant 0 : i32
      %dma_wait3A_123 = tpu.memref_slice %arg9[%run_scoped3A_33, %dma_wait3A_121, %dma_wait3A_122] : memref<2x128x128xf32, #tpu.memory_space<vmem>> -> memref<1x128x128xf32, #tpu.memory_space<vmem>>
      %dma_wait3A_124 = tpu.memref_squeeze %dma_wait3A_123 : memref<1x128x128xf32, #tpu.memory_space<vmem>> -> memref<128x128xf32, #tpu.memory_space<vmem>>
      tpu.wait_dma2 semaphore(%run_scoped3A_100 : memref<!tpu.dma_semaphore, #tpu.memory_space<semaphore_mem>>) src(%dma_wait3A_124 : memref<128x128xf32, #tpu.memory_space<vmem>>) dst(%dma_wait3A_120 : memref<128x128xf32, #tpu.memory_space<vmem_shared>>)
      tpu.yield
    }) : () -> ()
    %mul3A_34 = arith.constant 10112 : i32
    %mul3A_35 = arith.muli %add3A, %mul3A_34 : i32
    %dma_wait3A = tpu.memref_slice %arg3[%mul3A_35] : memref<323584xi32, #tpu.memory_space<hbm>> -> memref<10112xi32, #tpu.memory_space<hbm>>
    %dma_wait3A_36 = tpu.memref_slice %arg3[%mul3A_35] : memref<323584xi32, #tpu.memory_space<hbm>> -> memref<10112xi32, #tpu.memory_space<hbm>>
    tpu.wait_dma2 semaphore(%arg11 : memref<!tpu.dma_semaphore, #tpu.memory_space<semaphore_mem>>) src(%dma_wait3A_36 : memref<10112xi32, #tpu.memory_space<hbm>>) dst(%arg6 : memref<10112xi32, #tpu.memory_space<vmem>>)
    %barrier3A = arith.constant 0 : index
    tpu.barrier barrier_id(%barrier3A)
    %dma_start3A_37 = arith.constant 0 : i32
    %dma_start3A_38 = arith.constant 0 : i32
    %dma_start3A_39 = arith.constant 0 : i32
    %dma_start3A_40 = tpu.memref_slice %arg9[%dma_start3A_37, %dma_start3A_38, %dma_start3A_39] : memref<2x128x128xf32, #tpu.memory_space<vmem>> -> memref<1x128x128xf32, #tpu.memory_space<vmem>>
    %dma_start3A_41 = tpu.memref_squeeze %dma_start3A_40 : memref<1x128x128xf32, #tpu.memory_space<vmem>> -> memref<128x128xf32, #tpu.memory_space<vmem>>
    %dma_start3A_42 = arith.constant 0 : i32
    %dma_start3A_43 = tpu.memref_slice %arg6[%dma_start3A_42] : memref<10112xi32, #tpu.memory_space<vmem>> -> memref<128xi32, #tpu.memory_space<vmem>>
    %dma_start3A_44 = arith.constant 0 : i32
    %dma_start3A_45 = arith.constant 0 : i32
    %dma_start3A_46 = tpu.memref_slice %arg2[%dma_start3A_44, %dma_start3A_45] : memref<10000x128xf32, #tpu.memory_space<hbm>> -> memref<10000x128xf32, #tpu.memory_space<hbm>>
    tpu.enqueue_indirect_dma source(%dma_start3A_46 : memref<10000x128xf32, #tpu.memory_space<hbm>>) target(%dma_start3A_41 : memref<128x128xf32, #tpu.memory_space<vmem>>) offsets(%dma_start3A_43 : memref<128xi32, #tpu.memory_space<vmem>>) semaphore(%arg11 : memref<!tpu.dma_semaphore, #tpu.memory_space<semaphore_mem>>)
    %dma_start3A_47 = arith.constant 0 : i32
    %dma_start3A_48 = arith.constant 0 : i32
    %dma_start3A_49 = arith.constant 0 : i32
    %dma_start3A_50 = tpu.memref_slice %arg7[%dma_start3A_48, %dma_start3A_49] : memref<8x128xi32, #tpu.memory_space<vmem>> -> memref<1x128xi32, #tpu.memory_space<vmem>>
    %dma_start3A_51 = arith.constant 0 : i32
    %dma_start3A_52 = arith.constant 0 : i32
    %dma_start3A_53 = tpu.memref_slice %arg4[%add3A, %dma_start3A_47, %dma_start3A_51, %dma_start3A_52] : memref<32x79x1x128xi32, #tpu.memory_space<hbm>> -> memref<1x1x1x128xi32, #tpu.memory_space<hbm>>
    %dma_start3A_54 = tpu.memref_squeeze %dma_start3A_53 : memref<1x1x1x128xi32, #tpu.memory_space<hbm>> -> memref<1x128xi32, #tpu.memory_space<hbm>>
    %dma_start3A_55 = arith.constant 0 : i32
    %dma_start3A_56 = arith.constant 0 : i32
    %dma_start3A_57 = tpu.memref_slice %arg7[%dma_start3A_55, %dma_start3A_56] : memref<8x128xi32, #tpu.memory_space<vmem>> -> memref<1x128xi32, #tpu.memory_space<vmem>>
    %dma_start3A_58 = arith.constant 0 : i32
    %dma_start3A_59 = arith.constant 0 : i32
    %dma_start3A_60 = tpu.memref_slice %arg4[%add3A, %dma_start3A_47, %dma_start3A_58, %dma_start3A_59] : memref<32x79x1x128xi32, #tpu.memory_space<hbm>> -> memref<1x1x1x128xi32, #tpu.memory_space<hbm>>
    %dma_start3A_61 = tpu.memref_squeeze %dma_start3A_60 : memref<1x1x1x128xi32, #tpu.memory_space<hbm>> -> memref<1x128xi32, #tpu.memory_space<hbm>>
    tpu.enqueue_dma source(%dma_start3A_61 : memref<1x128xi32, #tpu.memory_space<hbm>>) target(%dma_start3A_57 : memref<1x128xi32, #tpu.memory_space<vmem>>) target_semaphore(%arg13 : memref<!tpu.dma_semaphore, #tpu.memory_space<semaphore_mem>>)
    %scan3A_62 = arith.constant 0 : i32
    %scan3A_63 = arith.constant 0 : i32
    %scan3A_64 = arith.constant 39 : i32
    %scan3A_65 = arith.addi %scan3A_63, %scan3A_64 : i32
    %scan3A_66 = arith.constant 1 : i32
    scf.for %scan3A_100 = %scan3A_63 to %scan3A_65 step %scan3A_66  : i32 {
      %mul3A_101 = arith.constant 2 : i32
      %mul3A_102 = arith.muli %scan3A_100, %mul3A_101 : i32
      %add3A_103 = arith.constant 0 : i32
      %add3A_104 = arith.addi %mul3A_102, %add3A_103 : i32
      %add3A_105 = arith.constant 1 : i32
      %add3A_106 = arith.addi %add3A_104, %add3A_105 : i32
      %lt3A = arith.constant 79 : i32
      %lt3A_107 = arith.cmpi slt, %add3A_106, %lt3A : i32
      %convert_element_type3A = arith.extui %lt3A_107 : i1 to i32
      %cond3A = arith.constant 0 : i32
      %cond3A_108 = arith.cmpi ne, %convert_element_type3A, %cond3A : i32
      scf.if %cond3A_108 {
        %add3A_174 = arith.constant 1 : i32
        %add3A_175 = arith.addi %add3A_104, %add3A_174 : i32
        %mul3A_176 = arith.constant 128 : i32
        %mul3A_177 = arith.muli %add3A_175, %mul3A_176 : i32
        %dma_start3A_178 = arith.constant 1 : i32
        %dma_start3A_179 = arith.constant 0 : i32
        %dma_start3A_180 = arith.constant 0 : i32
        %dma_start3A_181 = tpu.memref_slice %arg9[%dma_start3A_178, %dma_start3A_179, %dma_start3A_180] : memref<2x128x128xf32, #tpu.memory_space<vmem>> -> memref<1x128x128xf32, #tpu.memory_space<vmem>>
        %dma_start3A_182 = tpu.memref_squeeze %dma_start3A_181 : memref<1x128x128xf32, #tpu.memory_space<vmem>> -> memref<128x128xf32, #tpu.memory_space<vmem>>
        %dma_start3A_183 = tpu.memref_slice %arg6[%mul3A_177] : memref<10112xi32, #tpu.memory_space<vmem>> -> memref<128xi32, #tpu.memory_space<vmem>>
        %dma_start3A_184 = arith.constant 0 : i32
        %dma_start3A_185 = arith.constant 0 : i32
        %dma_start3A_186 = tpu.memref_slice %arg2[%dma_start3A_184, %dma_start3A_185] : memref<10000x128xf32, #tpu.memory_space<hbm>> -> memref<10000x128xf32, #tpu.memory_space<hbm>>
        tpu.enqueue_indirect_dma source(%dma_start3A_186 : memref<10000x128xf32, #tpu.memory_space<hbm>>) target(%dma_start3A_182 : memref<128x128xf32, #tpu.memory_space<vmem>>) offsets(%dma_start3A_183 : memref<128xi32, #tpu.memory_space<vmem>>) semaphore(%arg12 : memref<!tpu.dma_semaphore, #tpu.memory_space<semaphore_mem>>)
        %add3A_187 = arith.constant 1 : i32
        %add3A_188 = arith.addi %add3A_104, %add3A_187 : i32
        %dma_start3A_189 = arith.constant 0 : i32
        %dma_start3A_190 = arith.constant 0 : i32
        %dma_start3A_191 = tpu.memref_slice %arg8[%dma_start3A_189, %dma_start3A_190] : memref<8x128xi32, #tpu.memory_space<vmem>> -> memref<1x128xi32, #tpu.memory_space<vmem>>
        %dma_start3A_192 = arith.constant 0 : i32
        %dma_start3A_193 = arith.constant 0 : i32
        %dma_start3A_194 = tpu.memref_slice %arg4[%add3A, %add3A_188, %dma_start3A_192, %dma_start3A_193] : memref<32x79x1x128xi32, #tpu.memory_space<hbm>> -> memref<1x1x1x128xi32, #tpu.memory_space<hbm>>
        %dma_start3A_195 = tpu.memref_squeeze %dma_start3A_194 : memref<1x1x1x128xi32, #tpu.memory_space<hbm>> -> memref<1x128xi32, #tpu.memory_space<hbm>>
        %dma_start3A_196 = arith.constant 0 : i32
        %dma_start3A_197 = arith.constant 0 : i32
        %dma_start3A_198 = tpu.memref_slice %arg8[%dma_start3A_196, %dma_start3A_197] : memref<8x128xi32, #tpu.memory_space<vmem>> -> memref<1x128xi32, #tpu.memory_space<vmem>>
        %dma_start3A_199 = arith.constant 0 : i32
        %dma_start3A_200 = arith.constant 0 : i32
        %dma_start3A_201 = tpu.memref_slice %arg4[%add3A, %add3A_188, %dma_start3A_199, %dma_start3A_200] : memref<32x79x1x128xi32, #tpu.memory_space<hbm>> -> memref<1x1x1x128xi32, #tpu.memory_space<hbm>>
        %dma_start3A_202 = tpu.memref_squeeze %dma_start3A_201 : memref<1x1x1x128xi32, #tpu.memory_space<hbm>> -> memref<1x128xi32, #tpu.memory_space<hbm>>
        tpu.enqueue_dma source(%dma_start3A_202 : memref<1x128xi32, #tpu.memory_space<hbm>>) target(%dma_start3A_198 : memref<1x128xi32, #tpu.memory_space<vmem>>) target_semaphore(%arg14 : memref<!tpu.dma_semaphore, #tpu.memory_space<semaphore_mem>>)
      } else {
      }
      %mul3A_109 = arith.constant 128 : i32
      %mul3A_110 = arith.muli %add3A_104, %mul3A_109 : i32
      %dma_wait3A_111 = arith.constant 0 : i32
      %dma_wait3A_112 = arith.constant 0 : i32
      %dma_wait3A_113 = arith.constant 0 : i32
      %dma_wait3A_114 = tpu.memref_slice %arg9[%dma_wait3A_111, %dma_wait3A_112, %dma_wait3A_113] : memref<2x128x128xf32, #tpu.memory_space<vmem>> -> memref<1x128x128xf32, #tpu.memory_space<vmem>>
      %dma_wait3A_115 = tpu.memref_squeeze %dma_wait3A_114 : memref<1x128x128xf32, #tpu.memory_space<vmem>> -> memref<128x128xf32, #tpu.memory_space<vmem>>
      %dma_wait3A_116 = tpu.memref_slice %arg6[%mul3A_110] : memref<10112xi32, #tpu.memory_space<vmem>> -> memref<128xi32, #tpu.memory_space<vmem>>
      %dma_wait3A_117 = arith.constant 0 : i32
      %dma_wait3A_118 = arith.constant 0 : i32
      %dma_wait3A_119 = tpu.memref_slice %arg2[%dma_wait3A_117, %dma_wait3A_118] : memref<10000x128xf32, #tpu.memory_space<hbm>> -> memref<10000x128xf32, #tpu.memory_space<hbm>>
      tpu.wait_indirect_dma semaphore(%arg11 : memref<!tpu.dma_semaphore, #tpu.memory_space<semaphore_mem>>) src(%dma_wait3A_119 : memref<10000x128xf32, #tpu.memory_space<hbm>>) dst(%dma_wait3A_115 : memref<128x128xf32, #tpu.memory_space<vmem>>)
      %dma_wait3A_120 = arith.constant 0 : i32
      %dma_wait3A_121 = arith.constant 0 : i32
      %dma_wait3A_122 = tpu.memref_slice %arg7[%dma_wait3A_120, %dma_wait3A_121] : memref<8x128xi32, #tpu.memory_space<vmem>> -> memref<1x128xi32, #tpu.memory_space<vmem>>
      %dma_wait3A_123 = arith.constant 0 : i32
      %dma_wait3A_124 = arith.constant 0 : i32
      %dma_wait3A_125 = tpu.memref_slice %arg4[%add3A, %add3A_104, %dma_wait3A_123, %dma_wait3A_124] : memref<32x79x1x128xi32, #tpu.memory_space<hbm>> -> memref<1x1x1x128xi32, #tpu.memory_space<hbm>>
      %dma_wait3A_126 = tpu.memref_squeeze %dma_wait3A_125 : memref<1x1x1x128xi32, #tpu.memory_space<hbm>> -> memref<1x128xi32, #tpu.memory_space<hbm>>
      %dma_wait3A_127 = arith.constant 0 : i32
      %dma_wait3A_128 = arith.constant 0 : i32
      %dma_wait3A_129 = tpu.memref_slice %arg7[%dma_wait3A_127, %dma_wait3A_128] : memref<8x128xi32, #tpu.memory_space<vmem>> -> memref<1x128xi32, #tpu.memory_space<vmem>>
      %dma_wait3A_130 = arith.constant 0 : i32
      %dma_wait3A_131 = arith.constant 0 : i32
      %dma_wait3A_132 = tpu.memref_slice %arg4[%add3A, %add3A_104, %dma_wait3A_130, %dma_wait3A_131] : memref<32x79x1x128xi32, #tpu.memory_space<hbm>> -> memref<1x1x1x128xi32, #tpu.memory_space<hbm>>
      %dma_wait3A_133 = tpu.memref_squeeze %dma_wait3A_132 : memref<1x1x1x128xi32, #tpu.memory_space<hbm>> -> memref<1x128xi32, #tpu.memory_space<hbm>>
      tpu.wait_dma2 semaphore(%arg13 : memref<!tpu.dma_semaphore, #tpu.memory_space<semaphore_mem>>) src(%dma_wait3A_133 : memref<1x128xi32, #tpu.memory_space<hbm>>) dst(%dma_wait3A_129 : memref<1x128xi32, #tpu.memory_space<vmem>>)
      %run_scoped3A_134 = arith.constant 0 : i32
      %run_scoped3A_135 = arith.constant 0 : i32
      "tpu.region"() ({
        %run_scoped3A_174 = tpu.sem_alloc : memref<!tpu.dma_semaphore, #tpu.memory_space<semaphore_mem>>
        %dma_start3A_175 = arith.constant 0 : i32
        %dma_start3A_176 = arith.constant 0 : i32
        %dma_start3A_177 = tpu.memref_slice %arg9[%run_scoped3A_134, %dma_start3A_175, %dma_start3A_176] : memref<2x128x128xf32, #tpu.memory_space<vmem>> -> memref<1x128x128xf32, #tpu.memory_space<vmem>>
        %dma_start3A_178 = tpu.memref_squeeze %dma_start3A_177 : memref<1x128x128xf32, #tpu.memory_space<vmem>> -> memref<128x128xf32, #tpu.memory_space<vmem>>
        %dma_start3A_179 = arith.constant 0 : i32
        %dma_start3A_180 = tpu.memref_slice %arg7[%run_scoped3A_135, %dma_start3A_179] : memref<8x128xi32, #tpu.memory_space<vmem>> -> memref<1x128xi32, #tpu.memory_space<vmem>>
        %dma_start3A_181 = tpu.memref_squeeze %dma_start3A_180 : memref<1x128xi32, #tpu.memory_space<vmem>> -> memref<128xi32, #tpu.memory_space<vmem>>
        %dma_start3A_182 = arith.constant 0 : i32
        %dma_start3A_183 = arith.constant 0 : i32
        %dma_start3A_184 = tpu.memref_slice %arg10[%dma_start3A_182, %dma_start3A_183] : memref<10240x128xf32, #tpu.memory_space<vmem_shared>> -> memref<10240x128xf32, #tpu.memory_space<vmem_shared>>
        tpu.enqueue_indirect_dma source(%dma_start3A_178 : memref<128x128xf32, #tpu.memory_space<vmem>>) target(%dma_start3A_184 : memref<10240x128xf32, #tpu.memory_space<vmem_shared>>) offsets(%dma_start3A_181 : memref<128xi32, #tpu.memory_space<vmem>>) semaphore(%run_scoped3A_174 : memref<!tpu.dma_semaphore, #tpu.memory_space<semaphore_mem>>) {add = true}
        %dma_wait3A_185 = arith.constant 0 : i32
        %dma_wait3A_186 = arith.constant 0 : i32
        %dma_wait3A_187 = tpu.memref_slice %arg9[%run_scoped3A_134, %dma_wait3A_185, %dma_wait3A_186] : memref<2x128x128xf32, #tpu.memory_space<vmem>> -> memref<1x128x128xf32, #tpu.memory_space<vmem>>
        %dma_wait3A_188 = tpu.memref_squeeze %dma_wait3A_187 : memref<1x128x128xf32, #tpu.memory_space<vmem>> -> memref<128x128xf32, #tpu.memory_space<vmem>>
        %dma_wait3A_189 = arith.constant 0 : i32
        %dma_wait3A_190 = tpu.memref_slice %arg7[%run_scoped3A_135, %dma_wait3A_189] : memref<8x128xi32, #tpu.memory_space<vmem>> -> memref<1x128xi32, #tpu.memory_space<vmem>>
        %dma_wait3A_191 = tpu.memref_squeeze %dma_wait3A_190 : memref<1x128xi32, #tpu.memory_space<vmem>> -> memref<128xi32, #tpu.memory_space<vmem>>
        %dma_wait3A_192 = arith.constant 0 : i32
        %dma_wait3A_193 = arith.constant 0 : i32
        %dma_wait3A_194 = tpu.memref_slice %arg10[%dma_wait3A_192, %dma_wait3A_193] : memref<10240x128xf32, #tpu.memory_space<vmem_shared>> -> memref<10240x128xf32, #tpu.memory_space<vmem_shared>>
        tpu.wait_indirect_dma semaphore(%run_scoped3A_174 : memref<!tpu.dma_semaphore, #tpu.memory_space<semaphore_mem>>) src(%dma_wait3A_188 : memref<128x128xf32, #tpu.memory_space<vmem>>) dst(%dma_wait3A_194 : memref<10240x128xf32, #tpu.memory_space<vmem_shared>>)
        tpu.yield
      }) : () -> ()
      %mul3A_136 = arith.constant 2 : i32
      %mul3A_137 = arith.muli %scan3A_100, %mul3A_136 : i32
      %add3A_138 = arith.constant 1 : i32
      %add3A_139 = arith.addi %mul3A_137, %add3A_138 : i32
      %add3A_140 = arith.constant 1 : i32
      %add3A_141 = arith.addi %add3A_139, %add3A_140 : i32
      %lt3A_142 = arith.constant 79 : i32
      %lt3A_143 = arith.cmpi slt, %add3A_141, %lt3A_142 : i32
      %convert_element_type3A_144 = arith.extui %lt3A_143 : i1 to i32
      %cond3A_145 = arith.constant 0 : i32
      %cond3A_146 = arith.cmpi ne, %convert_element_type3A_144, %cond3A_145 : i32
      scf.if %cond3A_146 {
        %add3A_174 = arith.constant 1 : i32
        %add3A_175 = arith.addi %add3A_139, %add3A_174 : i32
        %mul3A_176 = arith.constant 128 : i32
        %mul3A_177 = arith.muli %add3A_175, %mul3A_176 : i32
        %dma_start3A_178 = arith.constant 0 : i32
        %dma_start3A_179 = arith.constant 0 : i32
        %dma_start3A_180 = arith.constant 0 : i32
        %dma_start3A_181 = tpu.memref_slice %arg9[%dma_start3A_178, %dma_start3A_179, %dma_start3A_180] : memref<2x128x128xf32, #tpu.memory_space<vmem>> -> memref<1x128x128xf32, #tpu.memory_space<vmem>>
        %dma_start3A_182 = tpu.memref_squeeze %dma_start3A_181 : memref<1x128x128xf32, #tpu.memory_space<vmem>> -> memref<128x128xf32, #tpu.memory_space<vmem>>
        %dma_start3A_183 = tpu.memref_slice %arg6[%mul3A_177] : memref<10112xi32, #tpu.memory_space<vmem>> -> memref<128xi32, #tpu.memory_space<vmem>>
        %dma_start3A_184 = arith.constant 0 : i32
        %dma_start3A_185 = arith.constant 0 : i32
        %dma_start3A_186 = tpu.memref_slice %arg2[%dma_start3A_184, %dma_start3A_185] : memref<10000x128xf32, #tpu.memory_space<hbm>> -> memref<10000x128xf32, #tpu.memory_space<hbm>>
        tpu.enqueue_indirect_dma source(%dma_start3A_186 : memref<10000x128xf32, #tpu.memory_space<hbm>>) target(%dma_start3A_182 : memref<128x128xf32, #tpu.memory_space<vmem>>) offsets(%dma_start3A_183 : memref<128xi32, #tpu.memory_space<vmem>>) semaphore(%arg11 : memref<!tpu.dma_semaphore, #tpu.memory_space<semaphore_mem>>)
        %add3A_187 = arith.constant 1 : i32
        %add3A_188 = arith.addi %add3A_139, %add3A_187 : i32
        %dma_start3A_189 = arith.constant 0 : i32
        %dma_start3A_190 = arith.constant 0 : i32
        %dma_start3A_191 = tpu.memref_slice %arg7[%dma_start3A_189, %dma_start3A_190] : memref<8x128xi32, #tpu.memory_space<vmem>> -> memref<1x128xi32, #tpu.memory_space<vmem>>
        %dma_start3A_192 = arith.constant 0 : i32
        %dma_start3A_193 = arith.constant 0 : i32
        %dma_start3A_194 = tpu.memref_slice %arg4[%add3A, %add3A_188, %dma_start3A_192, %dma_start3A_193] : memref<32x79x1x128xi32, #tpu.memory_space<hbm>> -> memref<1x1x1x128xi32, #tpu.memory_space<hbm>>
        %dma_start3A_195 = tpu.memref_squeeze %dma_start3A_194 : memref<1x1x1x128xi32, #tpu.memory_space<hbm>> -> memref<1x128xi32, #tpu.memory_space<hbm>>
        %dma_start3A_196 = arith.constant 0 : i32
        %dma_start3A_197 = arith.constant 0 : i32
        %dma_start3A_198 = tpu.memref_slice %arg7[%dma_start3A_196, %dma_start3A_197] : memref<8x128xi32, #tpu.memory_space<vmem>> -> memref<1x128xi32, #tpu.memory_space<vmem>>
        %dma_start3A_199 = arith.constant 0 : i32
        %dma_start3A_200 = arith.constant 0 : i32
        %dma_start3A_201 = tpu.memref_slice %arg4[%add3A, %add3A_188, %dma_start3A_199, %dma_start3A_200] : memref<32x79x1x128xi32, #tpu.memory_space<hbm>> -> memref<1x1x1x128xi32, #tpu.memory_space<hbm>>
        %dma_start3A_202 = tpu.memref_squeeze %dma_start3A_201 : memref<1x1x1x128xi32, #tpu.memory_space<hbm>> -> memref<1x128xi32, #tpu.memory_space<hbm>>
        tpu.enqueue_dma source(%dma_start3A_202 : memref<1x128xi32, #tpu.memory_space<hbm>>) target(%dma_start3A_198 : memref<1x128xi32, #tpu.memory_space<vmem>>) target_semaphore(%arg13 : memref<!tpu.dma_semaphore, #tpu.memory_space<semaphore_mem>>)
      } else {
      }
      %mul3A_147 = arith.constant 128 : i32
      %mul3A_148 = arith.muli %add3A_139, %mul3A_147 : i32
      %dma_wait3A_149 = arith.constant 1 : i32
      %dma_wait3A_150 = arith.constant 0 : i32
      %dma_wait3A_151 = arith.constant 0 : i32
      %dma_wait3A_152 = tpu.memref_slice %arg9[%dma_wait3A_149, %dma_wait3A_150, %dma_wait3A_151] : memref<2x128x128xf32, #tpu.memory_space<vmem>> -> memref<1x128x128xf32, #tpu.memory_space<vmem>>
      %dma_wait3A_153 = tpu.memref_squeeze %dma_wait3A_152 : memref<1x128x128xf32, #tpu.memory_space<vmem>> -> memref<128x128xf32, #tpu.memory_space<vmem>>
      %dma_wait3A_154 = tpu.memref_slice %arg6[%mul3A_148] : memref<10112xi32, #tpu.memory_space<vmem>> -> memref<128xi32, #tpu.memory_space<vmem>>
      %dma_wait3A_155 = arith.constant 0 : i32
      %dma_wait3A_156 = arith.constant 0 : i32
      %dma_wait3A_157 = tpu.memref_slice %arg2[%dma_wait3A_155, %dma_wait3A_156] : memref<10000x128xf32, #tpu.memory_space<hbm>> -> memref<10000x128xf32, #tpu.memory_space<hbm>>
      tpu.wait_indirect_dma semaphore(%arg12 : memref<!tpu.dma_semaphore, #tpu.memory_space<semaphore_mem>>) src(%dma_wait3A_157 : memref<10000x128xf32, #tpu.memory_space<hbm>>) dst(%dma_wait3A_153 : memref<128x128xf32, #tpu.memory_space<vmem>>)
      %dma_wait3A_158 = arith.constant 0 : i32
      %dma_wait3A_159 = arith.constant 0 : i32
      %dma_wait3A_160 = tpu.memref_slice %arg8[%dma_wait3A_158, %dma_wait3A_159] : memref<8x128xi32, #tpu.memory_space<vmem>> -> memref<1x128xi32, #tpu.memory_space<vmem>>
      %dma_wait3A_161 = arith.constant 0 : i32
      %dma_wait3A_162 = arith.constant 0 : i32
      %dma_wait3A_163 = tpu.memref_slice %arg4[%add3A, %add3A_139, %dma_wait3A_161, %dma_wait3A_162] : memref<32x79x1x128xi32, #tpu.memory_space<hbm>> -> memref<1x1x1x128xi32, #tpu.memory_space<hbm>>
      %dma_wait3A_164 = tpu.memref_squeeze %dma_wait3A_163 : memref<1x1x1x128xi32, #tpu.memory_space<hbm>> -> memref<1x128xi32, #tpu.memory_space<hbm>>
      %dma_wait3A_165 = arith.constant 0 : i32
      %dma_wait3A_166 = arith.constant 0 : i32
      %dma_wait3A_167 = tpu.memref_slice %arg8[%dma_wait3A_165, %dma_wait3A_166] : memref<8x128xi32, #tpu.memory_space<vmem>> -> memref<1x128xi32, #tpu.memory_space<vmem>>
      %dma_wait3A_168 = arith.constant 0 : i32
      %dma_wait3A_169 = arith.constant 0 : i32
      %dma_wait3A_170 = tpu.memref_slice %arg4[%add3A, %add3A_139, %dma_wait3A_168, %dma_wait3A_169] : memref<32x79x1x128xi32, #tpu.memory_space<hbm>> -> memref<1x1x1x128xi32, #tpu.memory_space<hbm>>
      %dma_wait3A_171 = tpu.memref_squeeze %dma_wait3A_170 : memref<1x1x1x128xi32, #tpu.memory_space<hbm>> -> memref<1x128xi32, #tpu.memory_space<hbm>>
      tpu.wait_dma2 semaphore(%arg14 : memref<!tpu.dma_semaphore, #tpu.memory_space<semaphore_mem>>) src(%dma_wait3A_171 : memref<1x128xi32, #tpu.memory_space<hbm>>) dst(%dma_wait3A_167 : memref<1x128xi32, #tpu.memory_space<vmem>>)
      %run_scoped3A_172 = arith.constant 1 : i32
      %run_scoped3A_173 = arith.constant 0 : i32
      "tpu.region"() ({
        %run_scoped3A_174 = tpu.sem_alloc : memref<!tpu.dma_semaphore, #tpu.memory_space<semaphore_mem>>
        %dma_start3A_175 = arith.constant 0 : i32
        %dma_start3A_176 = arith.constant 0 : i32
        %dma_start3A_177 = tpu.memref_slice %arg9[%run_scoped3A_172, %dma_start3A_175, %dma_start3A_176] : memref<2x128x128xf32, #tpu.memory_space<vmem>> -> memref<1x128x128xf32, #tpu.memory_space<vmem>>
        %dma_start3A_178 = tpu.memref_squeeze %dma_start3A_177 : memref<1x128x128xf32, #tpu.memory_space<vmem>> -> memref<128x128xf32, #tpu.memory_space<vmem>>
        %dma_start3A_179 = arith.constant 0 : i32
        %dma_start3A_180 = tpu.memref_slice %arg8[%run_scoped3A_173, %dma_start3A_179] : memref<8x128xi32, #tpu.memory_space<vmem>> -> memref<1x128xi32, #tpu.memory_space<vmem>>
        %dma_start3A_181 = tpu.memref_squeeze %dma_start3A_180 : memref<1x128xi32, #tpu.memory_space<vmem>> -> memref<128xi32, #tpu.memory_space<vmem>>
        %dma_start3A_182 = arith.constant 0 : i32
        %dma_start3A_183 = arith.constant 0 : i32
        %dma_start3A_184 = tpu.memref_slice %arg10[%dma_start3A_182, %dma_start3A_183] : memref<10240x128xf32, #tpu.memory_space<vmem_shared>> -> memref<10240x128xf32, #tpu.memory_space<vmem_shared>>
        tpu.enqueue_indirect_dma source(%dma_start3A_178 : memref<128x128xf32, #tpu.memory_space<vmem>>) target(%dma_start3A_184 : memref<10240x128xf32, #tpu.memory_space<vmem_shared>>) offsets(%dma_start3A_181 : memref<128xi32, #tpu.memory_space<vmem>>) semaphore(%run_scoped3A_174 : memref<!tpu.dma_semaphore, #tpu.memory_space<semaphore_mem>>) {add = true}
        %dma_wait3A_185 = arith.constant 0 : i32
        %dma_wait3A_186 = arith.constant 0 : i32
        %dma_wait3A_187 = tpu.memref_slice %arg9[%run_scoped3A_172, %dma_wait3A_185, %dma_wait3A_186] : memref<2x128x128xf32, #tpu.memory_space<vmem>> -> memref<1x128x128xf32, #tpu.memory_space<vmem>>
        %dma_wait3A_188 = tpu.memref_squeeze %dma_wait3A_187 : memref<1x128x128xf32, #tpu.memory_space<vmem>> -> memref<128x128xf32, #tpu.memory_space<vmem>>
        %dma_wait3A_189 = arith.constant 0 : i32
        %dma_wait3A_190 = tpu.memref_slice %arg8[%run_scoped3A_173, %dma_wait3A_189] : memref<8x128xi32, #tpu.memory_space<vmem>> -> memref<1x128xi32, #tpu.memory_space<vmem>>
        %dma_wait3A_191 = tpu.memref_squeeze %dma_wait3A_190 : memref<1x128xi32, #tpu.memory_space<vmem>> -> memref<128xi32, #tpu.memory_space<vmem>>
        %dma_wait3A_192 = arith.constant 0 : i32
        %dma_wait3A_193 = arith.constant 0 : i32
        %dma_wait3A_194 = tpu.memref_slice %arg10[%dma_wait3A_192, %dma_wait3A_193] : memref<10240x128xf32, #tpu.memory_space<vmem_shared>> -> memref<10240x128xf32, #tpu.memory_space<vmem_shared>>
        tpu.wait_indirect_dma semaphore(%run_scoped3A_174 : memref<!tpu.dma_semaphore, #tpu.memory_space<semaphore_mem>>) src(%dma_wait3A_188 : memref<128x128xf32, #tpu.memory_space<vmem>>) dst(%dma_wait3A_194 : memref<10240x128xf32, #tpu.memory_space<vmem_shared>>)
        tpu.yield
      }) : () -> ()
    }
    %scan3A_67 = arith.constant 39 : i32
    %dma_wait3A_68 = arith.constant 0 : i32
    %dma_wait3A_69 = arith.constant 0 : i32
    %dma_wait3A_70 = arith.constant 0 : i32
    %dma_wait3A_71 = tpu.memref_slice %arg9[%dma_wait3A_68, %dma_wait3A_69, %dma_wait3A_70] : memref<2x128x128xf32, #tpu.memory_space<vmem>> -> memref<1x128x128xf32, #tpu.memory_space<vmem>>
    %dma_wait3A_72 = tpu.memref_squeeze %dma_wait3A_71 : memref<1x128x128xf32, #tpu.memory_space<vmem>> -> memref<128x128xf32, #tpu.memory_space<vmem>>
    %dma_wait3A_73 = arith.constant 9984 : i32
    %dma_wait3A_74 = tpu.memref_slice %arg6[%dma_wait3A_73] : memref<10112xi32, #tpu.memory_space<vmem>> -> memref<128xi32, #tpu.memory_space<vmem>>
    %dma_wait3A_75 = arith.constant 0 : i32
    %dma_wait3A_76 = arith.constant 0 : i32
    %dma_wait3A_77 = tpu.memref_slice %arg2[%dma_wait3A_75, %dma_wait3A_76] : memref<10000x128xf32, #tpu.memory_space<hbm>> -> memref<10000x128xf32, #tpu.memory_space<hbm>>
    tpu.wait_indirect_dma semaphore(%arg11 : memref<!tpu.dma_semaphore, #tpu.memory_space<semaphore_mem>>) src(%dma_wait3A_77 : memref<10000x128xf32, #tpu.memory_space<hbm>>) dst(%dma_wait3A_72 : memref<128x128xf32, #tpu.memory_space<vmem>>)
    %dma_wait3A_78 = arith.constant 78 : i32
    %dma_wait3A_79 = arith.constant 0 : i32
    %dma_wait3A_80 = arith.constant 0 : i32
    %dma_wait3A_81 = tpu.memref_slice %arg7[%dma_wait3A_79, %dma_wait3A_80] : memref<8x128xi32, #tpu.memory_space<vmem>> -> memref<1x128xi32, #tpu.memory_space<vmem>>
    %dma_wait3A_82 = arith.constant 0 : i32
    %dma_wait3A_83 = arith.constant 0 : i32
    %dma_wait3A_84 = tpu.memref_slice %arg4[%add3A, %dma_wait3A_78, %dma_wait3A_82, %dma_wait3A_83] : memref<32x79x1x128xi32, #tpu.memory_space<hbm>> -> memref<1x1x1x128xi32, #tpu.memory_space<hbm>>
    %dma_wait3A_85 = tpu.memref_squeeze %dma_wait3A_84 : memref<1x1x1x128xi32, #tpu.memory_space<hbm>> -> memref<1x128xi32, #tpu.memory_space<hbm>>
    %dma_wait3A_86 = arith.constant 0 : i32
    %dma_wait3A_87 = arith.constant 0 : i32
    %dma_wait3A_88 = tpu.memref_slice %arg7[%dma_wait3A_86, %dma_wait3A_87] : memref<8x128xi32, #tpu.memory_space<vmem>> -> memref<1x128xi32, #tpu.memory_space<vmem>>
    %dma_wait3A_89 = arith.constant 0 : i32
    %dma_wait3A_90 = arith.constant 0 : i32
    %dma_wait3A_91 = tpu.memref_slice %arg4[%add3A, %dma_wait3A_78, %dma_wait3A_89, %dma_wait3A_90] : memref<32x79x1x128xi32, #tpu.memory_space<hbm>> -> memref<1x1x1x128xi32, #tpu.memory_space<hbm>>
    %dma_wait3A_92 = tpu.memref_squeeze %dma_wait3A_91 : memref<1x1x1x128xi32, #tpu.memory_space<hbm>> -> memref<1x128xi32, #tpu.memory_space<hbm>>
    tpu.wait_dma2 semaphore(%arg13 : memref<!tpu.dma_semaphore, #tpu.memory_space<semaphore_mem>>) src(%dma_wait3A_92 : memref<1x128xi32, #tpu.memory_space<hbm>>) dst(%dma_wait3A_88 : memref<1x128xi32, #tpu.memory_space<vmem>>)
    %run_scoped3A_93 = arith.constant 0 : i32
    %run_scoped3A_94 = arith.constant 0 : i32
    "tpu.region"() ({
      %run_scoped3A_100 = tpu.sem_alloc : memref<!tpu.dma_semaphore, #tpu.memory_space<semaphore_mem>>
      %dma_start3A_101 = arith.constant 0 : i32
      %dma_start3A_102 = arith.constant 0 : i32
      %dma_start3A_103 = tpu.memref_slice %arg9[%run_scoped3A_93, %dma_start3A_101, %dma_start3A_102] : memref<2x128x128xf32, #tpu.memory_space<vmem>> -> memref<1x128x128xf32, #tpu.memory_space<vmem>>
      %dma_start3A_104 = tpu.memref_squeeze %dma_start3A_103 : memref<1x128x128xf32, #tpu.memory_space<vmem>> -> memref<128x128xf32, #tpu.memory_space<vmem>>
      %dma_start3A_105 = arith.constant 0 : i32
      %dma_start3A_106 = tpu.memref_slice %arg7[%run_scoped3A_94, %dma_start3A_105] : memref<8x128xi32, #tpu.memory_space<vmem>> -> memref<1x128xi32, #tpu.memory_space<vmem>>
      %dma_start3A_107 = tpu.memref_squeeze %dma_start3A_106 : memref<1x128xi32, #tpu.memory_space<vmem>> -> memref<128xi32, #tpu.memory_space<vmem>>
      %dma_start3A_108 = arith.constant 0 : i32
      %dma_start3A_109 = arith.constant 0 : i32
      %dma_start3A_110 = tpu.memref_slice %arg10[%dma_start3A_108, %dma_start3A_109] : memref<10240x128xf32, #tpu.memory_space<vmem_shared>> -> memref<10240x128xf32, #tpu.memory_space<vmem_shared>>
      tpu.enqueue_indirect_dma source(%dma_start3A_104 : memref<128x128xf32, #tpu.memory_space<vmem>>) target(%dma_start3A_110 : memref<10240x128xf32, #tpu.memory_space<vmem_shared>>) offsets(%dma_start3A_107 : memref<128xi32, #tpu.memory_space<vmem>>) semaphore(%run_scoped3A_100 : memref<!tpu.dma_semaphore, #tpu.memory_space<semaphore_mem>>) {add = true}
      %dma_wait3A_111 = arith.constant 0 : i32
      %dma_wait3A_112 = arith.constant 0 : i32
      %dma_wait3A_113 = tpu.memref_slice %arg9[%run_scoped3A_93, %dma_wait3A_111, %dma_wait3A_112] : memref<2x128x128xf32, #tpu.memory_space<vmem>> -> memref<1x128x128xf32, #tpu.memory_space<vmem>>
      %dma_wait3A_114 = tpu.memref_squeeze %dma_wait3A_113 : memref<1x128x128xf32, #tpu.memory_space<vmem>> -> memref<128x128xf32, #tpu.memory_space<vmem>>
      %dma_wait3A_115 = arith.constant 0 : i32
      %dma_wait3A_116 = tpu.memref_slice %arg7[%run_scoped3A_94, %dma_wait3A_115] : memref<8x128xi32, #tpu.memory_space<vmem>> -> memref<1x128xi32, #tpu.memory_space<vmem>>
      %dma_wait3A_117 = tpu.memref_squeeze %dma_wait3A_116 : memref<1x128xi32, #tpu.memory_space<vmem>> -> memref<128xi32, #tpu.memory_space<vmem>>
      %dma_wait3A_118 = arith.constant 0 : i32
      %dma_wait3A_119 = arith.constant 0 : i32
      %dma_wait3A_120 = tpu.memref_slice %arg10[%dma_wait3A_118, %dma_wait3A_119] : memref<10240x128xf32, #tpu.memory_space<vmem_shared>> -> memref<10240x128xf32, #tpu.memory_space<vmem_shared>>
      tpu.wait_indirect_dma semaphore(%run_scoped3A_100 : memref<!tpu.dma_semaphore, #tpu.memory_space<semaphore_mem>>) src(%dma_wait3A_114 : memref<128x128xf32, #tpu.memory_space<vmem>>) dst(%dma_wait3A_120 : memref<10240x128xf32, #tpu.memory_space<vmem_shared>>)
      tpu.yield
    }) : () -> ()
    %barrier3A_95 = arith.constant 0 : index
    tpu.barrier barrier_id(%barrier3A_95)
    %mul3A_96 = arith.constant 640 : i32
    %mul3A_97 = arith.muli %arg1, %mul3A_96 : i32
    %mul3A_98 = arith.constant 640 : i32
    %mul3A_99 = arith.muli %arg1, %mul3A_98 : i32
    "tpu.region"() ({
      %run_scoped3A_100 = tpu.sem_alloc : memref<!tpu.dma_semaphore, #tpu.memory_space<semaphore_mem>>
      %dma_start3A_101 = arith.constant 0 : i32
      %dma_start3A_102 = tpu.memref_slice %arg5[%arg0, %mul3A_99, %dma_start3A_101] : memref<2x10240x128xf32, #tpu.memory_space<hbm>> -> memref<1x640x128xf32, #tpu.memory_space<hbm>>
      %dma_start3A_103 = tpu.memref_squeeze %dma_start3A_102 : memref<1x640x128xf32, #tpu.memory_space<hbm>> -> memref<640x128xf32, #tpu.memory_space<hbm>>
      %dma_start3A_104 = arith.constant 0 : i32
      %dma_start3A_105 = tpu.memref_slice %arg10[%mul3A_97, %dma_start3A_104] : memref<10240x128xf32, #tpu.memory_space<vmem_shared>> -> memref<640x128xf32, #tpu.memory_space<vmem_shared>>
      tpu.enqueue_dma source(%dma_start3A_105 : memref<640x128xf32, #tpu.memory_space<vmem_shared>>) target(%dma_start3A_103 : memref<640x128xf32, #tpu.memory_space<hbm>>) target_semaphore(%run_scoped3A_100 : memref<!tpu.dma_semaphore, #tpu.memory_space<semaphore_mem>>)
      %dma_wait3A_106 = arith.constant 0 : i32
      %dma_wait3A_107 = tpu.memref_slice %arg5[%arg0, %mul3A_99, %dma_wait3A_106] : memref<2x10240x128xf32, #tpu.memory_space<hbm>> -> memref<1x640x128xf32, #tpu.memory_space<hbm>>
      %dma_wait3A_108 = tpu.memref_squeeze %dma_wait3A_107 : memref<1x640x128xf32, #tpu.memory_space<hbm>> -> memref<640x128xf32, #tpu.memory_space<hbm>>
      %dma_wait3A_109 = arith.constant 0 : i32
      %dma_wait3A_110 = tpu.memref_slice %arg10[%mul3A_97, %dma_wait3A_109] : memref<10240x128xf32, #tpu.memory_space<vmem_shared>> -> memref<640x128xf32, #tpu.memory_space<vmem_shared>>
      tpu.wait_dma2 semaphore(%run_scoped3A_100 : memref<!tpu.dma_semaphore, #tpu.memory_space<semaphore_mem>>) src(%dma_wait3A_110 : memref<640x128xf32, #tpu.memory_space<vmem_shared>>) dst(%dma_wait3A_108 : memref<640x128xf32, #tpu.memory_space<hbm>>)
      tpu.yield
    }) : () -> ()
    return
  }
}

#map = affine_map<(d0, d1) -> (0, 0)>
#map1 = affine_map<(d0, d1) -> (0)>
#map2 = affine_map<(d0, d1) -> (0, 0, 0, 0)>
#map3 = affine_map<(d0, d1) -> (0, 0, 0)>
module attributes {stable_mosaic.version = 14 : i64} {
  func.func @k(%arg0: i32, %arg1: i32, %arg2: memref<10000x128xf32, #tpu.memory_space<hbm>>, %arg3: memref<323584xi32, #tpu.memory_space<hbm>>, %arg4: memref<32x79x1x128xi32, #tpu.memory_space<hbm>>, %arg5: memref<2x10240x128xf32, #tpu.memory_space<hbm>>, %arg6: memref<10112xi32, #tpu.memory_space<vmem>>, %arg7: memref<8x128xi32, #tpu.memory_space<vmem>>, %arg8: memref<8x128xi32, #tpu.memory_space<vmem>>, %arg9: memref<2x128x128xf32, #tpu.memory_space<vmem>>, %arg10: memref<10240x128xf32, #tpu.memory_space<vmem_shared>>, %arg11: memref<!tpu.dma_semaphore, #tpu.memory_space<semaphore_mem>>, %arg12: memref<!tpu.dma_semaphore, #tpu.memory_space<semaphore_mem>>, %arg13: memref<!tpu.dma_semaphore, #tpu.memory_space<semaphore_mem>>, %arg14: memref<!tpu.dma_semaphore, #tpu.memory_space<semaphore_mem>>) attributes {dimension_semantics = [#tpu.dimension_semantics<core_parallel>, #tpu.dimension_semantics<subcore_parallel>], iteration_bounds = array<i64: 2, 16>, scalar_prefetch = 0 : i64, scratch_operands = 9 : i64, tpu.core_type = #tpu.core_type<sc_vector_subcore>, window_params = [{transform_indices = #map}, {transform_indices = #map1}, {transform_indices = #map2}, {transform_indices = #map3}]} {
    %mul3A = arith.constant 16 : i32
    %mul3A_0 = arith.muli %arg0, %mul3A : i32
    %add3A = arith.addi %mul3A_0, %arg1 : i32
    %broadcast_in_dim3A = arith.constant 0.000000e+00 : f32
    %broadcast_in_dim3A_1 = vector.broadcast %broadcast_in_dim3A : f32 to vector<16xf32>
    %mul3A_2 = arith.constant 10112 : i32
    %mul3A_3 = arith.muli %add3A, %mul3A_2 : i32
    %dma_start3A = tpu.memref_slice %arg3[%mul3A_3] : memref<323584xi32, #tpu.memory_space<hbm>> -> memref<10112xi32, #tpu.memory_space<hbm>>
    %dma_start3A_4 = tpu.memref_slice %arg3[%mul3A_3] : memref<323584xi32, #tpu.memory_space<hbm>> -> memref<10112xi32, #tpu.memory_space<hbm>>
    tpu.enqueue_dma source(%dma_start3A_4 : memref<10112xi32, #tpu.memory_space<hbm>>) target(%arg6 : memref<10112xi32, #tpu.memory_space<vmem>>) target_semaphore(%arg11 : memref<!tpu.dma_semaphore, #tpu.memory_space<semaphore_mem>>)
    %scan3A = arith.constant 0 : i32
    %scan3A_5 = arith.constant 0 : i32
    %scan3A_6 = arith.constant 128 : i32
    %scan3A_7 = arith.addi %scan3A_5, %scan3A_6 : i32
    %scan3A_8 = arith.constant 1 : i32
    scf.for %scan3A_100 = %scan3A_5 to %scan3A_7 step %scan3A_8  : i32 {
      %swap3A = arith.constant 0 : i32
      %swap3A_101 = arith.index_cast %swap3A : i32 to index
      %swap3A_102 = arith.index_cast %scan3A_100 : i32 to index
      %swap3A_103 = arith.constant 0 : index
      %swap3A_104 = tpu.vector_load %arg9[%swap3A_101, %swap3A_102, %swap3A_103] {strides = array<i32>} : memref<2x128x128xf32, #tpu.memory_space<vmem>>, vector<1x1x16xf32>,
      %swap3A_105 = vector.shape_cast %swap3A_104 : vector<1x1x16xf32> to vector<16xf32>
      %swap3A_106 = vector.shape_cast %broadcast_in_dim3A_1 : vector<16xf32> to vector<1x1x16xf32>
      tpu.vector_store %arg9[%swap3A_101, %swap3A_102, %swap3A_103], %swap3A_106 {strides = array<i32>} : memref<2x128x128xf32, #tpu.memory_space<vmem>>, vector<1x1x16xf32>,
      %swap3A_107 = arith.constant 0 : i32
      %swap3A_108 = arith.index_cast %swap3A_107 : i32 to index
      %swap3A_109 = arith.index_cast %scan3A_100 : i32 to index
      %swap3A_110 = arith.constant 16 : index
      %swap3A_111 = tpu.vector_load %arg9[%swap3A_108, %swap3A_109, %swap3A_110] {strides = array<i32>} : memref<2x128x128xf32, #tpu.memory_space<vmem>>, vector<1x1x16xf32>,
      %swap3A_112 = vector.shape_cast %swap3A_111 : vector<1x1x16xf32> to vector<16xf32>
      %swap3A_113 = vector.shape_cast %broadcast_in_dim3A_1 : vector<16xf32> to vector<1x1x16xf32>
      tpu.vector_store %arg9[%swap3A_108, %swap3A_109, %swap3A_110], %swap3A_113 {strides = array<i32>} : memref<2x128x128xf32, #tpu.memory_space<vmem>>, vector<1x1x16xf32>,
      %swap3A_114 = arith.constant 0 : i32
      %swap3A_115 = arith.index_cast %swap3A_114 : i32 to index
      %swap3A_116 = arith.index_cast %scan3A_100 : i32 to index
      %swap3A_117 = arith.constant 32 : index
      %swap3A_118 = tpu.vector_load %arg9[%swap3A_115, %swap3A_116, %swap3A_117] {strides = array<i32>} : memref<2x128x128xf32, #tpu.memory_space<vmem>>, vector<1x1x16xf32>,
      %swap3A_119 = vector.shape_cast %swap3A_118 : vector<1x1x16xf32> to vector<16xf32>
      %swap3A_120 = vector.shape_cast %broadcast_in_dim3A_1 : vector<16xf32> to vector<1x1x16xf32>
      tpu.vector_store %arg9[%swap3A_115, %swap3A_116, %swap3A_117], %swap3A_120 {strides = array<i32>} : memref<2x128x128xf32, #tpu.memory_space<vmem>>, vector<1x1x16xf32>,
      %swap3A_121 = arith.constant 0 : i32
      %swap3A_122 = arith.index_cast %swap3A_121 : i32 to index
      %swap3A_123 = arith.index_cast %scan3A_100 : i32 to index
      %swap3A_124 = arith.constant 48 : index
      %swap3A_125 = tpu.vector_load %arg9[%swap3A_122, %swap3A_123, %swap3A_124] {strides = array<i32>} : memref<2x128x128xf32, #tpu.memory_space<vmem>>, vector<1x1x16xf32>,
      %swap3A_126 = vector.shape_cast %swap3A_125 : vector<1x1x16xf32> to vector<16xf32>
      %swap3A_127 = vector.shape_cast %broadcast_in_dim3A_1 : vector<16xf32> to vector<1x1x16xf32>
      tpu.vector_store %arg9[%swap3A_122, %swap3A_123, %swap3A_124], %swap3A_127 {strides = array<i32>} : memref<2x128x128xf32, #tpu.memory_space<vmem>>, vector<1x1x16xf32>,
      %swap3A_128 = arith.constant 0 : i32
      %swap3A_129 = arith.index_cast %swap3A_128 : i32 to index
      %swap3A_130 = arith.index_cast %scan3A_100 : i32 to index
      %swap3A_131 = arith.constant 64 : index
      %swap3A_132 = tpu.vector_load %arg9[%swap3A_129, %swap3A_130, %swap3A_131] {strides = array<i32>} : memref<2x128x128xf32, #tpu.memory_space<vmem>>, vector<1x1x16xf32>,
      %swap3A_133 = vector.shape_cast %swap3A_132 : vector<1x1x16xf32> to vector<16xf32>
      %swap3A_134 = vector.shape_cast %broadcast_in_dim3A_1 : vector<16xf32> to vector<1x1x16xf32>
      tpu.vector_store %arg9[%swap3A_129, %swap3A_130, %swap3A_131], %swap3A_134 {strides = array<i32>} : memref<2x128x128xf32, #tpu.memory_space<vmem>>, vector<1x1x16xf32>,
      %swap3A_135 = arith.constant 0 : i32
      %swap3A_136 = arith.index_cast %swap3A_135 : i32 to index
      %swap3A_137 = arith.index_cast %scan3A_100 : i32 to index
      %swap3A_138 = arith.constant 80 : index
      %swap3A_139 = tpu.vector_load %arg9[%swap3A_136, %swap3A_137, %swap3A_138] {strides = array<i32>} : memref<2x128x128xf32, #tpu.memory_space<vmem>>, vector<1x1x16xf32>,
      %swap3A_140 = vector.shape_cast %swap3A_139 : vector<1x1x16xf32> to vector<16xf32>
      %swap3A_141 = vector.shape_cast %broadcast_in_dim3A_1 : vector<16xf32> to vector<1x1x16xf32>
      tpu.vector_store %arg9[%swap3A_136, %swap3A_137, %swap3A_138], %swap3A_141 {strides = array<i32>} : memref<2x128x128xf32, #tpu.memory_space<vmem>>, vector<1x1x16xf32>,
      %swap3A_142 = arith.constant 0 : i32
      %swap3A_143 = arith.index_cast %swap3A_142 : i32 to index
      %swap3A_144 = arith.index_cast %scan3A_100 : i32 to index
      %swap3A_145 = arith.constant 96 : index
      %swap3A_146 = tpu.vector_load %arg9[%swap3A_143, %swap3A_144, %swap3A_145] {strides = array<i32>} : memref<2x128x128xf32, #tpu.memory_space<vmem>>, vector<1x1x16xf32>,
      %swap3A_147 = vector.shape_cast %swap3A_146 : vector<1x1x16xf32> to vector<16xf32>
      %swap3A_148 = vector.shape_cast %broadcast_in_dim3A_1 : vector<16xf32> to vector<1x1x16xf32>
      tpu.vector_store %arg9[%swap3A_143, %swap3A_144, %swap3A_145], %swap3A_148 {strides = array<i32>} : memref<2x128x128xf32, #tpu.memory_space<vmem>>, vector<1x1x16xf32>,
      %swap3A_149 = arith.constant 0 : i32
      %swap3A_150 = arith.index_cast %swap3A_149 : i32 to index
      %swap3A_151 = arith.index_cast %scan3A_100 : i32 to index
      %swap3A_152 = arith.constant 112 : index
      %swap3A_153 = tpu.vector_load %arg9[%swap3A_150, %swap3A_151, %swap3A_152] {strides = array<i32>} : memref<2x128x128xf32, #tpu.memory_space<vmem>>, vector<1x1x16xf32>,
      %swap3A_154 = vector.shape_cast %swap3A_153 : vector<1x1x16xf32> to vector<16xf32>
      %swap3A_155 = vector.shape_cast %broadcast_in_dim3A_1 : vector<16xf32> to vector<1x1x16xf32>
      tpu.vector_store %arg9[%swap3A_150, %swap3A_151, %swap3A_152], %swap3A_155 {strides = array<i32>} : memref<2x128x128xf32, #tpu.memory_space<vmem>>, vector<1x1x16xf32>,
    }
    %scan3A_9 = arith.constant 128 : i32
    %mul3A_10 = arith.constant 640 : i32
    %mul3A_11 = arith.muli %arg1, %mul3A_10 : i32
    %add3A_12 = arith.constant 0 : i32
    %add3A_13 = arith.addi %mul3A_11, %add3A_12 : i32
    %run_scoped3A = arith.constant 0 : i32
    "tpu.region"() ({
      %run_scoped3A_100 = tpu.sem_alloc : memref<!tpu.dma_semaphore, #tpu.memory_space<semaphore_mem>>
      %dma_start3A_101 = arith.constant 0 : i32
      %dma_start3A_102 = arith.constant 0 : i32
      %dma_start3A_103 = tpu.memref_slice %arg9[%run_scoped3A, %dma_start3A_101, %dma_start3A_102] : memref<2x128x128xf32, #tpu.memory_space<vmem>> -> memref<1x128x128xf32, #tpu.memory_space<vmem>>
      %dma_start3A_104 = tpu.memref_squeeze %dma_start3A_103 : memref<1x128x128xf32, #tpu.memory_space<vmem>> -> memref<128x128xf32, #tpu.memory_space<vmem>>
      %dma_start3A_105 = arith.constant 0 : i32
      %dma_start3A_106 = tpu.memref_slice %arg10[%add3A_13, %dma_start3A_105] : memref<10240x128xf32, #tpu.memory_space<vmem_shared>> -> memref<128x128xf32, #tpu.memory_space<vmem_shared>>
      %dma_start3A_107 = arith.constant 0 : i32
      %dma_start3A_108 = tpu.memref_slice %arg10[%add3A_13, %dma_start3A_107] : memref<10240x128xf32, #tpu.memory_space<vmem_shared>> -> memref<128x128xf32, #tpu.memory_space<vmem_shared>>
      %dma_start3A_109 = arith.constant 0 : i32
      %dma_start3A_110 = arith.constant 0 : i32
      %dma_start3A_111 = tpu.memref_slice %arg9[%run_scoped3A, %dma_start3A_109, %dma_start3A_110] : memref<2x128x128xf32, #tpu.memory_space<vmem>> -> memref<1x128x128xf32, #tpu.memory_space<vmem>>
      %dma_start3A_112 = tpu.memref_squeeze %dma_start3A_111 : memref<1x128x128xf32, #tpu.memory_space<vmem>> -> memref<128x128xf32, #tpu.memory_space<vmem>>
      tpu.enqueue_dma source(%dma_start3A_112 : memref<128x128xf32, #tpu.memory_space<vmem>>) target(%dma_start3A_108 : memref<128x128xf32, #tpu.memory_space<vmem_shared>>) target_semaphore(%run_scoped3A_100 : memref<!tpu.dma_semaphore, #tpu.memory_space<semaphore_mem>>)
      %dma_wait3A_113 = arith.constant 0 : i32
      %dma_wait3A_114 = arith.constant 0 : i32
      %dma_wait3A_115 = tpu.memref_slice %arg9[%run_scoped3A, %dma_wait3A_113, %dma_wait3A_114] : memref<2x128x128xf32, #tpu.memory_space<vmem>> -> memref<1x128x128xf32, #tpu.memory_space<vmem>>
      %dma_wait3A_116 = tpu.memref_squeeze %dma_wait3A_115 : memref<1x128x128xf32, #tpu.memory_space<vmem>> -> memref<128x128xf32, #tpu.memory_space<vmem>>
      %dma_wait3A_117 = arith.constant 0 : i32
      %dma_wait3A_118 = tpu.memref_slice %arg10[%add3A_13, %dma_wait3A_117] : memref<10240x128xf32, #tpu.memory_space<vmem_shared>> -> memref<128x128xf32, #tpu.memory_space<vmem_shared>>
      %dma_wait3A_119 = arith.constant 0 : i32
      %dma_wait3A_120 = tpu.memref_slice %arg10[%add3A_13, %dma_wait3A_119] : memref<10240x128xf32, #tpu.memory_space<vmem_shared>> -> memref<128x128xf32, #tpu.memory_space<vmem_shared>>
      %dma_wait3A_121 = arith.constant 0 : i32
      %dma_wait3A_122 = arith.constant 0 : i32
      %dma_wait3A_123 = tpu.memref_slice %arg9[%run_scoped3A, %dma_wait3A_121, %dma_wait3A_122] : memref<2x128x128xf32, #tpu.memory_space<vmem>> -> memref<1x128x128xf32, #tpu.memory_space<vmem>>
      %dma_wait3A_124 = tpu.memref_squeeze %dma_wait3A_123 : memref<1x128x128xf32, #tpu.memory_space<vmem>> -> memref<128x128xf32, #tpu.memory_space<vmem>>
      tpu.wait_dma2 semaphore(%run_scoped3A_100 : memref<!tpu.dma_semaphore, #tpu.memory_space<semaphore_mem>>) src(%dma_wait3A_124 : memref<128x128xf32, #tpu.memory_space<vmem>>) dst(%dma_wait3A_120 : memref<128x128xf32, #tpu.memory_space<vmem_shared>>)
      tpu.yield
    }) : () -> ()
    %mul3A_14 = arith.constant 640 : i32
    %mul3A_15 = arith.muli %arg1, %mul3A_14 : i32
    %add3A_16 = arith.constant 128 : i32
    %add3A_17 = arith.addi %mul3A_15, %add3A_16 : i32
    %run_scoped3A_18 = arith.constant 0 : i32
    "tpu.region"() ({
      %run_scoped3A_100 = tpu.sem_alloc : memref<!tpu.dma_semaphore, #tpu.memory_space<semaphore_mem>>
      %dma_start3A_101 = arith.constant 0 : i32
      %dma_start3A_102 = arith.constant 0 : i32
      %dma_start3A_103 = tpu.memref_slice %arg9[%run_scoped3A_18, %dma_start3A_101, %dma_start3A_102] : memref<2x128x128xf32, #tpu.memory_space<vmem>> -> memref<1x128x128xf32, #tpu.memory_space<vmem>>
      %dma_start3A_104 = tpu.memref_squeeze %dma_start3A_103 : memref<1x128x128xf32, #tpu.memory_space<vmem>> -> memref<128x128xf32, #tpu.memory_space<vmem>>
      %dma_start3A_105 = arith.constant 0 : i32
      %dma_start3A_106 = tpu.memref_slice %arg10[%add3A_17, %dma_start3A_105] : memref<10240x128xf32, #tpu.memory_space<vmem_shared>> -> memref<128x128xf32, #tpu.memory_space<vmem_shared>>
      %dma_start3A_107 = arith.constant 0 : i32
      %dma_start3A_108 = tpu.memref_slice %arg10[%add3A_17, %dma_start3A_107] : memref<10240x128xf32, #tpu.memory_space<vmem_shared>> -> memref<128x128xf32, #tpu.memory_space<vmem_shared>>
      %dma_start3A_109 = arith.constant 0 : i32
      %dma_start3A_110 = arith.constant 0 : i32
      %dma_start3A_111 = tpu.memref_slice %arg9[%run_scoped3A_18, %dma_start3A_109, %dma_start3A_110] : memref<2x128x128xf32, #tpu.memory_space<vmem>> -> memref<1x128x128xf32, #tpu.memory_space<vmem>>
      %dma_start3A_112 = tpu.memref_squeeze %dma_start3A_111 : memref<1x128x128xf32, #tpu.memory_space<vmem>> -> memref<128x128xf32, #tpu.memory_space<vmem>>
      tpu.enqueue_dma source(%dma_start3A_112 : memref<128x128xf32, #tpu.memory_space<vmem>>) target(%dma_start3A_108 : memref<128x128xf32, #tpu.memory_space<vmem_shared>>) target_semaphore(%run_scoped3A_100 : memref<!tpu.dma_semaphore, #tpu.memory_space<semaphore_mem>>)
      %dma_wait3A_113 = arith.constant 0 : i32
      %dma_wait3A_114 = arith.constant 0 : i32
      %dma_wait3A_115 = tpu.memref_slice %arg9[%run_scoped3A_18, %dma_wait3A_113, %dma_wait3A_114] : memref<2x128x128xf32, #tpu.memory_space<vmem>> -> memref<1x128x128xf32, #tpu.memory_space<vmem>>
      %dma_wait3A_116 = tpu.memref_squeeze %dma_wait3A_115 : memref<1x128x128xf32, #tpu.memory_space<vmem>> -> memref<128x128xf32, #tpu.memory_space<vmem>>
      %dma_wait3A_117 = arith.constant 0 : i32
      %dma_wait3A_118 = tpu.memref_slice %arg10[%add3A_17, %dma_wait3A_117] : memref<10240x128xf32, #tpu.memory_space<vmem_shared>> -> memref<128x128xf32, #tpu.memory_space<vmem_shared>>
      %dma_wait3A_119 = arith.constant 0 : i32
      %dma_wait3A_120 = tpu.memref_slice %arg10[%add3A_17, %dma_wait3A_119] : memref<10240x128xf32, #tpu.memory_space<vmem_shared>> -> memref<128x128xf32, #tpu.memory_space<vmem_shared>>
      %dma_wait3A_121 = arith.constant 0 : i32
      %dma_wait3A_122 = arith.constant 0 : i32
      %dma_wait3A_123 = tpu.memref_slice %arg9[%run_scoped3A_18, %dma_wait3A_121, %dma_wait3A_122] : memref<2x128x128xf32, #tpu.memory_space<vmem>> -> memref<1x128x128xf32, #tpu.memory_space<vmem>>
      %dma_wait3A_124 = tpu.memref_squeeze %dma_wait3A_123 : memref<1x128x128xf32, #tpu.memory_space<vmem>> -> memref<128x128xf32, #tpu.memory_space<vmem>>
      tpu.wait_dma2 semaphore(%run_scoped3A_100 : memref<!tpu.dma_semaphore, #tpu.memory_space<semaphore_mem>>) src(%dma_wait3A_124 : memref<128x128xf32, #tpu.memory_space<vmem>>) dst(%dma_wait3A_120 : memref<128x128xf32, #tpu.memory_space<vmem_shared>>)
      tpu.yield
    }) : () -> ()
    %mul3A_19 = arith.constant 640 : i32
    %mul3A_20 = arith.muli %arg1, %mul3A_19 : i32
    %add3A_21 = arith.constant 256 : i32
    %add3A_22 = arith.addi %mul3A_20, %add3A_21 : i32
    %run_scoped3A_23 = arith.constant 0 : i32
    "tpu.region"() ({
      %run_scoped3A_100 = tpu.sem_alloc : memref<!tpu.dma_semaphore, #tpu.memory_space<semaphore_mem>>
      %dma_start3A_101 = arith.constant 0 : i32
      %dma_start3A_102 = arith.constant 0 : i32
      %dma_start3A_103 = tpu.memref_slice %arg9[%run_scoped3A_23, %dma_start3A_101, %dma_start3A_102] : memref<2x128x128xf32, #tpu.memory_space<vmem>> -> memref<1x128x128xf32, #tpu.memory_space<vmem>>
      %dma_start3A_104 = tpu.memref_squeeze %dma_start3A_103 : memref<1x128x128xf32, #tpu.memory_space<vmem>> -> memref<128x128xf32, #tpu.memory_space<vmem>>
      %dma_start3A_105 = arith.constant 0 : i32
      %dma_start3A_106 = tpu.memref_slice %arg10[%add3A_22, %dma_start3A_105] : memref<10240x128xf32, #tpu.memory_space<vmem_shared>> -> memref<128x128xf32, #tpu.memory_space<vmem_shared>>
      %dma_start3A_107 = arith.constant 0 : i32
      %dma_start3A_108 = tpu.memref_slice %arg10[%add3A_22, %dma_start3A_107] : memref<10240x128xf32, #tpu.memory_space<vmem_shared>> -> memref<128x128xf32, #tpu.memory_space<vmem_shared>>
      %dma_start3A_109 = arith.constant 0 : i32
      %dma_start3A_110 = arith.constant 0 : i32
      %dma_start3A_111 = tpu.memref_slice %arg9[%run_scoped3A_23, %dma_start3A_109, %dma_start3A_110] : memref<2x128x128xf32, #tpu.memory_space<vmem>> -> memref<1x128x128xf32, #tpu.memory_space<vmem>>
      %dma_start3A_112 = tpu.memref_squeeze %dma_start3A_111 : memref<1x128x128xf32, #tpu.memory_space<vmem>> -> memref<128x128xf32, #tpu.memory_space<vmem>>
      tpu.enqueue_dma source(%dma_start3A_112 : memref<128x128xf32, #tpu.memory_space<vmem>>) target(%dma_start3A_108 : memref<128x128xf32, #tpu.memory_space<vmem_shared>>) target_semaphore(%run_scoped3A_100 : memref<!tpu.dma_semaphore, #tpu.memory_space<semaphore_mem>>)
      %dma_wait3A_113 = arith.constant 0 : i32
      %dma_wait3A_114 = arith.constant 0 : i32
      %dma_wait3A_115 = tpu.memref_slice %arg9[%run_scoped3A_23, %dma_wait3A_113, %dma_wait3A_114] : memref<2x128x128xf32, #tpu.memory_space<vmem>> -> memref<1x128x128xf32, #tpu.memory_space<vmem>>
      %dma_wait3A_116 = tpu.memref_squeeze %dma_wait3A_115 : memref<1x128x128xf32, #tpu.memory_space<vmem>> -> memref<128x128xf32, #tpu.memory_space<vmem>>
      %dma_wait3A_117 = arith.constant 0 : i32
      %dma_wait3A_118 = tpu.memref_slice %arg10[%add3A_22, %dma_wait3A_117] : memref<10240x128xf32, #tpu.memory_space<vmem_shared>> -> memref<128x128xf32, #tpu.memory_space<vmem_shared>>
      %dma_wait3A_119 = arith.constant 0 : i32
      %dma_wait3A_120 = tpu.memref_slice %arg10[%add3A_22, %dma_wait3A_119] : memref<10240x128xf32, #tpu.memory_space<vmem_shared>> -> memref<128x128xf32, #tpu.memory_space<vmem_shared>>
      %dma_wait3A_121 = arith.constant 0 : i32
      %dma_wait3A_122 = arith.constant 0 : i32
      %dma_wait3A_123 = tpu.memref_slice %arg9[%run_scoped3A_23, %dma_wait3A_121, %dma_wait3A_122] : memref<2x128x128xf32, #tpu.memory_space<vmem>> -> memref<1x128x128xf32, #tpu.memory_space<vmem>>
      %dma_wait3A_124 = tpu.memref_squeeze %dma_wait3A_123 : memref<1x128x128xf32, #tpu.memory_space<vmem>> -> memref<128x128xf32, #tpu.memory_space<vmem>>
      tpu.wait_dma2 semaphore(%run_scoped3A_100 : memref<!tpu.dma_semaphore, #tpu.memory_space<semaphore_mem>>) src(%dma_wait3A_124 : memref<128x128xf32, #tpu.memory_space<vmem>>) dst(%dma_wait3A_120 : memref<128x128xf32, #tpu.memory_space<vmem_shared>>)
      tpu.yield
    }) : () -> ()
    %mul3A_24 = arith.constant 640 : i32
    %mul3A_25 = arith.muli %arg1, %mul3A_24 : i32
    %add3A_26 = arith.constant 384 : i32
    %add3A_27 = arith.addi %mul3A_25, %add3A_26 : i32
    %run_scoped3A_28 = arith.constant 0 : i32
    "tpu.region"() ({
      %run_scoped3A_100 = tpu.sem_alloc : memref<!tpu.dma_semaphore, #tpu.memory_space<semaphore_mem>>
      %dma_start3A_101 = arith.constant 0 : i32
      %dma_start3A_102 = arith.constant 0 : i32
      %dma_start3A_103 = tpu.memref_slice %arg9[%run_scoped3A_28, %dma_start3A_101, %dma_start3A_102] : memref<2x128x128xf32, #tpu.memory_space<vmem>> -> memref<1x128x128xf32, #tpu.memory_space<vmem>>
      %dma_start3A_104 = tpu.memref_squeeze %dma_start3A_103 : memref<1x128x128xf32, #tpu.memory_space<vmem>> -> memref<128x128xf32, #tpu.memory_space<vmem>>
      %dma_start3A_105 = arith.constant 0 : i32
      %dma_start3A_106 = tpu.memref_slice %arg10[%add3A_27, %dma_start3A_105] : memref<10240x128xf32, #tpu.memory_space<vmem_shared>> -> memref<128x128xf32, #tpu.memory_space<vmem_shared>>
      %dma_start3A_107 = arith.constant 0 : i32
      %dma_start3A_108 = tpu.memref_slice %arg10[%add3A_27, %dma_start3A_107] : memref<10240x128xf32, #tpu.memory_space<vmem_shared>> -> memref<128x128xf32, #tpu.memory_space<vmem_shared>>
      %dma_start3A_109 = arith.constant 0 : i32
      %dma_start3A_110 = arith.constant 0 : i32
      %dma_start3A_111 = tpu.memref_slice %arg9[%run_scoped3A_28, %dma_start3A_109, %dma_start3A_110] : memref<2x128x128xf32, #tpu.memory_space<vmem>> -> memref<1x128x128xf32, #tpu.memory_space<vmem>>
      %dma_start3A_112 = tpu.memref_squeeze %dma_start3A_111 : memref<1x128x128xf32, #tpu.memory_space<vmem>> -> memref<128x128xf32, #tpu.memory_space<vmem>>
      tpu.enqueue_dma source(%dma_start3A_112 : memref<128x128xf32, #tpu.memory_space<vmem>>) target(%dma_start3A_108 : memref<128x128xf32, #tpu.memory_space<vmem_shared>>) target_semaphore(%run_scoped3A_100 : memref<!tpu.dma_semaphore, #tpu.memory_space<semaphore_mem>>)
      %dma_wait3A_113 = arith.constant 0 : i32
      %dma_wait3A_114 = arith.constant 0 : i32
      %dma_wait3A_115 = tpu.memref_slice %arg9[%run_scoped3A_28, %dma_wait3A_113, %dma_wait3A_114] : memref<2x128x128xf32, #tpu.memory_space<vmem>> -> memref<1x128x128xf32, #tpu.memory_space<vmem>>
      %dma_wait3A_116 = tpu.memref_squeeze %dma_wait3A_115 : memref<1x128x128xf32, #tpu.memory_space<vmem>> -> memref<128x128xf32, #tpu.memory_space<vmem>>
      %dma_wait3A_117 = arith.constant 0 : i32
      %dma_wait3A_118 = tpu.memref_slice %arg10[%add3A_27, %dma_wait3A_117] : memref<10240x128xf32, #tpu.memory_space<vmem_shared>> -> memref<128x128xf32, #tpu.memory_space<vmem_shared>>
      %dma_wait3A_119 = arith.constant 0 : i32
      %dma_wait3A_120 = tpu.memref_slice %arg10[%add3A_27, %dma_wait3A_119] : memref<10240x128xf32, #tpu.memory_space<vmem_shared>> -> memref<128x128xf32, #tpu.memory_space<vmem_shared>>
      %dma_wait3A_121 = arith.constant 0 : i32
      %dma_wait3A_122 = arith.constant 0 : i32
      %dma_wait3A_123 = tpu.memref_slice %arg9[%run_scoped3A_28, %dma_wait3A_121, %dma_wait3A_122] : memref<2x128x128xf32, #tpu.memory_space<vmem>> -> memref<1x128x128xf32, #tpu.memory_space<vmem>>
      %dma_wait3A_124 = tpu.memref_squeeze %dma_wait3A_123 : memref<1x128x128xf32, #tpu.memory_space<vmem>> -> memref<128x128xf32, #tpu.memory_space<vmem>>
      tpu.wait_dma2 semaphore(%run_scoped3A_100 : memref<!tpu.dma_semaphore, #tpu.memory_space<semaphore_mem>>) src(%dma_wait3A_124 : memref<128x128xf32, #tpu.memory_space<vmem>>) dst(%dma_wait3A_120 : memref<128x128xf32, #tpu.memory_space<vmem_shared>>)
      tpu.yield
    }) : () -> ()
    %mul3A_29 = arith.constant 640 : i32
    %mul3A_30 = arith.muli %arg1, %mul3A_29 : i32
    %add3A_31 = arith.constant 512 : i32
    %add3A_32 = arith.addi %mul3A_30, %add3A_31 : i32
    %run_scoped3A_33 = arith.constant 0 : i32
    "tpu.region"() ({
      %run_scoped3A_100 = tpu.sem_alloc : memref<!tpu.dma_semaphore, #tpu.memory_space<semaphore_mem>>
      %dma_start3A_101 = arith.constant 0 : i32
      %dma_start3A_102 = arith.constant 0 : i32
      %dma_start3A_103 = tpu.memref_slice %arg9[%run_scoped3A_33, %dma_start3A_101, %dma_start3A_102] : memref<2x128x128xf32, #tpu.memory_space<vmem>> -> memref<1x128x128xf32, #tpu.memory_space<vmem>>
      %dma_start3A_104 = tpu.memref_squeeze %dma_start3A_103 : memref<1x128x128xf32, #tpu.memory_space<vmem>> -> memref<128x128xf32, #tpu.memory_space<vmem>>
      %dma_start3A_105 = arith.constant 0 : i32
      %dma_start3A_106 = tpu.memref_slice %arg10[%add3A_32, %dma_start3A_105] : memref<10240x128xf32, #tpu.memory_space<vmem_shared>> -> memref<128x128xf32, #tpu.memory_space<vmem_shared>>
      %dma_start3A_107 = arith.constant 0 : i32
      %dma_start3A_108 = tpu.memref_slice %arg10[%add3A_32, %dma_start3A_107] : memref<10240x128xf32, #tpu.memory_space<vmem_shared>> -> memref<128x128xf32, #tpu.memory_space<vmem_shared>>
      %dma_start3A_109 = arith.constant 0 : i32
      %dma_start3A_110 = arith.constant 0 : i32
      %dma_start3A_111 = tpu.memref_slice %arg9[%run_scoped3A_33, %dma_start3A_109, %dma_start3A_110] : memref<2x128x128xf32, #tpu.memory_space<vmem>> -> memref<1x128x128xf32, #tpu.memory_space<vmem>>
      %dma_start3A_112 = tpu.memref_squeeze %dma_start3A_111 : memref<1x128x128xf32, #tpu.memory_space<vmem>> -> memref<128x128xf32, #tpu.memory_space<vmem>>
      tpu.enqueue_dma source(%dma_start3A_112 : memref<128x128xf32, #tpu.memory_space<vmem>>) target(%dma_start3A_108 : memref<128x128xf32, #tpu.memory_space<vmem_shared>>) target_semaphore(%run_scoped3A_100 : memref<!tpu.dma_semaphore, #tpu.memory_space<semaphore_mem>>)
      %dma_wait3A_113 = arith.constant 0 : i32
      %dma_wait3A_114 = arith.constant 0 : i32
      %dma_wait3A_115 = tpu.memref_slice %arg9[%run_scoped3A_33, %dma_wait3A_113, %dma_wait3A_114] : memref<2x128x128xf32, #tpu.memory_space<vmem>> -> memref<1x128x128xf32, #tpu.memory_space<vmem>>
      %dma_wait3A_116 = tpu.memref_squeeze %dma_wait3A_115 : memref<1x128x128xf32, #tpu.memory_space<vmem>> -> memref<128x128xf32, #tpu.memory_space<vmem>>
      %dma_wait3A_117 = arith.constant 0 : i32
      %dma_wait3A_118 = tpu.memref_slice %arg10[%add3A_32, %dma_wait3A_117] : memref<10240x128xf32, #tpu.memory_space<vmem_shared>> -> memref<128x128xf32, #tpu.memory_space<vmem_shared>>
      %dma_wait3A_119 = arith.constant 0 : i32
      %dma_wait3A_120 = tpu.memref_slice %arg10[%add3A_32, %dma_wait3A_119] : memref<10240x128xf32, #tpu.memory_space<vmem_shared>> -> memref<128x128xf32, #tpu.memory_space<vmem_shared>>
      %dma_wait3A_121 = arith.constant 0 : i32
      %dma_wait3A_122 = arith.constant 0 : i32
      %dma_wait3A_123 = tpu.memref_slice %arg9[%run_scoped3A_33, %dma_wait3A_121, %dma_wait3A_122] : memref<2x128x128xf32, #tpu.memory_space<vmem>> -> memref<1x128x128xf32, #tpu.memory_space<vmem>>
      %dma_wait3A_124 = tpu.memref_squeeze %dma_wait3A_123 : memref<1x128x128xf32, #tpu.memory_space<vmem>> -> memref<128x128xf32, #tpu.memory_space<vmem>>
      tpu.wait_dma2 semaphore(%run_scoped3A_100 : memref<!tpu.dma_semaphore, #tpu.memory_space<semaphore_mem>>) src(%dma_wait3A_124 : memref<128x128xf32, #tpu.memory_space<vmem>>) dst(%dma_wait3A_120 : memref<128x128xf32, #tpu.memory_space<vmem_shared>>)
      tpu.yield
    }) : () -> ()
    %mul3A_34 = arith.constant 10112 : i32
    %mul3A_35 = arith.muli %add3A, %mul3A_34 : i32
    %dma_wait3A = tpu.memref_slice %arg3[%mul3A_35] : memref<323584xi32, #tpu.memory_space<hbm>> -> memref<10112xi32, #tpu.memory_space<hbm>>
    %dma_wait3A_36 = tpu.memref_slice %arg3[%mul3A_35] : memref<323584xi32, #tpu.memory_space<hbm>> -> memref<10112xi32, #tpu.memory_space<hbm>>
    tpu.wait_dma2 semaphore(%arg11 : memref<!tpu.dma_semaphore, #tpu.memory_space<semaphore_mem>>) src(%dma_wait3A_36 : memref<10112xi32, #tpu.memory_space<hbm>>) dst(%arg6 : memref<10112xi32, #tpu.memory_space<vmem>>)
    %barrier3A = arith.constant 0 : index
    tpu.barrier barrier_id(%barrier3A)
    %dma_start3A_37 = arith.constant 0 : i32
    %dma_start3A_38 = arith.constant 0 : i32
    %dma_start3A_39 = arith.constant 0 : i32
    %dma_start3A_40 = tpu.memref_slice %arg9[%dma_start3A_37, %dma_start3A_38, %dma_start3A_39] : memref<2x128x128xf32, #tpu.memory_space<vmem>> -> memref<1x128x128xf32, #tpu.memory_space<vmem>>
    %dma_start3A_41 = tpu.memref_squeeze %dma_start3A_40 : memref<1x128x128xf32, #tpu.memory_space<vmem>> -> memref<128x128xf32, #tpu.memory_space<vmem>>
    %dma_start3A_42 = arith.constant 0 : i32
    %dma_start3A_43 = tpu.memref_slice %arg6[%dma_start3A_42] : memref<10112xi32, #tpu.memory_space<vmem>> -> memref<128xi32, #tpu.memory_space<vmem>>
    %dma_start3A_44 = arith.constant 0 : i32
    %dma_start3A_45 = arith.constant 0 : i32
    %dma_start3A_46 = tpu.memref_slice %arg2[%dma_start3A_44, %dma_start3A_45] : memref<10000x128xf32, #tpu.memory_space<hbm>> -> memref<10000x128xf32, #tpu.memory_space<hbm>>
    tpu.enqueue_indirect_dma source(%dma_start3A_46 : memref<10000x128xf32, #tpu.memory_space<hbm>>) target(%dma_start3A_41 : memref<128x128xf32, #tpu.memory_space<vmem>>) offsets(%dma_start3A_43 : memref<128xi32, #tpu.memory_space<vmem>>) semaphore(%arg11 : memref<!tpu.dma_semaphore, #tpu.memory_space<semaphore_mem>>)
    %dma_start3A_47 = arith.constant 0 : i32
    %dma_start3A_48 = arith.constant 0 : i32
    %dma_start3A_49 = arith.constant 0 : i32
    %dma_start3A_50 = tpu.memref_slice %arg7[%dma_start3A_48, %dma_start3A_49] : memref<8x128xi32, #tpu.memory_space<vmem>> -> memref<1x128xi32, #tpu.memory_space<vmem>>
    %dma_start3A_51 = arith.constant 0 : i32
    %dma_start3A_52 = arith.constant 0 : i32
    %dma_start3A_53 = tpu.memref_slice %arg4[%add3A, %dma_start3A_47, %dma_start3A_51, %dma_start3A_52] : memref<32x79x1x128xi32, #tpu.memory_space<hbm>> -> memref<1x1x1x128xi32, #tpu.memory_space<hbm>>
    %dma_start3A_54 = tpu.memref_squeeze %dma_start3A_53 : memref<1x1x1x128xi32, #tpu.memory_space<hbm>> -> memref<1x128xi32, #tpu.memory_space<hbm>>
    %dma_start3A_55 = arith.constant 0 : i32
    %dma_start3A_56 = arith.constant 0 : i32
    %dma_start3A_57 = tpu.memref_slice %arg7[%dma_start3A_55, %dma_start3A_56] : memref<8x128xi32, #tpu.memory_space<vmem>> -> memref<1x128xi32, #tpu.memory_space<vmem>>
    %dma_start3A_58 = arith.constant 0 : i32
    %dma_start3A_59 = arith.constant 0 : i32
    %dma_start3A_60 = tpu.memref_slice %arg4[%add3A, %dma_start3A_47, %dma_start3A_58, %dma_start3A_59] : memref<32x79x1x128xi32, #tpu.memory_space<hbm>> -> memref<1x1x1x128xi32, #tpu.memory_space<hbm>>
    %dma_start3A_61 = tpu.memref_squeeze %dma_start3A_60 : memref<1x1x1x128xi32, #tpu.memory_space<hbm>> -> memref<1x128xi32, #tpu.memory_space<hbm>>
    tpu.enqueue_dma source(%dma_start3A_61 : memref<1x128xi32, #tpu.memory_space<hbm>>) target(%dma_start3A_57 : memref<1x128xi32, #tpu.memory_space<vmem>>) target_semaphore(%arg13 : memref<!tpu.dma_semaphore, #tpu.memory_space<semaphore_mem>>)
    %scan3A_62 = arith.constant 0 : i32
    %scan3A_63 = arith.constant 0 : i32
    %scan3A_64 = arith.constant 39 : i32
    %scan3A_65 = arith.addi %scan3A_63, %scan3A_64 : i32
    %scan3A_66 = arith.constant 1 : i32
    scf.for %scan3A_100 = %scan3A_63 to %scan3A_65 step %scan3A_66  : i32 {
      %mul3A_101 = arith.constant 2 : i32
      %mul3A_102 = arith.muli %scan3A_100, %mul3A_101 : i32
      %add3A_103 = arith.constant 0 : i32
      %add3A_104 = arith.addi %mul3A_102, %add3A_103 : i32
      %add3A_105 = arith.constant 1 : i32
      %add3A_106 = arith.addi %add3A_104, %add3A_105 : i32
      %lt3A = arith.constant 79 : i32
      %lt3A_107 = arith.cmpi slt, %add3A_106, %lt3A : i32
      %convert_element_type3A = arith.extui %lt3A_107 : i1 to i32
      %cond3A = arith.constant 0 : i32
      %cond3A_108 = arith.cmpi ne, %convert_element_type3A, %cond3A : i32
      scf.if %cond3A_108 {
        %add3A_174 = arith.constant 1 : i32
        %add3A_175 = arith.addi %add3A_104, %add3A_174 : i32
        %mul3A_176 = arith.constant 128 : i32
        %mul3A_177 = arith.muli %add3A_175, %mul3A_176 : i32
        %dma_start3A_178 = arith.constant 1 : i32
        %dma_start3A_179 = arith.constant 0 : i32
        %dma_start3A_180 = arith.constant 0 : i32
        %dma_start3A_181 = tpu.memref_slice %arg9[%dma_start3A_178, %dma_start3A_179, %dma_start3A_180] : memref<2x128x128xf32, #tpu.memory_space<vmem>> -> memref<1x128x128xf32, #tpu.memory_space<vmem>>
        %dma_start3A_182 = tpu.memref_squeeze %dma_start3A_181 : memref<1x128x128xf32, #tpu.memory_space<vmem>> -> memref<128x128xf32, #tpu.memory_space<vmem>>
        %dma_start3A_183 = tpu.memref_slice %arg6[%mul3A_177] : memref<10112xi32, #tpu.memory_space<vmem>> -> memref<128xi32, #tpu.memory_space<vmem>>
        %dma_start3A_184 = arith.constant 0 : i32
        %dma_start3A_185 = arith.constant 0 : i32
        %dma_start3A_186 = tpu.memref_slice %arg2[%dma_start3A_184, %dma_start3A_185] : memref<10000x128xf32, #tpu.memory_space<hbm>> -> memref<10000x128xf32, #tpu.memory_space<hbm>>
        tpu.enqueue_indirect_dma source(%dma_start3A_186 : memref<10000x128xf32, #tpu.memory_space<hbm>>) target(%dma_start3A_182 : memref<128x128xf32, #tpu.memory_space<vmem>>) offsets(%dma_start3A_183 : memref<128xi32, #tpu.memory_space<vmem>>) semaphore(%arg12 : memref<!tpu.dma_semaphore, #tpu.memory_space<semaphore_mem>>)
        %add3A_187 = arith.constant 1 : i32
        %add3A_188 = arith.addi %add3A_104, %add3A_187 : i32
        %dma_start3A_189 = arith.constant 0 : i32
        %dma_start3A_190 = arith.constant 0 : i32
        %dma_start3A_191 = tpu.memref_slice %arg8[%dma_start3A_189, %dma_start3A_190] : memref<8x128xi32, #tpu.memory_space<vmem>> -> memref<1x128xi32, #tpu.memory_space<vmem>>
        %dma_start3A_192 = arith.constant 0 : i32
        %dma_start3A_193 = arith.constant 0 : i32
        %dma_start3A_194 = tpu.memref_slice %arg4[%add3A, %add3A_188, %dma_start3A_192, %dma_start3A_193] : memref<32x79x1x128xi32, #tpu.memory_space<hbm>> -> memref<1x1x1x128xi32, #tpu.memory_space<hbm>>
        %dma_start3A_195 = tpu.memref_squeeze %dma_start3A_194 : memref<1x1x1x128xi32, #tpu.memory_space<hbm>> -> memref<1x128xi32, #tpu.memory_space<hbm>>
        %dma_start3A_196 = arith.constant 0 : i32
        %dma_start3A_197 = arith.constant 0 : i32
        %dma_start3A_198 = tpu.memref_slice %arg8[%dma_start3A_196, %dma_start3A_197] : memref<8x128xi32, #tpu.memory_space<vmem>> -> memref<1x128xi32, #tpu.memory_space<vmem>>
        %dma_start3A_199 = arith.constant 0 : i32
        %dma_start3A_200 = arith.constant 0 : i32
        %dma_start3A_201 = tpu.memref_slice %arg4[%add3A, %add3A_188, %dma_start3A_199, %dma_start3A_200] : memref<32x79x1x128xi32, #tpu.memory_space<hbm>> -> memref<1x1x1x128xi32, #tpu.memory_space<hbm>>
        %dma_start3A_202 = tpu.memref_squeeze %dma_start3A_201 : memref<1x1x1x128xi32, #tpu.memory_space<hbm>> -> memref<1x128xi32, #tpu.memory_space<hbm>>
        tpu.enqueue_dma source(%dma_start3A_202 : memref<1x128xi32, #tpu.memory_space<hbm>>) target(%dma_start3A_198 : memref<1x128xi32, #tpu.memory_space<vmem>>) target_semaphore(%arg14 : memref<!tpu.dma_semaphore, #tpu.memory_space<semaphore_mem>>)
      } else {
      }
      %mul3A_109 = arith.constant 128 : i32
      %mul3A_110 = arith.muli %add3A_104, %mul3A_109 : i32
      %dma_wait3A_111 = arith.constant 0 : i32
      %dma_wait3A_112 = arith.constant 0 : i32
      %dma_wait3A_113 = arith.constant 0 : i32
      %dma_wait3A_114 = tpu.memref_slice %arg9[%dma_wait3A_111, %dma_wait3A_112, %dma_wait3A_113] : memref<2x128x128xf32, #tpu.memory_space<vmem>> -> memref<1x128x128xf32, #tpu.memory_space<vmem>>
      %dma_wait3A_115 = tpu.memref_squeeze %dma_wait3A_114 : memref<1x128x128xf32, #tpu.memory_space<vmem>> -> memref<128x128xf32, #tpu.memory_space<vmem>>
      %dma_wait3A_116 = tpu.memref_slice %arg6[%mul3A_110] : memref<10112xi32, #tpu.memory_space<vmem>> -> memref<128xi32, #tpu.memory_space<vmem>>
      %dma_wait3A_117 = arith.constant 0 : i32
      %dma_wait3A_118 = arith.constant 0 : i32
      %dma_wait3A_119 = tpu.memref_slice %arg2[%dma_wait3A_117, %dma_wait3A_118] : memref<10000x128xf32, #tpu.memory_space<hbm>> -> memref<10000x128xf32, #tpu.memory_space<hbm>>
      tpu.wait_indirect_dma semaphore(%arg11 : memref<!tpu.dma_semaphore, #tpu.memory_space<semaphore_mem>>) src(%dma_wait3A_119 : memref<10000x128xf32, #tpu.memory_space<hbm>>) dst(%dma_wait3A_115 : memref<128x128xf32, #tpu.memory_space<vmem>>)
      %dma_wait3A_120 = arith.constant 0 : i32
      %dma_wait3A_121 = arith.constant 0 : i32
      %dma_wait3A_122 = tpu.memref_slice %arg7[%dma_wait3A_120, %dma_wait3A_121] : memref<8x128xi32, #tpu.memory_space<vmem>> -> memref<1x128xi32, #tpu.memory_space<vmem>>
      %dma_wait3A_123 = arith.constant 0 : i32
      %dma_wait3A_124 = arith.constant 0 : i32
      %dma_wait3A_125 = tpu.memref_slice %arg4[%add3A, %add3A_104, %dma_wait3A_123, %dma_wait3A_124] : memref<32x79x1x128xi32, #tpu.memory_space<hbm>> -> memref<1x1x1x128xi32, #tpu.memory_space<hbm>>
      %dma_wait3A_126 = tpu.memref_squeeze %dma_wait3A_125 : memref<1x1x1x128xi32, #tpu.memory_space<hbm>> -> memref<1x128xi32, #tpu.memory_space<hbm>>
      %dma_wait3A_127 = arith.constant 0 : i32
      %dma_wait3A_128 = arith.constant 0 : i32
      %dma_wait3A_129 = tpu.memref_slice %arg7[%dma_wait3A_127, %dma_wait3A_128] : memref<8x128xi32, #tpu.memory_space<vmem>> -> memref<1x128xi32, #tpu.memory_space<vmem>>
      %dma_wait3A_130 = arith.constant 0 : i32
      %dma_wait3A_131 = arith.constant 0 : i32
      %dma_wait3A_132 = tpu.memref_slice %arg4[%add3A, %add3A_104, %dma_wait3A_130, %dma_wait3A_131] : memref<32x79x1x128xi32, #tpu.memory_space<hbm>> -> memref<1x1x1x128xi32, #tpu.memory_space<hbm>>
      %dma_wait3A_133 = tpu.memref_squeeze %dma_wait3A_132 : memref<1x1x1x128xi32, #tpu.memory_space<hbm>> -> memref<1x128xi32, #tpu.memory_space<hbm>>
      tpu.wait_dma2 semaphore(%arg13 : memref<!tpu.dma_semaphore, #tpu.memory_space<semaphore_mem>>) src(%dma_wait3A_133 : memref<1x128xi32, #tpu.memory_space<hbm>>) dst(%dma_wait3A_129 : memref<1x128xi32, #tpu.memory_space<vmem>>)
      %run_scoped3A_134 = arith.constant 0 : i32
      %run_scoped3A_135 = arith.constant 0 : i32
      "tpu.region"() ({
        %run_scoped3A_174 = tpu.sem_alloc : memref<!tpu.dma_semaphore, #tpu.memory_space<semaphore_mem>>
        %dma_start3A_175 = arith.constant 0 : i32
        %dma_start3A_176 = arith.constant 0 : i32
        %dma_start3A_177 = tpu.memref_slice %arg9[%run_scoped3A_134, %dma_start3A_175, %dma_start3A_176] : memref<2x128x128xf32, #tpu.memory_space<vmem>> -> memref<1x128x128xf32, #tpu.memory_space<vmem>>
        %dma_start3A_178 = tpu.memref_squeeze %dma_start3A_177 : memref<1x128x128xf32, #tpu.memory_space<vmem>> -> memref<128x128xf32, #tpu.memory_space<vmem>>
        %dma_start3A_179 = arith.constant 0 : i32
        %dma_start3A_180 = tpu.memref_slice %arg7[%run_scoped3A_135, %dma_start3A_179] : memref<8x128xi32, #tpu.memory_space<vmem>> -> memref<1x128xi32, #tpu.memory_space<vmem>>
        %dma_start3A_181 = tpu.memref_squeeze %dma_start3A_180 : memref<1x128xi32, #tpu.memory_space<vmem>> -> memref<128xi32, #tpu.memory_space<vmem>>
        %dma_start3A_182 = arith.constant 0 : i32
        %dma_start3A_183 = arith.constant 0 : i32
        %dma_start3A_184 = tpu.memref_slice %arg10[%dma_start3A_182, %dma_start3A_183] : memref<10240x128xf32, #tpu.memory_space<vmem_shared>> -> memref<10240x128xf32, #tpu.memory_space<vmem_shared>>
        tpu.enqueue_indirect_dma source(%dma_start3A_178 : memref<128x128xf32, #tpu.memory_space<vmem>>) target(%dma_start3A_184 : memref<10240x128xf32, #tpu.memory_space<vmem_shared>>) offsets(%dma_start3A_181 : memref<128xi32, #tpu.memory_space<vmem>>) semaphore(%run_scoped3A_174 : memref<!tpu.dma_semaphore, #tpu.memory_space<semaphore_mem>>) {add = true}
        %dma_wait3A_185 = arith.constant 0 : i32
        %dma_wait3A_186 = arith.constant 0 : i32
        %dma_wait3A_187 = tpu.memref_slice %arg9[%run_scoped3A_134, %dma_wait3A_185, %dma_wait3A_186] : memref<2x128x128xf32, #tpu.memory_space<vmem>> -> memref<1x128x128xf32, #tpu.memory_space<vmem>>
        %dma_wait3A_188 = tpu.memref_squeeze %dma_wait3A_187 : memref<1x128x128xf32, #tpu.memory_space<vmem>> -> memref<128x128xf32, #tpu.memory_space<vmem>>
        %dma_wait3A_189 = arith.constant 0 : i32
        %dma_wait3A_190 = tpu.memref_slice %arg7[%run_scoped3A_135, %dma_wait3A_189] : memref<8x128xi32, #tpu.memory_space<vmem>> -> memref<1x128xi32, #tpu.memory_space<vmem>>
        %dma_wait3A_191 = tpu.memref_squeeze %dma_wait3A_190 : memref<1x128xi32, #tpu.memory_space<vmem>> -> memref<128xi32, #tpu.memory_space<vmem>>
        %dma_wait3A_192 = arith.constant 0 : i32
        %dma_wait3A_193 = arith.constant 0 : i32
        %dma_wait3A_194 = tpu.memref_slice %arg10[%dma_wait3A_192, %dma_wait3A_193] : memref<10240x128xf32, #tpu.memory_space<vmem_shared>> -> memref<10240x128xf32, #tpu.memory_space<vmem_shared>>
        tpu.wait_indirect_dma semaphore(%run_scoped3A_174 : memref<!tpu.dma_semaphore, #tpu.memory_space<semaphore_mem>>) src(%dma_wait3A_188 : memref<128x128xf32, #tpu.memory_space<vmem>>) dst(%dma_wait3A_194 : memref<10240x128xf32, #tpu.memory_space<vmem_shared>>)
        tpu.yield
      }) : () -> ()
      %mul3A_136 = arith.constant 2 : i32
      %mul3A_137 = arith.muli %scan3A_100, %mul3A_136 : i32
      %add3A_138 = arith.constant 1 : i32
      %add3A_139 = arith.addi %mul3A_137, %add3A_138 : i32
      %add3A_140 = arith.constant 1 : i32
      %add3A_141 = arith.addi %add3A_139, %add3A_140 : i32
      %lt3A_142 = arith.constant 79 : i32
      %lt3A_143 = arith.cmpi slt, %add3A_141, %lt3A_142 : i32
      %convert_element_type3A_144 = arith.extui %lt3A_143 : i1 to i32
      %cond3A_145 = arith.constant 0 : i32
      %cond3A_146 = arith.cmpi ne, %convert_element_type3A_144, %cond3A_145 : i32
      scf.if %cond3A_146 {
        %add3A_174 = arith.constant 1 : i32
        %add3A_175 = arith.addi %add3A_139, %add3A_174 : i32
        %mul3A_176 = arith.constant 128 : i32
        %mul3A_177 = arith.muli %add3A_175, %mul3A_176 : i32
        %dma_start3A_178 = arith.constant 0 : i32
        %dma_start3A_179 = arith.constant 0 : i32
        %dma_start3A_180 = arith.constant 0 : i32
        %dma_start3A_181 = tpu.memref_slice %arg9[%dma_start3A_178, %dma_start3A_179, %dma_start3A_180] : memref<2x128x128xf32, #tpu.memory_space<vmem>> -> memref<1x128x128xf32, #tpu.memory_space<vmem>>
        %dma_start3A_182 = tpu.memref_squeeze %dma_start3A_181 : memref<1x128x128xf32, #tpu.memory_space<vmem>> -> memref<128x128xf32, #tpu.memory_space<vmem>>
        %dma_start3A_183 = tpu.memref_slice %arg6[%mul3A_177] : memref<10112xi32, #tpu.memory_space<vmem>> -> memref<128xi32, #tpu.memory_space<vmem>>
        %dma_start3A_184 = arith.constant 0 : i32
        %dma_start3A_185 = arith.constant 0 : i32
        %dma_start3A_186 = tpu.memref_slice %arg2[%dma_start3A_184, %dma_start3A_185] : memref<10000x128xf32, #tpu.memory_space<hbm>> -> memref<10000x128xf32, #tpu.memory_space<hbm>>
        tpu.enqueue_indirect_dma source(%dma_start3A_186 : memref<10000x128xf32, #tpu.memory_space<hbm>>) target(%dma_start3A_182 : memref<128x128xf32, #tpu.memory_space<vmem>>) offsets(%dma_start3A_183 : memref<128xi32, #tpu.memory_space<vmem>>) semaphore(%arg11 : memref<!tpu.dma_semaphore, #tpu.memory_space<semaphore_mem>>)
        %add3A_187 = arith.constant 1 : i32
        %add3A_188 = arith.addi %add3A_139, %add3A_187 : i32
        %dma_start3A_189 = arith.constant 0 : i32
        %dma_start3A_190 = arith.constant 0 : i32
        %dma_start3A_191 = tpu.memref_slice %arg7[%dma_start3A_189, %dma_start3A_190] : memref<8x128xi32, #tpu.memory_space<vmem>> -> memref<1x128xi32, #tpu.memory_space<vmem>>
        %dma_start3A_192 = arith.constant 0 : i32
        %dma_start3A_193 = arith.constant 0 : i32
        %dma_start3A_194 = tpu.memref_slice %arg4[%add3A, %add3A_188, %dma_start3A_192, %dma_start3A_193] : memref<32x79x1x128xi32, #tpu.memory_space<hbm>> -> memref<1x1x1x128xi32, #tpu.memory_space<hbm>>
        %dma_start3A_195 = tpu.memref_squeeze %dma_start3A_194 : memref<1x1x1x128xi32, #tpu.memory_space<hbm>> -> memref<1x128xi32, #tpu.memory_space<hbm>>
        %dma_start3A_196 = arith.constant 0 : i32
        %dma_start3A_197 = arith.constant 0 : i32
        %dma_start3A_198 = tpu.memref_slice %arg7[%dma_start3A_196, %dma_start3A_197] : memref<8x128xi32, #tpu.memory_space<vmem>> -> memref<1x128xi32, #tpu.memory_space<vmem>>
        %dma_start3A_199 = arith.constant 0 : i32
        %dma_start3A_200 = arith.constant 0 : i32
        %dma_start3A_201 = tpu.memref_slice %arg4[%add3A, %add3A_188, %dma_start3A_199, %dma_start3A_200] : memref<32x79x1x128xi32, #tpu.memory_space<hbm>> -> memref<1x1x1x128xi32, #tpu.memory_space<hbm>>
        %dma_start3A_202 = tpu.memref_squeeze %dma_start3A_201 : memref<1x1x1x128xi32, #tpu.memory_space<hbm>> -> memref<1x128xi32, #tpu.memory_space<hbm>>
        tpu.enqueue_dma source(%dma_start3A_202 : memref<1x128xi32, #tpu.memory_space<hbm>>) target(%dma_start3A_198 : memref<1x128xi32, #tpu.memory_space<vmem>>) target_semaphore(%arg13 : memref<!tpu.dma_semaphore, #tpu.memory_space<semaphore_mem>>)
      } else {
      }
      %mul3A_147 = arith.constant 128 : i32
      %mul3A_148 = arith.muli %add3A_139, %mul3A_147 : i32
      %dma_wait3A_149 = arith.constant 1 : i32
      %dma_wait3A_150 = arith.constant 0 : i32
      %dma_wait3A_151 = arith.constant 0 : i32
      %dma_wait3A_152 = tpu.memref_slice %arg9[%dma_wait3A_149, %dma_wait3A_150, %dma_wait3A_151] : memref<2x128x128xf32, #tpu.memory_space<vmem>> -> memref<1x128x128xf32, #tpu.memory_space<vmem>>
      %dma_wait3A_153 = tpu.memref_squeeze %dma_wait3A_152 : memref<1x128x128xf32, #tpu.memory_space<vmem>> -> memref<128x128xf32, #tpu.memory_space<vmem>>
      %dma_wait3A_154 = tpu.memref_slice %arg6[%mul3A_148] : memref<10112xi32, #tpu.memory_space<vmem>> -> memref<128xi32, #tpu.memory_space<vmem>>
      %dma_wait3A_155 = arith.constant 0 : i32
      %dma_wait3A_156 = arith.constant 0 : i32
      %dma_wait3A_157 = tpu.memref_slice %arg2[%dma_wait3A_155, %dma_wait3A_156] : memref<10000x128xf32, #tpu.memory_space<hbm>> -> memref<10000x128xf32, #tpu.memory_space<hbm>>
      tpu.wait_indirect_dma semaphore(%arg12 : memref<!tpu.dma_semaphore, #tpu.memory_space<semaphore_mem>>) src(%dma_wait3A_157 : memref<10000x128xf32, #tpu.memory_space<hbm>>) dst(%dma_wait3A_153 : memref<128x128xf32, #tpu.memory_space<vmem>>)
      %dma_wait3A_158 = arith.constant 0 : i32
      %dma_wait3A_159 = arith.constant 0 : i32
      %dma_wait3A_160 = tpu.memref_slice %arg8[%dma_wait3A_158, %dma_wait3A_159] : memref<8x128xi32, #tpu.memory_space<vmem>> -> memref<1x128xi32, #tpu.memory_space<vmem>>
      %dma_wait3A_161 = arith.constant 0 : i32
      %dma_wait3A_162 = arith.constant 0 : i32
      %dma_wait3A_163 = tpu.memref_slice %arg4[%add3A, %add3A_139, %dma_wait3A_161, %dma_wait3A_162] : memref<32x79x1x128xi32, #tpu.memory_space<hbm>> -> memref<1x1x1x128xi32, #tpu.memory_space<hbm>>
      %dma_wait3A_164 = tpu.memref_squeeze %dma_wait3A_163 : memref<1x1x1x128xi32, #tpu.memory_space<hbm>> -> memref<1x128xi32, #tpu.memory_space<hbm>>
      %dma_wait3A_165 = arith.constant 0 : i32
      %dma_wait3A_166 = arith.constant 0 : i32
      %dma_wait3A_167 = tpu.memref_slice %arg8[%dma_wait3A_165, %dma_wait3A_166] : memref<8x128xi32, #tpu.memory_space<vmem>> -> memref<1x128xi32, #tpu.memory_space<vmem>>
      %dma_wait3A_168 = arith.constant 0 : i32
      %dma_wait3A_169 = arith.constant 0 : i32
      %dma_wait3A_170 = tpu.memref_slice %arg4[%add3A, %add3A_139, %dma_wait3A_168, %dma_wait3A_169] : memref<32x79x1x128xi32, #tpu.memory_space<hbm>> -> memref<1x1x1x128xi32, #tpu.memory_space<hbm>>
      %dma_wait3A_171 = tpu.memref_squeeze %dma_wait3A_170 : memref<1x1x1x128xi32, #tpu.memory_space<hbm>> -> memref<1x128xi32, #tpu.memory_space<hbm>>
      tpu.wait_dma2 semaphore(%arg14 : memref<!tpu.dma_semaphore, #tpu.memory_space<semaphore_mem>>) src(%dma_wait3A_171 : memref<1x128xi32, #tpu.memory_space<hbm>>) dst(%dma_wait3A_167 : memref<1x128xi32, #tpu.memory_space<vmem>>)
      %run_scoped3A_172 = arith.constant 1 : i32
      %run_scoped3A_173 = arith.constant 0 : i32
      "tpu.region"() ({
        %run_scoped3A_174 = tpu.sem_alloc : memref<!tpu.dma_semaphore, #tpu.memory_space<semaphore_mem>>
        %dma_start3A_175 = arith.constant 0 : i32
        %dma_start3A_176 = arith.constant 0 : i32
        %dma_start3A_177 = tpu.memref_slice %arg9[%run_scoped3A_172, %dma_start3A_175, %dma_start3A_176] : memref<2x128x128xf32, #tpu.memory_space<vmem>> -> memref<1x128x128xf32, #tpu.memory_space<vmem>>
        %dma_start3A_178 = tpu.memref_squeeze %dma_start3A_177 : memref<1x128x128xf32, #tpu.memory_space<vmem>> -> memref<128x128xf32, #tpu.memory_space<vmem>>
        %dma_start3A_179 = arith.constant 0 : i32
        %dma_start3A_180 = tpu.memref_slice %arg8[%run_scoped3A_173, %dma_start3A_179] : memref<8x128xi32, #tpu.memory_space<vmem>> -> memref<1x128xi32, #tpu.memory_space<vmem>>
        %dma_start3A_181 = tpu.memref_squeeze %dma_start3A_180 : memref<1x128xi32, #tpu.memory_space<vmem>> -> memref<128xi32, #tpu.memory_space<vmem>>
        %dma_start3A_182 = arith.constant 0 : i32
        %dma_start3A_183 = arith.constant 0 : i32
        %dma_start3A_184 = tpu.memref_slice %arg10[%dma_start3A_182, %dma_start3A_183] : memref<10240x128xf32, #tpu.memory_space<vmem_shared>> -> memref<10240x128xf32, #tpu.memory_space<vmem_shared>>
        tpu.enqueue_indirect_dma source(%dma_start3A_178 : memref<128x128xf32, #tpu.memory_space<vmem>>) target(%dma_start3A_184 : memref<10240x128xf32, #tpu.memory_space<vmem_shared>>) offsets(%dma_start3A_181 : memref<128xi32, #tpu.memory_space<vmem>>) semaphore(%run_scoped3A_174 : memref<!tpu.dma_semaphore, #tpu.memory_space<semaphore_mem>>) {add = true}
        %dma_wait3A_185 = arith.constant 0 : i32
        %dma_wait3A_186 = arith.constant 0 : i32
        %dma_wait3A_187 = tpu.memref_slice %arg9[%run_scoped3A_172, %dma_wait3A_185, %dma_wait3A_186] : memref<2x128x128xf32, #tpu.memory_space<vmem>> -> memref<1x128x128xf32, #tpu.memory_space<vmem>>
        %dma_wait3A_188 = tpu.memref_squeeze %dma_wait3A_187 : memref<1x128x128xf32, #tpu.memory_space<vmem>> -> memref<128x128xf32, #tpu.memory_space<vmem>>
        %dma_wait3A_189 = arith.constant 0 : i32
        %dma_wait3A_190 = tpu.memref_slice %arg8[%run_scoped3A_173, %dma_wait3A_189] : memref<8x128xi32, #tpu.memory_space<vmem>> -> memref<1x128xi32, #tpu.memory_space<vmem>>
        %dma_wait3A_191 = tpu.memref_squeeze %dma_wait3A_190 : memref<1x128xi32, #tpu.memory_space<vmem>> -> memref<128xi32, #tpu.memory_space<vmem>>
        %dma_wait3A_192 = arith.constant 0 : i32
        %dma_wait3A_193 = arith.constant 0 : i32
        %dma_wait3A_194 = tpu.memref_slice %arg10[%dma_wait3A_192, %dma_wait3A_193] : memref<10240x128xf32, #tpu.memory_space<vmem_shared>> -> memref<10240x128xf32, #tpu.memory_space<vmem_shared>>
        tpu.wait_indirect_dma semaphore(%run_scoped3A_174 : memref<!tpu.dma_semaphore, #tpu.memory_space<semaphore_mem>>) src(%dma_wait3A_188 : memref<128x128xf32, #tpu.memory_space<vmem>>) dst(%dma_wait3A_194 : memref<10240x128xf32, #tpu.memory_space<vmem_shared>>)
        tpu.yield
      }) : () -> ()
    }
    %scan3A_67 = arith.constant 39 : i32
    %dma_wait3A_68 = arith.constant 0 : i32
    %dma_wait3A_69 = arith.constant 0 : i32
    %dma_wait3A_70 = arith.constant 0 : i32
    %dma_wait3A_71 = tpu.memref_slice %arg9[%dma_wait3A_68, %dma_wait3A_69, %dma_wait3A_70] : memref<2x128x128xf32, #tpu.memory_space<vmem>> -> memref<1x128x128xf32, #tpu.memory_space<vmem>>
    %dma_wait3A_72 = tpu.memref_squeeze %dma_wait3A_71 : memref<1x128x128xf32, #tpu.memory_space<vmem>> -> memref<128x128xf32, #tpu.memory_space<vmem>>
    %dma_wait3A_73 = arith.constant 9984 : i32
    %dma_wait3A_74 = tpu.memref_slice %arg6[%dma_wait3A_73] : memref<10112xi32, #tpu.memory_space<vmem>> -> memref<128xi32, #tpu.memory_space<vmem>>
    %dma_wait3A_75 = arith.constant 0 : i32
    %dma_wait3A_76 = arith.constant 0 : i32
    %dma_wait3A_77 = tpu.memref_slice %arg2[%dma_wait3A_75, %dma_wait3A_76] : memref<10000x128xf32, #tpu.memory_space<hbm>> -> memref<10000x128xf32, #tpu.memory_space<hbm>>
    tpu.wait_indirect_dma semaphore(%arg11 : memref<!tpu.dma_semaphore, #tpu.memory_space<semaphore_mem>>) src(%dma_wait3A_77 : memref<10000x128xf32, #tpu.memory_space<hbm>>) dst(%dma_wait3A_72 : memref<128x128xf32, #tpu.memory_space<vmem>>)
    %dma_wait3A_78 = arith.constant 78 : i32
    %dma_wait3A_79 = arith.constant 0 : i32
    %dma_wait3A_80 = arith.constant 0 : i32
    %dma_wait3A_81 = tpu.memref_slice %arg7[%dma_wait3A_79, %dma_wait3A_80] : memref<8x128xi32, #tpu.memory_space<vmem>> -> memref<1x128xi32, #tpu.memory_space<vmem>>
    %dma_wait3A_82 = arith.constant 0 : i32
    %dma_wait3A_83 = arith.constant 0 : i32
    %dma_wait3A_84 = tpu.memref_slice %arg4[%add3A, %dma_wait3A_78, %dma_wait3A_82, %dma_wait3A_83] : memref<32x79x1x128xi32, #tpu.memory_space<hbm>> -> memref<1x1x1x128xi32, #tpu.memory_space<hbm>>
    %dma_wait3A_85 = tpu.memref_squeeze %dma_wait3A_84 : memref<1x1x1x128xi32, #tpu.memory_space<hbm>> -> memref<1x128xi32, #tpu.memory_space<hbm>>
    %dma_wait3A_86 = arith.constant 0 : i32
    %dma_wait3A_87 = arith.constant 0 : i32
    %dma_wait3A_88 = tpu.memref_slice %arg7[%dma_wait3A_86, %dma_wait3A_87] : memref<8x128xi32, #tpu.memory_space<vmem>> -> memref<1x128xi32, #tpu.memory_space<vmem>>
    %dma_wait3A_89 = arith.constant 0 : i32
    %dma_wait3A_90 = arith.constant 0 : i32
    %dma_wait3A_91 = tpu.memref_slice %arg4[%add3A, %dma_wait3A_78, %dma_wait3A_89, %dma_wait3A_90] : memref<32x79x1x128xi32, #tpu.memory_space<hbm>> -> memref<1x1x1x128xi32, #tpu.memory_space<hbm>>
    %dma_wait3A_92 = tpu.memref_squeeze %dma_wait3A_91 : memref<1x1x1x128xi32, #tpu.memory_space<hbm>> -> memref<1x128xi32, #tpu.memory_space<hbm>>
    tpu.wait_dma2 semaphore(%arg13 : memref<!tpu.dma_semaphore, #tpu.memory_space<semaphore_mem>>) src(%dma_wait3A_92 : memref<1x128xi32, #tpu.memory_space<hbm>>) dst(%dma_wait3A_88 : memref<1x128xi32, #tpu.memory_space<vmem>>)
    %run_scoped3A_93 = arith.constant 0 : i32
    %run_scoped3A_94 = arith.constant 0 : i32
    "tpu.region"() ({
      %run_scoped3A_100 = tpu.sem_alloc : memref<!tpu.dma_semaphore, #tpu.memory_space<semaphore_mem>>
      %dma_start3A_101 = arith.constant 0 : i32
      %dma_start3A_102 = arith.constant 0 : i32
      %dma_start3A_103 = tpu.memref_slice %arg9[%run_scoped3A_93, %dma_start3A_101, %dma_start3A_102] : memref<2x128x128xf32, #tpu.memory_space<vmem>> -> memref<1x128x128xf32, #tpu.memory_space<vmem>>
      %dma_start3A_104 = tpu.memref_squeeze %dma_start3A_103 : memref<1x128x128xf32, #tpu.memory_space<vmem>> -> memref<128x128xf32, #tpu.memory_space<vmem>>
      %dma_start3A_105 = arith.constant 0 : i32
      %dma_start3A_106 = tpu.memref_slice %arg7[%run_scoped3A_94, %dma_start3A_105] : memref<8x128xi32, #tpu.memory_space<vmem>> -> memref<1x128xi32, #tpu.memory_space<vmem>>
      %dma_start3A_107 = tpu.memref_squeeze %dma_start3A_106 : memref<1x128xi32, #tpu.memory_space<vmem>> -> memref<128xi32, #tpu.memory_space<vmem>>
      %dma_start3A_108 = arith.constant 0 : i32
      %dma_start3A_109 = arith.constant 0 : i32
      %dma_start3A_110 = tpu.memref_slice %arg10[%dma_start3A_108, %dma_start3A_109] : memref<10240x128xf32, #tpu.memory_space<vmem_shared>> -> memref<10240x128xf32, #tpu.memory_space<vmem_shared>>
      tpu.enqueue_indirect_dma source(%dma_start3A_104 : memref<128x128xf32, #tpu.memory_space<vmem>>) target(%dma_start3A_110 : memref<10240x128xf32, #tpu.memory_space<vmem_shared>>) offsets(%dma_start3A_107 : memref<128xi32, #tpu.memory_space<vmem>>) semaphore(%run_scoped3A_100 : memref<!tpu.dma_semaphore, #tpu.memory_space<semaphore_mem>>) {add = true}
      %dma_wait3A_111 = arith.constant 0 : i32
      %dma_wait3A_112 = arith.constant 0 : i32
      %dma_wait3A_113 = tpu.memref_slice %arg9[%run_scoped3A_93, %dma_wait3A_111, %dma_wait3A_112] : memref<2x128x128xf32, #tpu.memory_space<vmem>> -> memref<1x128x128xf32, #tpu.memory_space<vmem>>
      %dma_wait3A_114 = tpu.memref_squeeze %dma_wait3A_113 : memref<1x128x128xf32, #tpu.memory_space<vmem>> -> memref<128x128xf32, #tpu.memory_space<vmem>>
      %dma_wait3A_115 = arith.constant 0 : i32
      %dma_wait3A_116 = tpu.memref_slice %arg7[%run_scoped3A_94, %dma_wait3A_115] : memref<8x128xi32, #tpu.memory_space<vmem>> -> memref<1x128xi32, #tpu.memory_space<vmem>>
      %dma_wait3A_117 = tpu.memref_squeeze %dma_wait3A_116 : memref<1x128xi32, #tpu.memory_space<vmem>> -> memref<128xi32, #tpu.memory_space<vmem>>
      %dma_wait3A_118 = arith.constant 0 : i32
      %dma_wait3A_119 = arith.constant 0 : i32
      %dma_wait3A_120 = tpu.memref_slice %arg10[%dma_wait3A_118, %dma_wait3A_119] : memref<10240x128xf32, #tpu.memory_space<vmem_shared>> -> memref<10240x128xf32, #tpu.memory_space<vmem_shared>>
      tpu.wait_indirect_dma semaphore(%run_scoped3A_100 : memref<!tpu.dma_semaphore, #tpu.memory_space<semaphore_mem>>) src(%dma_wait3A_114 : memref<128x128xf32, #tpu.memory_space<vmem>>) dst(%dma_wait3A_120 : memref<10240x128xf32, #tpu.memory_space<vmem_shared>>)
      tpu.yield
    }) : () -> ()
    %barrier3A_95 = arith.constant 0 : index
    tpu.barrier barrier_id(%barrier3A_95)
    %mul3A_96 = arith.constant 640 : i32
    %mul3A_97 = arith.muli %arg1, %mul3A_96 : i32
    %mul3A_98 = arith.constant 640 : i32
    %mul3A_99 = arith.muli %arg1, %mul3A_98 : i32
    "tpu.region"() ({
      %run_scoped3A_100 = tpu.sem_alloc : memref<!tpu.dma_semaphore, #tpu.memory_space<semaphore_mem>>
      %dma_start3A_101 = arith.constant 0 : i32
      %dma_start3A_102 = tpu.memref_slice %arg5[%arg0, %mul3A_99, %dma_start3A_101] : memref<2x10240x128xf32, #tpu.memory_space<hbm>> -> memref<1x640x128xf32, #tpu.memory_space<hbm>>
      %dma_start3A_103 = tpu.memref_squeeze %dma_start3A_102 : memref<1x640x128xf32, #tpu.memory_space<hbm>> -> memref<640x128xf32, #tpu.memory_space<hbm>>
      %dma_start3A_104 = arith.constant 0 : i32
      %dma_start3A_105 = tpu.memref_slice %arg10[%mul3A_97, %dma_start3A_104] : memref<10240x128xf32, #tpu.memory_space<vmem_shared>> -> memref<640x128xf32, #tpu.memory_space<vmem_shared>>
      tpu.enqueue_dma source(%dma_start3A_105 : memref<640x128xf32, #tpu.memory_space<vmem_shared>>) target(%dma_start3A_103 : memref<640x128xf32, #tpu.memory_space<hbm>>) target_semaphore(%run_scoped3A_100 : memref<!tpu.dma_semaphore, #tpu.memory_space<semaphore_mem>>)
      %dma_wait3A_106 = arith.constant 0 : i32
      %dma_wait3A_107 = tpu.memref_slice %arg5[%arg0, %mul3A_99, %dma_wait3A_106] : memref<2x10240x128xf32, #tpu.memory_space<hbm>> -> memref<1x640x128xf32, #tpu.memory_space<hbm>>
      %dma_wait3A_108 = tpu.memref_squeeze %dma_wait3A_107 : memref<1x640x128xf32, #tpu.memory_space<hbm>> -> memref<640x128xf32, #tpu.memory_space<hbm>>
      %dma_wait3A_109 = arith.constant 0 : i32
      %dma_wait3A_110 = tpu.memref_slice %arg10[%mul3A_97, %dma_wait3A_109] : memref<10240x128xf32, #tpu.memory_space<vmem_shared>> -> memref<640x128xf32, #tpu.memory_space<vmem_shared>>
      tpu.wait_dma2 semaphore(%run_scoped3A_100 : memref<!tpu.dma_semaphore, #tpu.memory_space<semaphore_mem>>) src(%dma_wait3A_110 : memref<640x128xf32, #tpu.memory_space<vmem_shared>>) dst(%dma_wait3A_108 : memref<640x128xf32, #tpu.memory_space<hbm>>)
      tpu.yield
    }) : () -> ()
    return
  }
}

#map = affine_map<(d0, d1) -> (0, 0)>
#map1 = affine_map<(d0, d1) -> (0)>
#map2 = affine_map<(d0, d1) -> (0, 0, 0, 0)>
#map3 = affine_map<(d0, d1) -> (0, 0, 0)>
module attributes {stable_mosaic.version = 14 : i64} {
  func.func @k(%arg0: i32, %arg1: i32, %arg2: memref<10000x128xf32, #tpu.memory_space<hbm>>, %arg3: memref<323584xi32, #tpu.memory_space<hbm>>, %arg4: memref<32x79x1x128xi32, #tpu.memory_space<hbm>>, %arg5: memref<2x10240x128xf32, #tpu.memory_space<hbm>>, %arg6: memref<10112xi32, #tpu.memory_space<vmem>>, %arg7: memref<8x128xi32, #tpu.memory_space<vmem>>, %arg8: memref<8x128xi32, #tpu.memory_space<vmem>>, %arg9: memref<2x128x128xf32, #tpu.memory_space<vmem>>, %arg10: memref<10240x128xf32, #tpu.memory_space<vmem_shared>>, %arg11: memref<!tpu.dma_semaphore, #tpu.memory_space<semaphore_mem>>, %arg12: memref<!tpu.dma_semaphore, #tpu.memory_space<semaphore_mem>>, %arg13: memref<!tpu.dma_semaphore, #tpu.memory_space<semaphore_mem>>, %arg14: memref<!tpu.dma_semaphore, #tpu.memory_space<semaphore_mem>>) attributes {dimension_semantics = [#tpu.dimension_semantics<core_parallel>, #tpu.dimension_semantics<subcore_parallel>], iteration_bounds = array<i64: 2, 16>, scalar_prefetch = 0 : i64, scratch_operands = 9 : i64, tpu.core_type = #tpu.core_type<sc_vector_subcore>, window_params = [{transform_indices = #map}, {transform_indices = #map1}, {transform_indices = #map2}, {transform_indices = #map3}]} {
    %mul3A = arith.constant 16 : i32
    %mul3A_0 = arith.muli %arg0, %mul3A : i32
    %add3A = arith.addi %mul3A_0, %arg1 : i32
    %broadcast_in_dim3A = arith.constant 0.000000e+00 : f32
    %broadcast_in_dim3A_1 = vector.broadcast %broadcast_in_dim3A : f32 to vector<16xf32>
    %mul3A_2 = arith.constant 10112 : i32
    %mul3A_3 = arith.muli %add3A, %mul3A_2 : i32
    %dma_start3A = tpu.memref_slice %arg3[%mul3A_3] : memref<323584xi32, #tpu.memory_space<hbm>> -> memref<10112xi32, #tpu.memory_space<hbm>>
    %dma_start3A_4 = tpu.memref_slice %arg3[%mul3A_3] : memref<323584xi32, #tpu.memory_space<hbm>> -> memref<10112xi32, #tpu.memory_space<hbm>>
    tpu.enqueue_dma source(%dma_start3A_4 : memref<10112xi32, #tpu.memory_space<hbm>>) target(%arg6 : memref<10112xi32, #tpu.memory_space<vmem>>) target_semaphore(%arg11 : memref<!tpu.dma_semaphore, #tpu.memory_space<semaphore_mem>>)
    %scan3A = arith.constant 0 : i32
    %scan3A_5 = arith.constant 0 : i32
    %scan3A_6 = arith.constant 128 : i32
    %scan3A_7 = arith.addi %scan3A_5, %scan3A_6 : i32
    %scan3A_8 = arith.constant 1 : i32
    scf.for %scan3A_100 = %scan3A_5 to %scan3A_7 step %scan3A_8  : i32 {
      %swap3A = arith.constant 0 : i32
      %swap3A_101 = arith.index_cast %swap3A : i32 to index
      %swap3A_102 = arith.index_cast %scan3A_100 : i32 to index
      %swap3A_103 = arith.constant 0 : index
      %swap3A_104 = tpu.vector_load %arg9[%swap3A_101, %swap3A_102, %swap3A_103] {strides = array<i32>} : memref<2x128x128xf32, #tpu.memory_space<vmem>>, vector<1x1x16xf32>,
      %swap3A_105 = vector.shape_cast %swap3A_104 : vector<1x1x16xf32> to vector<16xf32>
      %swap3A_106 = vector.shape_cast %broadcast_in_dim3A_1 : vector<16xf32> to vector<1x1x16xf32>
      tpu.vector_store %arg9[%swap3A_101, %swap3A_102, %swap3A_103], %swap3A_106 {strides = array<i32>} : memref<2x128x128xf32, #tpu.memory_space<vmem>>, vector<1x1x16xf32>,
      %swap3A_107 = arith.constant 0 : i32
      %swap3A_108 = arith.index_cast %swap3A_107 : i32 to index
      %swap3A_109 = arith.index_cast %scan3A_100 : i32 to index
      %swap3A_110 = arith.constant 16 : index
      %swap3A_111 = tpu.vector_load %arg9[%swap3A_108, %swap3A_109, %swap3A_110] {strides = array<i32>} : memref<2x128x128xf32, #tpu.memory_space<vmem>>, vector<1x1x16xf32>,
      %swap3A_112 = vector.shape_cast %swap3A_111 : vector<1x1x16xf32> to vector<16xf32>
      %swap3A_113 = vector.shape_cast %broadcast_in_dim3A_1 : vector<16xf32> to vector<1x1x16xf32>
      tpu.vector_store %arg9[%swap3A_108, %swap3A_109, %swap3A_110], %swap3A_113 {strides = array<i32>} : memref<2x128x128xf32, #tpu.memory_space<vmem>>, vector<1x1x16xf32>,
      %swap3A_114 = arith.constant 0 : i32
      %swap3A_115 = arith.index_cast %swap3A_114 : i32 to index
      %swap3A_116 = arith.index_cast %scan3A_100 : i32 to index
      %swap3A_117 = arith.constant 32 : index
      %swap3A_118 = tpu.vector_load %arg9[%swap3A_115, %swap3A_116, %swap3A_117] {strides = array<i32>} : memref<2x128x128xf32, #tpu.memory_space<vmem>>, vector<1x1x16xf32>,
      %swap3A_119 = vector.shape_cast %swap3A_118 : vector<1x1x16xf32> to vector<16xf32>
      %swap3A_120 = vector.shape_cast %broadcast_in_dim3A_1 : vector<16xf32> to vector<1x1x16xf32>
      tpu.vector_store %arg9[%swap3A_115, %swap3A_116, %swap3A_117], %swap3A_120 {strides = array<i32>} : memref<2x128x128xf32, #tpu.memory_space<vmem>>, vector<1x1x16xf32>,
      %swap3A_121 = arith.constant 0 : i32
      %swap3A_122 = arith.index_cast %swap3A_121 : i32 to index
      %swap3A_123 = arith.index_cast %scan3A_100 : i32 to index
      %swap3A_124 = arith.constant 48 : index
      %swap3A_125 = tpu.vector_load %arg9[%swap3A_122, %swap3A_123, %swap3A_124] {strides = array<i32>} : memref<2x128x128xf32, #tpu.memory_space<vmem>>, vector<1x1x16xf32>,
      %swap3A_126 = vector.shape_cast %swap3A_125 : vector<1x1x16xf32> to vector<16xf32>
      %swap3A_127 = vector.shape_cast %broadcast_in_dim3A_1 : vector<16xf32> to vector<1x1x16xf32>
      tpu.vector_store %arg9[%swap3A_122, %swap3A_123, %swap3A_124], %swap3A_127 {strides = array<i32>} : memref<2x128x128xf32, #tpu.memory_space<vmem>>, vector<1x1x16xf32>,
      %swap3A_128 = arith.constant 0 : i32
      %swap3A_129 = arith.index_cast %swap3A_128 : i32 to index
      %swap3A_130 = arith.index_cast %scan3A_100 : i32 to index
      %swap3A_131 = arith.constant 64 : index
      %swap3A_132 = tpu.vector_load %arg9[%swap3A_129, %swap3A_130, %swap3A_131] {strides = array<i32>} : memref<2x128x128xf32, #tpu.memory_space<vmem>>, vector<1x1x16xf32>,
      %swap3A_133 = vector.shape_cast %swap3A_132 : vector<1x1x16xf32> to vector<16xf32>
      %swap3A_134 = vector.shape_cast %broadcast_in_dim3A_1 : vector<16xf32> to vector<1x1x16xf32>
      tpu.vector_store %arg9[%swap3A_129, %swap3A_130, %swap3A_131], %swap3A_134 {strides = array<i32>} : memref<2x128x128xf32, #tpu.memory_space<vmem>>, vector<1x1x16xf32>,
      %swap3A_135 = arith.constant 0 : i32
      %swap3A_136 = arith.index_cast %swap3A_135 : i32 to index
      %swap3A_137 = arith.index_cast %scan3A_100 : i32 to index
      %swap3A_138 = arith.constant 80 : index
      %swap3A_139 = tpu.vector_load %arg9[%swap3A_136, %swap3A_137, %swap3A_138] {strides = array<i32>} : memref<2x128x128xf32, #tpu.memory_space<vmem>>, vector<1x1x16xf32>,
      %swap3A_140 = vector.shape_cast %swap3A_139 : vector<1x1x16xf32> to vector<16xf32>
      %swap3A_141 = vector.shape_cast %broadcast_in_dim3A_1 : vector<16xf32> to vector<1x1x16xf32>
      tpu.vector_store %arg9[%swap3A_136, %swap3A_137, %swap3A_138], %swap3A_141 {strides = array<i32>} : memref<2x128x128xf32, #tpu.memory_space<vmem>>, vector<1x1x16xf32>,
      %swap3A_142 = arith.constant 0 : i32
      %swap3A_143 = arith.index_cast %swap3A_142 : i32 to index
      %swap3A_144 = arith.index_cast %scan3A_100 : i32 to index
      %swap3A_145 = arith.constant 96 : index
      %swap3A_146 = tpu.vector_load %arg9[%swap3A_143, %swap3A_144, %swap3A_145] {strides = array<i32>} : memref<2x128x128xf32, #tpu.memory_space<vmem>>, vector<1x1x16xf32>,
      %swap3A_147 = vector.shape_cast %swap3A_146 : vector<1x1x16xf32> to vector<16xf32>
      %swap3A_148 = vector.shape_cast %broadcast_in_dim3A_1 : vector<16xf32> to vector<1x1x16xf32>
      tpu.vector_store %arg9[%swap3A_143, %swap3A_144, %swap3A_145], %swap3A_148 {strides = array<i32>} : memref<2x128x128xf32, #tpu.memory_space<vmem>>, vector<1x1x16xf32>,
      %swap3A_149 = arith.constant 0 : i32
      %swap3A_150 = arith.index_cast %swap3A_149 : i32 to index
      %swap3A_151 = arith.index_cast %scan3A_100 : i32 to index
      %swap3A_152 = arith.constant 112 : index
      %swap3A_153 = tpu.vector_load %arg9[%swap3A_150, %swap3A_151, %swap3A_152] {strides = array<i32>} : memref<2x128x128xf32, #tpu.memory_space<vmem>>, vector<1x1x16xf32>,
      %swap3A_154 = vector.shape_cast %swap3A_153 : vector<1x1x16xf32> to vector<16xf32>
      %swap3A_155 = vector.shape_cast %broadcast_in_dim3A_1 : vector<16xf32> to vector<1x1x16xf32>
      tpu.vector_store %arg9[%swap3A_150, %swap3A_151, %swap3A_152], %swap3A_155 {strides = array<i32>} : memref<2x128x128xf32, #tpu.memory_space<vmem>>, vector<1x1x16xf32>,
    }
    %scan3A_9 = arith.constant 128 : i32
    %mul3A_10 = arith.constant 640 : i32
    %mul3A_11 = arith.muli %arg1, %mul3A_10 : i32
    %add3A_12 = arith.constant 0 : i32
    %add3A_13 = arith.addi %mul3A_11, %add3A_12 : i32
    %run_scoped3A = arith.constant 0 : i32
    "tpu.region"() ({
      %run_scoped3A_100 = tpu.sem_alloc : memref<!tpu.dma_semaphore, #tpu.memory_space<semaphore_mem>>
      %dma_start3A_101 = arith.constant 0 : i32
      %dma_start3A_102 = arith.constant 0 : i32
      %dma_start3A_103 = tpu.memref_slice %arg9[%run_scoped3A, %dma_start3A_101, %dma_start3A_102] : memref<2x128x128xf32, #tpu.memory_space<vmem>> -> memref<1x128x128xf32, #tpu.memory_space<vmem>>
      %dma_start3A_104 = tpu.memref_squeeze %dma_start3A_103 : memref<1x128x128xf32, #tpu.memory_space<vmem>> -> memref<128x128xf32, #tpu.memory_space<vmem>>
      %dma_start3A_105 = arith.constant 0 : i32
      %dma_start3A_106 = tpu.memref_slice %arg10[%add3A_13, %dma_start3A_105] : memref<10240x128xf32, #tpu.memory_space<vmem_shared>> -> memref<128x128xf32, #tpu.memory_space<vmem_shared>>
      %dma_start3A_107 = arith.constant 0 : i32
      %dma_start3A_108 = tpu.memref_slice %arg10[%add3A_13, %dma_start3A_107] : memref<10240x128xf32, #tpu.memory_space<vmem_shared>> -> memref<128x128xf32, #tpu.memory_space<vmem_shared>>
      %dma_start3A_109 = arith.constant 0 : i32
      %dma_start3A_110 = arith.constant 0 : i32
      %dma_start3A_111 = tpu.memref_slice %arg9[%run_scoped3A, %dma_start3A_109, %dma_start3A_110] : memref<2x128x128xf32, #tpu.memory_space<vmem>> -> memref<1x128x128xf32, #tpu.memory_space<vmem>>
      %dma_start3A_112 = tpu.memref_squeeze %dma_start3A_111 : memref<1x128x128xf32, #tpu.memory_space<vmem>> -> memref<128x128xf32, #tpu.memory_space<vmem>>
      tpu.enqueue_dma source(%dma_start3A_112 : memref<128x128xf32, #tpu.memory_space<vmem>>) target(%dma_start3A_108 : memref<128x128xf32, #tpu.memory_space<vmem_shared>>) target_semaphore(%run_scoped3A_100 : memref<!tpu.dma_semaphore, #tpu.memory_space<semaphore_mem>>)
      %dma_wait3A_113 = arith.constant 0 : i32
      %dma_wait3A_114 = arith.constant 0 : i32
      %dma_wait3A_115 = tpu.memref_slice %arg9[%run_scoped3A, %dma_wait3A_113, %dma_wait3A_114] : memref<2x128x128xf32, #tpu.memory_space<vmem>> -> memref<1x128x128xf32, #tpu.memory_space<vmem>>
      %dma_wait3A_116 = tpu.memref_squeeze %dma_wait3A_115 : memref<1x128x128xf32, #tpu.memory_space<vmem>> -> memref<128x128xf32, #tpu.memory_space<vmem>>
      %dma_wait3A_117 = arith.constant 0 : i32
      %dma_wait3A_118 = tpu.memref_slice %arg10[%add3A_13, %dma_wait3A_117] : memref<10240x128xf32, #tpu.memory_space<vmem_shared>> -> memref<128x128xf32, #tpu.memory_space<vmem_shared>>
      %dma_wait3A_119 = arith.constant 0 : i32
      %dma_wait3A_120 = tpu.memref_slice %arg10[%add3A_13, %dma_wait3A_119] : memref<10240x128xf32, #tpu.memory_space<vmem_shared>> -> memref<128x128xf32, #tpu.memory_space<vmem_shared>>
      %dma_wait3A_121 = arith.constant 0 : i32
      %dma_wait3A_122 = arith.constant 0 : i32
      %dma_wait3A_123 = tpu.memref_slice %arg9[%run_scoped3A, %dma_wait3A_121, %dma_wait3A_122] : memref<2x128x128xf32, #tpu.memory_space<vmem>> -> memref<1x128x128xf32, #tpu.memory_space<vmem>>
      %dma_wait3A_124 = tpu.memref_squeeze %dma_wait3A_123 : memref<1x128x128xf32, #tpu.memory_space<vmem>> -> memref<128x128xf32, #tpu.memory_space<vmem>>
      tpu.wait_dma2 semaphore(%run_scoped3A_100 : memref<!tpu.dma_semaphore, #tpu.memory_space<semaphore_mem>>) src(%dma_wait3A_124 : memref<128x128xf32, #tpu.memory_space<vmem>>) dst(%dma_wait3A_120 : memref<128x128xf32, #tpu.memory_space<vmem_shared>>)
      tpu.yield
    }) : () -> ()
    %mul3A_14 = arith.constant 640 : i32
    %mul3A_15 = arith.muli %arg1, %mul3A_14 : i32
    %add3A_16 = arith.constant 128 : i32
    %add3A_17 = arith.addi %mul3A_15, %add3A_16 : i32
    %run_scoped3A_18 = arith.constant 0 : i32
    "tpu.region"() ({
      %run_scoped3A_100 = tpu.sem_alloc : memref<!tpu.dma_semaphore, #tpu.memory_space<semaphore_mem>>
      %dma_start3A_101 = arith.constant 0 : i32
      %dma_start3A_102 = arith.constant 0 : i32
      %dma_start3A_103 = tpu.memref_slice %arg9[%run_scoped3A_18, %dma_start3A_101, %dma_start3A_102] : memref<2x128x128xf32, #tpu.memory_space<vmem>> -> memref<1x128x128xf32, #tpu.memory_space<vmem>>
      %dma_start3A_104 = tpu.memref_squeeze %dma_start3A_103 : memref<1x128x128xf32, #tpu.memory_space<vmem>> -> memref<128x128xf32, #tpu.memory_space<vmem>>
      %dma_start3A_105 = arith.constant 0 : i32
      %dma_start3A_106 = tpu.memref_slice %arg10[%add3A_17, %dma_start3A_105] : memref<10240x128xf32, #tpu.memory_space<vmem_shared>> -> memref<128x128xf32, #tpu.memory_space<vmem_shared>>
      %dma_start3A_107 = arith.constant 0 : i32
      %dma_start3A_108 = tpu.memref_slice %arg10[%add3A_17, %dma_start3A_107] : memref<10240x128xf32, #tpu.memory_space<vmem_shared>> -> memref<128x128xf32, #tpu.memory_space<vmem_shared>>
      %dma_start3A_109 = arith.constant 0 : i32
      %dma_start3A_110 = arith.constant 0 : i32
      %dma_start3A_111 = tpu.memref_slice %arg9[%run_scoped3A_18, %dma_start3A_109, %dma_start3A_110] : memref<2x128x128xf32, #tpu.memory_space<vmem>> -> memref<1x128x128xf32, #tpu.memory_space<vmem>>
      %dma_start3A_112 = tpu.memref_squeeze %dma_start3A_111 : memref<1x128x128xf32, #tpu.memory_space<vmem>> -> memref<128x128xf32, #tpu.memory_space<vmem>>
      tpu.enqueue_dma source(%dma_start3A_112 : memref<128x128xf32, #tpu.memory_space<vmem>>) target(%dma_start3A_108 : memref<128x128xf32, #tpu.memory_space<vmem_shared>>) target_semaphore(%run_scoped3A_100 : memref<!tpu.dma_semaphore, #tpu.memory_space<semaphore_mem>>)
      %dma_wait3A_113 = arith.constant 0 : i32
      %dma_wait3A_114 = arith.constant 0 : i32
      %dma_wait3A_115 = tpu.memref_slice %arg9[%run_scoped3A_18, %dma_wait3A_113, %dma_wait3A_114] : memref<2x128x128xf32, #tpu.memory_space<vmem>> -> memref<1x128x128xf32, #tpu.memory_space<vmem>>
      %dma_wait3A_116 = tpu.memref_squeeze %dma_wait3A_115 : memref<1x128x128xf32, #tpu.memory_space<vmem>> -> memref<128x128xf32, #tpu.memory_space<vmem>>
      %dma_wait3A_117 = arith.constant 0 : i32
      %dma_wait3A_118 = tpu.memref_slice %arg10[%add3A_17, %dma_wait3A_117] : memref<10240x128xf32, #tpu.memory_space<vmem_shared>> -> memref<128x128xf32, #tpu.memory_space<vmem_shared>>
      %dma_wait3A_119 = arith.constant 0 : i32
      %dma_wait3A_120 = tpu.memref_slice %arg10[%add3A_17, %dma_wait3A_119] : memref<10240x128xf32, #tpu.memory_space<vmem_shared>> -> memref<128x128xf32, #tpu.memory_space<vmem_shared>>
      %dma_wait3A_121 = arith.constant 0 : i32
      %dma_wait3A_122 = arith.constant 0 : i32
      %dma_wait3A_123 = tpu.memref_slice %arg9[%run_scoped3A_18, %dma_wait3A_121, %dma_wait3A_122] : memref<2x128x128xf32, #tpu.memory_space<vmem>> -> memref<1x128x128xf32, #tpu.memory_space<vmem>>
      %dma_wait3A_124 = tpu.memref_squeeze %dma_wait3A_123 : memref<1x128x128xf32, #tpu.memory_space<vmem>> -> memref<128x128xf32, #tpu.memory_space<vmem>>
      tpu.wait_dma2 semaphore(%run_scoped3A_100 : memref<!tpu.dma_semaphore, #tpu.memory_space<semaphore_mem>>) src(%dma_wait3A_124 : memref<128x128xf32, #tpu.memory_space<vmem>>) dst(%dma_wait3A_120 : memref<128x128xf32, #tpu.memory_space<vmem_shared>>)
      tpu.yield
    }) : () -> ()
    %mul3A_19 = arith.constant 640 : i32
    %mul3A_20 = arith.muli %arg1, %mul3A_19 : i32
    %add3A_21 = arith.constant 256 : i32
    %add3A_22 = arith.addi %mul3A_20, %add3A_21 : i32
    %run_scoped3A_23 = arith.constant 0 : i32
    "tpu.region"() ({
      %run_scoped3A_100 = tpu.sem_alloc : memref<!tpu.dma_semaphore, #tpu.memory_space<semaphore_mem>>
      %dma_start3A_101 = arith.constant 0 : i32
      %dma_start3A_102 = arith.constant 0 : i32
      %dma_start3A_103 = tpu.memref_slice %arg9[%run_scoped3A_23, %dma_start3A_101, %dma_start3A_102] : memref<2x128x128xf32, #tpu.memory_space<vmem>> -> memref<1x128x128xf32, #tpu.memory_space<vmem>>
      %dma_start3A_104 = tpu.memref_squeeze %dma_start3A_103 : memref<1x128x128xf32, #tpu.memory_space<vmem>> -> memref<128x128xf32, #tpu.memory_space<vmem>>
      %dma_start3A_105 = arith.constant 0 : i32
      %dma_start3A_106 = tpu.memref_slice %arg10[%add3A_22, %dma_start3A_105] : memref<10240x128xf32, #tpu.memory_space<vmem_shared>> -> memref<128x128xf32, #tpu.memory_space<vmem_shared>>
      %dma_start3A_107 = arith.constant 0 : i32
      %dma_start3A_108 = tpu.memref_slice %arg10[%add3A_22, %dma_start3A_107] : memref<10240x128xf32, #tpu.memory_space<vmem_shared>> -> memref<128x128xf32, #tpu.memory_space<vmem_shared>>
      %dma_start3A_109 = arith.constant 0 : i32
      %dma_start3A_110 = arith.constant 0 : i32
      %dma_start3A_111 = tpu.memref_slice %arg9[%run_scoped3A_23, %dma_start3A_109, %dma_start3A_110] : memref<2x128x128xf32, #tpu.memory_space<vmem>> -> memref<1x128x128xf32, #tpu.memory_space<vmem>>
      %dma_start3A_112 = tpu.memref_squeeze %dma_start3A_111 : memref<1x128x128xf32, #tpu.memory_space<vmem>> -> memref<128x128xf32, #tpu.memory_space<vmem>>
      tpu.enqueue_dma source(%dma_start3A_112 : memref<128x128xf32, #tpu.memory_space<vmem>>) target(%dma_start3A_108 : memref<128x128xf32, #tpu.memory_space<vmem_shared>>) target_semaphore(%run_scoped3A_100 : memref<!tpu.dma_semaphore, #tpu.memory_space<semaphore_mem>>)
      %dma_wait3A_113 = arith.constant 0 : i32
      %dma_wait3A_114 = arith.constant 0 : i32
      %dma_wait3A_115 = tpu.memref_slice %arg9[%run_scoped3A_23, %dma_wait3A_113, %dma_wait3A_114] : memref<2x128x128xf32, #tpu.memory_space<vmem>> -> memref<1x128x128xf32, #tpu.memory_space<vmem>>
      %dma_wait3A_116 = tpu.memref_squeeze %dma_wait3A_115 : memref<1x128x128xf32, #tpu.memory_space<vmem>> -> memref<128x128xf32, #tpu.memory_space<vmem>>
      %dma_wait3A_117 = arith.constant 0 : i32
      %dma_wait3A_118 = tpu.memref_slice %arg10[%add3A_22, %dma_wait3A_117] : memref<10240x128xf32, #tpu.memory_space<vmem_shared>> -> memref<128x128xf32, #tpu.memory_space<vmem_shared>>
      %dma_wait3A_119 = arith.constant 0 : i32
      %dma_wait3A_120 = tpu.memref_slice %arg10[%add3A_22, %dma_wait3A_119] : memref<10240x128xf32, #tpu.memory_space<vmem_shared>> -> memref<128x128xf32, #tpu.memory_space<vmem_shared>>
      %dma_wait3A_121 = arith.constant 0 : i32
      %dma_wait3A_122 = arith.constant 0 : i32
      %dma_wait3A_123 = tpu.memref_slice %arg9[%run_scoped3A_23, %dma_wait3A_121, %dma_wait3A_122] : memref<2x128x128xf32, #tpu.memory_space<vmem>> -> memref<1x128x128xf32, #tpu.memory_space<vmem>>
      %dma_wait3A_124 = tpu.memref_squeeze %dma_wait3A_123 : memref<1x128x128xf32, #tpu.memory_space<vmem>> -> memref<128x128xf32, #tpu.memory_space<vmem>>
      tpu.wait_dma2 semaphore(%run_scoped3A_100 : memref<!tpu.dma_semaphore, #tpu.memory_space<semaphore_mem>>) src(%dma_wait3A_124 : memref<128x128xf32, #tpu.memory_space<vmem>>) dst(%dma_wait3A_120 : memref<128x128xf32, #tpu.memory_space<vmem_shared>>)
      tpu.yield
    }) : () -> ()
    %mul3A_24 = arith.constant 640 : i32
    %mul3A_25 = arith.muli %arg1, %mul3A_24 : i32
    %add3A_26 = arith.constant 384 : i32
    %add3A_27 = arith.addi %mul3A_25, %add3A_26 : i32
    %run_scoped3A_28 = arith.constant 0 : i32
    "tpu.region"() ({
      %run_scoped3A_100 = tpu.sem_alloc : memref<!tpu.dma_semaphore, #tpu.memory_space<semaphore_mem>>
      %dma_start3A_101 = arith.constant 0 : i32
      %dma_start3A_102 = arith.constant 0 : i32
      %dma_start3A_103 = tpu.memref_slice %arg9[%run_scoped3A_28, %dma_start3A_101, %dma_start3A_102] : memref<2x128x128xf32, #tpu.memory_space<vmem>> -> memref<1x128x128xf32, #tpu.memory_space<vmem>>
      %dma_start3A_104 = tpu.memref_squeeze %dma_start3A_103 : memref<1x128x128xf32, #tpu.memory_space<vmem>> -> memref<128x128xf32, #tpu.memory_space<vmem>>
      %dma_start3A_105 = arith.constant 0 : i32
      %dma_start3A_106 = tpu.memref_slice %arg10[%add3A_27, %dma_start3A_105] : memref<10240x128xf32, #tpu.memory_space<vmem_shared>> -> memref<128x128xf32, #tpu.memory_space<vmem_shared>>
      %dma_start3A_107 = arith.constant 0 : i32
      %dma_start3A_108 = tpu.memref_slice %arg10[%add3A_27, %dma_start3A_107] : memref<10240x128xf32, #tpu.memory_space<vmem_shared>> -> memref<128x128xf32, #tpu.memory_space<vmem_shared>>
      %dma_start3A_109 = arith.constant 0 : i32
      %dma_start3A_110 = arith.constant 0 : i32
      %dma_start3A_111 = tpu.memref_slice %arg9[%run_scoped3A_28, %dma_start3A_109, %dma_start3A_110] : memref<2x128x128xf32, #tpu.memory_space<vmem>> -> memref<1x128x128xf32, #tpu.memory_space<vmem>>
      %dma_start3A_112 = tpu.memref_squeeze %dma_start3A_111 : memref<1x128x128xf32, #tpu.memory_space<vmem>> -> memref<128x128xf32, #tpu.memory_space<vmem>>
      tpu.enqueue_dma source(%dma_start3A_112 : memref<128x128xf32, #tpu.memory_space<vmem>>) target(%dma_start3A_108 : memref<128x128xf32, #tpu.memory_space<vmem_shared>>) target_semaphore(%run_scoped3A_100 : memref<!tpu.dma_semaphore, #tpu.memory_space<semaphore_mem>>)
      %dma_wait3A_113 = arith.constant 0 : i32
      %dma_wait3A_114 = arith.constant 0 : i32
      %dma_wait3A_115 = tpu.memref_slice %arg9[%run_scoped3A_28, %dma_wait3A_113, %dma_wait3A_114] : memref<2x128x128xf32, #tpu.memory_space<vmem>> -> memref<1x128x128xf32, #tpu.memory_space<vmem>>
      %dma_wait3A_116 = tpu.memref_squeeze %dma_wait3A_115 : memref<1x128x128xf32, #tpu.memory_space<vmem>> -> memref<128x128xf32, #tpu.memory_space<vmem>>
      %dma_wait3A_117 = arith.constant 0 : i32
      %dma_wait3A_118 = tpu.memref_slice %arg10[%add3A_27, %dma_wait3A_117] : memref<10240x128xf32, #tpu.memory_space<vmem_shared>> -> memref<128x128xf32, #tpu.memory_space<vmem_shared>>
      %dma_wait3A_119 = arith.constant 0 : i32
      %dma_wait3A_120 = tpu.memref_slice %arg10[%add3A_27, %dma_wait3A_119] : memref<10240x128xf32, #tpu.memory_space<vmem_shared>> -> memref<128x128xf32, #tpu.memory_space<vmem_shared>>
      %dma_wait3A_121 = arith.constant 0 : i32
      %dma_wait3A_122 = arith.constant 0 : i32
      %dma_wait3A_123 = tpu.memref_slice %arg9[%run_scoped3A_28, %dma_wait3A_121, %dma_wait3A_122] : memref<2x128x128xf32, #tpu.memory_space<vmem>> -> memref<1x128x128xf32, #tpu.memory_space<vmem>>
      %dma_wait3A_124 = tpu.memref_squeeze %dma_wait3A_123 : memref<1x128x128xf32, #tpu.memory_space<vmem>> -> memref<128x128xf32, #tpu.memory_space<vmem>>
      tpu.wait_dma2 semaphore(%run_scoped3A_100 : memref<!tpu.dma_semaphore, #tpu.memory_space<semaphore_mem>>) src(%dma_wait3A_124 : memref<128x128xf32, #tpu.memory_space<vmem>>) dst(%dma_wait3A_120 : memref<128x128xf32, #tpu.memory_space<vmem_shared>>)
      tpu.yield
    }) : () -> ()
    %mul3A_29 = arith.constant 640 : i32
    %mul3A_30 = arith.muli %arg1, %mul3A_29 : i32
    %add3A_31 = arith.constant 512 : i32
    %add3A_32 = arith.addi %mul3A_30, %add3A_31 : i32
    %run_scoped3A_33 = arith.constant 0 : i32
    "tpu.region"() ({
      %run_scoped3A_100 = tpu.sem_alloc : memref<!tpu.dma_semaphore, #tpu.memory_space<semaphore_mem>>
      %dma_start3A_101 = arith.constant 0 : i32
      %dma_start3A_102 = arith.constant 0 : i32
      %dma_start3A_103 = tpu.memref_slice %arg9[%run_scoped3A_33, %dma_start3A_101, %dma_start3A_102] : memref<2x128x128xf32, #tpu.memory_space<vmem>> -> memref<1x128x128xf32, #tpu.memory_space<vmem>>
      %dma_start3A_104 = tpu.memref_squeeze %dma_start3A_103 : memref<1x128x128xf32, #tpu.memory_space<vmem>> -> memref<128x128xf32, #tpu.memory_space<vmem>>
      %dma_start3A_105 = arith.constant 0 : i32
      %dma_start3A_106 = tpu.memref_slice %arg10[%add3A_32, %dma_start3A_105] : memref<10240x128xf32, #tpu.memory_space<vmem_shared>> -> memref<128x128xf32, #tpu.memory_space<vmem_shared>>
      %dma_start3A_107 = arith.constant 0 : i32
      %dma_start3A_108 = tpu.memref_slice %arg10[%add3A_32, %dma_start3A_107] : memref<10240x128xf32, #tpu.memory_space<vmem_shared>> -> memref<128x128xf32, #tpu.memory_space<vmem_shared>>
      %dma_start3A_109 = arith.constant 0 : i32
      %dma_start3A_110 = arith.constant 0 : i32
      %dma_start3A_111 = tpu.memref_slice %arg9[%run_scoped3A_33, %dma_start3A_109, %dma_start3A_110] : memref<2x128x128xf32, #tpu.memory_space<vmem>> -> memref<1x128x128xf32, #tpu.memory_space<vmem>>
      %dma_start3A_112 = tpu.memref_squeeze %dma_start3A_111 : memref<1x128x128xf32, #tpu.memory_space<vmem>> -> memref<128x128xf32, #tpu.memory_space<vmem>>
      tpu.enqueue_dma source(%dma_start3A_112 : memref<128x128xf32, #tpu.memory_space<vmem>>) target(%dma_start3A_108 : memref<128x128xf32, #tpu.memory_space<vmem_shared>>) target_semaphore(%run_scoped3A_100 : memref<!tpu.dma_semaphore, #tpu.memory_space<semaphore_mem>>)
      %dma_wait3A_113 = arith.constant 0 : i32
      %dma_wait3A_114 = arith.constant 0 : i32
      %dma_wait3A_115 = tpu.memref_slice %arg9[%run_scoped3A_33, %dma_wait3A_113, %dma_wait3A_114] : memref<2x128x128xf32, #tpu.memory_space<vmem>> -> memref<1x128x128xf32, #tpu.memory_space<vmem>>
      %dma_wait3A_116 = tpu.memref_squeeze %dma_wait3A_115 : memref<1x128x128xf32, #tpu.memory_space<vmem>> -> memref<128x128xf32, #tpu.memory_space<vmem>>
      %dma_wait3A_117 = arith.constant 0 : i32
      %dma_wait3A_118 = tpu.memref_slice %arg10[%add3A_32, %dma_wait3A_117] : memref<10240x128xf32, #tpu.memory_space<vmem_shared>> -> memref<128x128xf32, #tpu.memory_space<vmem_shared>>
      %dma_wait3A_119 = arith.constant 0 : i32
      %dma_wait3A_120 = tpu.memref_slice %arg10[%add3A_32, %dma_wait3A_119] : memref<10240x128xf32, #tpu.memory_space<vmem_shared>> -> memref<128x128xf32, #tpu.memory_space<vmem_shared>>
      %dma_wait3A_121 = arith.constant 0 : i32
      %dma_wait3A_122 = arith.constant 0 : i32
      %dma_wait3A_123 = tpu.memref_slice %arg9[%run_scoped3A_33, %dma_wait3A_121, %dma_wait3A_122] : memref<2x128x128xf32, #tpu.memory_space<vmem>> -> memref<1x128x128xf32, #tpu.memory_space<vmem>>
      %dma_wait3A_124 = tpu.memref_squeeze %dma_wait3A_123 : memref<1x128x128xf32, #tpu.memory_space<vmem>> -> memref<128x128xf32, #tpu.memory_space<vmem>>
      tpu.wait_dma2 semaphore(%run_scoped3A_100 : memref<!tpu.dma_semaphore, #tpu.memory_space<semaphore_mem>>) src(%dma_wait3A_124 : memref<128x128xf32, #tpu.memory_space<vmem>>) dst(%dma_wait3A_120 : memref<128x128xf32, #tpu.memory_space<vmem_shared>>)
      tpu.yield
    }) : () -> ()
    %mul3A_34 = arith.constant 10112 : i32
    %mul3A_35 = arith.muli %add3A, %mul3A_34 : i32
    %dma_wait3A = tpu.memref_slice %arg3[%mul3A_35] : memref<323584xi32, #tpu.memory_space<hbm>> -> memref<10112xi32, #tpu.memory_space<hbm>>
    %dma_wait3A_36 = tpu.memref_slice %arg3[%mul3A_35] : memref<323584xi32, #tpu.memory_space<hbm>> -> memref<10112xi32, #tpu.memory_space<hbm>>
    tpu.wait_dma2 semaphore(%arg11 : memref<!tpu.dma_semaphore, #tpu.memory_space<semaphore_mem>>) src(%dma_wait3A_36 : memref<10112xi32, #tpu.memory_space<hbm>>) dst(%arg6 : memref<10112xi32, #tpu.memory_space<vmem>>)
    %barrier3A = arith.constant 0 : index
    tpu.barrier barrier_id(%barrier3A)
    %dma_start3A_37 = arith.constant 0 : i32
    %dma_start3A_38 = arith.constant 0 : i32
    %dma_start3A_39 = arith.constant 0 : i32
    %dma_start3A_40 = tpu.memref_slice %arg9[%dma_start3A_37, %dma_start3A_38, %dma_start3A_39] : memref<2x128x128xf32, #tpu.memory_space<vmem>> -> memref<1x128x128xf32, #tpu.memory_space<vmem>>
    %dma_start3A_41 = tpu.memref_squeeze %dma_start3A_40 : memref<1x128x128xf32, #tpu.memory_space<vmem>> -> memref<128x128xf32, #tpu.memory_space<vmem>>
    %dma_start3A_42 = arith.constant 0 : i32
    %dma_start3A_43 = tpu.memref_slice %arg6[%dma_start3A_42] : memref<10112xi32, #tpu.memory_space<vmem>> -> memref<128xi32, #tpu.memory_space<vmem>>
    %dma_start3A_44 = arith.constant 0 : i32
    %dma_start3A_45 = arith.constant 0 : i32
    %dma_start3A_46 = tpu.memref_slice %arg2[%dma_start3A_44, %dma_start3A_45] : memref<10000x128xf32, #tpu.memory_space<hbm>> -> memref<10000x128xf32, #tpu.memory_space<hbm>>
    tpu.enqueue_indirect_dma source(%dma_start3A_46 : memref<10000x128xf32, #tpu.memory_space<hbm>>) target(%dma_start3A_41 : memref<128x128xf32, #tpu.memory_space<vmem>>) offsets(%dma_start3A_43 : memref<128xi32, #tpu.memory_space<vmem>>) semaphore(%arg11 : memref<!tpu.dma_semaphore, #tpu.memory_space<semaphore_mem>>)
    %dma_start3A_47 = arith.constant 0 : i32
    %dma_start3A_48 = arith.constant 0 : i32
    %dma_start3A_49 = arith.constant 0 : i32
    %dma_start3A_50 = tpu.memref_slice %arg7[%dma_start3A_48, %dma_start3A_49] : memref<8x128xi32, #tpu.memory_space<vmem>> -> memref<1x128xi32, #tpu.memory_space<vmem>>
    %dma_start3A_51 = arith.constant 0 : i32
    %dma_start3A_52 = arith.constant 0 : i32
    %dma_start3A_53 = tpu.memref_slice %arg4[%add3A, %dma_start3A_47, %dma_start3A_51, %dma_start3A_52] : memref<32x79x1x128xi32, #tpu.memory_space<hbm>> -> memref<1x1x1x128xi32, #tpu.memory_space<hbm>>
    %dma_start3A_54 = tpu.memref_squeeze %dma_start3A_53 : memref<1x1x1x128xi32, #tpu.memory_space<hbm>> -> memref<1x128xi32, #tpu.memory_space<hbm>>
    %dma_start3A_55 = arith.constant 0 : i32
    %dma_start3A_56 = arith.constant 0 : i32
    %dma_start3A_57 = tpu.memref_slice %arg7[%dma_start3A_55, %dma_start3A_56] : memref<8x128xi32, #tpu.memory_space<vmem>> -> memref<1x128xi32, #tpu.memory_space<vmem>>
    %dma_start3A_58 = arith.constant 0 : i32
    %dma_start3A_59 = arith.constant 0 : i32
    %dma_start3A_60 = tpu.memref_slice %arg4[%add3A, %dma_start3A_47, %dma_start3A_58, %dma_start3A_59] : memref<32x79x1x128xi32, #tpu.memory_space<hbm>> -> memref<1x1x1x128xi32, #tpu.memory_space<hbm>>
    %dma_start3A_61 = tpu.memref_squeeze %dma_start3A_60 : memref<1x1x1x128xi32, #tpu.memory_space<hbm>> -> memref<1x128xi32, #tpu.memory_space<hbm>>
    tpu.enqueue_dma source(%dma_start3A_61 : memref<1x128xi32, #tpu.memory_space<hbm>>) target(%dma_start3A_57 : memref<1x128xi32, #tpu.memory_space<vmem>>) target_semaphore(%arg13 : memref<!tpu.dma_semaphore, #tpu.memory_space<semaphore_mem>>)
    %scan3A_62 = arith.constant 0 : i32
    %scan3A_63 = arith.constant 0 : i32
    %scan3A_64 = arith.constant 39 : i32
    %scan3A_65 = arith.addi %scan3A_63, %scan3A_64 : i32
    %scan3A_66 = arith.constant 1 : i32
    scf.for %scan3A_100 = %scan3A_63 to %scan3A_65 step %scan3A_66  : i32 {
      %mul3A_101 = arith.constant 2 : i32
      %mul3A_102 = arith.muli %scan3A_100, %mul3A_101 : i32
      %add3A_103 = arith.constant 0 : i32
      %add3A_104 = arith.addi %mul3A_102, %add3A_103 : i32
      %add3A_105 = arith.constant 1 : i32
      %add3A_106 = arith.addi %add3A_104, %add3A_105 : i32
      %lt3A = arith.constant 79 : i32
      %lt3A_107 = arith.cmpi slt, %add3A_106, %lt3A : i32
      %convert_element_type3A = arith.extui %lt3A_107 : i1 to i32
      %cond3A = arith.constant 0 : i32
      %cond3A_108 = arith.cmpi ne, %convert_element_type3A, %cond3A : i32
      scf.if %cond3A_108 {
        %add3A_174 = arith.constant 1 : i32
        %add3A_175 = arith.addi %add3A_104, %add3A_174 : i32
        %mul3A_176 = arith.constant 128 : i32
        %mul3A_177 = arith.muli %add3A_175, %mul3A_176 : i32
        %dma_start3A_178 = arith.constant 1 : i32
        %dma_start3A_179 = arith.constant 0 : i32
        %dma_start3A_180 = arith.constant 0 : i32
        %dma_start3A_181 = tpu.memref_slice %arg9[%dma_start3A_178, %dma_start3A_179, %dma_start3A_180] : memref<2x128x128xf32, #tpu.memory_space<vmem>> -> memref<1x128x128xf32, #tpu.memory_space<vmem>>
        %dma_start3A_182 = tpu.memref_squeeze %dma_start3A_181 : memref<1x128x128xf32, #tpu.memory_space<vmem>> -> memref<128x128xf32, #tpu.memory_space<vmem>>
        %dma_start3A_183 = tpu.memref_slice %arg6[%mul3A_177] : memref<10112xi32, #tpu.memory_space<vmem>> -> memref<128xi32, #tpu.memory_space<vmem>>
        %dma_start3A_184 = arith.constant 0 : i32
        %dma_start3A_185 = arith.constant 0 : i32
        %dma_start3A_186 = tpu.memref_slice %arg2[%dma_start3A_184, %dma_start3A_185] : memref<10000x128xf32, #tpu.memory_space<hbm>> -> memref<10000x128xf32, #tpu.memory_space<hbm>>
        tpu.enqueue_indirect_dma source(%dma_start3A_186 : memref<10000x128xf32, #tpu.memory_space<hbm>>) target(%dma_start3A_182 : memref<128x128xf32, #tpu.memory_space<vmem>>) offsets(%dma_start3A_183 : memref<128xi32, #tpu.memory_space<vmem>>) semaphore(%arg12 : memref<!tpu.dma_semaphore, #tpu.memory_space<semaphore_mem>>)
        %add3A_187 = arith.constant 1 : i32
        %add3A_188 = arith.addi %add3A_104, %add3A_187 : i32
        %dma_start3A_189 = arith.constant 0 : i32
        %dma_start3A_190 = arith.constant 0 : i32
        %dma_start3A_191 = tpu.memref_slice %arg8[%dma_start3A_189, %dma_start3A_190] : memref<8x128xi32, #tpu.memory_space<vmem>> -> memref<1x128xi32, #tpu.memory_space<vmem>>
        %dma_start3A_192 = arith.constant 0 : i32
        %dma_start3A_193 = arith.constant 0 : i32
        %dma_start3A_194 = tpu.memref_slice %arg4[%add3A, %add3A_188, %dma_start3A_192, %dma_start3A_193] : memref<32x79x1x128xi32, #tpu.memory_space<hbm>> -> memref<1x1x1x128xi32, #tpu.memory_space<hbm>>
        %dma_start3A_195 = tpu.memref_squeeze %dma_start3A_194 : memref<1x1x1x128xi32, #tpu.memory_space<hbm>> -> memref<1x128xi32, #tpu.memory_space<hbm>>
        %dma_start3A_196 = arith.constant 0 : i32
        %dma_start3A_197 = arith.constant 0 : i32
        %dma_start3A_198 = tpu.memref_slice %arg8[%dma_start3A_196, %dma_start3A_197] : memref<8x128xi32, #tpu.memory_space<vmem>> -> memref<1x128xi32, #tpu.memory_space<vmem>>
        %dma_start3A_199 = arith.constant 0 : i32
        %dma_start3A_200 = arith.constant 0 : i32
        %dma_start3A_201 = tpu.memref_slice %arg4[%add3A, %add3A_188, %dma_start3A_199, %dma_start3A_200] : memref<32x79x1x128xi32, #tpu.memory_space<hbm>> -> memref<1x1x1x128xi32, #tpu.memory_space<hbm>>
        %dma_start3A_202 = tpu.memref_squeeze %dma_start3A_201 : memref<1x1x1x128xi32, #tpu.memory_space<hbm>> -> memref<1x128xi32, #tpu.memory_space<hbm>>
        tpu.enqueue_dma source(%dma_start3A_202 : memref<1x128xi32, #tpu.memory_space<hbm>>) target(%dma_start3A_198 : memref<1x128xi32, #tpu.memory_space<vmem>>) target_semaphore(%arg14 : memref<!tpu.dma_semaphore, #tpu.memory_space<semaphore_mem>>)
      } else {
      }
      %mul3A_109 = arith.constant 128 : i32
      %mul3A_110 = arith.muli %add3A_104, %mul3A_109 : i32
      %dma_wait3A_111 = arith.constant 0 : i32
      %dma_wait3A_112 = arith.constant 0 : i32
      %dma_wait3A_113 = arith.constant 0 : i32
      %dma_wait3A_114 = tpu.memref_slice %arg9[%dma_wait3A_111, %dma_wait3A_112, %dma_wait3A_113] : memref<2x128x128xf32, #tpu.memory_space<vmem>> -> memref<1x128x128xf32, #tpu.memory_space<vmem>>
      %dma_wait3A_115 = tpu.memref_squeeze %dma_wait3A_114 : memref<1x128x128xf32, #tpu.memory_space<vmem>> -> memref<128x128xf32, #tpu.memory_space<vmem>>
      %dma_wait3A_116 = tpu.memref_slice %arg6[%mul3A_110] : memref<10112xi32, #tpu.memory_space<vmem>> -> memref<128xi32, #tpu.memory_space<vmem>>
      %dma_wait3A_117 = arith.constant 0 : i32
      %dma_wait3A_118 = arith.constant 0 : i32
      %dma_wait3A_119 = tpu.memref_slice %arg2[%dma_wait3A_117, %dma_wait3A_118] : memref<10000x128xf32, #tpu.memory_space<hbm>> -> memref<10000x128xf32, #tpu.memory_space<hbm>>
      tpu.wait_indirect_dma semaphore(%arg11 : memref<!tpu.dma_semaphore, #tpu.memory_space<semaphore_mem>>) src(%dma_wait3A_119 : memref<10000x128xf32, #tpu.memory_space<hbm>>) dst(%dma_wait3A_115 : memref<128x128xf32, #tpu.memory_space<vmem>>)
      %dma_wait3A_120 = arith.constant 0 : i32
      %dma_wait3A_121 = arith.constant 0 : i32
      %dma_wait3A_122 = tpu.memref_slice %arg7[%dma_wait3A_120, %dma_wait3A_121] : memref<8x128xi32, #tpu.memory_space<vmem>> -> memref<1x128xi32, #tpu.memory_space<vmem>>
      %dma_wait3A_123 = arith.constant 0 : i32
      %dma_wait3A_124 = arith.constant 0 : i32
      %dma_wait3A_125 = tpu.memref_slice %arg4[%add3A, %add3A_104, %dma_wait3A_123, %dma_wait3A_124] : memref<32x79x1x128xi32, #tpu.memory_space<hbm>> -> memref<1x1x1x128xi32, #tpu.memory_space<hbm>>
      %dma_wait3A_126 = tpu.memref_squeeze %dma_wait3A_125 : memref<1x1x1x128xi32, #tpu.memory_space<hbm>> -> memref<1x128xi32, #tpu.memory_space<hbm>>
      %dma_wait3A_127 = arith.constant 0 : i32
      %dma_wait3A_128 = arith.constant 0 : i32
      %dma_wait3A_129 = tpu.memref_slice %arg7[%dma_wait3A_127, %dma_wait3A_128] : memref<8x128xi32, #tpu.memory_space<vmem>> -> memref<1x128xi32, #tpu.memory_space<vmem>>
      %dma_wait3A_130 = arith.constant 0 : i32
      %dma_wait3A_131 = arith.constant 0 : i32
      %dma_wait3A_132 = tpu.memref_slice %arg4[%add3A, %add3A_104, %dma_wait3A_130, %dma_wait3A_131] : memref<32x79x1x128xi32, #tpu.memory_space<hbm>> -> memref<1x1x1x128xi32, #tpu.memory_space<hbm>>
      %dma_wait3A_133 = tpu.memref_squeeze %dma_wait3A_132 : memref<1x1x1x128xi32, #tpu.memory_space<hbm>> -> memref<1x128xi32, #tpu.memory_space<hbm>>
      tpu.wait_dma2 semaphore(%arg13 : memref<!tpu.dma_semaphore, #tpu.memory_space<semaphore_mem>>) src(%dma_wait3A_133 : memref<1x128xi32, #tpu.memory_space<hbm>>) dst(%dma_wait3A_129 : memref<1x128xi32, #tpu.memory_space<vmem>>)
      %run_scoped3A_134 = arith.constant 0 : i32
      %run_scoped3A_135 = arith.constant 0 : i32
      "tpu.region"() ({
        %run_scoped3A_174 = tpu.sem_alloc : memref<!tpu.dma_semaphore, #tpu.memory_space<semaphore_mem>>
        %dma_start3A_175 = arith.constant 0 : i32
        %dma_start3A_176 = arith.constant 0 : i32
        %dma_start3A_177 = tpu.memref_slice %arg9[%run_scoped3A_134, %dma_start3A_175, %dma_start3A_176] : memref<2x128x128xf32, #tpu.memory_space<vmem>> -> memref<1x128x128xf32, #tpu.memory_space<vmem>>
        %dma_start3A_178 = tpu.memref_squeeze %dma_start3A_177 : memref<1x128x128xf32, #tpu.memory_space<vmem>> -> memref<128x128xf32, #tpu.memory_space<vmem>>
        %dma_start3A_179 = arith.constant 0 : i32
        %dma_start3A_180 = tpu.memref_slice %arg7[%run_scoped3A_135, %dma_start3A_179] : memref<8x128xi32, #tpu.memory_space<vmem>> -> memref<1x128xi32, #tpu.memory_space<vmem>>
        %dma_start3A_181 = tpu.memref_squeeze %dma_start3A_180 : memref<1x128xi32, #tpu.memory_space<vmem>> -> memref<128xi32, #tpu.memory_space<vmem>>
        %dma_start3A_182 = arith.constant 0 : i32
        %dma_start3A_183 = arith.constant 0 : i32
        %dma_start3A_184 = tpu.memref_slice %arg10[%dma_start3A_182, %dma_start3A_183] : memref<10240x128xf32, #tpu.memory_space<vmem_shared>> -> memref<10240x128xf32, #tpu.memory_space<vmem_shared>>
        tpu.enqueue_indirect_dma source(%dma_start3A_178 : memref<128x128xf32, #tpu.memory_space<vmem>>) target(%dma_start3A_184 : memref<10240x128xf32, #tpu.memory_space<vmem_shared>>) offsets(%dma_start3A_181 : memref<128xi32, #tpu.memory_space<vmem>>) semaphore(%run_scoped3A_174 : memref<!tpu.dma_semaphore, #tpu.memory_space<semaphore_mem>>) {add = true}
        %dma_wait3A_185 = arith.constant 0 : i32
        %dma_wait3A_186 = arith.constant 0 : i32
        %dma_wait3A_187 = tpu.memref_slice %arg9[%run_scoped3A_134, %dma_wait3A_185, %dma_wait3A_186] : memref<2x128x128xf32, #tpu.memory_space<vmem>> -> memref<1x128x128xf32, #tpu.memory_space<vmem>>
        %dma_wait3A_188 = tpu.memref_squeeze %dma_wait3A_187 : memref<1x128x128xf32, #tpu.memory_space<vmem>> -> memref<128x128xf32, #tpu.memory_space<vmem>>
        %dma_wait3A_189 = arith.constant 0 : i32
        %dma_wait3A_190 = tpu.memref_slice %arg7[%run_scoped3A_135, %dma_wait3A_189] : memref<8x128xi32, #tpu.memory_space<vmem>> -> memref<1x128xi32, #tpu.memory_space<vmem>>
        %dma_wait3A_191 = tpu.memref_squeeze %dma_wait3A_190 : memref<1x128xi32, #tpu.memory_space<vmem>> -> memref<128xi32, #tpu.memory_space<vmem>>
        %dma_wait3A_192 = arith.constant 0 : i32
        %dma_wait3A_193 = arith.constant 0 : i32
        %dma_wait3A_194 = tpu.memref_slice %arg10[%dma_wait3A_192, %dma_wait3A_193] : memref<10240x128xf32, #tpu.memory_space<vmem_shared>> -> memref<10240x128xf32, #tpu.memory_space<vmem_shared>>
        tpu.wait_indirect_dma semaphore(%run_scoped3A_174 : memref<!tpu.dma_semaphore, #tpu.memory_space<semaphore_mem>>) src(%dma_wait3A_188 : memref<128x128xf32, #tpu.memory_space<vmem>>) dst(%dma_wait3A_194 : memref<10240x128xf32, #tpu.memory_space<vmem_shared>>)
        tpu.yield
      }) : () -> ()
      %mul3A_136 = arith.constant 2 : i32
      %mul3A_137 = arith.muli %scan3A_100, %mul3A_136 : i32
      %add3A_138 = arith.constant 1 : i32
      %add3A_139 = arith.addi %mul3A_137, %add3A_138 : i32
      %add3A_140 = arith.constant 1 : i32
      %add3A_141 = arith.addi %add3A_139, %add3A_140 : i32
      %lt3A_142 = arith.constant 79 : i32
      %lt3A_143 = arith.cmpi slt, %add3A_141, %lt3A_142 : i32
      %convert_element_type3A_144 = arith.extui %lt3A_143 : i1 to i32
      %cond3A_145 = arith.constant 0 : i32
      %cond3A_146 = arith.cmpi ne, %convert_element_type3A_144, %cond3A_145 : i32
      scf.if %cond3A_146 {
        %add3A_174 = arith.constant 1 : i32
        %add3A_175 = arith.addi %add3A_139, %add3A_174 : i32
        %mul3A_176 = arith.constant 128 : i32
        %mul3A_177 = arith.muli %add3A_175, %mul3A_176 : i32
        %dma_start3A_178 = arith.constant 0 : i32
        %dma_start3A_179 = arith.constant 0 : i32
        %dma_start3A_180 = arith.constant 0 : i32
        %dma_start3A_181 = tpu.memref_slice %arg9[%dma_start3A_178, %dma_start3A_179, %dma_start3A_180] : memref<2x128x128xf32, #tpu.memory_space<vmem>> -> memref<1x128x128xf32, #tpu.memory_space<vmem>>
        %dma_start3A_182 = tpu.memref_squeeze %dma_start3A_181 : memref<1x128x128xf32, #tpu.memory_space<vmem>> -> memref<128x128xf32, #tpu.memory_space<vmem>>
        %dma_start3A_183 = tpu.memref_slice %arg6[%mul3A_177] : memref<10112xi32, #tpu.memory_space<vmem>> -> memref<128xi32, #tpu.memory_space<vmem>>
        %dma_start3A_184 = arith.constant 0 : i32
        %dma_start3A_185 = arith.constant 0 : i32
        %dma_start3A_186 = tpu.memref_slice %arg2[%dma_start3A_184, %dma_start3A_185] : memref<10000x128xf32, #tpu.memory_space<hbm>> -> memref<10000x128xf32, #tpu.memory_space<hbm>>
        tpu.enqueue_indirect_dma source(%dma_start3A_186 : memref<10000x128xf32, #tpu.memory_space<hbm>>) target(%dma_start3A_182 : memref<128x128xf32, #tpu.memory_space<vmem>>) offsets(%dma_start3A_183 : memref<128xi32, #tpu.memory_space<vmem>>) semaphore(%arg11 : memref<!tpu.dma_semaphore, #tpu.memory_space<semaphore_mem>>)
        %add3A_187 = arith.constant 1 : i32
        %add3A_188 = arith.addi %add3A_139, %add3A_187 : i32
        %dma_start3A_189 = arith.constant 0 : i32
        %dma_start3A_190 = arith.constant 0 : i32
        %dma_start3A_191 = tpu.memref_slice %arg7[%dma_start3A_189, %dma_start3A_190] : memref<8x128xi32, #tpu.memory_space<vmem>> -> memref<1x128xi32, #tpu.memory_space<vmem>>
        %dma_start3A_192 = arith.constant 0 : i32
        %dma_start3A_193 = arith.constant 0 : i32
        %dma_start3A_194 = tpu.memref_slice %arg4[%add3A, %add3A_188, %dma_start3A_192, %dma_start3A_193] : memref<32x79x1x128xi32, #tpu.memory_space<hbm>> -> memref<1x1x1x128xi32, #tpu.memory_space<hbm>>
        %dma_start3A_195 = tpu.memref_squeeze %dma_start3A_194 : memref<1x1x1x128xi32, #tpu.memory_space<hbm>> -> memref<1x128xi32, #tpu.memory_space<hbm>>
        %dma_start3A_196 = arith.constant 0 : i32
        %dma_start3A_197 = arith.constant 0 : i32
        %dma_start3A_198 = tpu.memref_slice %arg7[%dma_start3A_196, %dma_start3A_197] : memref<8x128xi32, #tpu.memory_space<vmem>> -> memref<1x128xi32, #tpu.memory_space<vmem>>
        %dma_start3A_199 = arith.constant 0 : i32
        %dma_start3A_200 = arith.constant 0 : i32
        %dma_start3A_201 = tpu.memref_slice %arg4[%add3A, %add3A_188, %dma_start3A_199, %dma_start3A_200] : memref<32x79x1x128xi32, #tpu.memory_space<hbm>> -> memref<1x1x1x128xi32, #tpu.memory_space<hbm>>
        %dma_start3A_202 = tpu.memref_squeeze %dma_start3A_201 : memref<1x1x1x128xi32, #tpu.memory_space<hbm>> -> memref<1x128xi32, #tpu.memory_space<hbm>>
        tpu.enqueue_dma source(%dma_start3A_202 : memref<1x128xi32, #tpu.memory_space<hbm>>) target(%dma_start3A_198 : memref<1x128xi32, #tpu.memory_space<vmem>>) target_semaphore(%arg13 : memref<!tpu.dma_semaphore, #tpu.memory_space<semaphore_mem>>)
      } else {
      }
      %mul3A_147 = arith.constant 128 : i32
      %mul3A_148 = arith.muli %add3A_139, %mul3A_147 : i32
      %dma_wait3A_149 = arith.constant 1 : i32
      %dma_wait3A_150 = arith.constant 0 : i32
      %dma_wait3A_151 = arith.constant 0 : i32
      %dma_wait3A_152 = tpu.memref_slice %arg9[%dma_wait3A_149, %dma_wait3A_150, %dma_wait3A_151] : memref<2x128x128xf32, #tpu.memory_space<vmem>> -> memref<1x128x128xf32, #tpu.memory_space<vmem>>
      %dma_wait3A_153 = tpu.memref_squeeze %dma_wait3A_152 : memref<1x128x128xf32, #tpu.memory_space<vmem>> -> memref<128x128xf32, #tpu.memory_space<vmem>>
      %dma_wait3A_154 = tpu.memref_slice %arg6[%mul3A_148] : memref<10112xi32, #tpu.memory_space<vmem>> -> memref<128xi32, #tpu.memory_space<vmem>>
      %dma_wait3A_155 = arith.constant 0 : i32
      %dma_wait3A_156 = arith.constant 0 : i32
      %dma_wait3A_157 = tpu.memref_slice %arg2[%dma_wait3A_155, %dma_wait3A_156] : memref<10000x128xf32, #tpu.memory_space<hbm>> -> memref<10000x128xf32, #tpu.memory_space<hbm>>
      tpu.wait_indirect_dma semaphore(%arg12 : memref<!tpu.dma_semaphore, #tpu.memory_space<semaphore_mem>>) src(%dma_wait3A_157 : memref<10000x128xf32, #tpu.memory_space<hbm>>) dst(%dma_wait3A_153 : memref<128x128xf32, #tpu.memory_space<vmem>>)
      %dma_wait3A_158 = arith.constant 0 : i32
      %dma_wait3A_159 = arith.constant 0 : i32
      %dma_wait3A_160 = tpu.memref_slice %arg8[%dma_wait3A_158, %dma_wait3A_159] : memref<8x128xi32, #tpu.memory_space<vmem>> -> memref<1x128xi32, #tpu.memory_space<vmem>>
      %dma_wait3A_161 = arith.constant 0 : i32
      %dma_wait3A_162 = arith.constant 0 : i32
      %dma_wait3A_163 = tpu.memref_slice %arg4[%add3A, %add3A_139, %dma_wait3A_161, %dma_wait3A_162] : memref<32x79x1x128xi32, #tpu.memory_space<hbm>> -> memref<1x1x1x128xi32, #tpu.memory_space<hbm>>
      %dma_wait3A_164 = tpu.memref_squeeze %dma_wait3A_163 : memref<1x1x1x128xi32, #tpu.memory_space<hbm>> -> memref<1x128xi32, #tpu.memory_space<hbm>>
      %dma_wait3A_165 = arith.constant 0 : i32
      %dma_wait3A_166 = arith.constant 0 : i32
      %dma_wait3A_167 = tpu.memref_slice %arg8[%dma_wait3A_165, %dma_wait3A_166] : memref<8x128xi32, #tpu.memory_space<vmem>> -> memref<1x128xi32, #tpu.memory_space<vmem>>
      %dma_wait3A_168 = arith.constant 0 : i32
      %dma_wait3A_169 = arith.constant 0 : i32
      %dma_wait3A_170 = tpu.memref_slice %arg4[%add3A, %add3A_139, %dma_wait3A_168, %dma_wait3A_169] : memref<32x79x1x128xi32, #tpu.memory_space<hbm>> -> memref<1x1x1x128xi32, #tpu.memory_space<hbm>>
      %dma_wait3A_171 = tpu.memref_squeeze %dma_wait3A_170 : memref<1x1x1x128xi32, #tpu.memory_space<hbm>> -> memref<1x128xi32, #tpu.memory_space<hbm>>
      tpu.wait_dma2 semaphore(%arg14 : memref<!tpu.dma_semaphore, #tpu.memory_space<semaphore_mem>>) src(%dma_wait3A_171 : memref<1x128xi32, #tpu.memory_space<hbm>>) dst(%dma_wait3A_167 : memref<1x128xi32, #tpu.memory_space<vmem>>)
      %run_scoped3A_172 = arith.constant 1 : i32
      %run_scoped3A_173 = arith.constant 0 : i32
      "tpu.region"() ({
        %run_scoped3A_174 = tpu.sem_alloc : memref<!tpu.dma_semaphore, #tpu.memory_space<semaphore_mem>>
        %dma_start3A_175 = arith.constant 0 : i32
        %dma_start3A_176 = arith.constant 0 : i32
        %dma_start3A_177 = tpu.memref_slice %arg9[%run_scoped3A_172, %dma_start3A_175, %dma_start3A_176] : memref<2x128x128xf32, #tpu.memory_space<vmem>> -> memref<1x128x128xf32, #tpu.memory_space<vmem>>
        %dma_start3A_178 = tpu.memref_squeeze %dma_start3A_177 : memref<1x128x128xf32, #tpu.memory_space<vmem>> -> memref<128x128xf32, #tpu.memory_space<vmem>>
        %dma_start3A_179 = arith.constant 0 : i32
        %dma_start3A_180 = tpu.memref_slice %arg8[%run_scoped3A_173, %dma_start3A_179] : memref<8x128xi32, #tpu.memory_space<vmem>> -> memref<1x128xi32, #tpu.memory_space<vmem>>
        %dma_start3A_181 = tpu.memref_squeeze %dma_start3A_180 : memref<1x128xi32, #tpu.memory_space<vmem>> -> memref<128xi32, #tpu.memory_space<vmem>>
        %dma_start3A_182 = arith.constant 0 : i32
        %dma_start3A_183 = arith.constant 0 : i32
        %dma_start3A_184 = tpu.memref_slice %arg10[%dma_start3A_182, %dma_start3A_183] : memref<10240x128xf32, #tpu.memory_space<vmem_shared>> -> memref<10240x128xf32, #tpu.memory_space<vmem_shared>>
        tpu.enqueue_indirect_dma source(%dma_start3A_178 : memref<128x128xf32, #tpu.memory_space<vmem>>) target(%dma_start3A_184 : memref<10240x128xf32, #tpu.memory_space<vmem_shared>>) offsets(%dma_start3A_181 : memref<128xi32, #tpu.memory_space<vmem>>) semaphore(%run_scoped3A_174 : memref<!tpu.dma_semaphore, #tpu.memory_space<semaphore_mem>>) {add = true}
        %dma_wait3A_185 = arith.constant 0 : i32
        %dma_wait3A_186 = arith.constant 0 : i32
        %dma_wait3A_187 = tpu.memref_slice %arg9[%run_scoped3A_172, %dma_wait3A_185, %dma_wait3A_186] : memref<2x128x128xf32, #tpu.memory_space<vmem>> -> memref<1x128x128xf32, #tpu.memory_space<vmem>>
        %dma_wait3A_188 = tpu.memref_squeeze %dma_wait3A_187 : memref<1x128x128xf32, #tpu.memory_space<vmem>> -> memref<128x128xf32, #tpu.memory_space<vmem>>
        %dma_wait3A_189 = arith.constant 0 : i32
        %dma_wait3A_190 = tpu.memref_slice %arg8[%run_scoped3A_173, %dma_wait3A_189] : memref<8x128xi32, #tpu.memory_space<vmem>> -> memref<1x128xi32, #tpu.memory_space<vmem>>
        %dma_wait3A_191 = tpu.memref_squeeze %dma_wait3A_190 : memref<1x128xi32, #tpu.memory_space<vmem>> -> memref<128xi32, #tpu.memory_space<vmem>>
        %dma_wait3A_192 = arith.constant 0 : i32
        %dma_wait3A_193 = arith.constant 0 : i32
        %dma_wait3A_194 = tpu.memref_slice %arg10[%dma_wait3A_192, %dma_wait3A_193] : memref<10240x128xf32, #tpu.memory_space<vmem_shared>> -> memref<10240x128xf32, #tpu.memory_space<vmem_shared>>
        tpu.wait_indirect_dma semaphore(%run_scoped3A_174 : memref<!tpu.dma_semaphore, #tpu.memory_space<semaphore_mem>>) src(%dma_wait3A_188 : memref<128x128xf32, #tpu.memory_space<vmem>>) dst(%dma_wait3A_194 : memref<10240x128xf32, #tpu.memory_space<vmem_shared>>)
        tpu.yield
      }) : () -> ()
    }
    %scan3A_67 = arith.constant 39 : i32
    %dma_wait3A_68 = arith.constant 0 : i32
    %dma_wait3A_69 = arith.constant 0 : i32
    %dma_wait3A_70 = arith.constant 0 : i32
    %dma_wait3A_71 = tpu.memref_slice %arg9[%dma_wait3A_68, %dma_wait3A_69, %dma_wait3A_70] : memref<2x128x128xf32, #tpu.memory_space<vmem>> -> memref<1x128x128xf32, #tpu.memory_space<vmem>>
    %dma_wait3A_72 = tpu.memref_squeeze %dma_wait3A_71 : memref<1x128x128xf32, #tpu.memory_space<vmem>> -> memref<128x128xf32, #tpu.memory_space<vmem>>
    %dma_wait3A_73 = arith.constant 9984 : i32
    %dma_wait3A_74 = tpu.memref_slice %arg6[%dma_wait3A_73] : memref<10112xi32, #tpu.memory_space<vmem>> -> memref<128xi32, #tpu.memory_space<vmem>>
    %dma_wait3A_75 = arith.constant 0 : i32
    %dma_wait3A_76 = arith.constant 0 : i32
    %dma_wait3A_77 = tpu.memref_slice %arg2[%dma_wait3A_75, %dma_wait3A_76] : memref<10000x128xf32, #tpu.memory_space<hbm>> -> memref<10000x128xf32, #tpu.memory_space<hbm>>
    tpu.wait_indirect_dma semaphore(%arg11 : memref<!tpu.dma_semaphore, #tpu.memory_space<semaphore_mem>>) src(%dma_wait3A_77 : memref<10000x128xf32, #tpu.memory_space<hbm>>) dst(%dma_wait3A_72 : memref<128x128xf32, #tpu.memory_space<vmem>>)
    %dma_wait3A_78 = arith.constant 78 : i32
    %dma_wait3A_79 = arith.constant 0 : i32
    %dma_wait3A_80 = arith.constant 0 : i32
    %dma_wait3A_81 = tpu.memref_slice %arg7[%dma_wait3A_79, %dma_wait3A_80] : memref<8x128xi32, #tpu.memory_space<vmem>> -> memref<1x128xi32, #tpu.memory_space<vmem>>
    %dma_wait3A_82 = arith.constant 0 : i32
    %dma_wait3A_83 = arith.constant 0 : i32
    %dma_wait3A_84 = tpu.memref_slice %arg4[%add3A, %dma_wait3A_78, %dma_wait3A_82, %dma_wait3A_83] : memref<32x79x1x128xi32, #tpu.memory_space<hbm>> -> memref<1x1x1x128xi32, #tpu.memory_space<hbm>>
    %dma_wait3A_85 = tpu.memref_squeeze %dma_wait3A_84 : memref<1x1x1x128xi32, #tpu.memory_space<hbm>> -> memref<1x128xi32, #tpu.memory_space<hbm>>
    %dma_wait3A_86 = arith.constant 0 : i32
    %dma_wait3A_87 = arith.constant 0 : i32
    %dma_wait3A_88 = tpu.memref_slice %arg7[%dma_wait3A_86, %dma_wait3A_87] : memref<8x128xi32, #tpu.memory_space<vmem>> -> memref<1x128xi32, #tpu.memory_space<vmem>>
    %dma_wait3A_89 = arith.constant 0 : i32
    %dma_wait3A_90 = arith.constant 0 : i32
    %dma_wait3A_91 = tpu.memref_slice %arg4[%add3A, %dma_wait3A_78, %dma_wait3A_89, %dma_wait3A_90] : memref<32x79x1x128xi32, #tpu.memory_space<hbm>> -> memref<1x1x1x128xi32, #tpu.memory_space<hbm>>
    %dma_wait3A_92 = tpu.memref_squeeze %dma_wait3A_91 : memref<1x1x1x128xi32, #tpu.memory_space<hbm>> -> memref<1x128xi32, #tpu.memory_space<hbm>>
    tpu.wait_dma2 semaphore(%arg13 : memref<!tpu.dma_semaphore, #tpu.memory_space<semaphore_mem>>) src(%dma_wait3A_92 : memref<1x128xi32, #tpu.memory_space<hbm>>) dst(%dma_wait3A_88 : memref<1x128xi32, #tpu.memory_space<vmem>>)
    %run_scoped3A_93 = arith.constant 0 : i32
    %run_scoped3A_94 = arith.constant 0 : i32
    "tpu.region"() ({
      %run_scoped3A_100 = tpu.sem_alloc : memref<!tpu.dma_semaphore, #tpu.memory_space<semaphore_mem>>
      %dma_start3A_101 = arith.constant 0 : i32
      %dma_start3A_102 = arith.constant 0 : i32
      %dma_start3A_103 = tpu.memref_slice %arg9[%run_scoped3A_93, %dma_start3A_101, %dma_start3A_102] : memref<2x128x128xf32, #tpu.memory_space<vmem>> -> memref<1x128x128xf32, #tpu.memory_space<vmem>>
      %dma_start3A_104 = tpu.memref_squeeze %dma_start3A_103 : memref<1x128x128xf32, #tpu.memory_space<vmem>> -> memref<128x128xf32, #tpu.memory_space<vmem>>
      %dma_start3A_105 = arith.constant 0 : i32
      %dma_start3A_106 = tpu.memref_slice %arg7[%run_scoped3A_94, %dma_start3A_105] : memref<8x128xi32, #tpu.memory_space<vmem>> -> memref<1x128xi32, #tpu.memory_space<vmem>>
      %dma_start3A_107 = tpu.memref_squeeze %dma_start3A_106 : memref<1x128xi32, #tpu.memory_space<vmem>> -> memref<128xi32, #tpu.memory_space<vmem>>
      %dma_start3A_108 = arith.constant 0 : i32
      %dma_start3A_109 = arith.constant 0 : i32
      %dma_start3A_110 = tpu.memref_slice %arg10[%dma_start3A_108, %dma_start3A_109] : memref<10240x128xf32, #tpu.memory_space<vmem_shared>> -> memref<10240x128xf32, #tpu.memory_space<vmem_shared>>
      tpu.enqueue_indirect_dma source(%dma_start3A_104 : memref<128x128xf32, #tpu.memory_space<vmem>>) target(%dma_start3A_110 : memref<10240x128xf32, #tpu.memory_space<vmem_shared>>) offsets(%dma_start3A_107 : memref<128xi32, #tpu.memory_space<vmem>>) semaphore(%run_scoped3A_100 : memref<!tpu.dma_semaphore, #tpu.memory_space<semaphore_mem>>) {add = true}
      %dma_wait3A_111 = arith.constant 0 : i32
      %dma_wait3A_112 = arith.constant 0 : i32
      %dma_wait3A_113 = tpu.memref_slice %arg9[%run_scoped3A_93, %dma_wait3A_111, %dma_wait3A_112] : memref<2x128x128xf32, #tpu.memory_space<vmem>> -> memref<1x128x128xf32, #tpu.memory_space<vmem>>
      %dma_wait3A_114 = tpu.memref_squeeze %dma_wait3A_113 : memref<1x128x128xf32, #tpu.memory_space<vmem>> -> memref<128x128xf32, #tpu.memory_space<vmem>>
      %dma_wait3A_115 = arith.constant 0 : i32
      %dma_wait3A_116 = tpu.memref_slice %arg7[%run_scoped3A_94, %dma_wait3A_115] : memref<8x128xi32, #tpu.memory_space<vmem>> -> memref<1x128xi32, #tpu.memory_space<vmem>>
      %dma_wait3A_117 = tpu.memref_squeeze %dma_wait3A_116 : memref<1x128xi32, #tpu.memory_space<vmem>> -> memref<128xi32, #tpu.memory_space<vmem>>
      %dma_wait3A_118 = arith.constant 0 : i32
      %dma_wait3A_119 = arith.constant 0 : i32
      %dma_wait3A_120 = tpu.memref_slice %arg10[%dma_wait3A_118, %dma_wait3A_119] : memref<10240x128xf32, #tpu.memory_space<vmem_shared>> -> memref<10240x128xf32, #tpu.memory_space<vmem_shared>>
      tpu.wait_indirect_dma semaphore(%run_scoped3A_100 : memref<!tpu.dma_semaphore, #tpu.memory_space<semaphore_mem>>) src(%dma_wait3A_114 : memref<128x128xf32, #tpu.memory_space<vmem>>) dst(%dma_wait3A_120 : memref<10240x128xf32, #tpu.memory_space<vmem_shared>>)
      tpu.yield
    }) : () -> ()
    %barrier3A_95 = arith.constant 0 : index
    tpu.barrier barrier_id(%barrier3A_95)
    %mul3A_96 = arith.constant 640 : i32
    %mul3A_97 = arith.muli %arg1, %mul3A_96 : i32
    %mul3A_98 = arith.constant 640 : i32
    %mul3A_99 = arith.muli %arg1, %mul3A_98 : i32
    "tpu.region"() ({
      %run_scoped3A_100 = tpu.sem_alloc : memref<!tpu.dma_semaphore, #tpu.memory_space<semaphore_mem>>
      %dma_start3A_101 = arith.constant 0 : i32
      %dma_start3A_102 = tpu.memref_slice %arg5[%arg0, %mul3A_99, %dma_start3A_101] : memref<2x10240x128xf32, #tpu.memory_space<hbm>> -> memref<1x640x128xf32, #tpu.memory_space<hbm>>
      %dma_start3A_103 = tpu.memref_squeeze %dma_start3A_102 : memref<1x640x128xf32, #tpu.memory_space<hbm>> -> memref<640x128xf32, #tpu.memory_space<hbm>>
      %dma_start3A_104 = arith.constant 0 : i32
      %dma_start3A_105 = tpu.memref_slice %arg10[%mul3A_97, %dma_start3A_104] : memref<10240x128xf32, #tpu.memory_space<vmem_shared>> -> memref<640x128xf32, #tpu.memory_space<vmem_shared>>
      tpu.enqueue_dma source(%dma_start3A_105 : memref<640x128xf32, #tpu.memory_space<vmem_shared>>) target(%dma_start3A_103 : memref<640x128xf32, #tpu.memory_space<hbm>>) target_semaphore(%run_scoped3A_100 : memref<!tpu.dma_semaphore, #tpu.memory_space<semaphore_mem>>)
      %dma_wait3A_106 = arith.constant 0 : i32
      %dma_wait3A_107 = tpu.memref_slice %arg5[%arg0, %mul3A_99, %dma_wait3A_106] : memref<2x10240x128xf32, #tpu.memory_space<hbm>> -> memref<1x640x128xf32, #tpu.memory_space<hbm>>
      %dma_wait3A_108 = tpu.memref_squeeze %dma_wait3A_107 : memref<1x640x128xf32, #tpu.memory_space<hbm>> -> memref<640x128xf32, #tpu.memory_space<hbm>>
      %dma_wait3A_109 = arith.constant 0 : i32
      %dma_wait3A_110 = tpu.memref_slice %arg10[%mul3A_97, %dma_wait3A_109] : memref<10240x128xf32, #tpu.memory_space<vmem_shared>> -> memref<640x128xf32, #tpu.memory_space<vmem_shared>>
      tpu.wait_dma2 semaphore(%run_scoped3A_100 : memref<!tpu.dma_semaphore, #tpu.memory_space<semaphore_mem>>) src(%dma_wait3A_110 : memref<640x128xf32, #tpu.memory_space<vmem_shared>>) dst(%dma_wait3A_108 : memref<640x128xf32, #tpu.memory_space<hbm>>)
      tpu.yield
    }) : () -> ()
    return
  }
}

#map = affine_map<(d0, d1) -> (0, 0)>
#map1 = affine_map<(d0, d1) -> (0)>
#map2 = affine_map<(d0, d1) -> (0, 0, 0, 0)>
#map3 = affine_map<(d0, d1) -> (0, 0, 0)>
module attributes {stable_mosaic.version = 14 : i64} {
  func.func @k(%arg0: i32, %arg1: i32, %arg2: memref<10000x128xf32, #tpu.memory_space<hbm>>, %arg3: memref<323584xi32, #tpu.memory_space<hbm>>, %arg4: memref<32x79x1x128xi32, #tpu.memory_space<hbm>>, %arg5: memref<2x10240x128xf32, #tpu.memory_space<hbm>>, %arg6: memref<10112xi32, #tpu.memory_space<vmem>>, %arg7: memref<8x128xi32, #tpu.memory_space<vmem>>, %arg8: memref<8x128xi32, #tpu.memory_space<vmem>>, %arg9: memref<2x128x128xf32, #tpu.memory_space<vmem>>, %arg10: memref<10240x128xf32, #tpu.memory_space<vmem_shared>>, %arg11: memref<!tpu.dma_semaphore, #tpu.memory_space<semaphore_mem>>, %arg12: memref<!tpu.dma_semaphore, #tpu.memory_space<semaphore_mem>>, %arg13: memref<!tpu.dma_semaphore, #tpu.memory_space<semaphore_mem>>, %arg14: memref<!tpu.dma_semaphore, #tpu.memory_space<semaphore_mem>>) attributes {dimension_semantics = [#tpu.dimension_semantics<core_parallel>, #tpu.dimension_semantics<subcore_parallel>], iteration_bounds = array<i64: 2, 16>, scalar_prefetch = 0 : i64, scratch_operands = 9 : i64, tpu.core_type = #tpu.core_type<sc_vector_subcore>, window_params = [{transform_indices = #map}, {transform_indices = #map1}, {transform_indices = #map2}, {transform_indices = #map3}]} {
    %mul3A = arith.constant 16 : i32
    %mul3A_0 = arith.muli %arg0, %mul3A : i32
    %add3A = arith.addi %mul3A_0, %arg1 : i32
    %broadcast_in_dim3A = arith.constant 0.000000e+00 : f32
    %broadcast_in_dim3A_1 = vector.broadcast %broadcast_in_dim3A : f32 to vector<16xf32>
    %mul3A_2 = arith.constant 10112 : i32
    %mul3A_3 = arith.muli %add3A, %mul3A_2 : i32
    %dma_start3A = tpu.memref_slice %arg3[%mul3A_3] : memref<323584xi32, #tpu.memory_space<hbm>> -> memref<10112xi32, #tpu.memory_space<hbm>>
    %dma_start3A_4 = tpu.memref_slice %arg3[%mul3A_3] : memref<323584xi32, #tpu.memory_space<hbm>> -> memref<10112xi32, #tpu.memory_space<hbm>>
    tpu.enqueue_dma source(%dma_start3A_4 : memref<10112xi32, #tpu.memory_space<hbm>>) target(%arg6 : memref<10112xi32, #tpu.memory_space<vmem>>) target_semaphore(%arg11 : memref<!tpu.dma_semaphore, #tpu.memory_space<semaphore_mem>>)
    %scan3A = arith.constant 0 : i32
    %scan3A_5 = arith.constant 0 : i32
    %scan3A_6 = arith.constant 128 : i32
    %scan3A_7 = arith.addi %scan3A_5, %scan3A_6 : i32
    %scan3A_8 = arith.constant 1 : i32
    scf.for %scan3A_100 = %scan3A_5 to %scan3A_7 step %scan3A_8  : i32 {
      %swap3A = arith.constant 0 : i32
      %swap3A_101 = arith.index_cast %swap3A : i32 to index
      %swap3A_102 = arith.index_cast %scan3A_100 : i32 to index
      %swap3A_103 = arith.constant 0 : index
      %swap3A_104 = tpu.vector_load %arg9[%swap3A_101, %swap3A_102, %swap3A_103] {strides = array<i32>} : memref<2x128x128xf32, #tpu.memory_space<vmem>>, vector<1x1x16xf32>,
      %swap3A_105 = vector.shape_cast %swap3A_104 : vector<1x1x16xf32> to vector<16xf32>
      %swap3A_106 = vector.shape_cast %broadcast_in_dim3A_1 : vector<16xf32> to vector<1x1x16xf32>
      tpu.vector_store %arg9[%swap3A_101, %swap3A_102, %swap3A_103], %swap3A_106 {strides = array<i32>} : memref<2x128x128xf32, #tpu.memory_space<vmem>>, vector<1x1x16xf32>,
      %swap3A_107 = arith.constant 0 : i32
      %swap3A_108 = arith.index_cast %swap3A_107 : i32 to index
      %swap3A_109 = arith.index_cast %scan3A_100 : i32 to index
      %swap3A_110 = arith.constant 16 : index
      %swap3A_111 = tpu.vector_load %arg9[%swap3A_108, %swap3A_109, %swap3A_110] {strides = array<i32>} : memref<2x128x128xf32, #tpu.memory_space<vmem>>, vector<1x1x16xf32>,
      %swap3A_112 = vector.shape_cast %swap3A_111 : vector<1x1x16xf32> to vector<16xf32>
      %swap3A_113 = vector.shape_cast %broadcast_in_dim3A_1 : vector<16xf32> to vector<1x1x16xf32>
      tpu.vector_store %arg9[%swap3A_108, %swap3A_109, %swap3A_110], %swap3A_113 {strides = array<i32>} : memref<2x128x128xf32, #tpu.memory_space<vmem>>, vector<1x1x16xf32>,
      %swap3A_114 = arith.constant 0 : i32
      %swap3A_115 = arith.index_cast %swap3A_114 : i32 to index
      %swap3A_116 = arith.index_cast %scan3A_100 : i32 to index
      %swap3A_117 = arith.constant 32 : index
      %swap3A_118 = tpu.vector_load %arg9[%swap3A_115, %swap3A_116, %swap3A_117] {strides = array<i32>} : memref<2x128x128xf32, #tpu.memory_space<vmem>>, vector<1x1x16xf32>,
      %swap3A_119 = vector.shape_cast %swap3A_118 : vector<1x1x16xf32> to vector<16xf32>
      %swap3A_120 = vector.shape_cast %broadcast_in_dim3A_1 : vector<16xf32> to vector<1x1x16xf32>
      tpu.vector_store %arg9[%swap3A_115, %swap3A_116, %swap3A_117], %swap3A_120 {strides = array<i32>} : memref<2x128x128xf32, #tpu.memory_space<vmem>>, vector<1x1x16xf32>,
      %swap3A_121 = arith.constant 0 : i32
      %swap3A_122 = arith.index_cast %swap3A_121 : i32 to index
      %swap3A_123 = arith.index_cast %scan3A_100 : i32 to index
      %swap3A_124 = arith.constant 48 : index
      %swap3A_125 = tpu.vector_load %arg9[%swap3A_122, %swap3A_123, %swap3A_124] {strides = array<i32>} : memref<2x128x128xf32, #tpu.memory_space<vmem>>, vector<1x1x16xf32>,
      %swap3A_126 = vector.shape_cast %swap3A_125 : vector<1x1x16xf32> to vector<16xf32>
      %swap3A_127 = vector.shape_cast %broadcast_in_dim3A_1 : vector<16xf32> to vector<1x1x16xf32>
      tpu.vector_store %arg9[%swap3A_122, %swap3A_123, %swap3A_124], %swap3A_127 {strides = array<i32>} : memref<2x128x128xf32, #tpu.memory_space<vmem>>, vector<1x1x16xf32>,
      %swap3A_128 = arith.constant 0 : i32
      %swap3A_129 = arith.index_cast %swap3A_128 : i32 to index
      %swap3A_130 = arith.index_cast %scan3A_100 : i32 to index
      %swap3A_131 = arith.constant 64 : index
      %swap3A_132 = tpu.vector_load %arg9[%swap3A_129, %swap3A_130, %swap3A_131] {strides = array<i32>} : memref<2x128x128xf32, #tpu.memory_space<vmem>>, vector<1x1x16xf32>,
      %swap3A_133 = vector.shape_cast %swap3A_132 : vector<1x1x16xf32> to vector<16xf32>
      %swap3A_134 = vector.shape_cast %broadcast_in_dim3A_1 : vector<16xf32> to vector<1x1x16xf32>
      tpu.vector_store %arg9[%swap3A_129, %swap3A_130, %swap3A_131], %swap3A_134 {strides = array<i32>} : memref<2x128x128xf32, #tpu.memory_space<vmem>>, vector<1x1x16xf32>,
      %swap3A_135 = arith.constant 0 : i32
      %swap3A_136 = arith.index_cast %swap3A_135 : i32 to index
      %swap3A_137 = arith.index_cast %scan3A_100 : i32 to index
      %swap3A_138 = arith.constant 80 : index
      %swap3A_139 = tpu.vector_load %arg9[%swap3A_136, %swap3A_137, %swap3A_138] {strides = array<i32>} : memref<2x128x128xf32, #tpu.memory_space<vmem>>, vector<1x1x16xf32>,
      %swap3A_140 = vector.shape_cast %swap3A_139 : vector<1x1x16xf32> to vector<16xf32>
      %swap3A_141 = vector.shape_cast %broadcast_in_dim3A_1 : vector<16xf32> to vector<1x1x16xf32>
      tpu.vector_store %arg9[%swap3A_136, %swap3A_137, %swap3A_138], %swap3A_141 {strides = array<i32>} : memref<2x128x128xf32, #tpu.memory_space<vmem>>, vector<1x1x16xf32>,
      %swap3A_142 = arith.constant 0 : i32
      %swap3A_143 = arith.index_cast %swap3A_142 : i32 to index
      %swap3A_144 = arith.index_cast %scan3A_100 : i32 to index
      %swap3A_145 = arith.constant 96 : index
      %swap3A_146 = tpu.vector_load %arg9[%swap3A_143, %swap3A_144, %swap3A_145] {strides = array<i32>} : memref<2x128x128xf32, #tpu.memory_space<vmem>>, vector<1x1x16xf32>,
      %swap3A_147 = vector.shape_cast %swap3A_146 : vector<1x1x16xf32> to vector<16xf32>
      %swap3A_148 = vector.shape_cast %broadcast_in_dim3A_1 : vector<16xf32> to vector<1x1x16xf32>
      tpu.vector_store %arg9[%swap3A_143, %swap3A_144, %swap3A_145], %swap3A_148 {strides = array<i32>} : memref<2x128x128xf32, #tpu.memory_space<vmem>>, vector<1x1x16xf32>,
      %swap3A_149 = arith.constant 0 : i32
      %swap3A_150 = arith.index_cast %swap3A_149 : i32 to index
      %swap3A_151 = arith.index_cast %scan3A_100 : i32 to index
      %swap3A_152 = arith.constant 112 : index
      %swap3A_153 = tpu.vector_load %arg9[%swap3A_150, %swap3A_151, %swap3A_152] {strides = array<i32>} : memref<2x128x128xf32, #tpu.memory_space<vmem>>, vector<1x1x16xf32>,
      %swap3A_154 = vector.shape_cast %swap3A_153 : vector<1x1x16xf32> to vector<16xf32>
      %swap3A_155 = vector.shape_cast %broadcast_in_dim3A_1 : vector<16xf32> to vector<1x1x16xf32>
      tpu.vector_store %arg9[%swap3A_150, %swap3A_151, %swap3A_152], %swap3A_155 {strides = array<i32>} : memref<2x128x128xf32, #tpu.memory_space<vmem>>, vector<1x1x16xf32>,
    }
    %scan3A_9 = arith.constant 128 : i32
    %mul3A_10 = arith.constant 640 : i32
    %mul3A_11 = arith.muli %arg1, %mul3A_10 : i32
    %add3A_12 = arith.constant 0 : i32
    %add3A_13 = arith.addi %mul3A_11, %add3A_12 : i32
    %run_scoped3A = arith.constant 0 : i32
    "tpu.region"() ({
      %run_scoped3A_100 = tpu.sem_alloc : memref<!tpu.dma_semaphore, #tpu.memory_space<semaphore_mem>>
      %dma_start3A_101 = arith.constant 0 : i32
      %dma_start3A_102 = arith.constant 0 : i32
      %dma_start3A_103 = tpu.memref_slice %arg9[%run_scoped3A, %dma_start3A_101, %dma_start3A_102] : memref<2x128x128xf32, #tpu.memory_space<vmem>> -> memref<1x128x128xf32, #tpu.memory_space<vmem>>
      %dma_start3A_104 = tpu.memref_squeeze %dma_start3A_103 : memref<1x128x128xf32, #tpu.memory_space<vmem>> -> memref<128x128xf32, #tpu.memory_space<vmem>>
      %dma_start3A_105 = arith.constant 0 : i32
      %dma_start3A_106 = tpu.memref_slice %arg10[%add3A_13, %dma_start3A_105] : memref<10240x128xf32, #tpu.memory_space<vmem_shared>> -> memref<128x128xf32, #tpu.memory_space<vmem_shared>>
      %dma_start3A_107 = arith.constant 0 : i32
      %dma_start3A_108 = tpu.memref_slice %arg10[%add3A_13, %dma_start3A_107] : memref<10240x128xf32, #tpu.memory_space<vmem_shared>> -> memref<128x128xf32, #tpu.memory_space<vmem_shared>>
      %dma_start3A_109 = arith.constant 0 : i32
      %dma_start3A_110 = arith.constant 0 : i32
      %dma_start3A_111 = tpu.memref_slice %arg9[%run_scoped3A, %dma_start3A_109, %dma_start3A_110] : memref<2x128x128xf32, #tpu.memory_space<vmem>> -> memref<1x128x128xf32, #tpu.memory_space<vmem>>
      %dma_start3A_112 = tpu.memref_squeeze %dma_start3A_111 : memref<1x128x128xf32, #tpu.memory_space<vmem>> -> memref<128x128xf32, #tpu.memory_space<vmem>>
      tpu.enqueue_dma source(%dma_start3A_112 : memref<128x128xf32, #tpu.memory_space<vmem>>) target(%dma_start3A_108 : memref<128x128xf32, #tpu.memory_space<vmem_shared>>) target_semaphore(%run_scoped3A_100 : memref<!tpu.dma_semaphore, #tpu.memory_space<semaphore_mem>>)
      %dma_wait3A_113 = arith.constant 0 : i32
      %dma_wait3A_114 = arith.constant 0 : i32
      %dma_wait3A_115 = tpu.memref_slice %arg9[%run_scoped3A, %dma_wait3A_113, %dma_wait3A_114] : memref<2x128x128xf32, #tpu.memory_space<vmem>> -> memref<1x128x128xf32, #tpu.memory_space<vmem>>
      %dma_wait3A_116 = tpu.memref_squeeze %dma_wait3A_115 : memref<1x128x128xf32, #tpu.memory_space<vmem>> -> memref<128x128xf32, #tpu.memory_space<vmem>>
      %dma_wait3A_117 = arith.constant 0 : i32
      %dma_wait3A_118 = tpu.memref_slice %arg10[%add3A_13, %dma_wait3A_117] : memref<10240x128xf32, #tpu.memory_space<vmem_shared>> -> memref<128x128xf32, #tpu.memory_space<vmem_shared>>
      %dma_wait3A_119 = arith.constant 0 : i32
      %dma_wait3A_120 = tpu.memref_slice %arg10[%add3A_13, %dma_wait3A_119] : memref<10240x128xf32, #tpu.memory_space<vmem_shared>> -> memref<128x128xf32, #tpu.memory_space<vmem_shared>>
      %dma_wait3A_121 = arith.constant 0 : i32
      %dma_wait3A_122 = arith.constant 0 : i32
      %dma_wait3A_123 = tpu.memref_slice %arg9[%run_scoped3A, %dma_wait3A_121, %dma_wait3A_122] : memref<2x128x128xf32, #tpu.memory_space<vmem>> -> memref<1x128x128xf32, #tpu.memory_space<vmem>>
      %dma_wait3A_124 = tpu.memref_squeeze %dma_wait3A_123 : memref<1x128x128xf32, #tpu.memory_space<vmem>> -> memref<128x128xf32, #tpu.memory_space<vmem>>
      tpu.wait_dma2 semaphore(%run_scoped3A_100 : memref<!tpu.dma_semaphore, #tpu.memory_space<semaphore_mem>>) src(%dma_wait3A_124 : memref<128x128xf32, #tpu.memory_space<vmem>>) dst(%dma_wait3A_120 : memref<128x128xf32, #tpu.memory_space<vmem_shared>>)
      tpu.yield
    }) : () -> ()
    %mul3A_14 = arith.constant 640 : i32
    %mul3A_15 = arith.muli %arg1, %mul3A_14 : i32
    %add3A_16 = arith.constant 128 : i32
    %add3A_17 = arith.addi %mul3A_15, %add3A_16 : i32
    %run_scoped3A_18 = arith.constant 0 : i32
    "tpu.region"() ({
      %run_scoped3A_100 = tpu.sem_alloc : memref<!tpu.dma_semaphore, #tpu.memory_space<semaphore_mem>>
      %dma_start3A_101 = arith.constant 0 : i32
      %dma_start3A_102 = arith.constant 0 : i32
      %dma_start3A_103 = tpu.memref_slice %arg9[%run_scoped3A_18, %dma_start3A_101, %dma_start3A_102] : memref<2x128x128xf32, #tpu.memory_space<vmem>> -> memref<1x128x128xf32, #tpu.memory_space<vmem>>
      %dma_start3A_104 = tpu.memref_squeeze %dma_start3A_103 : memref<1x128x128xf32, #tpu.memory_space<vmem>> -> memref<128x128xf32, #tpu.memory_space<vmem>>
      %dma_start3A_105 = arith.constant 0 : i32
      %dma_start3A_106 = tpu.memref_slice %arg10[%add3A_17, %dma_start3A_105] : memref<10240x128xf32, #tpu.memory_space<vmem_shared>> -> memref<128x128xf32, #tpu.memory_space<vmem_shared>>
      %dma_start3A_107 = arith.constant 0 : i32
      %dma_start3A_108 = tpu.memref_slice %arg10[%add3A_17, %dma_start3A_107] : memref<10240x128xf32, #tpu.memory_space<vmem_shared>> -> memref<128x128xf32, #tpu.memory_space<vmem_shared>>
      %dma_start3A_109 = arith.constant 0 : i32
      %dma_start3A_110 = arith.constant 0 : i32
      %dma_start3A_111 = tpu.memref_slice %arg9[%run_scoped3A_18, %dma_start3A_109, %dma_start3A_110] : memref<2x128x128xf32, #tpu.memory_space<vmem>> -> memref<1x128x128xf32, #tpu.memory_space<vmem>>
      %dma_start3A_112 = tpu.memref_squeeze %dma_start3A_111 : memref<1x128x128xf32, #tpu.memory_space<vmem>> -> memref<128x128xf32, #tpu.memory_space<vmem>>
      tpu.enqueue_dma source(%dma_start3A_112 : memref<128x128xf32, #tpu.memory_space<vmem>>) target(%dma_start3A_108 : memref<128x128xf32, #tpu.memory_space<vmem_shared>>) target_semaphore(%run_scoped3A_100 : memref<!tpu.dma_semaphore, #tpu.memory_space<semaphore_mem>>)
      %dma_wait3A_113 = arith.constant 0 : i32
      %dma_wait3A_114 = arith.constant 0 : i32
      %dma_wait3A_115 = tpu.memref_slice %arg9[%run_scoped3A_18, %dma_wait3A_113, %dma_wait3A_114] : memref<2x128x128xf32, #tpu.memory_space<vmem>> -> memref<1x128x128xf32, #tpu.memory_space<vmem>>
      %dma_wait3A_116 = tpu.memref_squeeze %dma_wait3A_115 : memref<1x128x128xf32, #tpu.memory_space<vmem>> -> memref<128x128xf32, #tpu.memory_space<vmem>>
      %dma_wait3A_117 = arith.constant 0 : i32
      %dma_wait3A_118 = tpu.memref_slice %arg10[%add3A_17, %dma_wait3A_117] : memref<10240x128xf32, #tpu.memory_space<vmem_shared>> -> memref<128x128xf32, #tpu.memory_space<vmem_shared>>
      %dma_wait3A_119 = arith.constant 0 : i32
      %dma_wait3A_120 = tpu.memref_slice %arg10[%add3A_17, %dma_wait3A_119] : memref<10240x128xf32, #tpu.memory_space<vmem_shared>> -> memref<128x128xf32, #tpu.memory_space<vmem_shared>>
      %dma_wait3A_121 = arith.constant 0 : i32
      %dma_wait3A_122 = arith.constant 0 : i32
      %dma_wait3A_123 = tpu.memref_slice %arg9[%run_scoped3A_18, %dma_wait3A_121, %dma_wait3A_122] : memref<2x128x128xf32, #tpu.memory_space<vmem>> -> memref<1x128x128xf32, #tpu.memory_space<vmem>>
      %dma_wait3A_124 = tpu.memref_squeeze %dma_wait3A_123 : memref<1x128x128xf32, #tpu.memory_space<vmem>> -> memref<128x128xf32, #tpu.memory_space<vmem>>
      tpu.wait_dma2 semaphore(%run_scoped3A_100 : memref<!tpu.dma_semaphore, #tpu.memory_space<semaphore_mem>>) src(%dma_wait3A_124 : memref<128x128xf32, #tpu.memory_space<vmem>>) dst(%dma_wait3A_120 : memref<128x128xf32, #tpu.memory_space<vmem_shared>>)
      tpu.yield
    }) : () -> ()
    %mul3A_19 = arith.constant 640 : i32
    %mul3A_20 = arith.muli %arg1, %mul3A_19 : i32
    %add3A_21 = arith.constant 256 : i32
    %add3A_22 = arith.addi %mul3A_20, %add3A_21 : i32
    %run_scoped3A_23 = arith.constant 0 : i32
    "tpu.region"() ({
      %run_scoped3A_100 = tpu.sem_alloc : memref<!tpu.dma_semaphore, #tpu.memory_space<semaphore_mem>>
      %dma_start3A_101 = arith.constant 0 : i32
      %dma_start3A_102 = arith.constant 0 : i32
      %dma_start3A_103 = tpu.memref_slice %arg9[%run_scoped3A_23, %dma_start3A_101, %dma_start3A_102] : memref<2x128x128xf32, #tpu.memory_space<vmem>> -> memref<1x128x128xf32, #tpu.memory_space<vmem>>
      %dma_start3A_104 = tpu.memref_squeeze %dma_start3A_103 : memref<1x128x128xf32, #tpu.memory_space<vmem>> -> memref<128x128xf32, #tpu.memory_space<vmem>>
      %dma_start3A_105 = arith.constant 0 : i32
      %dma_start3A_106 = tpu.memref_slice %arg10[%add3A_22, %dma_start3A_105] : memref<10240x128xf32, #tpu.memory_space<vmem_shared>> -> memref<128x128xf32, #tpu.memory_space<vmem_shared>>
      %dma_start3A_107 = arith.constant 0 : i32
      %dma_start3A_108 = tpu.memref_slice %arg10[%add3A_22, %dma_start3A_107] : memref<10240x128xf32, #tpu.memory_space<vmem_shared>> -> memref<128x128xf32, #tpu.memory_space<vmem_shared>>
      %dma_start3A_109 = arith.constant 0 : i32
      %dma_start3A_110 = arith.constant 0 : i32
      %dma_start3A_111 = tpu.memref_slice %arg9[%run_scoped3A_23, %dma_start3A_109, %dma_start3A_110] : memref<2x128x128xf32, #tpu.memory_space<vmem>> -> memref<1x128x128xf32, #tpu.memory_space<vmem>>
      %dma_start3A_112 = tpu.memref_squeeze %dma_start3A_111 : memref<1x128x128xf32, #tpu.memory_space<vmem>> -> memref<128x128xf32, #tpu.memory_space<vmem>>
      tpu.enqueue_dma source(%dma_start3A_112 : memref<128x128xf32, #tpu.memory_space<vmem>>) target(%dma_start3A_108 : memref<128x128xf32, #tpu.memory_space<vmem_shared>>) target_semaphore(%run_scoped3A_100 : memref<!tpu.dma_semaphore, #tpu.memory_space<semaphore_mem>>)
      %dma_wait3A_113 = arith.constant 0 : i32
      %dma_wait3A_114 = arith.constant 0 : i32
      %dma_wait3A_115 = tpu.memref_slice %arg9[%run_scoped3A_23, %dma_wait3A_113, %dma_wait3A_114] : memref<2x128x128xf32, #tpu.memory_space<vmem>> -> memref<1x128x128xf32, #tpu.memory_space<vmem>>
      %dma_wait3A_116 = tpu.memref_squeeze %dma_wait3A_115 : memref<1x128x128xf32, #tpu.memory_space<vmem>> -> memref<128x128xf32, #tpu.memory_space<vmem>>
      %dma_wait3A_117 = arith.constant 0 : i32
      %dma_wait3A_118 = tpu.memref_slice %arg10[%add3A_22, %dma_wait3A_117] : memref<10240x128xf32, #tpu.memory_space<vmem_shared>> -> memref<128x128xf32, #tpu.memory_space<vmem_shared>>
      %dma_wait3A_119 = arith.constant 0 : i32
      %dma_wait3A_120 = tpu.memref_slice %arg10[%add3A_22, %dma_wait3A_119] : memref<10240x128xf32, #tpu.memory_space<vmem_shared>> -> memref<128x128xf32, #tpu.memory_space<vmem_shared>>
      %dma_wait3A_121 = arith.constant 0 : i32
      %dma_wait3A_122 = arith.constant 0 : i32
      %dma_wait3A_123 = tpu.memref_slice %arg9[%run_scoped3A_23, %dma_wait3A_121, %dma_wait3A_122] : memref<2x128x128xf32, #tpu.memory_space<vmem>> -> memref<1x128x128xf32, #tpu.memory_space<vmem>>
      %dma_wait3A_124 = tpu.memref_squeeze %dma_wait3A_123 : memref<1x128x128xf32, #tpu.memory_space<vmem>> -> memref<128x128xf32, #tpu.memory_space<vmem>>
      tpu.wait_dma2 semaphore(%run_scoped3A_100 : memref<!tpu.dma_semaphore, #tpu.memory_space<semaphore_mem>>) src(%dma_wait3A_124 : memref<128x128xf32, #tpu.memory_space<vmem>>) dst(%dma_wait3A_120 : memref<128x128xf32, #tpu.memory_space<vmem_shared>>)
      tpu.yield
    }) : () -> ()
    %mul3A_24 = arith.constant 640 : i32
    %mul3A_25 = arith.muli %arg1, %mul3A_24 : i32
    %add3A_26 = arith.constant 384 : i32
    %add3A_27 = arith.addi %mul3A_25, %add3A_26 : i32
    %run_scoped3A_28 = arith.constant 0 : i32
    "tpu.region"() ({
      %run_scoped3A_100 = tpu.sem_alloc : memref<!tpu.dma_semaphore, #tpu.memory_space<semaphore_mem>>
      %dma_start3A_101 = arith.constant 0 : i32
      %dma_start3A_102 = arith.constant 0 : i32
      %dma_start3A_103 = tpu.memref_slice %arg9[%run_scoped3A_28, %dma_start3A_101, %dma_start3A_102] : memref<2x128x128xf32, #tpu.memory_space<vmem>> -> memref<1x128x128xf32, #tpu.memory_space<vmem>>
      %dma_start3A_104 = tpu.memref_squeeze %dma_start3A_103 : memref<1x128x128xf32, #tpu.memory_space<vmem>> -> memref<128x128xf32, #tpu.memory_space<vmem>>
      %dma_start3A_105 = arith.constant 0 : i32
      %dma_start3A_106 = tpu.memref_slice %arg10[%add3A_27, %dma_start3A_105] : memref<10240x128xf32, #tpu.memory_space<vmem_shared>> -> memref<128x128xf32, #tpu.memory_space<vmem_shared>>
      %dma_start3A_107 = arith.constant 0 : i32
      %dma_start3A_108 = tpu.memref_slice %arg10[%add3A_27, %dma_start3A_107] : memref<10240x128xf32, #tpu.memory_space<vmem_shared>> -> memref<128x128xf32, #tpu.memory_space<vmem_shared>>
      %dma_start3A_109 = arith.constant 0 : i32
      %dma_start3A_110 = arith.constant 0 : i32
      %dma_start3A_111 = tpu.memref_slice %arg9[%run_scoped3A_28, %dma_start3A_109, %dma_start3A_110] : memref<2x128x128xf32, #tpu.memory_space<vmem>> -> memref<1x128x128xf32, #tpu.memory_space<vmem>>
      %dma_start3A_112 = tpu.memref_squeeze %dma_start3A_111 : memref<1x128x128xf32, #tpu.memory_space<vmem>> -> memref<128x128xf32, #tpu.memory_space<vmem>>
      tpu.enqueue_dma source(%dma_start3A_112 : memref<128x128xf32, #tpu.memory_space<vmem>>) target(%dma_start3A_108 : memref<128x128xf32, #tpu.memory_space<vmem_shared>>) target_semaphore(%run_scoped3A_100 : memref<!tpu.dma_semaphore, #tpu.memory_space<semaphore_mem>>)
      %dma_wait3A_113 = arith.constant 0 : i32
      %dma_wait3A_114 = arith.constant 0 : i32
      %dma_wait3A_115 = tpu.memref_slice %arg9[%run_scoped3A_28, %dma_wait3A_113, %dma_wait3A_114] : memref<2x128x128xf32, #tpu.memory_space<vmem>> -> memref<1x128x128xf32, #tpu.memory_space<vmem>>
      %dma_wait3A_116 = tpu.memref_squeeze %dma_wait3A_115 : memref<1x128x128xf32, #tpu.memory_space<vmem>> -> memref<128x128xf32, #tpu.memory_space<vmem>>
      %dma_wait3A_117 = arith.constant 0 : i32
      %dma_wait3A_118 = tpu.memref_slice %arg10[%add3A_27, %dma_wait3A_117] : memref<10240x128xf32, #tpu.memory_space<vmem_shared>> -> memref<128x128xf32, #tpu.memory_space<vmem_shared>>
      %dma_wait3A_119 = arith.constant 0 : i32
      %dma_wait3A_120 = tpu.memref_slice %arg10[%add3A_27, %dma_wait3A_119] : memref<10240x128xf32, #tpu.memory_space<vmem_shared>> -> memref<128x128xf32, #tpu.memory_space<vmem_shared>>
      %dma_wait3A_121 = arith.constant 0 : i32
      %dma_wait3A_122 = arith.constant 0 : i32
      %dma_wait3A_123 = tpu.memref_slice %arg9[%run_scoped3A_28, %dma_wait3A_121, %dma_wait3A_122] : memref<2x128x128xf32, #tpu.memory_space<vmem>> -> memref<1x128x128xf32, #tpu.memory_space<vmem>>
      %dma_wait3A_124 = tpu.memref_squeeze %dma_wait3A_123 : memref<1x128x128xf32, #tpu.memory_space<vmem>> -> memref<128x128xf32, #tpu.memory_space<vmem>>
      tpu.wait_dma2 semaphore(%run_scoped3A_100 : memref<!tpu.dma_semaphore, #tpu.memory_space<semaphore_mem>>) src(%dma_wait3A_124 : memref<128x128xf32, #tpu.memory_space<vmem>>) dst(%dma_wait3A_120 : memref<128x128xf32, #tpu.memory_space<vmem_shared>>)
      tpu.yield
    }) : () -> ()
    %mul3A_29 = arith.constant 640 : i32
    %mul3A_30 = arith.muli %arg1, %mul3A_29 : i32
    %add3A_31 = arith.constant 512 : i32
    %add3A_32 = arith.addi %mul3A_30, %add3A_31 : i32
    %run_scoped3A_33 = arith.constant 0 : i32
    "tpu.region"() ({
      %run_scoped3A_100 = tpu.sem_alloc : memref<!tpu.dma_semaphore, #tpu.memory_space<semaphore_mem>>
      %dma_start3A_101 = arith.constant 0 : i32
      %dma_start3A_102 = arith.constant 0 : i32
      %dma_start3A_103 = tpu.memref_slice %arg9[%run_scoped3A_33, %dma_start3A_101, %dma_start3A_102] : memref<2x128x128xf32, #tpu.memory_space<vmem>> -> memref<1x128x128xf32, #tpu.memory_space<vmem>>
      %dma_start3A_104 = tpu.memref_squeeze %dma_start3A_103 : memref<1x128x128xf32, #tpu.memory_space<vmem>> -> memref<128x128xf32, #tpu.memory_space<vmem>>
      %dma_start3A_105 = arith.constant 0 : i32
      %dma_start3A_106 = tpu.memref_slice %arg10[%add3A_32, %dma_start3A_105] : memref<10240x128xf32, #tpu.memory_space<vmem_shared>> -> memref<128x128xf32, #tpu.memory_space<vmem_shared>>
      %dma_start3A_107 = arith.constant 0 : i32
      %dma_start3A_108 = tpu.memref_slice %arg10[%add3A_32, %dma_start3A_107] : memref<10240x128xf32, #tpu.memory_space<vmem_shared>> -> memref<128x128xf32, #tpu.memory_space<vmem_shared>>
      %dma_start3A_109 = arith.constant 0 : i32
      %dma_start3A_110 = arith.constant 0 : i32
      %dma_start3A_111 = tpu.memref_slice %arg9[%run_scoped3A_33, %dma_start3A_109, %dma_start3A_110] : memref<2x128x128xf32, #tpu.memory_space<vmem>> -> memref<1x128x128xf32, #tpu.memory_space<vmem>>
      %dma_start3A_112 = tpu.memref_squeeze %dma_start3A_111 : memref<1x128x128xf32, #tpu.memory_space<vmem>> -> memref<128x128xf32, #tpu.memory_space<vmem>>
      tpu.enqueue_dma source(%dma_start3A_112 : memref<128x128xf32, #tpu.memory_space<vmem>>) target(%dma_start3A_108 : memref<128x128xf32, #tpu.memory_space<vmem_shared>>) target_semaphore(%run_scoped3A_100 : memref<!tpu.dma_semaphore, #tpu.memory_space<semaphore_mem>>)
      %dma_wait3A_113 = arith.constant 0 : i32
      %dma_wait3A_114 = arith.constant 0 : i32
      %dma_wait3A_115 = tpu.memref_slice %arg9[%run_scoped3A_33, %dma_wait3A_113, %dma_wait3A_114] : memref<2x128x128xf32, #tpu.memory_space<vmem>> -> memref<1x128x128xf32, #tpu.memory_space<vmem>>
      %dma_wait3A_116 = tpu.memref_squeeze %dma_wait3A_115 : memref<1x128x128xf32, #tpu.memory_space<vmem>> -> memref<128x128xf32, #tpu.memory_space<vmem>>
      %dma_wait3A_117 = arith.constant 0 : i32
      %dma_wait3A_118 = tpu.memref_slice %arg10[%add3A_32, %dma_wait3A_117] : memref<10240x128xf32, #tpu.memory_space<vmem_shared>> -> memref<128x128xf32, #tpu.memory_space<vmem_shared>>
      %dma_wait3A_119 = arith.constant 0 : i32
      %dma_wait3A_120 = tpu.memref_slice %arg10[%add3A_32, %dma_wait3A_119] : memref<10240x128xf32, #tpu.memory_space<vmem_shared>> -> memref<128x128xf32, #tpu.memory_space<vmem_shared>>
      %dma_wait3A_121 = arith.constant 0 : i32
      %dma_wait3A_122 = arith.constant 0 : i32
      %dma_wait3A_123 = tpu.memref_slice %arg9[%run_scoped3A_33, %dma_wait3A_121, %dma_wait3A_122] : memref<2x128x128xf32, #tpu.memory_space<vmem>> -> memref<1x128x128xf32, #tpu.memory_space<vmem>>
      %dma_wait3A_124 = tpu.memref_squeeze %dma_wait3A_123 : memref<1x128x128xf32, #tpu.memory_space<vmem>> -> memref<128x128xf32, #tpu.memory_space<vmem>>
      tpu.wait_dma2 semaphore(%run_scoped3A_100 : memref<!tpu.dma_semaphore, #tpu.memory_space<semaphore_mem>>) src(%dma_wait3A_124 : memref<128x128xf32, #tpu.memory_space<vmem>>) dst(%dma_wait3A_120 : memref<128x128xf32, #tpu.memory_space<vmem_shared>>)
      tpu.yield
    }) : () -> ()
    %mul3A_34 = arith.constant 10112 : i32
    %mul3A_35 = arith.muli %add3A, %mul3A_34 : i32
    %dma_wait3A = tpu.memref_slice %arg3[%mul3A_35] : memref<323584xi32, #tpu.memory_space<hbm>> -> memref<10112xi32, #tpu.memory_space<hbm>>
    %dma_wait3A_36 = tpu.memref_slice %arg3[%mul3A_35] : memref<323584xi32, #tpu.memory_space<hbm>> -> memref<10112xi32, #tpu.memory_space<hbm>>
    tpu.wait_dma2 semaphore(%arg11 : memref<!tpu.dma_semaphore, #tpu.memory_space<semaphore_mem>>) src(%dma_wait3A_36 : memref<10112xi32, #tpu.memory_space<hbm>>) dst(%arg6 : memref<10112xi32, #tpu.memory_space<vmem>>)
    %barrier3A = arith.constant 0 : index
    tpu.barrier barrier_id(%barrier3A)
    %dma_start3A_37 = arith.constant 0 : i32
    %dma_start3A_38 = arith.constant 0 : i32
    %dma_start3A_39 = arith.constant 0 : i32
    %dma_start3A_40 = tpu.memref_slice %arg9[%dma_start3A_37, %dma_start3A_38, %dma_start3A_39] : memref<2x128x128xf32, #tpu.memory_space<vmem>> -> memref<1x128x128xf32, #tpu.memory_space<vmem>>
    %dma_start3A_41 = tpu.memref_squeeze %dma_start3A_40 : memref<1x128x128xf32, #tpu.memory_space<vmem>> -> memref<128x128xf32, #tpu.memory_space<vmem>>
    %dma_start3A_42 = arith.constant 0 : i32
    %dma_start3A_43 = tpu.memref_slice %arg6[%dma_start3A_42] : memref<10112xi32, #tpu.memory_space<vmem>> -> memref<128xi32, #tpu.memory_space<vmem>>
    %dma_start3A_44 = arith.constant 0 : i32
    %dma_start3A_45 = arith.constant 0 : i32
    %dma_start3A_46 = tpu.memref_slice %arg2[%dma_start3A_44, %dma_start3A_45] : memref<10000x128xf32, #tpu.memory_space<hbm>> -> memref<10000x128xf32, #tpu.memory_space<hbm>>
    tpu.enqueue_indirect_dma source(%dma_start3A_46 : memref<10000x128xf32, #tpu.memory_space<hbm>>) target(%dma_start3A_41 : memref<128x128xf32, #tpu.memory_space<vmem>>) offsets(%dma_start3A_43 : memref<128xi32, #tpu.memory_space<vmem>>) semaphore(%arg11 : memref<!tpu.dma_semaphore, #tpu.memory_space<semaphore_mem>>)
    %dma_start3A_47 = arith.constant 0 : i32
    %dma_start3A_48 = arith.constant 0 : i32
    %dma_start3A_49 = arith.constant 0 : i32
    %dma_start3A_50 = tpu.memref_slice %arg7[%dma_start3A_48, %dma_start3A_49] : memref<8x128xi32, #tpu.memory_space<vmem>> -> memref<1x128xi32, #tpu.memory_space<vmem>>
    %dma_start3A_51 = arith.constant 0 : i32
    %dma_start3A_52 = arith.constant 0 : i32
    %dma_start3A_53 = tpu.memref_slice %arg4[%add3A, %dma_start3A_47, %dma_start3A_51, %dma_start3A_52] : memref<32x79x1x128xi32, #tpu.memory_space<hbm>> -> memref<1x1x1x128xi32, #tpu.memory_space<hbm>>
    %dma_start3A_54 = tpu.memref_squeeze %dma_start3A_53 : memref<1x1x1x128xi32, #tpu.memory_space<hbm>> -> memref<1x128xi32, #tpu.memory_space<hbm>>
    %dma_start3A_55 = arith.constant 0 : i32
    %dma_start3A_56 = arith.constant 0 : i32
    %dma_start3A_57 = tpu.memref_slice %arg7[%dma_start3A_55, %dma_start3A_56] : memref<8x128xi32, #tpu.memory_space<vmem>> -> memref<1x128xi32, #tpu.memory_space<vmem>>
    %dma_start3A_58 = arith.constant 0 : i32
    %dma_start3A_59 = arith.constant 0 : i32
    %dma_start3A_60 = tpu.memref_slice %arg4[%add3A, %dma_start3A_47, %dma_start3A_58, %dma_start3A_59] : memref<32x79x1x128xi32, #tpu.memory_space<hbm>> -> memref<1x1x1x128xi32, #tpu.memory_space<hbm>>
    %dma_start3A_61 = tpu.memref_squeeze %dma_start3A_60 : memref<1x1x1x128xi32, #tpu.memory_space<hbm>> -> memref<1x128xi32, #tpu.memory_space<hbm>>
    tpu.enqueue_dma source(%dma_start3A_61 : memref<1x128xi32, #tpu.memory_space<hbm>>) target(%dma_start3A_57 : memref<1x128xi32, #tpu.memory_space<vmem>>) target_semaphore(%arg13 : memref<!tpu.dma_semaphore, #tpu.memory_space<semaphore_mem>>)
    %scan3A_62 = arith.constant 0 : i32
    %scan3A_63 = arith.constant 0 : i32
    %scan3A_64 = arith.constant 39 : i32
    %scan3A_65 = arith.addi %scan3A_63, %scan3A_64 : i32
    %scan3A_66 = arith.constant 1 : i32
    scf.for %scan3A_100 = %scan3A_63 to %scan3A_65 step %scan3A_66  : i32 {
      %mul3A_101 = arith.constant 2 : i32
      %mul3A_102 = arith.muli %scan3A_100, %mul3A_101 : i32
      %add3A_103 = arith.constant 0 : i32
      %add3A_104 = arith.addi %mul3A_102, %add3A_103 : i32
      %add3A_105 = arith.constant 1 : i32
      %add3A_106 = arith.addi %add3A_104, %add3A_105 : i32
      %lt3A = arith.constant 79 : i32
      %lt3A_107 = arith.cmpi slt, %add3A_106, %lt3A : i32
      %convert_element_type3A = arith.extui %lt3A_107 : i1 to i32
      %cond3A = arith.constant 0 : i32
      %cond3A_108 = arith.cmpi ne, %convert_element_type3A, %cond3A : i32
      scf.if %cond3A_108 {
        %add3A_174 = arith.constant 1 : i32
        %add3A_175 = arith.addi %add3A_104, %add3A_174 : i32
        %mul3A_176 = arith.constant 128 : i32
        %mul3A_177 = arith.muli %add3A_175, %mul3A_176 : i32
        %dma_start3A_178 = arith.constant 1 : i32
        %dma_start3A_179 = arith.constant 0 : i32
        %dma_start3A_180 = arith.constant 0 : i32
        %dma_start3A_181 = tpu.memref_slice %arg9[%dma_start3A_178, %dma_start3A_179, %dma_start3A_180] : memref<2x128x128xf32, #tpu.memory_space<vmem>> -> memref<1x128x128xf32, #tpu.memory_space<vmem>>
        %dma_start3A_182 = tpu.memref_squeeze %dma_start3A_181 : memref<1x128x128xf32, #tpu.memory_space<vmem>> -> memref<128x128xf32, #tpu.memory_space<vmem>>
        %dma_start3A_183 = tpu.memref_slice %arg6[%mul3A_177] : memref<10112xi32, #tpu.memory_space<vmem>> -> memref<128xi32, #tpu.memory_space<vmem>>
        %dma_start3A_184 = arith.constant 0 : i32
        %dma_start3A_185 = arith.constant 0 : i32
        %dma_start3A_186 = tpu.memref_slice %arg2[%dma_start3A_184, %dma_start3A_185] : memref<10000x128xf32, #tpu.memory_space<hbm>> -> memref<10000x128xf32, #tpu.memory_space<hbm>>
        tpu.enqueue_indirect_dma source(%dma_start3A_186 : memref<10000x128xf32, #tpu.memory_space<hbm>>) target(%dma_start3A_182 : memref<128x128xf32, #tpu.memory_space<vmem>>) offsets(%dma_start3A_183 : memref<128xi32, #tpu.memory_space<vmem>>) semaphore(%arg12 : memref<!tpu.dma_semaphore, #tpu.memory_space<semaphore_mem>>)
        %add3A_187 = arith.constant 1 : i32
        %add3A_188 = arith.addi %add3A_104, %add3A_187 : i32
        %dma_start3A_189 = arith.constant 0 : i32
        %dma_start3A_190 = arith.constant 0 : i32
        %dma_start3A_191 = tpu.memref_slice %arg8[%dma_start3A_189, %dma_start3A_190] : memref<8x128xi32, #tpu.memory_space<vmem>> -> memref<1x128xi32, #tpu.memory_space<vmem>>
        %dma_start3A_192 = arith.constant 0 : i32
        %dma_start3A_193 = arith.constant 0 : i32
        %dma_start3A_194 = tpu.memref_slice %arg4[%add3A, %add3A_188, %dma_start3A_192, %dma_start3A_193] : memref<32x79x1x128xi32, #tpu.memory_space<hbm>> -> memref<1x1x1x128xi32, #tpu.memory_space<hbm>>
        %dma_start3A_195 = tpu.memref_squeeze %dma_start3A_194 : memref<1x1x1x128xi32, #tpu.memory_space<hbm>> -> memref<1x128xi32, #tpu.memory_space<hbm>>
        %dma_start3A_196 = arith.constant 0 : i32
        %dma_start3A_197 = arith.constant 0 : i32
        %dma_start3A_198 = tpu.memref_slice %arg8[%dma_start3A_196, %dma_start3A_197] : memref<8x128xi32, #tpu.memory_space<vmem>> -> memref<1x128xi32, #tpu.memory_space<vmem>>
        %dma_start3A_199 = arith.constant 0 : i32
        %dma_start3A_200 = arith.constant 0 : i32
        %dma_start3A_201 = tpu.memref_slice %arg4[%add3A, %add3A_188, %dma_start3A_199, %dma_start3A_200] : memref<32x79x1x128xi32, #tpu.memory_space<hbm>> -> memref<1x1x1x128xi32, #tpu.memory_space<hbm>>
        %dma_start3A_202 = tpu.memref_squeeze %dma_start3A_201 : memref<1x1x1x128xi32, #tpu.memory_space<hbm>> -> memref<1x128xi32, #tpu.memory_space<hbm>>
        tpu.enqueue_dma source(%dma_start3A_202 : memref<1x128xi32, #tpu.memory_space<hbm>>) target(%dma_start3A_198 : memref<1x128xi32, #tpu.memory_space<vmem>>) target_semaphore(%arg14 : memref<!tpu.dma_semaphore, #tpu.memory_space<semaphore_mem>>)
      } else {
      }
      %mul3A_109 = arith.constant 128 : i32
      %mul3A_110 = arith.muli %add3A_104, %mul3A_109 : i32
      %dma_wait3A_111 = arith.constant 0 : i32
      %dma_wait3A_112 = arith.constant 0 : i32
      %dma_wait3A_113 = arith.constant 0 : i32
      %dma_wait3A_114 = tpu.memref_slice %arg9[%dma_wait3A_111, %dma_wait3A_112, %dma_wait3A_113] : memref<2x128x128xf32, #tpu.memory_space<vmem>> -> memref<1x128x128xf32, #tpu.memory_space<vmem>>
      %dma_wait3A_115 = tpu.memref_squeeze %dma_wait3A_114 : memref<1x128x128xf32, #tpu.memory_space<vmem>> -> memref<128x128xf32, #tpu.memory_space<vmem>>
      %dma_wait3A_116 = tpu.memref_slice %arg6[%mul3A_110] : memref<10112xi32, #tpu.memory_space<vmem>> -> memref<128xi32, #tpu.memory_space<vmem>>
      %dma_wait3A_117 = arith.constant 0 : i32
      %dma_wait3A_118 = arith.constant 0 : i32
      %dma_wait3A_119 = tpu.memref_slice %arg2[%dma_wait3A_117, %dma_wait3A_118] : memref<10000x128xf32, #tpu.memory_space<hbm>> -> memref<10000x128xf32, #tpu.memory_space<hbm>>
      tpu.wait_indirect_dma semaphore(%arg11 : memref<!tpu.dma_semaphore, #tpu.memory_space<semaphore_mem>>) src(%dma_wait3A_119 : memref<10000x128xf32, #tpu.memory_space<hbm>>) dst(%dma_wait3A_115 : memref<128x128xf32, #tpu.memory_space<vmem>>)
      %dma_wait3A_120 = arith.constant 0 : i32
      %dma_wait3A_121 = arith.constant 0 : i32
      %dma_wait3A_122 = tpu.memref_slice %arg7[%dma_wait3A_120, %dma_wait3A_121] : memref<8x128xi32, #tpu.memory_space<vmem>> -> memref<1x128xi32, #tpu.memory_space<vmem>>
      %dma_wait3A_123 = arith.constant 0 : i32
      %dma_wait3A_124 = arith.constant 0 : i32
      %dma_wait3A_125 = tpu.memref_slice %arg4[%add3A, %add3A_104, %dma_wait3A_123, %dma_wait3A_124] : memref<32x79x1x128xi32, #tpu.memory_space<hbm>> -> memref<1x1x1x128xi32, #tpu.memory_space<hbm>>
      %dma_wait3A_126 = tpu.memref_squeeze %dma_wait3A_125 : memref<1x1x1x128xi32, #tpu.memory_space<hbm>> -> memref<1x128xi32, #tpu.memory_space<hbm>>
      %dma_wait3A_127 = arith.constant 0 : i32
      %dma_wait3A_128 = arith.constant 0 : i32
      %dma_wait3A_129 = tpu.memref_slice %arg7[%dma_wait3A_127, %dma_wait3A_128] : memref<8x128xi32, #tpu.memory_space<vmem>> -> memref<1x128xi32, #tpu.memory_space<vmem>>
      %dma_wait3A_130 = arith.constant 0 : i32
      %dma_wait3A_131 = arith.constant 0 : i32
      %dma_wait3A_132 = tpu.memref_slice %arg4[%add3A, %add3A_104, %dma_wait3A_130, %dma_wait3A_131] : memref<32x79x1x128xi32, #tpu.memory_space<hbm>> -> memref<1x1x1x128xi32, #tpu.memory_space<hbm>>
      %dma_wait3A_133 = tpu.memref_squeeze %dma_wait3A_132 : memref<1x1x1x128xi32, #tpu.memory_space<hbm>> -> memref<1x128xi32, #tpu.memory_space<hbm>>
      tpu.wait_dma2 semaphore(%arg13 : memref<!tpu.dma_semaphore, #tpu.memory_space<semaphore_mem>>) src(%dma_wait3A_133 : memref<1x128xi32, #tpu.memory_space<hbm>>) dst(%dma_wait3A_129 : memref<1x128xi32, #tpu.memory_space<vmem>>)
      %run_scoped3A_134 = arith.constant 0 : i32
      %run_scoped3A_135 = arith.constant 0 : i32
      "tpu.region"() ({
        %run_scoped3A_174 = tpu.sem_alloc : memref<!tpu.dma_semaphore, #tpu.memory_space<semaphore_mem>>
        %dma_start3A_175 = arith.constant 0 : i32
        %dma_start3A_176 = arith.constant 0 : i32
        %dma_start3A_177 = tpu.memref_slice %arg9[%run_scoped3A_134, %dma_start3A_175, %dma_start3A_176] : memref<2x128x128xf32, #tpu.memory_space<vmem>> -> memref<1x128x128xf32, #tpu.memory_space<vmem>>
        %dma_start3A_178 = tpu.memref_squeeze %dma_start3A_177 : memref<1x128x128xf32, #tpu.memory_space<vmem>> -> memref<128x128xf32, #tpu.memory_space<vmem>>
        %dma_start3A_179 = arith.constant 0 : i32
        %dma_start3A_180 = tpu.memref_slice %arg7[%run_scoped3A_135, %dma_start3A_179] : memref<8x128xi32, #tpu.memory_space<vmem>> -> memref<1x128xi32, #tpu.memory_space<vmem>>
        %dma_start3A_181 = tpu.memref_squeeze %dma_start3A_180 : memref<1x128xi32, #tpu.memory_space<vmem>> -> memref<128xi32, #tpu.memory_space<vmem>>
        %dma_start3A_182 = arith.constant 0 : i32
        %dma_start3A_183 = arith.constant 0 : i32
        %dma_start3A_184 = tpu.memref_slice %arg10[%dma_start3A_182, %dma_start3A_183] : memref<10240x128xf32, #tpu.memory_space<vmem_shared>> -> memref<10240x128xf32, #tpu.memory_space<vmem_shared>>
        tpu.enqueue_indirect_dma source(%dma_start3A_178 : memref<128x128xf32, #tpu.memory_space<vmem>>) target(%dma_start3A_184 : memref<10240x128xf32, #tpu.memory_space<vmem_shared>>) offsets(%dma_start3A_181 : memref<128xi32, #tpu.memory_space<vmem>>) semaphore(%run_scoped3A_174 : memref<!tpu.dma_semaphore, #tpu.memory_space<semaphore_mem>>) {add = true}
        %dma_wait3A_185 = arith.constant 0 : i32
        %dma_wait3A_186 = arith.constant 0 : i32
        %dma_wait3A_187 = tpu.memref_slice %arg9[%run_scoped3A_134, %dma_wait3A_185, %dma_wait3A_186] : memref<2x128x128xf32, #tpu.memory_space<vmem>> -> memref<1x128x128xf32, #tpu.memory_space<vmem>>
        %dma_wait3A_188 = tpu.memref_squeeze %dma_wait3A_187 : memref<1x128x128xf32, #tpu.memory_space<vmem>> -> memref<128x128xf32, #tpu.memory_space<vmem>>
        %dma_wait3A_189 = arith.constant 0 : i32
        %dma_wait3A_190 = tpu.memref_slice %arg7[%run_scoped3A_135, %dma_wait3A_189] : memref<8x128xi32, #tpu.memory_space<vmem>> -> memref<1x128xi32, #tpu.memory_space<vmem>>
        %dma_wait3A_191 = tpu.memref_squeeze %dma_wait3A_190 : memref<1x128xi32, #tpu.memory_space<vmem>> -> memref<128xi32, #tpu.memory_space<vmem>>
        %dma_wait3A_192 = arith.constant 0 : i32
        %dma_wait3A_193 = arith.constant 0 : i32
        %dma_wait3A_194 = tpu.memref_slice %arg10[%dma_wait3A_192, %dma_wait3A_193] : memref<10240x128xf32, #tpu.memory_space<vmem_shared>> -> memref<10240x128xf32, #tpu.memory_space<vmem_shared>>
        tpu.wait_indirect_dma semaphore(%run_scoped3A_174 : memref<!tpu.dma_semaphore, #tpu.memory_space<semaphore_mem>>) src(%dma_wait3A_188 : memref<128x128xf32, #tpu.memory_space<vmem>>) dst(%dma_wait3A_194 : memref<10240x128xf32, #tpu.memory_space<vmem_shared>>)
        tpu.yield
      }) : () -> ()
      %mul3A_136 = arith.constant 2 : i32
      %mul3A_137 = arith.muli %scan3A_100, %mul3A_136 : i32
      %add3A_138 = arith.constant 1 : i32
      %add3A_139 = arith.addi %mul3A_137, %add3A_138 : i32
      %add3A_140 = arith.constant 1 : i32
      %add3A_141 = arith.addi %add3A_139, %add3A_140 : i32
      %lt3A_142 = arith.constant 79 : i32
      %lt3A_143 = arith.cmpi slt, %add3A_141, %lt3A_142 : i32
      %convert_element_type3A_144 = arith.extui %lt3A_143 : i1 to i32
      %cond3A_145 = arith.constant 0 : i32
      %cond3A_146 = arith.cmpi ne, %convert_element_type3A_144, %cond3A_145 : i32
      scf.if %cond3A_146 {
        %add3A_174 = arith.constant 1 : i32
        %add3A_175 = arith.addi %add3A_139, %add3A_174 : i32
        %mul3A_176 = arith.constant 128 : i32
        %mul3A_177 = arith.muli %add3A_175, %mul3A_176 : i32
        %dma_start3A_178 = arith.constant 0 : i32
        %dma_start3A_179 = arith.constant 0 : i32
        %dma_start3A_180 = arith.constant 0 : i32
        %dma_start3A_181 = tpu.memref_slice %arg9[%dma_start3A_178, %dma_start3A_179, %dma_start3A_180] : memref<2x128x128xf32, #tpu.memory_space<vmem>> -> memref<1x128x128xf32, #tpu.memory_space<vmem>>
        %dma_start3A_182 = tpu.memref_squeeze %dma_start3A_181 : memref<1x128x128xf32, #tpu.memory_space<vmem>> -> memref<128x128xf32, #tpu.memory_space<vmem>>
        %dma_start3A_183 = tpu.memref_slice %arg6[%mul3A_177] : memref<10112xi32, #tpu.memory_space<vmem>> -> memref<128xi32, #tpu.memory_space<vmem>>
        %dma_start3A_184 = arith.constant 0 : i32
        %dma_start3A_185 = arith.constant 0 : i32
        %dma_start3A_186 = tpu.memref_slice %arg2[%dma_start3A_184, %dma_start3A_185] : memref<10000x128xf32, #tpu.memory_space<hbm>> -> memref<10000x128xf32, #tpu.memory_space<hbm>>
        tpu.enqueue_indirect_dma source(%dma_start3A_186 : memref<10000x128xf32, #tpu.memory_space<hbm>>) target(%dma_start3A_182 : memref<128x128xf32, #tpu.memory_space<vmem>>) offsets(%dma_start3A_183 : memref<128xi32, #tpu.memory_space<vmem>>) semaphore(%arg11 : memref<!tpu.dma_semaphore, #tpu.memory_space<semaphore_mem>>)
        %add3A_187 = arith.constant 1 : i32
        %add3A_188 = arith.addi %add3A_139, %add3A_187 : i32
        %dma_start3A_189 = arith.constant 0 : i32
        %dma_start3A_190 = arith.constant 0 : i32
        %dma_start3A_191 = tpu.memref_slice %arg7[%dma_start3A_189, %dma_start3A_190] : memref<8x128xi32, #tpu.memory_space<vmem>> -> memref<1x128xi32, #tpu.memory_space<vmem>>
        %dma_start3A_192 = arith.constant 0 : i32
        %dma_start3A_193 = arith.constant 0 : i32
        %dma_start3A_194 = tpu.memref_slice %arg4[%add3A, %add3A_188, %dma_start3A_192, %dma_start3A_193] : memref<32x79x1x128xi32, #tpu.memory_space<hbm>> -> memref<1x1x1x128xi32, #tpu.memory_space<hbm>>
        %dma_start3A_195 = tpu.memref_squeeze %dma_start3A_194 : memref<1x1x1x128xi32, #tpu.memory_space<hbm>> -> memref<1x128xi32, #tpu.memory_space<hbm>>
        %dma_start3A_196 = arith.constant 0 : i32
        %dma_start3A_197 = arith.constant 0 : i32
        %dma_start3A_198 = tpu.memref_slice %arg7[%dma_start3A_196, %dma_start3A_197] : memref<8x128xi32, #tpu.memory_space<vmem>> -> memref<1x128xi32, #tpu.memory_space<vmem>>
        %dma_start3A_199 = arith.constant 0 : i32
        %dma_start3A_200 = arith.constant 0 : i32
        %dma_start3A_201 = tpu.memref_slice %arg4[%add3A, %add3A_188, %dma_start3A_199, %dma_start3A_200] : memref<32x79x1x128xi32, #tpu.memory_space<hbm>> -> memref<1x1x1x128xi32, #tpu.memory_space<hbm>>
        %dma_start3A_202 = tpu.memref_squeeze %dma_start3A_201 : memref<1x1x1x128xi32, #tpu.memory_space<hbm>> -> memref<1x128xi32, #tpu.memory_space<hbm>>
        tpu.enqueue_dma source(%dma_start3A_202 : memref<1x128xi32, #tpu.memory_space<hbm>>) target(%dma_start3A_198 : memref<1x128xi32, #tpu.memory_space<vmem>>) target_semaphore(%arg13 : memref<!tpu.dma_semaphore, #tpu.memory_space<semaphore_mem>>)
      } else {
      }
      %mul3A_147 = arith.constant 128 : i32
      %mul3A_148 = arith.muli %add3A_139, %mul3A_147 : i32
      %dma_wait3A_149 = arith.constant 1 : i32
      %dma_wait3A_150 = arith.constant 0 : i32
      %dma_wait3A_151 = arith.constant 0 : i32
      %dma_wait3A_152 = tpu.memref_slice %arg9[%dma_wait3A_149, %dma_wait3A_150, %dma_wait3A_151] : memref<2x128x128xf32, #tpu.memory_space<vmem>> -> memref<1x128x128xf32, #tpu.memory_space<vmem>>
      %dma_wait3A_153 = tpu.memref_squeeze %dma_wait3A_152 : memref<1x128x128xf32, #tpu.memory_space<vmem>> -> memref<128x128xf32, #tpu.memory_space<vmem>>
      %dma_wait3A_154 = tpu.memref_slice %arg6[%mul3A_148] : memref<10112xi32, #tpu.memory_space<vmem>> -> memref<128xi32, #tpu.memory_space<vmem>>
      %dma_wait3A_155 = arith.constant 0 : i32
      %dma_wait3A_156 = arith.constant 0 : i32
      %dma_wait3A_157 = tpu.memref_slice %arg2[%dma_wait3A_155, %dma_wait3A_156] : memref<10000x128xf32, #tpu.memory_space<hbm>> -> memref<10000x128xf32, #tpu.memory_space<hbm>>
      tpu.wait_indirect_dma semaphore(%arg12 : memref<!tpu.dma_semaphore, #tpu.memory_space<semaphore_mem>>) src(%dma_wait3A_157 : memref<10000x128xf32, #tpu.memory_space<hbm>>) dst(%dma_wait3A_153 : memref<128x128xf32, #tpu.memory_space<vmem>>)
      %dma_wait3A_158 = arith.constant 0 : i32
      %dma_wait3A_159 = arith.constant 0 : i32
      %dma_wait3A_160 = tpu.memref_slice %arg8[%dma_wait3A_158, %dma_wait3A_159] : memref<8x128xi32, #tpu.memory_space<vmem>> -> memref<1x128xi32, #tpu.memory_space<vmem>>
      %dma_wait3A_161 = arith.constant 0 : i32
      %dma_wait3A_162 = arith.constant 0 : i32
      %dma_wait3A_163 = tpu.memref_slice %arg4[%add3A, %add3A_139, %dma_wait3A_161, %dma_wait3A_162] : memref<32x79x1x128xi32, #tpu.memory_space<hbm>> -> memref<1x1x1x128xi32, #tpu.memory_space<hbm>>
      %dma_wait3A_164 = tpu.memref_squeeze %dma_wait3A_163 : memref<1x1x1x128xi32, #tpu.memory_space<hbm>> -> memref<1x128xi32, #tpu.memory_space<hbm>>
      %dma_wait3A_165 = arith.constant 0 : i32
      %dma_wait3A_166 = arith.constant 0 : i32
      %dma_wait3A_167 = tpu.memref_slice %arg8[%dma_wait3A_165, %dma_wait3A_166] : memref<8x128xi32, #tpu.memory_space<vmem>> -> memref<1x128xi32, #tpu.memory_space<vmem>>
      %dma_wait3A_168 = arith.constant 0 : i32
      %dma_wait3A_169 = arith.constant 0 : i32
      %dma_wait3A_170 = tpu.memref_slice %arg4[%add3A, %add3A_139, %dma_wait3A_168, %dma_wait3A_169] : memref<32x79x1x128xi32, #tpu.memory_space<hbm>> -> memref<1x1x1x128xi32, #tpu.memory_space<hbm>>
      %dma_wait3A_171 = tpu.memref_squeeze %dma_wait3A_170 : memref<1x1x1x128xi32, #tpu.memory_space<hbm>> -> memref<1x128xi32, #tpu.memory_space<hbm>>
      tpu.wait_dma2 semaphore(%arg14 : memref<!tpu.dma_semaphore, #tpu.memory_space<semaphore_mem>>) src(%dma_wait3A_171 : memref<1x128xi32, #tpu.memory_space<hbm>>) dst(%dma_wait3A_167 : memref<1x128xi32, #tpu.memory_space<vmem>>)
      %run_scoped3A_172 = arith.constant 1 : i32
      %run_scoped3A_173 = arith.constant 0 : i32
      "tpu.region"() ({
        %run_scoped3A_174 = tpu.sem_alloc : memref<!tpu.dma_semaphore, #tpu.memory_space<semaphore_mem>>
        %dma_start3A_175 = arith.constant 0 : i32
        %dma_start3A_176 = arith.constant 0 : i32
        %dma_start3A_177 = tpu.memref_slice %arg9[%run_scoped3A_172, %dma_start3A_175, %dma_start3A_176] : memref<2x128x128xf32, #tpu.memory_space<vmem>> -> memref<1x128x128xf32, #tpu.memory_space<vmem>>
        %dma_start3A_178 = tpu.memref_squeeze %dma_start3A_177 : memref<1x128x128xf32, #tpu.memory_space<vmem>> -> memref<128x128xf32, #tpu.memory_space<vmem>>
        %dma_start3A_179 = arith.constant 0 : i32
        %dma_start3A_180 = tpu.memref_slice %arg8[%run_scoped3A_173, %dma_start3A_179] : memref<8x128xi32, #tpu.memory_space<vmem>> -> memref<1x128xi32, #tpu.memory_space<vmem>>
        %dma_start3A_181 = tpu.memref_squeeze %dma_start3A_180 : memref<1x128xi32, #tpu.memory_space<vmem>> -> memref<128xi32, #tpu.memory_space<vmem>>
        %dma_start3A_182 = arith.constant 0 : i32
        %dma_start3A_183 = arith.constant 0 : i32
        %dma_start3A_184 = tpu.memref_slice %arg10[%dma_start3A_182, %dma_start3A_183] : memref<10240x128xf32, #tpu.memory_space<vmem_shared>> -> memref<10240x128xf32, #tpu.memory_space<vmem_shared>>
        tpu.enqueue_indirect_dma source(%dma_start3A_178 : memref<128x128xf32, #tpu.memory_space<vmem>>) target(%dma_start3A_184 : memref<10240x128xf32, #tpu.memory_space<vmem_shared>>) offsets(%dma_start3A_181 : memref<128xi32, #tpu.memory_space<vmem>>) semaphore(%run_scoped3A_174 : memref<!tpu.dma_semaphore, #tpu.memory_space<semaphore_mem>>) {add = true}
        %dma_wait3A_185 = arith.constant 0 : i32
        %dma_wait3A_186 = arith.constant 0 : i32
        %dma_wait3A_187 = tpu.memref_slice %arg9[%run_scoped3A_172, %dma_wait3A_185, %dma_wait3A_186] : memref<2x128x128xf32, #tpu.memory_space<vmem>> -> memref<1x128x128xf32, #tpu.memory_space<vmem>>
        %dma_wait3A_188 = tpu.memref_squeeze %dma_wait3A_187 : memref<1x128x128xf32, #tpu.memory_space<vmem>> -> memref<128x128xf32, #tpu.memory_space<vmem>>
        %dma_wait3A_189 = arith.constant 0 : i32
        %dma_wait3A_190 = tpu.memref_slice %arg8[%run_scoped3A_173, %dma_wait3A_189] : memref<8x128xi32, #tpu.memory_space<vmem>> -> memref<1x128xi32, #tpu.memory_space<vmem>>
        %dma_wait3A_191 = tpu.memref_squeeze %dma_wait3A_190 : memref<1x128xi32, #tpu.memory_space<vmem>> -> memref<128xi32, #tpu.memory_space<vmem>>
        %dma_wait3A_192 = arith.constant 0 : i32
        %dma_wait3A_193 = arith.constant 0 : i32
        %dma_wait3A_194 = tpu.memref_slice %arg10[%dma_wait3A_192, %dma_wait3A_193] : memref<10240x128xf32, #tpu.memory_space<vmem_shared>> -> memref<10240x128xf32, #tpu.memory_space<vmem_shared>>
        tpu.wait_indirect_dma semaphore(%run_scoped3A_174 : memref<!tpu.dma_semaphore, #tpu.memory_space<semaphore_mem>>) src(%dma_wait3A_188 : memref<128x128xf32, #tpu.memory_space<vmem>>) dst(%dma_wait3A_194 : memref<10240x128xf32, #tpu.memory_space<vmem_shared>>)
        tpu.yield
      }) : () -> ()
    }
    %scan3A_67 = arith.constant 39 : i32
    %dma_wait3A_68 = arith.constant 0 : i32
    %dma_wait3A_69 = arith.constant 0 : i32
    %dma_wait3A_70 = arith.constant 0 : i32
    %dma_wait3A_71 = tpu.memref_slice %arg9[%dma_wait3A_68, %dma_wait3A_69, %dma_wait3A_70] : memref<2x128x128xf32, #tpu.memory_space<vmem>> -> memref<1x128x128xf32, #tpu.memory_space<vmem>>
    %dma_wait3A_72 = tpu.memref_squeeze %dma_wait3A_71 : memref<1x128x128xf32, #tpu.memory_space<vmem>> -> memref<128x128xf32, #tpu.memory_space<vmem>>
    %dma_wait3A_73 = arith.constant 9984 : i32
    %dma_wait3A_74 = tpu.memref_slice %arg6[%dma_wait3A_73] : memref<10112xi32, #tpu.memory_space<vmem>> -> memref<128xi32, #tpu.memory_space<vmem>>
    %dma_wait3A_75 = arith.constant 0 : i32
    %dma_wait3A_76 = arith.constant 0 : i32
    %dma_wait3A_77 = tpu.memref_slice %arg2[%dma_wait3A_75, %dma_wait3A_76] : memref<10000x128xf32, #tpu.memory_space<hbm>> -> memref<10000x128xf32, #tpu.memory_space<hbm>>
    tpu.wait_indirect_dma semaphore(%arg11 : memref<!tpu.dma_semaphore, #tpu.memory_space<semaphore_mem>>) src(%dma_wait3A_77 : memref<10000x128xf32, #tpu.memory_space<hbm>>) dst(%dma_wait3A_72 : memref<128x128xf32, #tpu.memory_space<vmem>>)
    %dma_wait3A_78 = arith.constant 78 : i32
    %dma_wait3A_79 = arith.constant 0 : i32
    %dma_wait3A_80 = arith.constant 0 : i32
    %dma_wait3A_81 = tpu.memref_slice %arg7[%dma_wait3A_79, %dma_wait3A_80] : memref<8x128xi32, #tpu.memory_space<vmem>> -> memref<1x128xi32, #tpu.memory_space<vmem>>
    %dma_wait3A_82 = arith.constant 0 : i32
    %dma_wait3A_83 = arith.constant 0 : i32
    %dma_wait3A_84 = tpu.memref_slice %arg4[%add3A, %dma_wait3A_78, %dma_wait3A_82, %dma_wait3A_83] : memref<32x79x1x128xi32, #tpu.memory_space<hbm>> -> memref<1x1x1x128xi32, #tpu.memory_space<hbm>>
    %dma_wait3A_85 = tpu.memref_squeeze %dma_wait3A_84 : memref<1x1x1x128xi32, #tpu.memory_space<hbm>> -> memref<1x128xi32, #tpu.memory_space<hbm>>
    %dma_wait3A_86 = arith.constant 0 : i32
    %dma_wait3A_87 = arith.constant 0 : i32
    %dma_wait3A_88 = tpu.memref_slice %arg7[%dma_wait3A_86, %dma_wait3A_87] : memref<8x128xi32, #tpu.memory_space<vmem>> -> memref<1x128xi32, #tpu.memory_space<vmem>>
    %dma_wait3A_89 = arith.constant 0 : i32
    %dma_wait3A_90 = arith.constant 0 : i32
    %dma_wait3A_91 = tpu.memref_slice %arg4[%add3A, %dma_wait3A_78, %dma_wait3A_89, %dma_wait3A_90] : memref<32x79x1x128xi32, #tpu.memory_space<hbm>> -> memref<1x1x1x128xi32, #tpu.memory_space<hbm>>
    %dma_wait3A_92 = tpu.memref_squeeze %dma_wait3A_91 : memref<1x1x1x128xi32, #tpu.memory_space<hbm>> -> memref<1x128xi32, #tpu.memory_space<hbm>>
    tpu.wait_dma2 semaphore(%arg13 : memref<!tpu.dma_semaphore, #tpu.memory_space<semaphore_mem>>) src(%dma_wait3A_92 : memref<1x128xi32, #tpu.memory_space<hbm>>) dst(%dma_wait3A_88 : memref<1x128xi32, #tpu.memory_space<vmem>>)
    %run_scoped3A_93 = arith.constant 0 : i32
    %run_scoped3A_94 = arith.constant 0 : i32
    "tpu.region"() ({
      %run_scoped3A_100 = tpu.sem_alloc : memref<!tpu.dma_semaphore, #tpu.memory_space<semaphore_mem>>
      %dma_start3A_101 = arith.constant 0 : i32
      %dma_start3A_102 = arith.constant 0 : i32
      %dma_start3A_103 = tpu.memref_slice %arg9[%run_scoped3A_93, %dma_start3A_101, %dma_start3A_102] : memref<2x128x128xf32, #tpu.memory_space<vmem>> -> memref<1x128x128xf32, #tpu.memory_space<vmem>>
      %dma_start3A_104 = tpu.memref_squeeze %dma_start3A_103 : memref<1x128x128xf32, #tpu.memory_space<vmem>> -> memref<128x128xf32, #tpu.memory_space<vmem>>
      %dma_start3A_105 = arith.constant 0 : i32
      %dma_start3A_106 = tpu.memref_slice %arg7[%run_scoped3A_94, %dma_start3A_105] : memref<8x128xi32, #tpu.memory_space<vmem>> -> memref<1x128xi32, #tpu.memory_space<vmem>>
      %dma_start3A_107 = tpu.memref_squeeze %dma_start3A_106 : memref<1x128xi32, #tpu.memory_space<vmem>> -> memref<128xi32, #tpu.memory_space<vmem>>
      %dma_start3A_108 = arith.constant 0 : i32
      %dma_start3A_109 = arith.constant 0 : i32
      %dma_start3A_110 = tpu.memref_slice %arg10[%dma_start3A_108, %dma_start3A_109] : memref<10240x128xf32, #tpu.memory_space<vmem_shared>> -> memref<10240x128xf32, #tpu.memory_space<vmem_shared>>
      tpu.enqueue_indirect_dma source(%dma_start3A_104 : memref<128x128xf32, #tpu.memory_space<vmem>>) target(%dma_start3A_110 : memref<10240x128xf32, #tpu.memory_space<vmem_shared>>) offsets(%dma_start3A_107 : memref<128xi32, #tpu.memory_space<vmem>>) semaphore(%run_scoped3A_100 : memref<!tpu.dma_semaphore, #tpu.memory_space<semaphore_mem>>) {add = true}
      %dma_wait3A_111 = arith.constant 0 : i32
      %dma_wait3A_112 = arith.constant 0 : i32
      %dma_wait3A_113 = tpu.memref_slice %arg9[%run_scoped3A_93, %dma_wait3A_111, %dma_wait3A_112] : memref<2x128x128xf32, #tpu.memory_space<vmem>> -> memref<1x128x128xf32, #tpu.memory_space<vmem>>
      %dma_wait3A_114 = tpu.memref_squeeze %dma_wait3A_113 : memref<1x128x128xf32, #tpu.memory_space<vmem>> -> memref<128x128xf32, #tpu.memory_space<vmem>>
      %dma_wait3A_115 = arith.constant 0 : i32
      %dma_wait3A_116 = tpu.memref_slice %arg7[%run_scoped3A_94, %dma_wait3A_115] : memref<8x128xi32, #tpu.memory_space<vmem>> -> memref<1x128xi32, #tpu.memory_space<vmem>>
      %dma_wait3A_117 = tpu.memref_squeeze %dma_wait3A_116 : memref<1x128xi32, #tpu.memory_space<vmem>> -> memref<128xi32, #tpu.memory_space<vmem>>
      %dma_wait3A_118 = arith.constant 0 : i32
      %dma_wait3A_119 = arith.constant 0 : i32
      %dma_wait3A_120 = tpu.memref_slice %arg10[%dma_wait3A_118, %dma_wait3A_119] : memref<10240x128xf32, #tpu.memory_space<vmem_shared>> -> memref<10240x128xf32, #tpu.memory_space<vmem_shared>>
      tpu.wait_indirect_dma semaphore(%run_scoped3A_100 : memref<!tpu.dma_semaphore, #tpu.memory_space<semaphore_mem>>) src(%dma_wait3A_114 : memref<128x128xf32, #tpu.memory_space<vmem>>) dst(%dma_wait3A_120 : memref<10240x128xf32, #tpu.memory_space<vmem_shared>>)
      tpu.yield
    }) : () -> ()
    %barrier3A_95 = arith.constant 0 : index
    tpu.barrier barrier_id(%barrier3A_95)
    %mul3A_96 = arith.constant 640 : i32
    %mul3A_97 = arith.muli %arg1, %mul3A_96 : i32
    %mul3A_98 = arith.constant 640 : i32
    %mul3A_99 = arith.muli %arg1, %mul3A_98 : i32
    "tpu.region"() ({
      %run_scoped3A_100 = tpu.sem_alloc : memref<!tpu.dma_semaphore, #tpu.memory_space<semaphore_mem>>
      %dma_start3A_101 = arith.constant 0 : i32
      %dma_start3A_102 = tpu.memref_slice %arg5[%arg0, %mul3A_99, %dma_start3A_101] : memref<2x10240x128xf32, #tpu.memory_space<hbm>> -> memref<1x640x128xf32, #tpu.memory_space<hbm>>
      %dma_start3A_103 = tpu.memref_squeeze %dma_start3A_102 : memref<1x640x128xf32, #tpu.memory_space<hbm>> -> memref<640x128xf32, #tpu.memory_space<hbm>>
      %dma_start3A_104 = arith.constant 0 : i32
      %dma_start3A_105 = tpu.memref_slice %arg10[%mul3A_97, %dma_start3A_104] : memref<10240x128xf32, #tpu.memory_space<vmem_shared>> -> memref<640x128xf32, #tpu.memory_space<vmem_shared>>
      tpu.enqueue_dma source(%dma_start3A_105 : memref<640x128xf32, #tpu.memory_space<vmem_shared>>) target(%dma_start3A_103 : memref<640x128xf32, #tpu.memory_space<hbm>>) target_semaphore(%run_scoped3A_100 : memref<!tpu.dma_semaphore, #tpu.memory_space<semaphore_mem>>)
      %dma_wait3A_106 = arith.constant 0 : i32
      %dma_wait3A_107 = tpu.memref_slice %arg5[%arg0, %mul3A_99, %dma_wait3A_106] : memref<2x10240x128xf32, #tpu.memory_space<hbm>> -> memref<1x640x128xf32, #tpu.memory_space<hbm>>
      %dma_wait3A_108 = tpu.memref_squeeze %dma_wait3A_107 : memref<1x640x128xf32, #tpu.memory_space<hbm>> -> memref<640x128xf32, #tpu.memory_space<hbm>>
      %dma_wait3A_109 = arith.constant 0 : i32
      %dma_wait3A_110 = tpu.memref_slice %arg10[%mul3A_97, %dma_wait3A_109] : memref<10240x128xf32, #tpu.memory_space<vmem_shared>> -> memref<640x128xf32, #tpu.memory_space<vmem_shared>>
      tpu.wait_dma2 semaphore(%run_scoped3A_100 : memref<!tpu.dma_semaphore, #tpu.memory_space<semaphore_mem>>) src(%dma_wait3A_110 : memref<640x128xf32, #tpu.memory_space<vmem_shared>>) dst(%dma_wait3A_108 : memref<640x128xf32, #tpu.memory_space<hbm>>)
      tpu.yield
    }) : () -> ()
    return
  }
}

module attributes {stable_mosaic.version = 14 : i64} {
  func.func @body(%arg0: i32, %arg1: memref<1xf32, #tpu.memory_space<smem>>, %arg2: memref<2000x128xf32, #tpu.memory_space<vmem>>, %arg3: memref<1x2000x128xf32, #tpu.memory_space<vmem>>, %arg4: memref<1x2000x128xf32, #tpu.memory_space<vmem>>, %arg5: memref<128x256xf32, #tpu.memory_space<vmem>>, %arg6: memref<1x256xf32, #tpu.memory_space<vmem>>, %arg7: memref<256x128xf32, #tpu.memory_space<vmem>>, %arg8: memref<1x128xf32, #tpu.memory_space<vmem>>, %arg9: memref<1x128xf32, #tpu.memory_space<vmem>>, %arg10: memref<1x128xf32, #tpu.memory_space<vmem>>, %arg11: memref<2000x128xf32, #tpu.memory_space<vmem>>) attributes {dimension_semantics = [#tpu.dimension_semantics<arbitrary>], iteration_bounds = array<i64: 5>, scalar_prefetch = 0 : i64, scratch_operands = 0 : i64, tpu.core_type = #tpu.core_type<tc>, window_params = [{transform_indices = @transform_0, window_bounds = array<i64: 1>}, {transform_indices = @transform_1, window_bounds = array<i64: 2000, 128>}, {transform_indices = @transform_2, window_bounds = array<i64: 1, 2000, 128>}, {transform_indices = @transform_3, window_bounds = array<i64: 1, 2000, 128>}, {pipeline_mode = #tpu.pipeline_mode<synchronous>, transform_indices = @transform_4, window_bounds = array<i64: 128, 256>}, {pipeline_mode = #tpu.pipeline_mode<synchronous>, transform_indices = @transform_5, window_bounds = array<i64: 1, 256>}, {pipeline_mode = #tpu.pipeline_mode<synchronous>, transform_indices = @transform_6, window_bounds = array<i64: 256, 128>}, {pipeline_mode = #tpu.pipeline_mode<synchronous>, transform_indices = @transform_7, window_bounds = array<i64: 1, 128>}, {pipeline_mode = #tpu.pipeline_mode<synchronous>, transform_indices = @transform_8, window_bounds = array<i64: 1, 128>}, {pipeline_mode = #tpu.pipeline_mode<synchronous>, transform_indices = @transform_9, window_bounds = array<i64: 1, 128>}, {transform_indices = @transform_10, window_bounds = array<i64: 2000, 128>}]} {
    %get3A = arith.constant 0 : index
    %get3A_0 = memref.load %arg1[%get3A] : memref<1xf32, #tpu.memory_space<smem>>
    %get3A_1 = arith.constant 0 : index
    %get3A_2 = arith.constant 0 : index
    %get3A_3 = vector.load %arg2[%get3A_1, %get3A_2] : memref<2000x128xf32, #tpu.memory_space<vmem>>, vector<2000x128xf32>
    %mul3A = vector.broadcast %get3A_0 : f32 to vector<2000x128xf32>
    %mul3A_4 = arith.mulf %mul3A, %get3A_3 : vector<2000x128xf32>
    %get3A_5 = arith.constant 0 : index
    %get3A_6 = arith.constant 0 : index
    %get3A_7 = arith.constant 0 : index
    %get3A_8 = vector.load %arg3[%get3A_5, %get3A_6, %get3A_7] : memref<1x2000x128xf32, #tpu.memory_space<vmem>>, vector<1x2000x128xf32>
    %get3A_9 = vector.shape_cast %get3A_8 : vector<1x2000x128xf32> to vector<2000x128xf32>
    %add3A = arith.addf %mul3A_4, %get3A_9 : vector<2000x128xf32>
    %get3A_10 = arith.constant 0 : index
    %get3A_11 = arith.constant 0 : index
    %get3A_12 = arith.constant 0 : index
    %get3A_13 = vector.load %arg4[%get3A_10, %get3A_11, %get3A_12] : memref<1x2000x128xf32, #tpu.memory_space<vmem>>, vector<1x2000x128xf32>
    %get3A_14 = vector.shape_cast %get3A_13 : vector<1x2000x128xf32> to vector<2000x128xf32>
    %add3A_15 = arith.addf %add3A, %get3A_14 : vector<2000x128xf32>
    %get3A_16 = arith.constant 0 : index
    %get3A_17 = arith.constant 0 : index
    %get3A_18 = vector.load %arg5[%get3A_16, %get3A_17] : memref<128x256xf32, #tpu.memory_space<vmem>>, vector<128x256xf32>
    %dot_general3A = arith.constant dense<0.000000e+00> : vector<2000x256xf32>
    %dot_general3A_19 = tpu.matmul %add3A_15, %get3A_18, %dot_general3A {dimension_numbers = #tpu.dot_dimension_numbers<[1], [0], [0], [1], [0, 0, 1, 1], [], []>, transpose_lhs_hint = false} : vector<2000x128xf32>, vector<128x256xf32>, vector<2000x256xf32> -> vector<2000x256xf32>
    %get3A_20 = arith.constant 0 : index
    %get3A_21 = arith.constant 0 : index
    %get3A_22 = vector.load %arg6[%get3A_20, %get3A_21] : memref<1x256xf32, #tpu.memory_space<vmem>>, vector<1x256xf32>
    %add3A_23 = vector.broadcast %get3A_22 : vector<1x256xf32> to vector<2000x256xf32>
    %add3A_24 = arith.addf %dot_general3A_19, %add3A_23 : vector<2000x256xf32>
    %max3A = arith.constant 0.000000e+00 : f32
    %max3A_25 = vector.broadcast %max3A : f32 to vector<2000x256xf32>
    %max3A_26 = arith.maximumf %add3A_24, %max3A_25 : vector<2000x256xf32>
    %get3A_27 = arith.constant 0 : index
    %get3A_28 = arith.constant 0 : index
    %get3A_29 = vector.load %arg7[%get3A_27, %get3A_28] : memref<256x128xf32, #tpu.memory_space<vmem>>, vector<256x128xf32>
    %dot_general3A_30 = arith.constant dense<0.000000e+00> : vector<2000x128xf32>
    %dot_general3A_31 = tpu.matmul %max3A_26, %get3A_29, %dot_general3A_30 {dimension_numbers = #tpu.dot_dimension_numbers<[1], [0], [0], [1], [0, 0, 1, 1], [], []>, transpose_lhs_hint = false} : vector<2000x256xf32>, vector<256x128xf32>, vector<2000x128xf32> -> vector<2000x128xf32>
    %get3A_32 = arith.constant 0 : index
    %get3A_33 = arith.constant 0 : index
    %get3A_34 = vector.load %arg8[%get3A_32, %get3A_33] : memref<1x128xf32, #tpu.memory_space<vmem>>, vector<1x128xf32>
    %add3A_35 = vector.broadcast %get3A_34 : vector<1x128xf32> to vector<2000x128xf32>
    %add3A_36 = arith.addf %dot_general3A_31, %add3A_35 : vector<2000x128xf32>
    %get3A_37 = arith.constant 0 : index
    %get3A_38 = arith.constant 0 : index
    %get3A_39 = vector.load %arg9[%get3A_37, %get3A_38] : memref<1x128xf32, #tpu.memory_space<vmem>>, vector<1x128xf32>
    %mul3A_40 = vector.broadcast %get3A_39 : vector<1x128xf32> to vector<2000x128xf32>
    %mul3A_41 = arith.mulf %add3A_36, %mul3A_40 : vector<2000x128xf32>
    %get3A_42 = arith.constant 0 : index
    %get3A_43 = arith.constant 0 : index
    %get3A_44 = vector.load %arg10[%get3A_42, %get3A_43] : memref<1x128xf32, #tpu.memory_space<vmem>>, vector<1x128xf32>
    %add3A_45 = vector.broadcast %get3A_44 : vector<1x128xf32> to vector<2000x128xf32>
    %add3A_46 = arith.addf %mul3A_41, %add3A_45 : vector<2000x128xf32>
    %max3A_47 = arith.constant 0.000000e+00 : f32
    %max3A_48 = vector.broadcast %max3A_47 : f32 to vector<2000x128xf32>
    %max3A_49 = arith.maximumf %add3A_46, %max3A_48 : vector<2000x128xf32>
    %swap3A = arith.constant 0 : index
    %swap3A_50 = arith.constant 0 : index
    %swap3A_51 = vector.load %arg11[%swap3A, %swap3A_50] : memref<2000x128xf32, #tpu.memory_space<vmem>>, vector<2000x128xf32>
    tpu.vector_store %arg11[%swap3A, %swap3A_50], %max3A_49 {strides = array<i32>} : memref<2000x128xf32, #tpu.memory_space<vmem>>, vector<2000x128xf32>,
    return
  }
  func.func @transform_0(%arg0: i32) -> i32 {
    %c0_i32 = arith.constant 0 : i32
    %c0_i32_0 = arith.constant 0 : i32
    return %c0_i32 : i32
  }
  func.func @transform_1(%arg0: i32) -> (i32, i32) {
    %c0_i32 = arith.constant 0 : i32
    %c0_i32_0 = arith.constant 0 : i32
    return %arg0, %c0_i32 : i32, i32
  }
  func.func @transform_2(%arg0: i32) -> (i32, i32, i32) {
    %c0_i32 = arith.constant 0 : i32
    %c0_i32_0 = arith.constant 0 : i32
    %c0_i32_1 = arith.constant 0 : i32
    return %c0_i32, %arg0, %c0_i32_0 : i32, i32, i32
  }
  func.func @transform_3(%arg0: i32) -> (i32, i32, i32) {
    %c1_i32 = arith.constant 1 : i32
    %c0_i32 = arith.constant 0 : i32
    %c0_i32_0 = arith.constant 0 : i32
    return %c1_i32, %arg0, %c0_i32 : i32, i32, i32
  }
  func.func @transform_4(%arg0: i32) -> (i32, i32) {
    %c0_i32 = arith.constant 0 : i32
    %c0_i32_0 = arith.constant 0 : i32
    %c0_i32_1 = arith.constant 0 : i32
    return %c0_i32, %c0_i32_0 : i32, i32
  }
  func.func @transform_5(%arg0: i32) -> (i32, i32) {
    %c0_i32 = arith.constant 0 : i32
    %c0_i32_0 = arith.constant 0 : i32
    %c0_i32_1 = arith.constant 0 : i32
    return %c0_i32, %c0_i32_0 : i32, i32
  }
  func.func @transform_6(%arg0: i32) -> (i32, i32) {
    %c0_i32 = arith.constant 0 : i32
    %c0_i32_0 = arith.constant 0 : i32
    %c0_i32_1 = arith.constant 0 : i32
    return %c0_i32, %c0_i32_0 : i32, i32
  }
  func.func @transform_7(%arg0: i32) -> (i32, i32) {
    %c0_i32 = arith.constant 0 : i32
    %c0_i32_0 = arith.constant 0 : i32
    %c0_i32_1 = arith.constant 0 : i32
    return %c0_i32, %c0_i32_0 : i32, i32
  }
  func.func @transform_8(%arg0: i32) -> (i32, i32) {
    %c0_i32 = arith.constant 0 : i32
    %c0_i32_0 = arith.constant 0 : i32
    %c0_i32_1 = arith.constant 0 : i32
    return %c0_i32, %c0_i32_0 : i32, i32
  }
  func.func @transform_9(%arg0: i32) -> (i32, i32) {
    %c0_i32 = arith.constant 0 : i32
    %c0_i32_0 = arith.constant 0 : i32
    %c0_i32_1 = arith.constant 0 : i32
    return %c0_i32, %c0_i32_0 : i32, i32
  }
  func.func @transform_10(%arg0: i32) -> (i32, i32) {
    %c0_i32 = arith.constant 0 : i32
    %c0_i32_0 = arith.constant 0 : i32
    return %arg0, %c0_i32 : i32, i32
  }
}

module attributes {stable_mosaic.version = 14 : i64} {
  func.func @body(%arg0: i32, %arg1: memref<1xf32, #tpu.memory_space<smem>>, %arg2: memref<2000x128xf32, #tpu.memory_space<vmem>>, %arg3: memref<1x2000x128xf32, #tpu.memory_space<vmem>>, %arg4: memref<1x2000x128xf32, #tpu.memory_space<vmem>>, %arg5: memref<128x256xf32, #tpu.memory_space<vmem>>, %arg6: memref<1x256xf32, #tpu.memory_space<vmem>>, %arg7: memref<256x128xf32, #tpu.memory_space<vmem>>, %arg8: memref<1x128xf32, #tpu.memory_space<vmem>>, %arg9: memref<1x128xf32, #tpu.memory_space<vmem>>, %arg10: memref<1x128xf32, #tpu.memory_space<vmem>>, %arg11: memref<2000x1xi32, #tpu.memory_space<vmem>>, %arg12: memref<128x128xf32, #tpu.memory_space<vmem>>, %arg13: memref<1x128xf32, #tpu.memory_space<vmem>>, %arg14: memref<128x128xf32, #tpu.memory_space<vmem>>, %arg15: memref<1x128xf32, #tpu.memory_space<vmem>>, %arg16: memref<128x128xf32, #tpu.memory_space<vmem>>, %arg17: memref<1x128xf32, #tpu.memory_space<vmem>>, %arg18: memref<128x128xf32, #tpu.memory_space<vmem>>, %arg19: memref<1x128xf32, #tpu.memory_space<vmem>>, %arg20: memref<64x128xf32, #tpu.memory_space<vmem>>, %arg21: memref<64x128xf32, #tpu.memory_space<vmem>>, %arg22: memref<64x128xf32, #tpu.memory_space<vmem>>, %arg23: memref<1x64xf32, #tpu.memory_space<vmem>>) attributes {dimension_semantics = [#tpu.dimension_semantics<arbitrary>], iteration_bounds = array<i64: 5>, scalar_prefetch = 0 : i64, scratch_operands = 2 : i64, tpu.core_type = #tpu.core_type<tc>, window_params = [{transform_indices = @transform_0, window_bounds = array<i64: 1>}, {transform_indices = @transform_1, window_bounds = array<i64: 2000, 128>}, {transform_indices = @transform_2, window_bounds = array<i64: 1, 2000, 128>}, {transform_indices = @transform_3, window_bounds = array<i64: 1, 2000, 128>}, {pipeline_mode = #tpu.pipeline_mode<synchronous>, transform_indices = @transform_4, window_bounds = array<i64: 128, 256>}, {pipeline_mode = #tpu.pipeline_mode<synchronous>, transform_indices = @transform_5, window_bounds = array<i64: 1, 256>}, {pipeline_mode = #tpu.pipeline_mode<synchronous>, transform_indices = @transform_6, window_bounds = array<i64: 256, 128>}, {pipeline_mode = #tpu.pipeline_mode<synchronous>, transform_indices = @transform_7, window_bounds = array<i64: 1, 128>}, {pipeline_mode = #tpu.pipeline_mode<synchronous>, transform_indices = @transform_8, window_bounds = array<i64: 1, 128>}, {pipeline_mode = #tpu.pipeline_mode<synchronous>, transform_indices = @transform_9, window_bounds = array<i64: 1, 128>}, {transform_indices = @transform_10, window_bounds = array<i64: 2000, 1>}, {pipeline_mode = #tpu.pipeline_mode<synchronous>, transform_indices = @transform_11, window_bounds = array<i64: 128, 128>}, {pipeline_mode = #tpu.pipeline_mode<synchronous>, transform_indices = @transform_12, window_bounds = array<i64: 1, 128>}, {pipeline_mode = #tpu.pipeline_mode<synchronous>, transform_indices = @transform_13, window_bounds = array<i64: 128, 128>}, {pipeline_mode = #tpu.pipeline_mode<synchronous>, transform_indices = @transform_14, window_bounds = array<i64: 1, 128>}, {pipeline_mode = #tpu.pipeline_mode<synchronous>, transform_indices = @transform_15, window_bounds = array<i64: 128, 128>}, {pipeline_mode = #tpu.pipeline_mode<synchronous>, transform_indices = @transform_16, window_bounds = array<i64: 1, 128>}, {pipeline_mode = #tpu.pipeline_mode<synchronous>, transform_indices = @transform_17, window_bounds = array<i64: 128, 128>}, {pipeline_mode = #tpu.pipeline_mode<synchronous>, transform_indices = @transform_18, window_bounds = array<i64: 1, 128>}, {pipeline_mode = #tpu.pipeline_mode<synchronous>, transform_indices = @transform_19, window_bounds = array<i64: 64, 128>}, {pipeline_mode = #tpu.pipeline_mode<synchronous>, transform_indices = @transform_20, window_bounds = array<i64: 64, 128>}]} {
    %eq3A = arith.constant 0 : i32
    %eq3A_0 = arith.cmpi eq, %arg0, %eq3A : i32
    %convert_element_type3A = arith.extui %eq3A_0 : i1 to i32
    %cond3A = arith.constant 0 : i32
    %cond3A_1 = arith.cmpi ne, %convert_element_type3A, %cond3A : i32
    scf.if %cond3A_1 {
      %broadcast_in_dim3A_78 = arith.constant 0.000000e+00 : f32
      %broadcast_in_dim3A_79 = vector.broadcast %broadcast_in_dim3A_78 : f32 to vector<64x128xf32>
      %swap3A_80 = arith.constant 0 : index
      %swap3A_81 = arith.constant 0 : index
      %swap3A_82 = vector.load %arg22[%swap3A_80, %swap3A_81] : memref<64x128xf32, #tpu.memory_space<vmem>>, vector<64x128xf32>
      tpu.vector_store %arg22[%swap3A_80, %swap3A_81], %broadcast_in_dim3A_79 {strides = array<i32>} : memref<64x128xf32, #tpu.memory_space<vmem>>, vector<64x128xf32>,
      %broadcast_in_dim3A_83 = arith.constant 0.000000e+00 : f32
      %broadcast_in_dim3A_84 = vector.broadcast %broadcast_in_dim3A_83 : f32 to vector<1x64xf32>
      %swap3A_85 = arith.constant 0 : index
      %swap3A_86 = arith.constant 0 : index
      %swap3A_87 = vector.load %arg23[%swap3A_85, %swap3A_86] : memref<1x64xf32, #tpu.memory_space<vmem>>, vector<1x64xf32>
      tpu.vector_store %arg23[%swap3A_85, %swap3A_86], %broadcast_in_dim3A_84 {strides = array<i32>} : memref<1x64xf32, #tpu.memory_space<vmem>>, vector<1x64xf32>,
    } else {
    }
    %get3A = arith.constant 0 : index
    %get3A_2 = memref.load %arg1[%get3A] : memref<1xf32, #tpu.memory_space<smem>>
    %get3A_3 = arith.constant 0 : index
    %get3A_4 = arith.constant 0 : index
    %get3A_5 = vector.load %arg2[%get3A_3, %get3A_4] : memref<2000x128xf32, #tpu.memory_space<vmem>>, vector<2000x128xf32>
    %mul3A = vector.broadcast %get3A_2 : f32 to vector<2000x128xf32>
    %mul3A_6 = arith.mulf %mul3A, %get3A_5 : vector<2000x128xf32>
    %get3A_7 = arith.constant 0 : index
    %get3A_8 = arith.constant 0 : index
    %get3A_9 = arith.constant 0 : index
    %get3A_10 = vector.load %arg3[%get3A_7, %get3A_8, %get3A_9] : memref<1x2000x128xf32, #tpu.memory_space<vmem>>, vector<1x2000x128xf32>
    %get3A_11 = vector.shape_cast %get3A_10 : vector<1x2000x128xf32> to vector<2000x128xf32>
    %add3A = arith.addf %mul3A_6, %get3A_11 : vector<2000x128xf32>
    %get3A_12 = arith.constant 0 : index
    %get3A_13 = arith.constant 0 : index
    %get3A_14 = arith.constant 0 : index
    %get3A_15 = vector.load %arg4[%get3A_12, %get3A_13, %get3A_14] : memref<1x2000x128xf32, #tpu.memory_space<vmem>>, vector<1x2000x128xf32>
    %get3A_16 = vector.shape_cast %get3A_15 : vector<1x2000x128xf32> to vector<2000x128xf32>
    %add3A_17 = arith.addf %add3A, %get3A_16 : vector<2000x128xf32>
    %get3A_18 = arith.constant 0 : index
    %get3A_19 = arith.constant 0 : index
    %get3A_20 = vector.load %arg5[%get3A_18, %get3A_19] : memref<128x256xf32, #tpu.memory_space<vmem>>, vector<128x256xf32>
    %dot_general3A = arith.constant dense<0.000000e+00> : vector<2000x256xf32>
    %dot_general3A_21 = tpu.matmul %add3A_17, %get3A_20, %dot_general3A {dimension_numbers = #tpu.dot_dimension_numbers<[1], [0], [0], [1], [0, 0, 1, 1], [], []>, transpose_lhs_hint = false} : vector<2000x128xf32>, vector<128x256xf32>, vector<2000x256xf32> -> vector<2000x256xf32>
    %get3A_22 = arith.constant 0 : index
    %get3A_23 = arith.constant 0 : index
    %get3A_24 = vector.load %arg6[%get3A_22, %get3A_23] : memref<1x256xf32, #tpu.memory_space<vmem>>, vector<1x256xf32>
    %add3A_25 = vector.broadcast %get3A_24 : vector<1x256xf32> to vector<2000x256xf32>
    %add3A_26 = arith.addf %dot_general3A_21, %add3A_25 : vector<2000x256xf32>
    %max3A = arith.constant 0.000000e+00 : f32
    %max3A_27 = vector.broadcast %max3A : f32 to vector<2000x256xf32>
    %max3A_28 = arith.maximumf %add3A_26, %max3A_27 : vector<2000x256xf32>
    %get3A_29 = arith.constant 0 : index
    %get3A_30 = arith.constant 0 : index
    %get3A_31 = vector.load %arg7[%get3A_29, %get3A_30] : memref<256x128xf32, #tpu.memory_space<vmem>>, vector<256x128xf32>
    %dot_general3A_32 = arith.constant dense<0.000000e+00> : vector<2000x128xf32>
    %dot_general3A_33 = tpu.matmul %max3A_28, %get3A_31, %dot_general3A_32 {dimension_numbers = #tpu.dot_dimension_numbers<[1], [0], [0], [1], [0, 0, 1, 1], [], []>, transpose_lhs_hint = false} : vector<2000x256xf32>, vector<256x128xf32>, vector<2000x128xf32> -> vector<2000x128xf32>
    %get3A_34 = arith.constant 0 : index
    %get3A_35 = arith.constant 0 : index
    %get3A_36 = vector.load %arg8[%get3A_34, %get3A_35] : memref<1x128xf32, #tpu.memory_space<vmem>>, vector<1x128xf32>
    %add3A_37 = vector.broadcast %get3A_36 : vector<1x128xf32> to vector<2000x128xf32>
    %add3A_38 = arith.addf %dot_general3A_33, %add3A_37 : vector<2000x128xf32>
    %get3A_39 = arith.constant 0 : index
    %get3A_40 = arith.constant 0 : index
    %get3A_41 = vector.load %arg9[%get3A_39, %get3A_40] : memref<1x128xf32, #tpu.memory_space<vmem>>, vector<1x128xf32>
    %mul3A_42 = vector.broadcast %get3A_41 : vector<1x128xf32> to vector<2000x128xf32>
    %mul3A_43 = arith.mulf %add3A_38, %mul3A_42 : vector<2000x128xf32>
    %get3A_44 = arith.constant 0 : index
    %get3A_45 = arith.constant 0 : index
    %get3A_46 = vector.load %arg10[%get3A_44, %get3A_45] : memref<1x128xf32, #tpu.memory_space<vmem>>, vector<1x128xf32>
    %add3A_47 = vector.broadcast %get3A_46 : vector<1x128xf32> to vector<2000x128xf32>
    %add3A_48 = arith.addf %mul3A_43, %add3A_47 : vector<2000x128xf32>
    %iota3A = tpu.iota {dimensions = array<i32: 1>} : vector<2000x64xi32>
    %get3A_49 = arith.constant 0 : index
    %get3A_50 = arith.constant 0 : index
    %get3A_51 = vector.load %arg11[%get3A_49, %get3A_50] : memref<2000x1xi32, #tpu.memory_space<vmem>>, vector<2000x1xi32>
    %eq3A_52 = vector.broadcast %get3A_51 : vector<2000x1xi32> to vector<2000x64xi32>
    %eq3A_53 = arith.cmpi eq, %eq3A_52, %iota3A : vector<2000x64xi32>
    %jit3A = arith.constant 1.000000e+00 : f32
    %jit3A_54 = arith.constant 0.000000e+00 : f32
    %broadcast_in_dim3A = vector.broadcast %jit3A : f32 to vector<2000x64xf32>
    %broadcast_in_dim3A_55 = vector.broadcast %jit3A_54 : f32 to vector<2000x64xf32>
    %select_n3A = arith.select %eq3A_53, %broadcast_in_dim3A, %broadcast_in_dim3A_55 : vector<2000x64xi1>, vector<2000x64xf32>
    %get3A_56 = arith.constant 0 : index
    %get3A_57 = arith.constant 0 : index
    %get3A_58 = vector.load %arg22[%get3A_56, %get3A_57] : memref<64x128xf32, #tpu.memory_space<vmem>>, vector<64x128xf32>
    %dot_general3A_59 = arith.constant dense<0.000000e+00> : vector<64x128xf32>
    %dot_general3A_60 = tpu.matmul %select_n3A, %add3A_48, %dot_general3A_59 {dimension_numbers = #tpu.dot_dimension_numbers<[0], [0], [1], [1], [0, 1, 1, 1], [], []>, transpose_lhs_hint = false} : vector<2000x64xf32>, vector<2000x128xf32>, vector<64x128xf32> -> vector<64x128xf32>
    %add3A_61 = arith.addf %get3A_58, %dot_general3A_60 : vector<64x128xf32>
    %swap3A = arith.constant 0 : index
    %swap3A_62 = arith.constant 0 : index
    %swap3A_63 = vector.load %arg22[%swap3A, %swap3A_62] : memref<64x128xf32, #tpu.memory_space<vmem>>, vector<64x128xf32>
    tpu.vector_store %arg22[%swap3A, %swap3A_62], %add3A_61 {strides = array<i32>} : memref<64x128xf32, #tpu.memory_space<vmem>>, vector<64x128xf32>,
    %get3A_64 = arith.constant 0 : index
    %get3A_65 = arith.constant 0 : index
    %get3A_66 = vector.load %arg23[%get3A_64, %get3A_65] : memref<1x64xf32, #tpu.memory_space<vmem>>, vector<1x64xf32>
    %reduce_sum3A = arith.constant dense<0.000000e+00> : vector<64xf32>
    %reduce_sum3A_67 = vector.multi_reduction <add>, %select_n3A, %reduce_sum3A [0] : vector<2000x64xf32> to vector<64xf32>
    %broadcast_in_dim3A_68 = vector.shape_cast %reduce_sum3A_67 : vector<64xf32> to vector<1x64xf32>
    %add3A_69 = arith.addf %get3A_66, %broadcast_in_dim3A_68 : vector<1x64xf32>
    %swap3A_70 = arith.constant 0 : index
    %swap3A_71 = arith.constant 0 : index
    %swap3A_72 = vector.load %arg23[%swap3A_70, %swap3A_71] : memref<1x64xf32, #tpu.memory_space<vmem>>, vector<1x64xf32>
    tpu.vector_store %arg23[%swap3A_70, %swap3A_71], %add3A_69 {strides = array<i32>} : memref<1x64xf32, #tpu.memory_space<vmem>>, vector<1x64xf32>,
    %eq3A_73 = arith.constant 4 : i32
    %eq3A_74 = arith.cmpi eq, %arg0, %eq3A_73 : i32
    %convert_element_type3A_75 = arith.extui %eq3A_74 : i1 to i32
    %cond3A_76 = arith.constant 0 : i32
    %cond3A_77 = arith.cmpi ne, %convert_element_type3A_75, %cond3A_76 : i32
    scf.if %cond3A_77 {
      %get3A_78 = arith.constant 0 : index
      %get3A_79 = arith.constant 0 : index
      %get3A_80 = vector.load %arg23[%get3A_78, %get3A_79] : memref<1x64xf32, #tpu.memory_space<vmem>>, vector<1x64xf32>
      %reshape3A = vector.shape_cast %get3A_80 : vector<1x64xf32> to vector<64x1xf32>
      %get3A_81 = arith.constant 0 : index
      %get3A_82 = arith.constant 0 : index
      %get3A_83 = vector.load %arg22[%get3A_81, %get3A_82] : memref<64x128xf32, #tpu.memory_space<vmem>>, vector<64x128xf32>
      %get3A_84 = arith.constant 0 : index
      %get3A_85 = arith.constant 0 : index
      %get3A_86 = vector.load %arg12[%get3A_84, %get3A_85] : memref<128x128xf32, #tpu.memory_space<vmem>>, vector<128x128xf32>
      %dot_general3A_87 = arith.constant dense<0.000000e+00> : vector<64x128xf32>
      %dot_general3A_88 = tpu.matmul %get3A_83, %get3A_86, %dot_general3A_87 {dimension_numbers = #tpu.dot_dimension_numbers<[1], [0], [0], [1], [0, 0, 1, 1], [], []>, transpose_lhs_hint = false} : vector<64x128xf32>, vector<128x128xf32>, vector<64x128xf32> -> vector<64x128xf32>
      %get3A_89 = arith.constant 0 : index
      %get3A_90 = arith.constant 0 : index
      %get3A_91 = vector.load %arg13[%get3A_89, %get3A_90] : memref<1x128xf32, #tpu.memory_space<vmem>>, vector<1x128xf32>
      %mul3A_92 = vector.broadcast %reshape3A : vector<64x1xf32> to vector<64x128xf32>
      %mul3A_93 = vector.broadcast %get3A_91 : vector<1x128xf32> to vector<64x128xf32>
      %mul3A_94 = arith.mulf %mul3A_92, %mul3A_93 : vector<64x128xf32>
      %add3A_95 = arith.addf %dot_general3A_88, %mul3A_94 : vector<64x128xf32>
      %get3A_96 = arith.constant 0 : index
      %get3A_97 = arith.constant 0 : index
      %get3A_98 = vector.load %arg22[%get3A_96, %get3A_97] : memref<64x128xf32, #tpu.memory_space<vmem>>, vector<64x128xf32>
      %get3A_99 = arith.constant 0 : index
      %get3A_100 = arith.constant 0 : index
      %get3A_101 = vector.load %arg14[%get3A_99, %get3A_100] : memref<128x128xf32, #tpu.memory_space<vmem>>, vector<128x128xf32>
      %dot_general3A_102 = arith.constant dense<0.000000e+00> : vector<64x128xf32>
      %dot_general3A_103 = tpu.matmul %get3A_98, %get3A_101, %dot_general3A_102 {dimension_numbers = #tpu.dot_dimension_numbers<[1], [0], [0], [1], [0, 0, 1, 1], [], []>, transpose_lhs_hint = false} : vector<64x128xf32>, vector<128x128xf32>, vector<64x128xf32> -> vector<64x128xf32>
      %get3A_104 = arith.constant 0 : index
      %get3A_105 = arith.constant 0 : index
      %get3A_106 = vector.load %arg15[%get3A_104, %get3A_105] : memref<1x128xf32, #tpu.memory_space<vmem>>, vector<1x128xf32>
      %mul3A_107 = vector.broadcast %reshape3A : vector<64x1xf32> to vector<64x128xf32>
      %mul3A_108 = vector.broadcast %get3A_106 : vector<1x128xf32> to vector<64x128xf32>
      %mul3A_109 = arith.mulf %mul3A_107, %mul3A_108 : vector<64x128xf32>
      %add3A_110 = arith.addf %dot_general3A_103, %mul3A_109 : vector<64x128xf32>
      %get3A_111 = arith.constant 0 : index
      %get3A_112 = arith.constant 0 : index
      %get3A_113 = vector.load %arg16[%get3A_111, %get3A_112] : memref<128x128xf32, #tpu.memory_space<vmem>>, vector<128x128xf32>
      %dot_general3A_114 = arith.constant dense<0.000000e+00> : vector<64x128xf32>
      %dot_general3A_115 = tpu.matmul %add3A_95, %get3A_113, %dot_general3A_114 {dimension_numbers = #tpu.dot_dimension_numbers<[1], [0], [0], [1], [0, 0, 1, 1], [], []>, transpose_lhs_hint = false} : vector<64x128xf32>, vector<128x128xf32>, vector<64x128xf32> -> vector<64x128xf32>
      %get3A_116 = arith.constant 0 : index
      %get3A_117 = arith.constant 0 : index
      %get3A_118 = vector.load %arg17[%get3A_116, %get3A_117] : memref<1x128xf32, #tpu.memory_space<vmem>>, vector<1x128xf32>
      %add3A_119 = vector.broadcast %get3A_118 : vector<1x128xf32> to vector<64x128xf32>
      %add3A_120 = arith.addf %dot_general3A_115, %add3A_119 : vector<64x128xf32>
      %swap3A_121 = arith.constant 0 : index
      %swap3A_122 = arith.constant 0 : index
      %swap3A_123 = vector.load %arg20[%swap3A_121, %swap3A_122] : memref<64x128xf32, #tpu.memory_space<vmem>>, vector<64x128xf32>
      tpu.vector_store %arg20[%swap3A_121, %swap3A_122], %add3A_120 {strides = array<i32>} : memref<64x128xf32, #tpu.memory_space<vmem>>, vector<64x128xf32>,
      %get3A_124 = arith.constant 0 : index
      %get3A_125 = arith.constant 0 : index
      %get3A_126 = vector.load %arg18[%get3A_124, %get3A_125] : memref<128x128xf32, #tpu.memory_space<vmem>>, vector<128x128xf32>
      %dot_general3A_127 = arith.constant dense<0.000000e+00> : vector<64x128xf32>
      %dot_general3A_128 = tpu.matmul %add3A_110, %get3A_126, %dot_general3A_127 {dimension_numbers = #tpu.dot_dimension_numbers<[1], [0], [0], [1], [0, 0, 1, 1], [], []>, transpose_lhs_hint = false} : vector<64x128xf32>, vector<128x128xf32>, vector<64x128xf32> -> vector<64x128xf32>
      %get3A_129 = arith.constant 0 : index
      %get3A_130 = arith.constant 0 : index
      %get3A_131 = vector.load %arg19[%get3A_129, %get3A_130] : memref<1x128xf32, #tpu.memory_space<vmem>>, vector<1x128xf32>
      %add3A_132 = vector.broadcast %get3A_131 : vector<1x128xf32> to vector<64x128xf32>
      %add3A_133 = arith.addf %dot_general3A_128, %add3A_132 : vector<64x128xf32>
      %swap3A_134 = arith.constant 0 : index
      %swap3A_135 = arith.constant 0 : index
      %swap3A_136 = vector.load %arg21[%swap3A_134, %swap3A_135] : memref<64x128xf32, #tpu.memory_space<vmem>>, vector<64x128xf32>
      tpu.vector_store %arg21[%swap3A_134, %swap3A_135], %add3A_133 {strides = array<i32>} : memref<64x128xf32, #tpu.memory_space<vmem>>, vector<64x128xf32>,
    } else {
    }
    return
  }
  func.func @transform_0(%arg0: i32) -> i32 {
    %c0_i32 = arith.constant 0 : i32
    %c0_i32_0 = arith.constant 0 : i32
    return %c0_i32 : i32
  }
  func.func @transform_1(%arg0: i32) -> (i32, i32) {
    %c0_i32 = arith.constant 0 : i32
    %c0_i32_0 = arith.constant 0 : i32
    return %arg0, %c0_i32 : i32, i32
  }
  func.func @transform_2(%arg0: i32) -> (i32, i32, i32) {
    %c0_i32 = arith.constant 0 : i32
    %c0_i32_0 = arith.constant 0 : i32
    %c0_i32_1 = arith.constant 0 : i32
    return %c0_i32, %arg0, %c0_i32_0 : i32, i32, i32
  }
  func.func @transform_3(%arg0: i32) -> (i32, i32, i32) {
    %c1_i32 = arith.constant 1 : i32
    %c0_i32 = arith.constant 0 : i32
    %c0_i32_0 = arith.constant 0 : i32
    return %c1_i32, %arg0, %c0_i32 : i32, i32, i32
  }
  func.func @transform_4(%arg0: i32) -> (i32, i32) {
    %c0_i32 = arith.constant 0 : i32
    %c0_i32_0 = arith.constant 0 : i32
    %c0_i32_1 = arith.constant 0 : i32
    return %c0_i32, %c0_i32_0 : i32, i32
  }
  func.func @transform_5(%arg0: i32) -> (i32, i32) {
    %c0_i32 = arith.constant 0 : i32
    %c0_i32_0 = arith.constant 0 : i32
    %c0_i32_1 = arith.constant 0 : i32
    return %c0_i32, %c0_i32_0 : i32, i32
  }
  func.func @transform_6(%arg0: i32) -> (i32, i32) {
    %c0_i32 = arith.constant 0 : i32
    %c0_i32_0 = arith.constant 0 : i32
    %c0_i32_1 = arith.constant 0 : i32
    return %c0_i32, %c0_i32_0 : i32, i32
  }
  func.func @transform_7(%arg0: i32) -> (i32, i32) {
    %c0_i32 = arith.constant 0 : i32
    %c0_i32_0 = arith.constant 0 : i32
    %c0_i32_1 = arith.constant 0 : i32
    return %c0_i32, %c0_i32_0 : i32, i32
  }
  func.func @transform_8(%arg0: i32) -> (i32, i32) {
    %c0_i32 = arith.constant 0 : i32
    %c0_i32_0 = arith.constant 0 : i32
    %c0_i32_1 = arith.constant 0 : i32
    return %c0_i32, %c0_i32_0 : i32, i32
  }
  func.func @transform_9(%arg0: i32) -> (i32, i32) {
    %c0_i32 = arith.constant 0 : i32
    %c0_i32_0 = arith.constant 0 : i32
    %c0_i32_1 = arith.constant 0 : i32
    return %c0_i32, %c0_i32_0 : i32, i32
  }
  func.func @transform_10(%arg0: i32) -> (i32, i32) {
    %c0_i32 = arith.constant 0 : i32
    %c0_i32_0 = arith.constant 0 : i32
    return %arg0, %c0_i32 : i32, i32
  }
  func.func @transform_11(%arg0: i32) -> (i32, i32) {
    %c0_i32 = arith.constant 0 : i32
    %c0_i32_0 = arith.constant 0 : i32
    %c0_i32_1 = arith.constant 0 : i32
    return %c0_i32, %c0_i32_0 : i32, i32
  }
  func.func @transform_12(%arg0: i32) -> (i32, i32) {
    %c0_i32 = arith.constant 0 : i32
    %c0_i32_0 = arith.constant 0 : i32
    %c0_i32_1 = arith.constant 0 : i32
    return %c0_i32, %c0_i32_0 : i32, i32
  }
  func.func @transform_13(%arg0: i32) -> (i32, i32) {
    %c0_i32 = arith.constant 0 : i32
    %c0_i32_0 = arith.constant 0 : i32
    %c0_i32_1 = arith.constant 0 : i32
    return %c0_i32, %c0_i32_0 : i32, i32
  }
  func.func @transform_14(%arg0: i32) -> (i32, i32) {
    %c0_i32 = arith.constant 0 : i32
    %c0_i32_0 = arith.constant 0 : i32
    %c0_i32_1 = arith.constant 0 : i32
    return %c0_i32, %c0_i32_0 : i32, i32
  }
  func.func @transform_15(%arg0: i32) -> (i32, i32) {
    %c0_i32 = arith.constant 0 : i32
    %c0_i32_0 = arith.constant 0 : i32
    %c0_i32_1 = arith.constant 0 : i32
    return %c0_i32, %c0_i32_0 : i32, i32
  }
  func.func @transform_16(%arg0: i32) -> (i32, i32) {
    %c0_i32 = arith.constant 0 : i32
    %c0_i32_0 = arith.constant 0 : i32
    %c0_i32_1 = arith.constant 0 : i32
    return %c0_i32, %c0_i32_0 : i32, i32
  }
  func.func @transform_17(%arg0: i32) -> (i32, i32) {
    %c0_i32 = arith.constant 0 : i32
    %c0_i32_0 = arith.constant 0 : i32
    %c0_i32_1 = arith.constant 0 : i32
    return %c0_i32, %c0_i32_0 : i32, i32
  }
  func.func @transform_18(%arg0: i32) -> (i32, i32) {
    %c0_i32 = arith.constant 0 : i32
    %c0_i32_0 = arith.constant 0 : i32
    %c0_i32_1 = arith.constant 0 : i32
    return %c0_i32, %c0_i32_0 : i32, i32
  }
  func.func @transform_19(%arg0: i32) -> (i32, i32) {
    %c0_i32 = arith.constant 0 : i32
    %c0_i32_0 = arith.constant 0 : i32
    %c0_i32_1 = arith.constant 0 : i32
    return %c0_i32, %c0_i32_0 : i32, i32
  }
  func.func @transform_20(%arg0: i32) -> (i32, i32) {
    %c0_i32 = arith.constant 0 : i32
    %c0_i32_0 = arith.constant 0 : i32
    %c0_i32_1 = arith.constant 0 : i32
    return %c0_i32, %c0_i32_0 : i32, i32
  }
}

</mosaic_0001>

<sc_bundles>
// kernel: kernel.12.cloned.1.call-start
scs
__scs_entry_jumppad:
0x0: {  	(pc) =	sbr.rel $0x88, $3  }
0x1: {  	(tag) =	ssettag $0x0;
	lr =	simm.s32 $0x1  }
0x2: {  	[smem:$0x3F8F] =	sst lr;
	_ =	strace $0xD0000000  }
0x3: {  	_ = 	snop  }
0x4: {  	_ = 	snop  }
0x5: {  	_ = 	snop  }
0x6: {  	_ = 	snop  }
0x7: {  	_ = 	snop  }
__scs_overlays_trampoline_lowered:
0x8: {  	[smem:$0x3F9E] =	sst s0  }
0x9: {  	[smem:$0x3F9F] =	sst s1  }
0xa: {  	[smem:$0x3FA0] =	sst s2  }
0xb: {  	[smem:$0x3FA1] =	sst s3  }
0xc: {  	[smem:$0x3FA2] =	sst s4  }
0xd: {  	[smem:$0x3FA3] =	sst s5  }
0xe: {  	[smem:$0x3FA4] =	sst s6  }
0xf: {  	[smem:$0x3FA5] =	sst s7  }
0x10: {  	[smem:$0x3FA6] =	sst s8  }
0x11: {  	[smem:$0x3FA7] =	sst s9;
	s0 =	simm.s32 @!p0 $0x0  }
0x12: {  	s1 =	sld [smem:$0x3F8D];
	s0 =	simm.s32 @p0 $0x1  }
0x13: {  	[smem:$0x3FA8] =	sst s0;
	s0 =	simm.s32 @!p1 $0x0  }
0x14: {  	s2 =	sld [smem:$0x3F8C];
	s0 =	simm.s32 @p1 $0x1  }
0x15: {  	[smem:$0x3FA9] =	sst s0;
	s0 =	simm.s32 @!p2 $0x0  }
0x16: {  	s3 =	sld [smem:$0x3FDB];
	s0 =	simm.s32 @p2 $0x1  }
0x17: {  	s4 =	simm.s32 $0x1BF5;
	[smem:$0x3FAB] =	sst s0  }
0x18: {  	s0 =	sld [smem:$0x3F8E];
	_ =	swait.ge [sflag:s4], $0x0  }
0x19: {  	s7 =	sld [smem:$0x3F8F]  }
0x1a: {  	s8 =	sadd.s32 $0xFFFFE003, lr  }
0x1b: {  	s9 =	sadd.s32 $0xFFFFFEF7, lr;
	s5 =	simm.s32 $0xFFFFFFFF;
	p2 =	slt.u32 s8, $0xFFFFF086  }
0x1c: {  	p1 =	slt.u32 s9, $0xF7A;
	s5 =	simm.s32 @!p2 $0x0  }
0x1d: {  	s5 =	simm.s32 @p1 $0x1;
	p0 =	seq.s32 s7, s2  }
0x1e: {  	s7 =	smul.u32 @!p0 $0xF7A, s2;
	p2 =	seq.s32 @!p0 s5, $0x0  }
0x1f: {  	s9 =	smul.u32 $0xF7A, s1;
	s8 =	simm.s32 @!p0 $0x1BF5;
	p2 =	por !p2, p0  }
0x20: {  	[sflag:s8] =	ssyncset.s32 @!p0 $0xFFFFF086;
	s6 =	sadd.s32 @!p0 s3, s7;
	s7 =	simm.s32 @!p0 $0x108  }
0x21: {  	s3 =	sadd.s32 s3, s9;
	s6 =	sadd.s32 @!p0 $0x88, s6;
	s7 =	simm.s32 @p2 $0x1082  }
0x22: {  	[simem:s7], [sflag:s8] =	dma.local @!p0 [hbm:s6], $0xF7A  }
0x23: {  	s9 =	sor.u32 $0xD0000000, s2;
	s6 =	simm.s32 $0x108;
	_ =	swait.ge @!p0 [sflag:s8], $0x0  }
0x24: {  	s3 =	sadd.s32 $0x88, s3;
	s6 =	simm.s32 @!p1 $0x1082;
	[sflag:s4] =	ssyncset.s32 $0xFFFFF086  }
0x25: {  	[simem:s6], [sflag:s4] =	dma.local [hbm:s3], $0xF7A  }
0x26: {  	[smem:$0x3F8F] =	sst s1;
	(tag) =	ssettag s2;
	_ =	strace s9  }
0x27: {  	s1 =	sld [smem:$0x3F9F]  }
0x28: {  	s2 =	sld [smem:$0x3FA0]  }
0x29: {  	s4 =	sld [smem:$0x3FA2]  }
0x2a: {  	p0 =	seq.s32 s5, $0x0;
	s5 =	sld [smem:$0x3FA3]  }
0x2b: {  	s6 =	sld [smem:$0x3FA4]  }
0x2c: {  	s7 =	sld [smem:$0x3FA5]  }
0x2d: {  	s3 =	simm.s32 $0x108;
	s8 =	sld [smem:$0x3FA6]  }
0x2e: {  	s3 =	simm.s32 @!p0 $0x1082;
	s9 =	sld [smem:$0x3FA7]  }
0x2f: {  	lr =	sadd.s32 s0, s3;
	s0 =	sld [smem:$0x3F9E]  }
0x30: {  	s3 =	sld [smem:$0x3FA1]  }
0x31: {  	[smem:$0x3FAA] =	sst s10  }
0x32: {  	s10 =	sld [smem:$0x3FA8];
	_ =	sdelay $0x3  }
0x33: {  	p0 =	seq.s32 s10, $0x1;
	s10 =	sld [smem:$0x3FAA];
	_ =	sdelay $0x3  }
0x34: {  	[smem:$0x3FAA] =	sst s10  }
0x35: {  	s10 =	sld [smem:$0x3FA9];
	_ =	sdelay $0x3  }
0x36: {  	p1 =	seq.s32 s10, $0x1;
	s10 =	sld [smem:$0x3FAA];
	_ =	sdelay $0x3  }
0x37: {  	[smem:$0x3FAA] =	sst s10  }
0x38: {  	s10 =	sld [smem:$0x3FAB]  }
0x39: {  	_ = 	snop;
	(pc) =	sbr.ind lr, $3  }
0x3a: {  	_ = 	snop  }
0x3b: {  	_ = 	snop  }
0x3c: {  	p2 =	seq.s32 s10, $0x1;
	s10 =	sld [smem:$0x3FAA]  }
0x3d: {  	_ =	shalt  }
0x3e: {  	_ =	shalt  }
0x3f: {  	_ =	shalt  }
0x40: {  	_ =	shalt  }
0x41: {  	_ =	shalt  }
0x42: {  	_ =	shalt  }
0x43: {  	_ =	shalt  }
0x44: {  	_ =	shalt  }
0x45: {  	_ =	shalt  }
0x46: {  	_ =	shalt  }
0x47: {  	_ =	shalt  }
0x48: {  	_ =	shalt  }
0x49: {  	_ =	shalt  }
0x4a: {  	_ =	shalt  }
0x4b: {  	_ =	shalt  }
0x4c: {  	_ =	shalt  }
0x4d: {  	_ =	shalt  }
0x4e: {  	_ =	shalt  }
0x4f: {  	_ =	shalt  }
0x50: {  	_ =	shalt  }
0x51: {  	_ =	shalt  }
0x52: {  	_ =	shalt  }
0x53: {  	_ =	shalt  }
0x54: {  	_ =	shalt  }
0x55: {  	_ =	shalt  }
0x56: {  	_ =	shalt  }
0x57: {  	_ =	shalt  }
0x58: {  	_ =	shalt  }
0x59: {  	_ =	shalt  }
0x5a: {  	_ =	shalt  }
0x5b: {  	_ =	shalt  }
0x5c: {  	_ =	shalt  }
0x5d: {  	_ =	shalt  }
0x5e: {  	_ =	shalt  }
0x5f: {  	_ =	shalt  }
0x60: {  	_ =	shalt  }
0x61: {  	_ =	shalt  }
0x62: {  	_ =	shalt  }
0x63: {  	_ =	shalt  }
0x64: {  	_ =	shalt  }
0x65: {  	_ =	shalt  }
0x66: {  	_ =	shalt  }
0x67: {  	_ =	shalt  }
0x68: {  	_ =	shalt  }
0x69: {  	_ =	shalt  }
0x6a: {  	_ =	shalt  }
0x6b: {  	_ =	shalt  }
0x6c: {  	_ =	shalt  }
0x6d: {  	_ =	shalt  }
0x6e: {  	_ =	shalt  }
0x6f: {  	_ =	shalt  }
0x70: {  	_ =	shalt  }
0x71: {  	_ =	shalt  }
0x72: {  	_ =	shalt  }
0x73: {  	_ =	shalt  }
0x74: {  	_ =	shalt  }
0x75: {  	_ =	shalt  }
0x76: {  	_ =	shalt  }
0x77: {  	_ =	shalt  }
0x78: {  	_ =	shalt  }
0x79: {  	_ =	shalt  }
0x7a: {  	_ =	shalt  }
0x7b: {  	_ =	shalt  }
0x7c: {  	_ =	shalt  }
0x7d: {  	_ =	shalt  }
0x7e: {  	_ =	shalt  }
0x7f: {  	_ =	shalt  }
0x80: {  	_ =	shalt  }
0x81: {  	_ =	shalt  }
0x82: {  	_ =	shalt  }
0x83: {  	_ =	shalt  }
0x84: {  	_ =	shalt  }
0x85: {  	_ =	shalt  }
0x86: {  	_ =	shalt  }
0x87: {  	_ =	shalt  }
.Lfunc_end0:
.L_simem_size_0:
called_computation_lowered:
.L_overlay_start_0:
0x88: {  	s2 =	sld [smem:$0x3FD9]  }
0x89: {  	s3 =	sld [smem:$0x3FFE];
	_ =	sdelay $0x1  }
0x8a: {  	s1 =	srdreg.scid  }
0x8b: {  	s0 =	sand.u32 $0x1, s1  }
0x8c: {  	s17 =	sshll.u32 s0, $0xA;
	s2 =	sadd.s32 s3, s2  }
0x8d: {  	s2 =	sadd.s32 s2, s17  }
0x8e: {  	[smem:$0x3FB6] =	sst s2  }
0x8f: {  	_ = 	snop  }
0x90: {  	s2 =	sld [smem:$0x3FC9];
	(tm) =	ssettm $0x1  }
0x91: {  	s18 =	sld [smem:$0x3FFB];
	_ =	sdelay $0x3  }
0x92: {  	_ =	strace s18  }
0x93: {  	s3 =	sld [smem:$0x3FFC];
	_ =	sdelay $0x3  }
0x94: {  	_ =	strace s3  }
0x95: {  	s3 =	sld [smem:$0x3FFD];
	_ =	sdelay $0x3  }
0x96: {  	_ =	strace s3  }
0x97: {  	_ =	strace $0x8FFFFFFF  }
0x98: {  	s19 =	sld [smem:$0x3FDB];
	_ =	sdelay $0x1  }
0x99: {  	s4 =	simm.s32 $_scs_section_size  }
0x9a: {  	s5 =	simm.s32 $_size__tile_overlayer_lowered;
	s6 =	simm.s32 $_tile_overlayer_lowered  }
0x9b: {  	s22 =	simm.s32 $0x1BFF;
	s21 =	sshll.u32 s6, $0x1;
	s3 =	sadd.s32 s4, s19  }
0x9c: {  	s7 =	simm.s32 $0x0;
	s20 =	sshll.u32 s5, $0x1;
	s5 =	sadd.s32 s21, s3  }
0x9d: {  	[timem:s7], [sflag:s22] =	dma.local [hbm:s5], s20  }
0x9e: {  	_ =	swait.ge [sflag:s22], s20  }
0x9f: {  	s4 =	ssub.s32 $0x0, s20;
	[sflag:s22] =	ssyncset.done $0x0  }
0xa0: {  	[sflag:s22] =	ssyncadd.s32 s4;
	_ =	sdelay $0x1  }
0xa1: {  	s23 =	simm.s32 $0x1B8B  }
0xa2: {  	_ =	swait.ge [sflag:s23], $0x1  }
0xa3: {  	[sflag:s23] =	ssyncset.done $0x0  }
0xa4: {  	s25 =	simm.s32 $0x1B8E;
	s24 =	sld [smem:$0x3FFE];
	[sflag:s23] =	ssyncadd.s32 $0xFFFFFFFF  }
0xa5: {  	s26 =	simm.s32 $execute0_lowered;
	[smem:$0x3FD2] =	sst s25  }
0xa6: {  	s5 =	sshll.u32 s26, $0x1;
	_ =	strace $0x80000046;
	[dreg:$0x1] =	wrdreg $0xFFFFFFFF  }
0xa7: {  	s28 =	simm.s32 $_size_execute0_lowered;
	s3 =	sadd.s32 s3, s5;
	[dreg:$0x0] =	wrdreg $0x0  }
0xa8: {  	s5 =	sshll.u32 s28, $0x1;
	[dreg:$0x2] =	wrdreg s3  }
0xa9: {  	[dreg:$0x3] =	wrdreg s5  }
0xaa: {  	[dreg:$0x4] =	wrdreg $0xC0  }
0xab: {  	_ =	task [dreg:s7], $0x5FFFF  }
0xac: {  	[dreg:$0x1] =	wrdreg $0xFFFFFFFF  }
0xad: {  	[dreg:$0x0] =	wrdreg $0x60  }
0xae: {  	[dreg:$0x2] =	wrdreg s2  }
0xaf: {  	[dreg:$0x3] =	wrdreg s24  }
0xb0: {  	[dreg:$0x4] =	wrdreg $0xAF800  }
0xb1: {  	[dreg:$0x5] =	wrdreg $0x9  }
0xb2: {  	_ =	task.clear_ibuf [dreg:s7], $0x6FFFF;
	_ =	strace $0x90000046  }
0xb3: {  	s29 =	simm.s32 $0x9;
	_ =	strace $0x80000048  }
0xb4: {  	_ =	swait.ge [sflag:s29], $0x1  }
0xb5: {  	[sflag:s29] =	ssyncadd.s32 $0xFFFFFFFF  }
0xb6: {  	_ =	strace $0x90000048  }
0xb7: {  	_ =	sfence  }
0xb8: {  	s30 =	sld [smem:$0x0];
	_ =	sdelay $0x2  }
0xb9: {  	s31 =	sshll.u32 s1, $0xD;
	s1 =	sshrl.u32 s1, $0x2  }
0xba: {  	s3 =	sand.u32 $0x4000, s31;
	s1 =	sadd.s32 s1, s30  }
0xbb: {  	s0 =	sor.u32 s3, s0;
	s1 =	sshll.u32 s1, $0x11  }
0xbc: {  	s0 =	sor.u32 s1, s0  }
0xbd: {  	s0 =	sadd.s32 $0x8F2B, s0  }
0xbe: {  	[sflag:s0] =	ssyncadd.remote.s32 $0x1  }
0xbf: {  	_ =	sfence.sel $0xFFFF  }
0xc0: {  	[dreg:$0x0] =	wrdreg $0xFFFFFFFF;
	(pc) =	sbr.abs _section_cstart, $3  }
0xc1: {  	[dreg:$0x1] =	wrdreg $0xFFFFFFFF  }
0xc2: {  	_ =	task.clear_ibuf [dreg:s7], $0x2FFFF;
	_ =	strace $0x9FFFFFFF  }
0xc3: {  	(tm) =	ssettm $0x7FFFFFFF  }
tec
execute0_lowered:
.L_overlay_start_1:
0x0: {  	(tag) =	ssettag $0x1  }
0x1: {  	s0 =	srdreg.scid;
	s1 =	rddreg [dreg:$0x0]  }
0x2: {  	s29 =	stileid.u32;
	s7 =	rddreg [dreg:$0x1]  }
0x3: {  	s3 =	rddreg [dreg:$0x2];
	s4 =	simm.s32 $0x0;
	s19 =	simm.s32 $0x1  }
0x4: {  	s20 =	simm.s32 $0x2780;
	s21 =	simm.s32 $0x80;
	s22 =	simm.s32 $0x6F80  }
0x5: {  	s23 =	simm.s32 $0x2B80;
	s24 =	simm.s32 $0x3;
	s9 =	smul.u32 $0x14000, s29  }
0x6: {  	s25 =	simm.s32 $0x2;
	s26 =	simm.s32 $0x4;
	s30 =	smul.u32 $0x50000, s29  }
0x7: {  	s28 =	simm.s32 $0x0;
	s6 =	sand.u32 $0x1, s0;
	s14 =	smul.u32 $0x2780, s29  }
0x8: {  	[smem:$0x7FF] =	sst s4;
	s2 =	sshll.u32 s6, $0x4;
	s8 =	smul.u32 $0x140000, s6  }
0x9: {  	s11 =	ssub.s32 $0x2, s6;
	s13 =	smul.u32 $0x27800, s6;
	s2 =	sor.u32 s29, s2  }
0xa: {  	_ =	strace $0x80000047;
	s31 =	sshrl.u32 s11, $0x1;
	s5 =	smul.u32 $0x2780, s2  }
0xb: {  	s8 =	sadd.s32 s9, s8;
	s9 =	sshrl.u32 s30, $0x2;
	s16 =	ssub.s32 s11, s31  }
0xc: {  	s17 =	sadd.s32 s14, s13;
	s8 =	sshrl.u32 s8, $0x3;
	s6 =	sadd.s32 s9, s3  }
0xd: {  	s13 =	sadd.s32 $0x80, s17;
	s14 =	smax.u32 s16, $0x1;
	s16 =	sadd.s32 $0x100, s17  }
0xe: {  	s17 =	simm.s32 $0x2F80;
	s12 =	sshrl.u32 s5, $0x3;
	s5 =	sadd.s32 $0xF800, s7  }
0xf: {  	s15 =	sadd.s32 s8, s7;
	s8 =	sadd.s32 $0x4000, s6;
	s9 =	sadd.s32 $0x8000, s6  }
0x10: {  	s11 =	sadd.s32 $0x10000, s6;
	s18 =	sshrl.u32 s13, $0x3;
	s10 =	sadd.s32 s12, s7  }
0x11: {  	s12 =	sadd.s32 s5, s12;
	s13 =	sadd.s32 $0x19600, s15;
	s15 =	sadd.s32 s18, s5  }
0x12: {  	v0 =	vimm.f32 $0.0e+00;
	s18 =	simm.s32 $0x5;
	s7 =	sadd.s32 $0x5A00, s10;
	s10 =	sadd.s32 $0xC000, s6  }
.LBB2_1:
0x13: {  	[tilespmem:s4], [sflag:$0x1] =	stream.linear.gather [hbm4b:s7+s4], $0x2780, $0x38;
	[tilespmem:$0x1EF80] =	vst v63  }
0x14: {  	s29 =	simm.s32 $0x0;
	s30 =	simm.s32 $0x200  }
.LBB2_2:
0x15: {  	p0 =	sne.s32 s30, $0xFE00;
	[tilespmem:s29+$0x2FF0] =	vst v0  }
0x16: {  	[tilespmem:s29+$0x2F80] =	vst v0  }
0x17: {  	[tilespmem:s29+$0x2F90] =	vst v0  }
.Ltmp0:
0x18: {  	[tilespmem:s29+$0x2FA0] =	vst v0;
	(pc) =	sbr.rel @p0 .LBB2_2-.Ltmp0, $4  }
0x19: {  	[tilespmem:s29+$0x2FB0] =	vst v0  }
0x1a: {  	[tilespmem:s29+$0x2FC0] =	vst v0  }
0x1b: {  	[tilespmem:s29+$0x2FD0] =	vst v0  }
0x1c: {  	[tilespmem:s29+$0x2FE0] =	vst v0;
	s29 =	sshra.s32 s30, $0x2;
	s30 =	sadd.s32 $0x200, s30  }
0x1d: {  	[tilespmem:s29+$0x2FF0] =	vst v0  }
0x1e: {  	[tilespmem:s29+$0x2F80] =	vst v0  }
0x1f: {  	[tilespmem:s29+$0x2F90] =	vst v0  }
0x20: {  	[tilespmem:s29+$0x2FA0] =	vst v0  }
0x21: {  	[tilespmem:s29+$0x2FB0] =	vst v0  }
0x22: {  	[tilespmem:s29+$0x2FC0] =	vst v0  }
0x23: {  	[tilespmem:s29+$0x2FD0] =	vst v0  }
0x24: {  	[tilespmem:s29+$0x2FE0] =	vst v0  }
0x25: {  	[spmem:s6] =	stream.linear.scatter [tilespmem:s17], [sflag:$0x5], $0x4000, $0x38;
	[tilespmem:$0x1EF80] =	vst v63  }
0x26: {  	_ =	swait.ge [sflag:s18], $0x4000  }
0x27: {  	[sflag:s18] =	ssyncset.done $0x0  }
0x28: {  	[sflag:s18] =	ssyncadd.s32 $0xFFFFC000  }
0x29: {  	[spmem:s8] =	stream.linear.scatter [tilespmem:s17], [sflag:$0x5], $0x4000, $0x38;
	[tilespmem:$0x1EF80] =	vst v63  }
0x2a: {  	_ =	swait.ge [sflag:s18], $0x4000  }
0x2b: {  	[sflag:s18] =	ssyncset.done $0x0  }
0x2c: {  	[sflag:s18] =	ssyncadd.s32 $0xFFFFC000  }
0x2d: {  	[spmem:s9] =	stream.linear.scatter [tilespmem:s17], [sflag:$0x5], $0x4000, $0x38;
	[tilespmem:$0x1EF80] =	vst v63  }
0x2e: {  	_ =	swait.ge [sflag:s18], $0x4000  }
0x2f: {  	[sflag:s18] =	ssyncset.done $0x0  }
0x30: {  	[sflag:s18] =	ssyncadd.s32 $0xFFFFC000  }
0x31: {  	[spmem:s10] =	stream.linear.scatter [tilespmem:s17], [sflag:$0x5], $0x4000, $0x38;
	[tilespmem:$0x1EF80] =	vst v63  }
0x32: {  	_ =	swait.ge [sflag:s18], $0x4000  }
0x33: {  	[sflag:s18] =	ssyncset.done $0x0  }
0x34: {  	[sflag:s18] =	ssyncadd.s32 $0xFFFFC000  }
0x35: {  	[spmem:s11] =	stream.linear.scatter [tilespmem:s17], [sflag:$0x5], $0x4000, $0x38;
	[tilespmem:$0x1EF80] =	vst v63  }
0x36: {  	_ =	swait.ge [sflag:s18], $0x4000  }
0x37: {  	[sflag:s18] =	ssyncset.done $0x0  }
0x38: {  	[sflag:s18] =	ssyncadd.s32 $0xFFFFC000  }
0x39: {  	_ =	swait.ge [sflag:s19], $0x2780  }
0x3a: {  	[sflag:s19] =	ssyncset.done $0x0  }
0x3b: {  	[sflag:s19] =	ssyncadd.s32 $0xFFFFD880  }
0x3c: {  	s29 =	simm.s32 $0x80;
	s30 =	simm.s32 $0x0;
	[bflag:$0x0] =	sbarrier.arrive $0xFFFF  }
0x3d: {  	[tilespmem:s17], [sflag:$0x1] =	stream.indirect.gather [hbm4b:s1+s29], $0x80, s30, s29, $0xb8;
	[tilespmem:$0x1EF80] =	vst v63  }
0x3e: {  	_ = 	snop  }
0x3f: {  	[tilespmem:s20], [sflag:$0x3] =	stream.linear.gather [hbm4b:s12+s30], $0x80, $0x38;
	[tilespmem:$0x1EF80] =	vst v63  }
0x40: {  	_ = 	snop  }
0x41: {  	[tilespmem:s22], [sflag:$0x2] =	stream.indirect.gather [hbm4b:s1+s21], $0x80, s29, s21, $0xb8;
	[tilespmem:$0x1EF80] =	vst v63  }
0x42: {  	s30 =	sadd.s32 $0x0, s15  }
0x43: {  	[tilespmem:s23], [sflag:$0x4] =	stream.linear.gather [hbm4b:s30+s4], $0x80, $0x38;
	[tilespmem:$0x1EF80] =	vst v63  }
0x44: {  	_ =	swait.ge [sflag:s19], $0x4000  }
0x45: {  	[sflag:s19] =	ssyncset.done $0x0  }
0x46: {  	[sflag:s19] =	ssyncadd.s32 $0xFFFFC000  }
0x47: {  	_ =	swait.ge [sflag:s24], $0x80  }
0x48: {  	[sflag:s24] =	ssyncset.done $0x0  }
0x49: {  	[sflag:s24] =	ssyncadd.s32 $0xFFFFFF80  }
0x4a: {  	[spmem:s3] =	stream.indirect.scatter.add.f32 [tilespmem:s17], [sflag:$0x5], $0x80, s20, s21, $0xb8;
	[tilespmem:$0x1EF80] =	vst v63  }
0x4b: {  	_ =	swait.ge [sflag:s18], $0x4000  }
0x4c: {  	[sflag:s18] =	ssyncset.done $0x0  }
0x4d: {  	s31 =	sshrl.u32 s16, $0x3;
	s30 =	simm.s32 $0x100;
	[sflag:s18] =	ssyncadd.s32 $0xFFFFC000  }
0x4e: {  	[tilespmem:s17], [sflag:$0x1] =	stream.indirect.gather [hbm4b:s1+s21], $0x80, s30, s21, $0xb8;
	[tilespmem:$0x1EF80] =	vst v63  }
0x4f: {  	s30 =	sadd.s32 s5, s31  }
0x50: {  	[tilespmem:s20], [sflag:$0x3] =	stream.linear.gather [hbm4b:s30+s4], $0x80, $0x38;
	[tilespmem:$0x1EF80] =	vst v63  }
0x51: {  	_ =	swait.ge [sflag:s25], $0x4000  }
0x52: {  	[sflag:s25] =	ssyncset.done $0x0  }
0x53: {  	[sflag:s25] =	ssyncadd.s32 $0xFFFFC000  }
0x54: {  	_ =	swait.ge [sflag:s26], $0x80  }
0x55: {  	[sflag:s26] =	ssyncset.done $0x0  }
0x56: {  	[sflag:s26] =	ssyncadd.s32 $0xFFFFFF80  }
0x57: {  	[spmem:s3] =	stream.indirect.scatter.add.f32 [tilespmem:s22], [sflag:$0x5], $0x80, s23, s21, $0xb8;
	[tilespmem:$0x1EF80] =	vst v63  }
0x58: {  	_ =	swait.ge [sflag:s18], $0x4000  }
0x59: {  	s31 =	smov.u32 s16;
	s30 =	simm.s32 $0x20;
	[sflag:s18] =	ssyncset.done $0x0  }
.LBB2_4:
0x5a: {  	[sflag:s18] =	ssyncadd.s32 $0xFFFFC000;
	s29 =	sadd.s32 $0x100, s29;
	s31 =	sadd.s32 $0x100, s31  }
0x5b: {  	[tilespmem:s22], [sflag:$0x2] =	stream.indirect.gather [hbm4b:s1+s21], $0x80, s29, s21, $0xb8;
	[tilespmem:$0x1EF80] =	vst v63  }
0x5c: {  	s2 =	sadd.s32 s30, s15;
	p0 =	sne.s32 s30, $0x4C0;
	s30 =	sadd.s32 $0x20, s30  }
0x5d: {  	[tilespmem:s23], [sflag:$0x4] =	stream.linear.gather [hbm4b:s2+s4], $0x80, $0x38;
	[tilespmem:$0x1EF80] =	vst v63  }
0x5e: {  	_ =	swait.ge [sflag:s19], $0x4000  }
0x5f: {  	[sflag:s19] =	ssyncset.done $0x0  }
0x60: {  	[sflag:s19] =	ssyncadd.s32 $0xFFFFC000  }
0x61: {  	_ =	swait.ge [sflag:s24], $0x80  }
0x62: {  	[sflag:s24] =	ssyncset.done $0x0  }
0x63: {  	[sflag:s24] =	ssyncadd.s32 $0xFFFFFF80  }
0x64: {  	[spmem:s3] =	stream.indirect.scatter.add.f32 [tilespmem:s17], [sflag:$0x5], $0x80, s20, s21, $0xb8;
	[tilespmem:$0x1EF80] =	vst v63  }
0x65: {  	_ =	swait.ge [sflag:s18], $0x4000  }
0x66: {  	[sflag:s18] =	ssyncset.done $0x0  }
0x67: {  	s0 =	sshrl.u32 s31, $0x3;
	s2 =	sadd.s32 $0x80, s29;
	[sflag:s18] =	ssyncadd.s32 $0xFFFFC000  }
0x68: {  	[tilespmem:s17], [sflag:$0x1] =	stream.indirect.gather [hbm4b:s1+s21], $0x80, s2, s21, $0xb8;
	[tilespmem:$0x1EF80] =	vst v63  }
0x69: {  	s0 =	sadd.s32 s5, s0  }
0x6a: {  	[tilespmem:s20], [sflag:$0x3] =	stream.linear.gather [hbm4b:s0+s4], $0x80, $0x38;
	[tilespmem:$0x1EF80] =	vst v63  }
0x6b: {  	_ =	swait.ge [sflag:s25], $0x4000  }
0x6c: {  	[sflag:s25] =	ssyncset.done $0x0  }
0x6d: {  	[sflag:s25] =	ssyncadd.s32 $0xFFFFC000  }
0x6e: {  	_ =	swait.ge [sflag:s26], $0x80  }
.Ltmp1:
0x6f: {  	[sflag:s26] =	ssyncset.done $0x0;
	(pc) =	sbr.rel @p0 .LBB2_4-.Ltmp1, $4  }
0x70: {  	[sflag:s26] =	ssyncadd.s32 $0xFFFFFF80  }
0x71: {  	[spmem:s3] =	stream.indirect.scatter.add.f32 [tilespmem:s22], [sflag:$0x5], $0x80, s23, s21, $0xb8;
	[tilespmem:$0x1EF80] =	vst v63  }
0x72: {  	_ =	swait.ge [sflag:s18], $0x4000  }
0x73: {  	[sflag:s18] =	ssyncset.done $0x0  }
0x74: {  	[sflag:s18] =	ssyncadd.s32 $0xFFFFC000  }
0x75: {  	_ =	swait.ge [sflag:s19], $0x4000  }
0x76: {  	[sflag:s19] =	ssyncset.done $0x0  }
0x77: {  	[sflag:s19] =	ssyncadd.s32 $0xFFFFC000  }
0x78: {  	_ =	swait.ge [sflag:s24], $0x80  }
0x79: {  	[sflag:s24] =	ssyncset.done $0x0  }
0x7a: {  	[sflag:s24] =	ssyncadd.s32 $0xFFFFFF80  }
0x7b: {  	[spmem:s3] =	stream.indirect.scatter.add.f32 [tilespmem:s17], [sflag:$0x5], $0x80, s20, s21, $0xb8;
	[tilespmem:$0x1EF80] =	vst v63  }
0x7c: {  	s0 =	stileid.u32;
	_ =	swait.ge [sflag:s18], $0x4000  }
0x7d: {  	s2 =	sshrl.u32 s6, $0x3;
	s28 =	sadd.s32 $0x1, s28;
	[sflag:s18] =	ssyncset.done $0x0  }
0x7e: {  	s0 =	sshll.u32 s0, $0x6;
	p0 =	sne.s32 s28, s14;
	[sflag:s18] =	ssyncadd.s32 $0xFFFFC000  }
.Ltmp2:
0x7f: {  	s0 =	sor.u32 $0x1C05, s0;
	[bflag:$0x0] =	sbarrier.arrive $0xFFFF;
	(pc) =	sbr.rel @p0 .LBB2_1-.Ltmp2, $4  }
0x80: {  	[hbm:s13], [sflag:s0] =	dma.local [spmem:s2], $0x2800  }
0x81: {  	_ =	swait.ge [sflag:s18], $0x2800  }
0x82: {  	[sflag:s18] =	ssyncset.done $0x0  }
0x83: {  	[sflag:s18] =	ssyncadd.s32 $0xFFFFD800  }
0x84: {  	_ =	sfence.sel $0x180000  }
0x85: {  	[bflag:$0x0] =	sbarrier.arrive $0xFFFF  }
0x86: {  	_ =	strace $0x90000047  }
0x87: {  	s0 =	stileid.u32;
	[bflag:$0x2] =	sbarrier.arrive $0xFFFF  }
0x88: {  	p0 =	sne.s32 s0, $0x0;
	s0 =	rddreg [dreg:$0x3]  }
0x89: {  	s0 =	sadd.s32 @!p0 $0x100000, s0  }
0x8a: {  	[sflag:s0] =	ssyncadd.tile.s32 @!p0 $0x1;
	_ =	shalt  }
.Lfunc_end2:
_tile_overlayer_lowered:
.L_overlay_start_2:
0x8b: {  	(tag) =	ssettag $0x2  }
0x8c: {  	s0 =	rddreg [dreg:$0x0];
	s2 =	stileid.u32  }
0x8d: {  	s1 =	rddreg [dreg:$0x1];
	p0 =	sne.s32 s2, $0x0  }
0x8e: {  	s3 =	rddreg [dreg:$0x2];
	[bflag:$0x3] =	sbarrier.arrive $0xFFFF;
	s2 =	simm.s32 @!p0 $0x1C05  }
0x8f: {  	[timem:s3], [sflag:s2] =	dma.local @!p0 [hbm:s0], s1  }
0x90: {  	s0 =	simm.s32 @!p0 $0x5  }
0x91: {  	_ =	swait.ge @!p0 [sflag:s0], s1  }
0x92: {  	s1 =	ssub.s32 @!p0 $0x0, s1;
	[sflag:s0] =	ssyncset.done @!p0 $0x0  }
0x93: {  	[sflag:s0] =	ssyncadd.s32 @!p0 s1  }
0x94: {  	[bflag:$0x3] =	sbarrier.arrive $0xFFFF  }
0x95: {  	_ =	shalt  }

// kernel: kernel.15.cloned.1.call-start
scs
__scs_entry_jumppad:
0x0: {  	(pc) =	sbr.rel $0x88, $3  }
0x1: {  	(tag) =	ssettag $0x0;
	lr =	simm.s32 $0x1  }
0x2: {  	[smem:$0x3F8F] =	sst lr;
	_ =	strace $0xD0000000  }
0x3: {  	_ = 	snop  }
0x4: {  	_ = 	snop  }
0x5: {  	_ = 	snop  }
0x6: {  	_ = 	snop  }
0x7: {  	_ = 	snop  }
__scs_overlays_trampoline_lowered:
0x8: {  	[smem:$0x3F9E] =	sst s0  }
0x9: {  	[smem:$0x3F9F] =	sst s1  }
0xa: {  	[smem:$0x3FA0] =	sst s2  }
0xb: {  	[smem:$0x3FA1] =	sst s3  }
0xc: {  	[smem:$0x3FA2] =	sst s4  }
0xd: {  	[smem:$0x3FA3] =	sst s5  }
0xe: {  	[smem:$0x3FA4] =	sst s6  }
0xf: {  	[smem:$0x3FA5] =	sst s7  }
0x10: {  	[smem:$0x3FA6] =	sst s8  }
0x11: {  	[smem:$0x3FA7] =	sst s9;
	s0 =	simm.s32 @!p0 $0x0  }
0x12: {  	s1 =	sld [smem:$0x3F8D];
	s0 =	simm.s32 @p0 $0x1  }
0x13: {  	[smem:$0x3FA8] =	sst s0;
	s0 =	simm.s32 @!p1 $0x0  }
0x14: {  	s2 =	sld [smem:$0x3F8C];
	s0 =	simm.s32 @p1 $0x1  }
0x15: {  	[smem:$0x3FA9] =	sst s0;
	s0 =	simm.s32 @!p2 $0x0  }
0x16: {  	s3 =	sld [smem:$0x3FDB];
	s0 =	simm.s32 @p2 $0x1  }
0x17: {  	s4 =	simm.s32 $0x1BF5;
	[smem:$0x3FAB] =	sst s0  }
0x18: {  	s0 =	sld [smem:$0x3F8E];
	_ =	swait.ge [sflag:s4], $0x0  }
0x19: {  	s7 =	sld [smem:$0x3F8F]  }
0x1a: {  	s8 =	sadd.s32 $0xFFFFE003, lr  }
0x1b: {  	s9 =	sadd.s32 $0xFFFFFEF7, lr;
	s5 =	simm.s32 $0xFFFFFFFF;
	p2 =	slt.u32 s8, $0xFFFFF086  }
0x1c: {  	p1 =	slt.u32 s9, $0xF7A;
	s5 =	simm.s32 @!p2 $0x0  }
0x1d: {  	s5 =	simm.s32 @p1 $0x1;
	p0 =	seq.s32 s7, s2  }
0x1e: {  	s7 =	smul.u32 @!p0 $0xF7A, s2;
	p2 =	seq.s32 @!p0 s5, $0x0  }
0x1f: {  	s9 =	smul.u32 $0xF7A, s1;
	s8 =	simm.s32 @!p0 $0x1BF5;
	p2 =	por !p2, p0  }
0x20: {  	[sflag:s8] =	ssyncset.s32 @!p0 $0xFFFFF086;
	s6 =	sadd.s32 @!p0 s3, s7;
	s7 =	simm.s32 @!p0 $0x108  }
0x21: {  	s3 =	sadd.s32 s3, s9;
	s6 =	sadd.s32 @!p0 $0x88, s6;
	s7 =	simm.s32 @p2 $0x1082  }
0x22: {  	[simem:s7], [sflag:s8] =	dma.local @!p0 [hbm:s6], $0xF7A  }
0x23: {  	s9 =	sor.u32 $0xD0000000, s2;
	s6 =	simm.s32 $0x108;
	_ =	swait.ge @!p0 [sflag:s8], $0x0  }
0x24: {  	s3 =	sadd.s32 $0x88, s3;
	s6 =	simm.s32 @!p1 $0x1082;
	[sflag:s4] =	ssyncset.s32 $0xFFFFF086  }
0x25: {  	[simem:s6], [sflag:s4] =	dma.local [hbm:s3], $0xF7A  }
0x26: {  	[smem:$0x3F8F] =	sst s1;
	(tag) =	ssettag s2;
	_ =	strace s9  }
0x27: {  	s1 =	sld [smem:$0x3F9F]  }
0x28: {  	s2 =	sld [smem:$0x3FA0]  }
0x29: {  	s4 =	sld [smem:$0x3FA2]  }
0x2a: {  	p0 =	seq.s32 s5, $0x0;
	s5 =	sld [smem:$0x3FA3]  }
0x2b: {  	s6 =	sld [smem:$0x3FA4]  }
0x2c: {  	s7 =	sld [smem:$0x3FA5]  }
0x2d: {  	s3 =	simm.s32 $0x108;
	s8 =	sld [smem:$0x3FA6]  }
0x2e: {  	s3 =	simm.s32 @!p0 $0x1082;
	s9 =	sld [smem:$0x3FA7]  }
0x2f: {  	lr =	sadd.s32 s0, s3;
	s0 =	sld [smem:$0x3F9E]  }
0x30: {  	s3 =	sld [smem:$0x3FA1]  }
0x31: {  	[smem:$0x3FAA] =	sst s10  }
0x32: {  	s10 =	sld [smem:$0x3FA8];
	_ =	sdelay $0x3  }
0x33: {  	p0 =	seq.s32 s10, $0x1;
	s10 =	sld [smem:$0x3FAA];
	_ =	sdelay $0x3  }
0x34: {  	[smem:$0x3FAA] =	sst s10  }
0x35: {  	s10 =	sld [smem:$0x3FA9];
	_ =	sdelay $0x3  }
0x36: {  	p1 =	seq.s32 s10, $0x1;
	s10 =	sld [smem:$0x3FAA];
	_ =	sdelay $0x3  }
0x37: {  	[smem:$0x3FAA] =	sst s10  }
0x38: {  	s10 =	sld [smem:$0x3FAB]  }
0x39: {  	_ = 	snop;
	(pc) =	sbr.ind lr, $3  }
0x3a: {  	_ = 	snop  }
0x3b: {  	_ = 	snop  }
0x3c: {  	p2 =	seq.s32 s10, $0x1;
	s10 =	sld [smem:$0x3FAA]  }
0x3d: {  	_ =	shalt  }
0x3e: {  	_ =	shalt  }
0x3f: {  	_ =	shalt  }
0x40: {  	_ =	shalt  }
0x41: {  	_ =	shalt  }
0x42: {  	_ =	shalt  }
0x43: {  	_ =	shalt  }
0x44: {  	_ =	shalt  }
0x45: {  	_ =	shalt  }
0x46: {  	_ =	shalt  }
0x47: {  	_ =	shalt  }
0x48: {  	_ =	shalt  }
0x49: {  	_ =	shalt  }
0x4a: {  	_ =	shalt  }
0x4b: {  	_ =	shalt  }
0x4c: {  	_ =	shalt  }
0x4d: {  	_ =	shalt  }
0x4e: {  	_ =	shalt  }
0x4f: {  	_ =	shalt  }
0x50: {  	_ =	shalt  }
0x51: {  	_ =	shalt  }
0x52: {  	_ =	shalt  }
0x53: {  	_ =	shalt  }
0x54: {  	_ =	shalt  }
0x55: {  	_ =	shalt  }
0x56: {  	_ =	shalt  }
0x57: {  	_ =	shalt  }
0x58: {  	_ =	shalt  }
0x59: {  	_ =	shalt  }
0x5a: {  	_ =	shalt  }
0x5b: {  	_ =	shalt  }
0x5c: {  	_ =	shalt  }
0x5d: {  	_ =	shalt  }
0x5e: {  	_ =	shalt  }
0x5f: {  	_ =	shalt  }
0x60: {  	_ =	shalt  }
0x61: {  	_ =	shalt  }
0x62: {  	_ =	shalt  }
0x63: {  	_ =	shalt  }
0x64: {  	_ =	shalt  }
0x65: {  	_ =	shalt  }
0x66: {  	_ =	shalt  }
0x67: {  	_ =	shalt  }
0x68: {  	_ =	shalt  }
0x69: {  	_ =	shalt  }
0x6a: {  	_ =	shalt  }
0x6b: {  	_ =	shalt  }
0x6c: {  	_ =	shalt  }
0x6d: {  	_ =	shalt  }
0x6e: {  	_ =	shalt  }
0x6f: {  	_ =	shalt  }
0x70: {  	_ =	shalt  }
0x71: {  	_ =	shalt  }
0x72: {  	_ =	shalt  }
0x73: {  	_ =	shalt  }
0x74: {  	_ =	shalt  }
0x75: {  	_ =	shalt  }
0x76: {  	_ =	shalt  }
0x77: {  	_ =	shalt  }
0x78: {  	_ =	shalt  }
0x79: {  	_ =	shalt  }
0x7a: {  	_ =	shalt  }
0x7b: {  	_ =	shalt  }
0x7c: {  	_ =	shalt  }
0x7d: {  	_ =	shalt  }
0x7e: {  	_ =	shalt  }
0x7f: {  	_ =	shalt  }
0x80: {  	_ =	shalt  }
0x81: {  	_ =	shalt  }
0x82: {  	_ =	shalt  }
0x83: {  	_ =	shalt  }
0x84: {  	_ =	shalt  }
0x85: {  	_ =	shalt  }
0x86: {  	_ =	shalt  }
0x87: {  	_ =	shalt  }
.Lfunc_end0:
.L_simem_size_0:
called_computation.1_lowered:
.L_overlay_start_0:
0x88: {  	s2 =	sld [smem:$0x3FD9]  }
0x89: {  	s3 =	sld [smem:$0x3FFE];
	_ =	sdelay $0x1  }
0x8a: {  	s1 =	srdreg.scid  }
0x8b: {  	s0 =	sand.u32 $0x1, s1  }
0x8c: {  	s16 =	sshll.u32 s0, $0xA;
	s2 =	sadd.s32 s3, s2  }
0x8d: {  	s2 =	sadd.s32 s2, s16  }
0x8e: {  	[smem:$0x3FB6] =	sst s2  }
0x8f: {  	_ = 	snop  }
0x90: {  	(tm) =	ssettm $0x1  }
0x91: {  	s17 =	sld [smem:$0x3FFB];
	_ =	sdelay $0x3  }
0x92: {  	_ =	strace s17  }
0x93: {  	s2 =	sld [smem:$0x3FFC];
	_ =	sdelay $0x3  }
0x94: {  	_ =	strace s2  }
0x95: {  	s2 =	sld [smem:$0x3FFD];
	_ =	sdelay $0x3  }
0x96: {  	_ =	strace s2  }
0x97: {  	_ =	strace $0x8FFFFFFF  }
0x98: {  	s18 =	sld [smem:$0x3FDB];
	_ =	sdelay $0x1  }
0x99: {  	s19 =	simm.s32 $_scs_section_size  }
0x9a: {  	s4 =	simm.s32 $_size__tile_overlayer_lowered;
	s5 =	simm.s32 $_tile_overlayer_lowered  }
0x9b: {  	s22 =	simm.s32 $0x1BFF;
	s21 =	sshll.u32 s5, $0x1;
	s2 =	sadd.s32 s19, s18  }
0x9c: {  	s6 =	simm.s32 $0x0;
	s20 =	sshll.u32 s4, $0x1;
	s4 =	sadd.s32 s21, s2  }
0x9d: {  	[timem:s6], [sflag:s22] =	dma.local [hbm:s4], s20  }
0x9e: {  	_ =	swait.ge [sflag:s22], s20  }
0x9f: {  	s3 =	ssub.s32 $0x0, s20;
	[sflag:s22] =	ssyncset.done $0x0  }
0xa0: {  	[sflag:s22] =	ssyncadd.s32 s3;
	_ =	sdelay $0x1  }
0xa1: {  	s23 =	simm.s32 $0x1B8B  }
0xa2: {  	_ =	swait.ge [sflag:s23], $0x1  }
0xa3: {  	[sflag:s23] =	ssyncset.done $0x0  }
0xa4: {  	s25 =	simm.s32 $0x1B8E;
	s24 =	sld [smem:$0x3FFE];
	[sflag:s23] =	ssyncadd.s32 $0xFFFFFFFF  }
0xa5: {  	s26 =	simm.s32 $execute0_lowered;
	[smem:$0x3FD2] =	sst s25  }
0xa6: {  	s4 =	sshll.u32 s26, $0x1;
	_ =	strace $0x80000049;
	[dreg:$0x1] =	wrdreg $0xFFFFFFFF  }
0xa7: {  	s28 =	simm.s32 $_size_execute0_lowered;
	s2 =	sadd.s32 s2, s4;
	[dreg:$0x0] =	wrdreg $0x0  }
0xa8: {  	s4 =	sshll.u32 s28, $0x1;
	[dreg:$0x2] =	wrdreg s2  }
0xa9: {  	[dreg:$0x3] =	wrdreg s4  }
0xaa: {  	[dreg:$0x4] =	wrdreg $0xC0  }
0xab: {  	_ =	task [dreg:s6], $0x5FFFF  }
0xac: {  	[dreg:$0x1] =	wrdreg $0xFFFFFFFF  }
0xad: {  	[dreg:$0x0] =	wrdreg $0x60  }
0xae: {  	[dreg:$0x2] =	wrdreg s24  }
0xaf: {  	[dreg:$0x3] =	wrdreg $0xAF800  }
0xb0: {  	[dreg:$0x4] =	wrdreg $0x9  }
0xb1: {  	_ =	task.clear_ibuf [dreg:s6], $0x5FFFF;
	_ =	strace $0x90000049  }
0xb2: {  	s29 =	simm.s32 $0x9;
	_ =	strace $0x8000004B  }
0xb3: {  	_ =	swait.ge [sflag:s29], $0x1  }
0xb4: {  	[sflag:s29] =	ssyncadd.s32 $0xFFFFFFFF  }
0xb5: {  	_ =	strace $0x9000004B  }
0xb6: {  	_ =	sfence  }
0xb7: {  	s30 =	sld [smem:$0x0];
	_ =	sdelay $0x2  }
0xb8: {  	s31 =	sshll.u32 s1, $0xD;
	s1 =	sshrl.u32 s1, $0x2  }
0xb9: {  	s3 =	sand.u32 $0x4000, s31;
	s1 =	sadd.s32 s1, s30  }
0xba: {  	s0 =	sor.u32 s3, s0;
	s1 =	sshll.u32 s1, $0x11  }
0xbb: {  	s0 =	sor.u32 s1, s0  }
0xbc: {  	s0 =	sadd.s32 $0x8F2B, s0  }
0xbd: {  	[sflag:s0] =	ssyncadd.remote.s32 $0x1  }
0xbe: {  	_ =	sfence.sel $0xFFFF  }
0xbf: {  	[dreg:$0x0] =	wrdreg $0xFFFFFFFF;
	(pc) =	sbr.abs _section_cstart, $3  }
0xc0: {  	[dreg:$0x1] =	wrdreg $0xFFFFFFFF  }
0xc1: {  	_ =	task.clear_ibuf [dreg:s6], $0x2FFFF;
	_ =	strace $0x9FFFFFFF  }
0xc2: {  	(tm) =	ssettm $0x7FFFFFFF  }
0xc3: {  	_ =	shalt  }
tec
execute0_lowered:
.L_overlay_start_1:
0x0: {  	(tag) =	ssettag $0x1  }
0x1: {  	s0 =	srdreg.scid;
	s7 =	rddreg [dreg:$0x0]  }
0x2: {  	s29 =	stileid.u32;
	s2 =	rddreg [dreg:$0x1]  }
0x3: {  	s3 =	simm.s32 $0x0;
	s19 =	simm.s32 $0x1;
	s20 =	simm.s32 $0x2780  }
0x4: {  	s21 =	simm.s32 $0x80;
	s22 =	simm.s32 $0x6F80;
	s23 =	simm.s32 $0x2B80  }
0x5: {  	s24 =	simm.s32 $0x3;
	s25 =	simm.s32 $0x2;
	s9 =	smul.u32 $0x14000, s29  }
0x6: {  	s26 =	simm.s32 $0x4;
	s28 =	simm.s32 $0x0;
	s30 =	smul.u32 $0x50000, s29  }
0x7: {  	s6 =	sand.u32 $0x1, s0;
	[smem:$0x7FF] =	sst s3;
	s14 =	smul.u32 $0x2780, s29  }
0x8: {  	s5 =	sadd.s32 $0xF800, s7;
	s1 =	sshll.u32 s6, $0x4;
	s8 =	smul.u32 $0x140000, s6  }
0x9: {  	s11 =	ssub.s32 $0x2, s6;
	s13 =	smul.u32 $0x27800, s6;
	s1 =	sor.u32 s29, s1  }
0xa: {  	_ =	strace $0x8000004A;
	s31 =	sshrl.u32 s11, $0x1;
	s4 =	smul.u32 $0x2780, s1  }
0xb: {  	s8 =	sadd.s32 s9, s8;
	s9 =	sshrl.u32 s30, $0x2;
	s16 =	ssub.s32 s11, s31  }
0xc: {  	s17 =	sadd.s32 s14, s13;
	s8 =	sshrl.u32 s8, $0x3;
	s6 =	sadd.s32 s9, s2  }
0xd: {  	s13 =	sadd.s32 $0x80, s17;
	s14 =	smax.u32 s16, $0x1;
	s16 =	sadd.s32 $0x100, s17  }
0xe: {  	s17 =	simm.s32 $0x2F80;
	s12 =	sshrl.u32 s4, $0x3;
	s4 =	sadd.s32 $0x19600, s7  }
0xf: {  	s15 =	sadd.s32 s8, s7;
	s8 =	sadd.s32 $0x4000, s6;
	s9 =	sadd.s32 $0x8000, s6  }
0x10: {  	s11 =	sadd.s32 $0x10000, s6;
	s18 =	sshrl.u32 s13, $0x3;
	s10 =	sadd.s32 s12, s7  }
0x11: {  	s12 =	sadd.s32 s5, s12;
	s13 =	sadd.s32 $0x69C00, s15;
	s15 =	sadd.s32 s18, s5  }
0x12: {  	v0 =	vimm.f32 $0.0e+00;
	s18 =	simm.s32 $0x5;
	s7 =	sadd.s32 $0x5A00, s10;
	s10 =	sadd.s32 $0xC000, s6  }
.LBB2_1:
0x13: {  	[tilespmem:s3], [sflag:$0x1] =	stream.linear.gather [hbm4b:s7+s3], $0x2780, $0x38;
	[tilespmem:$0x1EF80] =	vst v63  }
0x14: {  	s29 =	simm.s32 $0x0;
	s30 =	simm.s32 $0x200  }
.LBB2_2:
0x15: {  	p0 =	sne.s32 s30, $0xFE00;
	[tilespmem:s29+$0x2FF0] =	vst v0  }
0x16: {  	[tilespmem:s29+$0x2F80] =	vst v0  }
0x17: {  	[tilespmem:s29+$0x2F90] =	vst v0  }
.Ltmp0:
0x18: {  	[tilespmem:s29+$0x2FA0] =	vst v0;
	(pc) =	sbr.rel @p0 .LBB2_2-.Ltmp0, $4  }
0x19: {  	[tilespmem:s29+$0x2FB0] =	vst v0  }
0x1a: {  	[tilespmem:s29+$0x2FC0] =	vst v0  }
0x1b: {  	[tilespmem:s29+$0x2FD0] =	vst v0  }
0x1c: {  	[tilespmem:s29+$0x2FE0] =	vst v0;
	s29 =	sshra.s32 s30, $0x2;
	s30 =	sadd.s32 $0x200, s30  }
0x1d: {  	[tilespmem:s29+$0x2FF0] =	vst v0  }
0x1e: {  	[tilespmem:s29+$0x2F80] =	vst v0  }
0x1f: {  	[tilespmem:s29+$0x2F90] =	vst v0  }
0x20: {  	[tilespmem:s29+$0x2FA0] =	vst v0  }
0x21: {  	[tilespmem:s29+$0x2FB0] =	vst v0  }
0x22: {  	[tilespmem:s29+$0x2FC0] =	vst v0  }
0x23: {  	[tilespmem:s29+$0x2FD0] =	vst v0  }
0x24: {  	[tilespmem:s29+$0x2FE0] =	vst v0  }
0x25: {  	[spmem:s6] =	stream.linear.scatter [tilespmem:s17], [sflag:$0x5], $0x4000, $0x38;
	[tilespmem:$0x1EF80] =	vst v63  }
0x26: {  	_ =	swait.ge [sflag:s18], $0x4000  }
0x27: {  	[sflag:s18] =	ssyncset.done $0x0  }
0x28: {  	[sflag:s18] =	ssyncadd.s32 $0xFFFFC000  }
0x29: {  	[spmem:s8] =	stream.linear.scatter [tilespmem:s17], [sflag:$0x5], $0x4000, $0x38;
	[tilespmem:$0x1EF80] =	vst v63  }
0x2a: {  	_ =	swait.ge [sflag:s18], $0x4000  }
0x2b: {  	[sflag:s18] =	ssyncset.done $0x0  }
0x2c: {  	[sflag:s18] =	ssyncadd.s32 $0xFFFFC000  }
0x2d: {  	[spmem:s9] =	stream.linear.scatter [tilespmem:s17], [sflag:$0x5], $0x4000, $0x38;
	[tilespmem:$0x1EF80] =	vst v63  }
0x2e: {  	_ =	swait.ge [sflag:s18], $0x4000  }
0x2f: {  	[sflag:s18] =	ssyncset.done $0x0  }
0x30: {  	[sflag:s18] =	ssyncadd.s32 $0xFFFFC000  }
0x31: {  	[spmem:s10] =	stream.linear.scatter [tilespmem:s17], [sflag:$0x5], $0x4000, $0x38;
	[tilespmem:$0x1EF80] =	vst v63  }
0x32: {  	_ =	swait.ge [sflag:s18], $0x4000  }
0x33: {  	[sflag:s18] =	ssyncset.done $0x0  }
0x34: {  	[sflag:s18] =	ssyncadd.s32 $0xFFFFC000  }
0x35: {  	[spmem:s11] =	stream.linear.scatter [tilespmem:s17], [sflag:$0x5], $0x4000, $0x38;
	[tilespmem:$0x1EF80] =	vst v63  }
0x36: {  	_ =	swait.ge [sflag:s18], $0x4000  }
0x37: {  	[sflag:s18] =	ssyncset.done $0x0  }
0x38: {  	[sflag:s18] =	ssyncadd.s32 $0xFFFFC000  }
0x39: {  	_ =	swait.ge [sflag:s19], $0x2780  }
0x3a: {  	[sflag:s19] =	ssyncset.done $0x0  }
0x3b: {  	[sflag:s19] =	ssyncadd.s32 $0xFFFFD880  }
0x3c: {  	s29 =	simm.s32 $0x80;
	s30 =	simm.s32 $0x0;
	[bflag:$0x0] =	sbarrier.arrive $0xFFFF  }
0x3d: {  	[tilespmem:s17], [sflag:$0x1] =	stream.indirect.gather [hbm4b:s4+s29], $0x80, s30, s29, $0xb8;
	[tilespmem:$0x1EF80] =	vst v63  }
0x3e: {  	_ = 	snop  }
0x3f: {  	[tilespmem:s20], [sflag:$0x3] =	stream.linear.gather [hbm4b:s12+s30], $0x80, $0x38;
	[tilespmem:$0x1EF80] =	vst v63  }
0x40: {  	_ = 	snop  }
0x41: {  	[tilespmem:s22], [sflag:$0x2] =	stream.indirect.gather [hbm4b:s4+s21], $0x80, s29, s21, $0xb8;
	[tilespmem:$0x1EF80] =	vst v63  }
0x42: {  	s30 =	sadd.s32 $0x0, s15  }
0x43: {  	[tilespmem:s23], [sflag:$0x4] =	stream.linear.gather [hbm4b:s30+s3], $0x80, $0x38;
	[tilespmem:$0x1EF80] =	vst v63  }
0x44: {  	_ =	swait.ge [sflag:s19], $0x4000  }
0x45: {  	[sflag:s19] =	ssyncset.done $0x0  }
0x46: {  	[sflag:s19] =	ssyncadd.s32 $0xFFFFC000  }
0x47: {  	_ =	swait.ge [sflag:s24], $0x80  }
0x48: {  	[sflag:s24] =	ssyncset.done $0x0  }
0x49: {  	[sflag:s24] =	ssyncadd.s32 $0xFFFFFF80  }
0x4a: {  	[spmem:s2] =	stream.indirect.scatter.add.f32 [tilespmem:s17], [sflag:$0x5], $0x80, s20, s21, $0xb8;
	[tilespmem:$0x1EF80] =	vst v63  }
0x4b: {  	_ =	swait.ge [sflag:s18], $0x4000  }
0x4c: {  	[sflag:s18] =	ssyncset.done $0x0  }
0x4d: {  	s31 =	sshrl.u32 s16, $0x3;
	s30 =	simm.s32 $0x100;
	[sflag:s18] =	ssyncadd.s32 $0xFFFFC000  }
0x4e: {  	[tilespmem:s17], [sflag:$0x1] =	stream.indirect.gather [hbm4b:s4+s21], $0x80, s30, s21, $0xb8;
	[tilespmem:$0x1EF80] =	vst v63  }
0x4f: {  	s30 =	sadd.s32 s5, s31  }
0x50: {  	[tilespmem:s20], [sflag:$0x3] =	stream.linear.gather [hbm4b:s30+s3], $0x80, $0x38;
	[tilespmem:$0x1EF80] =	vst v63  }
0x51: {  	_ =	swait.ge [sflag:s25], $0x4000  }
0x52: {  	[sflag:s25] =	ssyncset.done $0x0  }
0x53: {  	[sflag:s25] =	ssyncadd.s32 $0xFFFFC000  }
0x54: {  	_ =	swait.ge [sflag:s26], $0x80  }
0x55: {  	[sflag:s26] =	ssyncset.done $0x0  }
0x56: {  	[sflag:s26] =	ssyncadd.s32 $0xFFFFFF80  }
0x57: {  	[spmem:s2] =	stream.indirect.scatter.add.f32 [tilespmem:s22], [sflag:$0x5], $0x80, s23, s21, $0xb8;
	[tilespmem:$0x1EF80] =	vst v63  }
0x58: {  	_ =	swait.ge [sflag:s18], $0x4000  }
0x59: {  	s31 =	smov.u32 s16;
	s30 =	simm.s32 $0x20;
	[sflag:s18] =	ssyncset.done $0x0  }
.LBB2_4:
0x5a: {  	[sflag:s18] =	ssyncadd.s32 $0xFFFFC000;
	s29 =	sadd.s32 $0x100, s29;
	s31 =	sadd.s32 $0x100, s31  }
0x5b: {  	[tilespmem:s22], [sflag:$0x2] =	stream.indirect.gather [hbm4b:s4+s21], $0x80, s29, s21, $0xb8;
	[tilespmem:$0x1EF80] =	vst v63  }
0x5c: {  	s1 =	sadd.s32 s30, s15;
	p0 =	sne.s32 s30, $0x4C0;
	s30 =	sadd.s32 $0x20, s30  }
0x5d: {  	[tilespmem:s23], [sflag:$0x4] =	stream.linear.gather [hbm4b:s1+s3], $0x80, $0x38;
	[tilespmem:$0x1EF80] =	vst v63  }
0x5e: {  	_ =	swait.ge [sflag:s19], $0x4000  }
0x5f: {  	[sflag:s19] =	ssyncset.done $0x0  }
0x60: {  	[sflag:s19] =	ssyncadd.s32 $0xFFFFC000  }
0x61: {  	_ =	swait.ge [sflag:s24], $0x80  }
0x62: {  	[sflag:s24] =	ssyncset.done $0x0  }
0x63: {  	[sflag:s24] =	ssyncadd.s32 $0xFFFFFF80  }
0x64: {  	[spmem:s2] =	stream.indirect.scatter.add.f32 [tilespmem:s17], [sflag:$0x5], $0x80, s20, s21, $0xb8;
	[tilespmem:$0x1EF80] =	vst v63  }
0x65: {  	_ =	swait.ge [sflag:s18], $0x4000  }
0x66: {  	[sflag:s18] =	ssyncset.done $0x0  }
0x67: {  	s0 =	sshrl.u32 s31, $0x3;
	s1 =	sadd.s32 $0x80, s29;
	[sflag:s18] =	ssyncadd.s32 $0xFFFFC000  }
0x68: {  	[tilespmem:s17], [sflag:$0x1] =	stream.indirect.gather [hbm4b:s4+s21], $0x80, s1, s21, $0xb8;
	[tilespmem:$0x1EF80] =	vst v63  }
0x69: {  	s0 =	sadd.s32 s5, s0  }
0x6a: {  	[tilespmem:s20], [sflag:$0x3] =	stream.linear.gather [hbm4b:s0+s3], $0x80, $0x38;
	[tilespmem:$0x1EF80] =	vst v63  }
0x6b: {  	_ =	swait.ge [sflag:s25], $0x4000  }
0x6c: {  	[sflag:s25] =	ssyncset.done $0x0  }
0x6d: {  	[sflag:s25] =	ssyncadd.s32 $0xFFFFC000  }
0x6e: {  	_ =	swait.ge [sflag:s26], $0x80  }
.Ltmp1:
0x6f: {  	[sflag:s26] =	ssyncset.done $0x0;
	(pc) =	sbr.rel @p0 .LBB2_4-.Ltmp1, $4  }
0x70: {  	[sflag:s26] =	ssyncadd.s32 $0xFFFFFF80  }
0x71: {  	[spmem:s2] =	stream.indirect.scatter.add.f32 [tilespmem:s22], [sflag:$0x5], $0x80, s23, s21, $0xb8;
	[tilespmem:$0x1EF80] =	vst v63  }
0x72: {  	_ =	swait.ge [sflag:s18], $0x4000  }
0x73: {  	[sflag:s18] =	ssyncset.done $0x0  }
0x74: {  	[sflag:s18] =	ssyncadd.s32 $0xFFFFC000  }
0x75: {  	_ =	swait.ge [sflag:s19], $0x4000  }
0x76: {  	[sflag:s19] =	ssyncset.done $0x0  }
0x77: {  	[sflag:s19] =	ssyncadd.s32 $0xFFFFC000  }
0x78: {  	_ =	swait.ge [sflag:s24], $0x80  }
0x79: {  	[sflag:s24] =	ssyncset.done $0x0  }
0x7a: {  	[sflag:s24] =	ssyncadd.s32 $0xFFFFFF80  }
0x7b: {  	[spmem:s2] =	stream.indirect.scatter.add.f32 [tilespmem:s17], [sflag:$0x5], $0x80, s20, s21, $0xb8;
	[tilespmem:$0x1EF80] =	vst v63  }
0x7c: {  	s0 =	stileid.u32;
	_ =	swait.ge [sflag:s18], $0x4000  }
0x7d: {  	s1 =	sshrl.u32 s6, $0x3;
	s28 =	sadd.s32 $0x1, s28;
	[sflag:s18] =	ssyncset.done $0x0  }
0x7e: {  	s0 =	sshll.u32 s0, $0x6;
	p0 =	sne.s32 s28, s14;
	[sflag:s18] =	ssyncadd.s32 $0xFFFFC000  }
.Ltmp2:
0x7f: {  	s0 =	sor.u32 $0x1C05, s0;
	[bflag:$0x0] =	sbarrier.arrive $0xFFFF;
	(pc) =	sbr.rel @p0 .LBB2_1-.Ltmp2, $4  }
0x80: {  	[hbm:s13], [sflag:s0] =	dma.local [spmem:s1], $0x2800  }
0x81: {  	_ =	swait.ge [sflag:s18], $0x2800  }
0x82: {  	[sflag:s18] =	ssyncset.done $0x0  }
0x83: {  	[sflag:s18] =	ssyncadd.s32 $0xFFFFD800  }
0x84: {  	_ =	sfence.sel $0x180000  }
0x85: {  	[bflag:$0x0] =	sbarrier.arrive $0xFFFF  }
0x86: {  	_ =	strace $0x9000004A  }
0x87: {  	s0 =	stileid.u32;
	[bflag:$0x2] =	sbarrier.arrive $0xFFFF  }
0x88: {  	p0 =	sne.s32 s0, $0x0;
	s0 =	rddreg [dreg:$0x2]  }
0x89: {  	s0 =	sadd.s32 @!p0 $0x100000, s0  }
0x8a: {  	[sflag:s0] =	ssyncadd.tile.s32 @!p0 $0x1;
	_ =	shalt  }
.Lfunc_end2:
_tile_overlayer_lowered:
.L_overlay_start_2:
0x8b: {  	(tag) =	ssettag $0x2  }
0x8c: {  	s0 =	rddreg [dreg:$0x0];
	s2 =	stileid.u32  }
0x8d: {  	s1 =	rddreg [dreg:$0x1];
	p0 =	sne.s32 s2, $0x0  }
0x8e: {  	s3 =	rddreg [dreg:$0x2];
	[bflag:$0x3] =	sbarrier.arrive $0xFFFF;
	s2 =	simm.s32 @!p0 $0x1C05  }
0x8f: {  	[timem:s3], [sflag:s2] =	dma.local @!p0 [hbm:s0], s1  }
0x90: {  	s0 =	simm.s32 @!p0 $0x5  }
0x91: {  	_ =	swait.ge @!p0 [sflag:s0], s1  }
0x92: {  	s1 =	ssub.s32 @!p0 $0x0, s1;
	[sflag:s0] =	ssyncset.done @!p0 $0x0  }
0x93: {  	[sflag:s0] =	ssyncadd.s32 @!p0 s1  }
0x94: {  	[bflag:$0x3] =	sbarrier.arrive $0xFFFF  }
0x95: {  	_ =	shalt  }

// kernel: kernel.18.cloned.1.call-start
scs
__scs_entry_jumppad:
0x0: {  	(pc) =	sbr.rel $0x88, $3  }
0x1: {  	(tag) =	ssettag $0x0;
	lr =	simm.s32 $0x1  }
0x2: {  	[smem:$0x3F8F] =	sst lr;
	_ =	strace $0xD0000000  }
0x3: {  	_ = 	snop  }
0x4: {  	_ = 	snop  }
0x5: {  	_ = 	snop  }
0x6: {  	_ = 	snop  }
0x7: {  	_ = 	snop  }
__scs_overlays_trampoline_lowered:
0x8: {  	[smem:$0x3F9E] =	sst s0  }
0x9: {  	[smem:$0x3F9F] =	sst s1  }
0xa: {  	[smem:$0x3FA0] =	sst s2  }
0xb: {  	[smem:$0x3FA1] =	sst s3  }
0xc: {  	[smem:$0x3FA2] =	sst s4  }
0xd: {  	[smem:$0x3FA3] =	sst s5  }
0xe: {  	[smem:$0x3FA4] =	sst s6  }
0xf: {  	[smem:$0x3FA5] =	sst s7  }
0x10: {  	[smem:$0x3FA6] =	sst s8  }
0x11: {  	[smem:$0x3FA7] =	sst s9;
	s0 =	simm.s32 @!p0 $0x0  }
0x12: {  	s1 =	sld [smem:$0x3F8D];
	s0 =	simm.s32 @p0 $0x1  }
0x13: {  	[smem:$0x3FA8] =	sst s0;
	s0 =	simm.s32 @!p1 $0x0  }
0x14: {  	s2 =	sld [smem:$0x3F8C];
	s0 =	simm.s32 @p1 $0x1  }
0x15: {  	[smem:$0x3FA9] =	sst s0;
	s0 =	simm.s32 @!p2 $0x0  }
0x16: {  	s3 =	sld [smem:$0x3FDB];
	s0 =	simm.s32 @p2 $0x1  }
0x17: {  	s4 =	simm.s32 $0x1BF5;
	[smem:$0x3FAB] =	sst s0  }
0x18: {  	s0 =	sld [smem:$0x3F8E];
	_ =	swait.ge [sflag:s4], $0x0  }
0x19: {  	s7 =	sld [smem:$0x3F8F]  }
0x1a: {  	s8 =	sadd.s32 $0xFFFFE003, lr  }
0x1b: {  	s9 =	sadd.s32 $0xFFFFFEF7, lr;
	s5 =	simm.s32 $0xFFFFFFFF;
	p2 =	slt.u32 s8, $0xFFFFF086  }
0x1c: {  	p1 =	slt.u32 s9, $0xF7A;
	s5 =	simm.s32 @!p2 $0x0  }
0x1d: {  	s5 =	simm.s32 @p1 $0x1;
	p0 =	seq.s32 s7, s2  }
0x1e: {  	s7 =	smul.u32 @!p0 $0xF7A, s2;
	p2 =	seq.s32 @!p0 s5, $0x0  }
0x1f: {  	s9 =	smul.u32 $0xF7A, s1;
	s8 =	simm.s32 @!p0 $0x1BF5;
	p2 =	por !p2, p0  }
0x20: {  	[sflag:s8] =	ssyncset.s32 @!p0 $0xFFFFF086;
	s6 =	sadd.s32 @!p0 s3, s7;
	s7 =	simm.s32 @!p0 $0x108  }
0x21: {  	s3 =	sadd.s32 s3, s9;
	s6 =	sadd.s32 @!p0 $0x88, s6;
	s7 =	simm.s32 @p2 $0x1082  }
0x22: {  	[simem:s7], [sflag:s8] =	dma.local @!p0 [hbm:s6], $0xF7A  }
0x23: {  	s9 =	sor.u32 $0xD0000000, s2;
	s6 =	simm.s32 $0x108;
	_ =	swait.ge @!p0 [sflag:s8], $0x0  }
0x24: {  	s3 =	sadd.s32 $0x88, s3;
	s6 =	simm.s32 @!p1 $0x1082;
	[sflag:s4] =	ssyncset.s32 $0xFFFFF086  }
0x25: {  	[simem:s6], [sflag:s4] =	dma.local [hbm:s3], $0xF7A  }
0x26: {  	[smem:$0x3F8F] =	sst s1;
	(tag) =	ssettag s2;
	_ =	strace s9  }
0x27: {  	s1 =	sld [smem:$0x3F9F]  }
0x28: {  	s2 =	sld [smem:$0x3FA0]  }
0x29: {  	s4 =	sld [smem:$0x3FA2]  }
0x2a: {  	p0 =	seq.s32 s5, $0x0;
	s5 =	sld [smem:$0x3FA3]  }
0x2b: {  	s6 =	sld [smem:$0x3FA4]  }
0x2c: {  	s7 =	sld [smem:$0x3FA5]  }
0x2d: {  	s3 =	simm.s32 $0x108;
	s8 =	sld [smem:$0x3FA6]  }
0x2e: {  	s3 =	simm.s32 @!p0 $0x1082;
	s9 =	sld [smem:$0x3FA7]  }
0x2f: {  	lr =	sadd.s32 s0, s3;
	s0 =	sld [smem:$0x3F9E]  }
0x30: {  	s3 =	sld [smem:$0x3FA1]  }
0x31: {  	[smem:$0x3FAA] =	sst s10  }
0x32: {  	s10 =	sld [smem:$0x3FA8];
	_ =	sdelay $0x3  }
0x33: {  	p0 =	seq.s32 s10, $0x1;
	s10 =	sld [smem:$0x3FAA];
	_ =	sdelay $0x3  }
0x34: {  	[smem:$0x3FAA] =	sst s10  }
0x35: {  	s10 =	sld [smem:$0x3FA9];
	_ =	sdelay $0x3  }
0x36: {  	p1 =	seq.s32 s10, $0x1;
	s10 =	sld [smem:$0x3FAA];
	_ =	sdelay $0x3  }
0x37: {  	[smem:$0x3FAA] =	sst s10  }
0x38: {  	s10 =	sld [smem:$0x3FAB]  }
0x39: {  	_ = 	snop;
	(pc) =	sbr.ind lr, $3  }
0x3a: {  	_ = 	snop  }
0x3b: {  	_ = 	snop  }
0x3c: {  	p2 =	seq.s32 s10, $0x1;
	s10 =	sld [smem:$0x3FAA]  }
0x3d: {  	_ =	shalt  }
0x3e: {  	_ =	shalt  }
0x3f: {  	_ =	shalt  }
0x40: {  	_ =	shalt  }
0x41: {  	_ =	shalt  }
0x42: {  	_ =	shalt  }
0x43: {  	_ =	shalt  }
0x44: {  	_ =	shalt  }
0x45: {  	_ =	shalt  }
0x46: {  	_ =	shalt  }
0x47: {  	_ =	shalt  }
0x48: {  	_ =	shalt  }
0x49: {  	_ =	shalt  }
0x4a: {  	_ =	shalt  }
0x4b: {  	_ =	shalt  }
0x4c: {  	_ =	shalt  }
0x4d: {  	_ =	shalt  }
0x4e: {  	_ =	shalt  }
0x4f: {  	_ =	shalt  }
0x50: {  	_ =	shalt  }
0x51: {  	_ =	shalt  }
0x52: {  	_ =	shalt  }
0x53: {  	_ =	shalt  }
0x54: {  	_ =	shalt  }
0x55: {  	_ =	shalt  }
0x56: {  	_ =	shalt  }
0x57: {  	_ =	shalt  }
0x58: {  	_ =	shalt  }
0x59: {  	_ =	shalt  }
0x5a: {  	_ =	shalt  }
0x5b: {  	_ =	shalt  }
0x5c: {  	_ =	shalt  }
0x5d: {  	_ =	shalt  }
0x5e: {  	_ =	shalt  }
0x5f: {  	_ =	shalt  }
0x60: {  	_ =	shalt  }
0x61: {  	_ =	shalt  }
0x62: {  	_ =	shalt  }
0x63: {  	_ =	shalt  }
0x64: {  	_ =	shalt  }
0x65: {  	_ =	shalt  }
0x66: {  	_ =	shalt  }
0x67: {  	_ =	shalt  }
0x68: {  	_ =	shalt  }
0x69: {  	_ =	shalt  }
0x6a: {  	_ =	shalt  }
0x6b: {  	_ =	shalt  }
0x6c: {  	_ =	shalt  }
0x6d: {  	_ =	shalt  }
0x6e: {  	_ =	shalt  }
0x6f: {  	_ =	shalt  }
0x70: {  	_ =	shalt  }
0x71: {  	_ =	shalt  }
0x72: {  	_ =	shalt  }
0x73: {  	_ =	shalt  }
0x74: {  	_ =	shalt  }
0x75: {  	_ =	shalt  }
0x76: {  	_ =	shalt  }
0x77: {  	_ =	shalt  }
0x78: {  	_ =	shalt  }
0x79: {  	_ =	shalt  }
0x7a: {  	_ =	shalt  }
0x7b: {  	_ =	shalt  }
0x7c: {  	_ =	shalt  }
0x7d: {  	_ =	shalt  }
0x7e: {  	_ =	shalt  }
0x7f: {  	_ =	shalt  }
0x80: {  	_ =	shalt  }
0x81: {  	_ =	shalt  }
0x82: {  	_ =	shalt  }
0x83: {  	_ =	shalt  }
0x84: {  	_ =	shalt  }
0x85: {  	_ =	shalt  }
0x86: {  	_ =	shalt  }
0x87: {  	_ =	shalt  }
.Lfunc_end0:
.L_simem_size_0:
called_computation.2_lowered:
.L_overlay_start_0:
0x88: {  	s2 =	sld [smem:$0x3FD9]  }
0x89: {  	s3 =	sld [smem:$0x3FFE];
	_ =	sdelay $0x1  }
0x8a: {  	s1 =	srdreg.scid  }
0x8b: {  	s0 =	sand.u32 $0x1, s1  }
0x8c: {  	s16 =	sshll.u32 s0, $0xA;
	s2 =	sadd.s32 s3, s2  }
0x8d: {  	s2 =	sadd.s32 s2, s16  }
0x8e: {  	[smem:$0x3FB6] =	sst s2  }
0x8f: {  	_ = 	snop  }
0x90: {  	(tm) =	ssettm $0x1  }
0x91: {  	s17 =	sld [smem:$0x3FFB];
	_ =	sdelay $0x3  }
0x92: {  	_ =	strace s17  }
0x93: {  	s2 =	sld [smem:$0x3FFC];
	_ =	sdelay $0x3  }
0x94: {  	_ =	strace s2  }
0x95: {  	s2 =	sld [smem:$0x3FFD];
	_ =	sdelay $0x3  }
0x96: {  	_ =	strace s2  }
0x97: {  	_ =	strace $0x8FFFFFFF  }
0x98: {  	s18 =	sld [smem:$0x3FDB];
	_ =	sdelay $0x1  }
0x99: {  	s19 =	simm.s32 $_scs_section_size  }
0x9a: {  	s4 =	simm.s32 $_size__tile_overlayer_lowered;
	s5 =	simm.s32 $_tile_overlayer_lowered  }
0x9b: {  	s22 =	simm.s32 $0x1BFF;
	s21 =	sshll.u32 s5, $0x1;
	s2 =	sadd.s32 s19, s18  }
0x9c: {  	s6 =	simm.s32 $0x0;
	s20 =	sshll.u32 s4, $0x1;
	s4 =	sadd.s32 s21, s2  }
0x9d: {  	[timem:s6], [sflag:s22] =	dma.local [hbm:s4], s20  }
0x9e: {  	_ =	swait.ge [sflag:s22], s20  }
0x9f: {  	s3 =	ssub.s32 $0x0, s20;
	[sflag:s22] =	ssyncset.done $0x0  }
0xa0: {  	[sflag:s22] =	ssyncadd.s32 s3;
	_ =	sdelay $0x1  }
0xa1: {  	s23 =	simm.s32 $0x1B8B  }
0xa2: {  	_ =	swait.ge [sflag:s23], $0x1  }
0xa3: {  	[sflag:s23] =	ssyncset.done $0x0  }
0xa4: {  	s25 =	simm.s32 $0x1B8E;
	s24 =	sld [smem:$0x3FFE];
	[sflag:s23] =	ssyncadd.s32 $0xFFFFFFFF  }
0xa5: {  	s26 =	simm.s32 $execute0_lowered;
	[smem:$0x3FD2] =	sst s25  }
0xa6: {  	s4 =	sshll.u32 s26, $0x1;
	_ =	strace $0x8000004C;
	[dreg:$0x1] =	wrdreg $0xFFFFFFFF  }
0xa7: {  	s28 =	simm.s32 $_size_execute0_lowered;
	s2 =	sadd.s32 s2, s4;
	[dreg:$0x0] =	wrdreg $0x0  }
0xa8: {  	s4 =	sshll.u32 s28, $0x1;
	[dreg:$0x2] =	wrdreg s2  }
0xa9: {  	[dreg:$0x3] =	wrdreg s4  }
0xaa: {  	[dreg:$0x4] =	wrdreg $0xC0  }
0xab: {  	_ =	task [dreg:s6], $0x5FFFF  }
0xac: {  	[dreg:$0x1] =	wrdreg $0xFFFFFFFF  }
0xad: {  	[dreg:$0x0] =	wrdreg $0x60  }
0xae: {  	[dreg:$0x2] =	wrdreg s24  }
0xaf: {  	[dreg:$0x3] =	wrdreg $0xAF800  }
0xb0: {  	[dreg:$0x4] =	wrdreg $0x9  }
0xb1: {  	_ =	task.clear_ibuf [dreg:s6], $0x5FFFF;
	_ =	strace $0x9000004C  }
0xb2: {  	s29 =	simm.s32 $0x9;
	_ =	strace $0x8000004E  }
0xb3: {  	_ =	swait.ge [sflag:s29], $0x1  }
0xb4: {  	[sflag:s29] =	ssyncadd.s32 $0xFFFFFFFF  }
0xb5: {  	_ =	strace $0x9000004E  }
0xb6: {  	_ =	sfence  }
0xb7: {  	s30 =	sld [smem:$0x0];
	_ =	sdelay $0x2  }
0xb8: {  	s31 =	sshll.u32 s1, $0xD;
	s1 =	sshrl.u32 s1, $0x2  }
0xb9: {  	s3 =	sand.u32 $0x4000, s31;
	s1 =	sadd.s32 s1, s30  }
0xba: {  	s0 =	sor.u32 s3, s0;
	s1 =	sshll.u32 s1, $0x11  }
0xbb: {  	s0 =	sor.u32 s1, s0  }
0xbc: {  	s0 =	sadd.s32 $0x8F2B, s0  }
0xbd: {  	[sflag:s0] =	ssyncadd.remote.s32 $0x1  }
0xbe: {  	_ =	sfence.sel $0xFFFF  }
0xbf: {  	[dreg:$0x0] =	wrdreg $0xFFFFFFFF;
	(pc) =	sbr.abs _section_cstart, $3  }
0xc0: {  	[dreg:$0x1] =	wrdreg $0xFFFFFFFF  }
0xc1: {  	_ =	task.clear_ibuf [dreg:s6], $0x2FFFF;
	_ =	strace $0x9FFFFFFF  }
0xc2: {  	(tm) =	ssettm $0x7FFFFFFF  }
0xc3: {  	_ =	shalt  }
tec
execute0_lowered:
.L_overlay_start_1:
0x0: {  	(tag) =	ssettag $0x1  }
0x1: {  	s0 =	srdreg.scid;
	s7 =	rddreg [dreg:$0x0]  }
0x2: {  	s29 =	stileid.u32;
	s2 =	rddreg [dreg:$0x1]  }
0x3: {  	s3 =	simm.s32 $0x0;
	s19 =	simm.s32 $0x1;
	s20 =	simm.s32 $0x2780  }
0x4: {  	s21 =	simm.s32 $0x80;
	s22 =	simm.s32 $0x6F80;
	s23 =	simm.s32 $0x2B80  }
0x5: {  	s24 =	simm.s32 $0x3;
	s25 =	simm.s32 $0x2;
	s9 =	smul.u32 $0x14000, s29  }
0x6: {  	s26 =	simm.s32 $0x4;
	s28 =	simm.s32 $0x0;
	s30 =	smul.u32 $0x50000, s29  }
0x7: {  	s6 =	sand.u32 $0x1, s0;
	[smem:$0x7FF] =	sst s3;
	s14 =	smul.u32 $0x2780, s29  }
0x8: {  	s5 =	sadd.s32 $0xF800, s7;
	s1 =	sshll.u32 s6, $0x4;
	s8 =	smul.u32 $0x140000, s6  }
0x9: {  	s11 =	ssub.s32 $0x2, s6;
	s13 =	smul.u32 $0x27800, s6;
	s1 =	sor.u32 s29, s1  }
0xa: {  	_ =	strace $0x8000004D;
	s31 =	sshrl.u32 s11, $0x1;
	s4 =	smul.u32 $0x2780, s1  }
0xb: {  	s8 =	sadd.s32 s9, s8;
	s9 =	sshrl.u32 s30, $0x2;
	s16 =	ssub.s32 s11, s31  }
0xc: {  	s17 =	sadd.s32 s14, s13;
	s8 =	sshrl.u32 s8, $0x3;
	s6 =	sadd.s32 s9, s2  }
0xd: {  	s13 =	sadd.s32 $0x80, s17;
	s14 =	smax.u32 s16, $0x1;
	s16 =	sadd.s32 $0x100, s17  }
0xe: {  	s17 =	simm.s32 $0x2F80;
	s12 =	sshrl.u32 s4, $0x3;
	s4 =	sadd.s32 $0x19600, s7  }
0xf: {  	s15 =	sadd.s32 s8, s7;
	s8 =	sadd.s32 $0x4000, s6;
	s9 =	sadd.s32 $0x8000, s6  }
0x10: {  	s11 =	sadd.s32 $0x10000, s6;
	s18 =	sshrl.u32 s13, $0x3;
	s10 =	sadd.s32 s12, s7  }
0x11: {  	s12 =	sadd.s32 s5, s12;
	s13 =	sadd.s32 $0x69C00, s15;
	s15 =	sadd.s32 s18, s5  }
0x12: {  	v0 =	vimm.f32 $0.0e+00;
	s18 =	simm.s32 $0x5;
	s7 =	sadd.s32 $0x5A00, s10;
	s10 =	sadd.s32 $0xC000, s6  }
.LBB2_1:
0x13: {  	[tilespmem:s3], [sflag:$0x1] =	stream.linear.gather [hbm4b:s7+s3], $0x2780, $0x38;
	[tilespmem:$0x1EF80] =	vst v63  }
0x14: {  	s29 =	simm.s32 $0x0;
	s30 =	simm.s32 $0x200  }
.LBB2_2:
0x15: {  	p0 =	sne.s32 s30, $0xFE00;
	[tilespmem:s29+$0x2FF0] =	vst v0  }
0x16: {  	[tilespmem:s29+$0x2F80] =	vst v0  }
0x17: {  	[tilespmem:s29+$0x2F90] =	vst v0  }
.Ltmp0:
0x18: {  	[tilespmem:s29+$0x2FA0] =	vst v0;
	(pc) =	sbr.rel @p0 .LBB2_2-.Ltmp0, $4  }
0x19: {  	[tilespmem:s29+$0x2FB0] =	vst v0  }
0x1a: {  	[tilespmem:s29+$0x2FC0] =	vst v0  }
0x1b: {  	[tilespmem:s29+$0x2FD0] =	vst v0  }
0x1c: {  	[tilespmem:s29+$0x2FE0] =	vst v0;
	s29 =	sshra.s32 s30, $0x2;
	s30 =	sadd.s32 $0x200, s30  }
0x1d: {  	[tilespmem:s29+$0x2FF0] =	vst v0  }
0x1e: {  	[tilespmem:s29+$0x2F80] =	vst v0  }
0x1f: {  	[tilespmem:s29+$0x2F90] =	vst v0  }
0x20: {  	[tilespmem:s29+$0x2FA0] =	vst v0  }
0x21: {  	[tilespmem:s29+$0x2FB0] =	vst v0  }
0x22: {  	[tilespmem:s29+$0x2FC0] =	vst v0  }
0x23: {  	[tilespmem:s29+$0x2FD0] =	vst v0  }
0x24: {  	[tilespmem:s29+$0x2FE0] =	vst v0  }
0x25: {  	[spmem:s6] =	stream.linear.scatter [tilespmem:s17], [sflag:$0x5], $0x4000, $0x38;
	[tilespmem:$0x1EF80] =	vst v63  }
0x26: {  	_ =	swait.ge [sflag:s18], $0x4000  }
0x27: {  	[sflag:s18] =	ssyncset.done $0x0  }
0x28: {  	[sflag:s18] =	ssyncadd.s32 $0xFFFFC000  }
0x29: {  	[spmem:s8] =	stream.linear.scatter [tilespmem:s17], [sflag:$0x5], $0x4000, $0x38;
	[tilespmem:$0x1EF80] =	vst v63  }
0x2a: {  	_ =	swait.ge [sflag:s18], $0x4000  }
0x2b: {  	[sflag:s18] =	ssyncset.done $0x0  }
0x2c: {  	[sflag:s18] =	ssyncadd.s32 $0xFFFFC000  }
0x2d: {  	[spmem:s9] =	stream.linear.scatter [tilespmem:s17], [sflag:$0x5], $0x4000, $0x38;
	[tilespmem:$0x1EF80] =	vst v63  }
0x2e: {  	_ =	swait.ge [sflag:s18], $0x4000  }
0x2f: {  	[sflag:s18] =	ssyncset.done $0x0  }
0x30: {  	[sflag:s18] =	ssyncadd.s32 $0xFFFFC000  }
0x31: {  	[spmem:s10] =	stream.linear.scatter [tilespmem:s17], [sflag:$0x5], $0x4000, $0x38;
	[tilespmem:$0x1EF80] =	vst v63  }
0x32: {  	_ =	swait.ge [sflag:s18], $0x4000  }
0x33: {  	[sflag:s18] =	ssyncset.done $0x0  }
0x34: {  	[sflag:s18] =	ssyncadd.s32 $0xFFFFC000  }
0x35: {  	[spmem:s11] =	stream.linear.scatter [tilespmem:s17], [sflag:$0x5], $0x4000, $0x38;
	[tilespmem:$0x1EF80] =	vst v63  }
0x36: {  	_ =	swait.ge [sflag:s18], $0x4000  }
0x37: {  	[sflag:s18] =	ssyncset.done $0x0  }
0x38: {  	[sflag:s18] =	ssyncadd.s32 $0xFFFFC000  }
0x39: {  	_ =	swait.ge [sflag:s19], $0x2780  }
0x3a: {  	[sflag:s19] =	ssyncset.done $0x0  }
0x3b: {  	[sflag:s19] =	ssyncadd.s32 $0xFFFFD880  }
0x3c: {  	s29 =	simm.s32 $0x80;
	s30 =	simm.s32 $0x0;
	[bflag:$0x0] =	sbarrier.arrive $0xFFFF  }
0x3d: {  	[tilespmem:s17], [sflag:$0x1] =	stream.indirect.gather [hbm4b:s4+s29], $0x80, s30, s29, $0xb8;
	[tilespmem:$0x1EF80] =	vst v63  }
0x3e: {  	_ = 	snop  }
0x3f: {  	[tilespmem:s20], [sflag:$0x3] =	stream.linear.gather [hbm4b:s12+s30], $0x80, $0x38;
	[tilespmem:$0x1EF80] =	vst v63  }
0x40: {  	_ = 	snop  }
0x41: {  	[tilespmem:s22], [sflag:$0x2] =	stream.indirect.gather [hbm4b:s4+s21], $0x80, s29, s21, $0xb8;
	[tilespmem:$0x1EF80] =	vst v63  }
0x42: {  	s30 =	sadd.s32 $0x0, s15  }
0x43: {  	[tilespmem:s23], [sflag:$0x4] =	stream.linear.gather [hbm4b:s30+s3], $0x80, $0x38;
	[tilespmem:$0x1EF80] =	vst v63  }
0x44: {  	_ =	swait.ge [sflag:s19], $0x4000  }
0x45: {  	[sflag:s19] =	ssyncset.done $0x0  }
0x46: {  	[sflag:s19] =	ssyncadd.s32 $0xFFFFC000  }
0x47: {  	_ =	swait.ge [sflag:s24], $0x80  }
0x48: {  	[sflag:s24] =	ssyncset.done $0x0  }
0x49: {  	[sflag:s24] =	ssyncadd.s32 $0xFFFFFF80  }
0x4a: {  	[spmem:s2] =	stream.indirect.scatter.add.f32 [tilespmem:s17], [sflag:$0x5], $0x80, s20, s21, $0xb8;
	[tilespmem:$0x1EF80] =	vst v63  }
0x4b: {  	_ =	swait.ge [sflag:s18], $0x4000  }
0x4c: {  	[sflag:s18] =	ssyncset.done $0x0  }
0x4d: {  	s31 =	sshrl.u32 s16, $0x3;
	s30 =	simm.s32 $0x100;
	[sflag:s18] =	ssyncadd.s32 $0xFFFFC000  }
0x4e: {  	[tilespmem:s17], [sflag:$0x1] =	stream.indirect.gather [hbm4b:s4+s21], $0x80, s30, s21, $0xb8;
	[tilespmem:$0x1EF80] =	vst v63  }
0x4f: {  	s30 =	sadd.s32 s5, s31  }
0x50: {  	[tilespmem:s20], [sflag:$0x3] =	stream.linear.gather [hbm4b:s30+s3], $0x80, $0x38;
	[tilespmem:$0x1EF80] =	vst v63  }
0x51: {  	_ =	swait.ge [sflag:s25], $0x4000  }
0x52: {  	[sflag:s25] =	ssyncset.done $0x0  }
0x53: {  	[sflag:s25] =	ssyncadd.s32 $0xFFFFC000  }
0x54: {  	_ =	swait.ge [sflag:s26], $0x80  }
0x55: {  	[sflag:s26] =	ssyncset.done $0x0  }
0x56: {  	[sflag:s26] =	ssyncadd.s32 $0xFFFFFF80  }
0x57: {  	[spmem:s2] =	stream.indirect.scatter.add.f32 [tilespmem:s22], [sflag:$0x5], $0x80, s23, s21, $0xb8;
	[tilespmem:$0x1EF80] =	vst v63  }
0x58: {  	_ =	swait.ge [sflag:s18], $0x4000  }
0x59: {  	s31 =	smov.u32 s16;
	s30 =	simm.s32 $0x20;
	[sflag:s18] =	ssyncset.done $0x0  }
.LBB2_4:
0x5a: {  	[sflag:s18] =	ssyncadd.s32 $0xFFFFC000;
	s29 =	sadd.s32 $0x100, s29;
	s31 =	sadd.s32 $0x100, s31  }
0x5b: {  	[tilespmem:s22], [sflag:$0x2] =	stream.indirect.gather [hbm4b:s4+s21], $0x80, s29, s21, $0xb8;
	[tilespmem:$0x1EF80] =	vst v63  }
0x5c: {  	s1 =	sadd.s32 s30, s15;
	p0 =	sne.s32 s30, $0x4C0;
	s30 =	sadd.s32 $0x20, s30  }
0x5d: {  	[tilespmem:s23], [sflag:$0x4] =	stream.linear.gather [hbm4b:s1+s3], $0x80, $0x38;
	[tilespmem:$0x1EF80] =	vst v63  }
0x5e: {  	_ =	swait.ge [sflag:s19], $0x4000  }
0x5f: {  	[sflag:s19] =	ssyncset.done $0x0  }
0x60: {  	[sflag:s19] =	ssyncadd.s32 $0xFFFFC000  }
0x61: {  	_ =	swait.ge [sflag:s24], $0x80  }
0x62: {  	[sflag:s24] =	ssyncset.done $0x0  }
0x63: {  	[sflag:s24] =	ssyncadd.s32 $0xFFFFFF80  }
0x64: {  	[spmem:s2] =	stream.indirect.scatter.add.f32 [tilespmem:s17], [sflag:$0x5], $0x80, s20, s21, $0xb8;
	[tilespmem:$0x1EF80] =	vst v63  }
0x65: {  	_ =	swait.ge [sflag:s18], $0x4000  }
0x66: {  	[sflag:s18] =	ssyncset.done $0x0  }
0x67: {  	s0 =	sshrl.u32 s31, $0x3;
	s1 =	sadd.s32 $0x80, s29;
	[sflag:s18] =	ssyncadd.s32 $0xFFFFC000  }
0x68: {  	[tilespmem:s17], [sflag:$0x1] =	stream.indirect.gather [hbm4b:s4+s21], $0x80, s1, s21, $0xb8;
	[tilespmem:$0x1EF80] =	vst v63  }
0x69: {  	s0 =	sadd.s32 s5, s0  }
0x6a: {  	[tilespmem:s20], [sflag:$0x3] =	stream.linear.gather [hbm4b:s0+s3], $0x80, $0x38;
	[tilespmem:$0x1EF80] =	vst v63  }
0x6b: {  	_ =	swait.ge [sflag:s25], $0x4000  }
0x6c: {  	[sflag:s25] =	ssyncset.done $0x0  }
0x6d: {  	[sflag:s25] =	ssyncadd.s32 $0xFFFFC000  }
0x6e: {  	_ =	swait.ge [sflag:s26], $0x80  }
.Ltmp1:
0x6f: {  	[sflag:s26] =	ssyncset.done $0x0;
	(pc) =	sbr.rel @p0 .LBB2_4-.Ltmp1, $4  }
0x70: {  	[sflag:s26] =	ssyncadd.s32 $0xFFFFFF80  }
0x71: {  	[spmem:s2] =	stream.indirect.scatter.add.f32 [tilespmem:s22], [sflag:$0x5], $0x80, s23, s21, $0xb8;
	[tilespmem:$0x1EF80] =	vst v63  }
0x72: {  	_ =	swait.ge [sflag:s18], $0x4000  }
0x73: {  	[sflag:s18] =	ssyncset.done $0x0  }
0x74: {  	[sflag:s18] =	ssyncadd.s32 $0xFFFFC000  }
0x75: {  	_ =	swait.ge [sflag:s19], $0x4000  }
0x76: {  	[sflag:s19] =	ssyncset.done $0x0  }
0x77: {  	[sflag:s19] =	ssyncadd.s32 $0xFFFFC000  }
0x78: {  	_ =	swait.ge [sflag:s24], $0x80  }
0x79: {  	[sflag:s24] =	ssyncset.done $0x0  }
0x7a: {  	[sflag:s24] =	ssyncadd.s32 $0xFFFFFF80  }
0x7b: {  	[spmem:s2] =	stream.indirect.scatter.add.f32 [tilespmem:s17], [sflag:$0x5], $0x80, s20, s21, $0xb8;
	[tilespmem:$0x1EF80] =	vst v63  }
0x7c: {  	s0 =	stileid.u32;
	_ =	swait.ge [sflag:s18], $0x4000  }
0x7d: {  	s1 =	sshrl.u32 s6, $0x3;
	s28 =	sadd.s32 $0x1, s28;
	[sflag:s18] =	ssyncset.done $0x0  }
0x7e: {  	s0 =	sshll.u32 s0, $0x6;
	p0 =	sne.s32 s28, s14;
	[sflag:s18] =	ssyncadd.s32 $0xFFFFC000  }
.Ltmp2:
0x7f: {  	s0 =	sor.u32 $0x1C05, s0;
	[bflag:$0x0] =	sbarrier.arrive $0xFFFF;
	(pc) =	sbr.rel @p0 .LBB2_1-.Ltmp2, $4  }
0x80: {  	[hbm:s13], [sflag:s0] =	dma.local [spmem:s1], $0x2800  }
0x81: {  	_ =	swait.ge [sflag:s18], $0x2800  }
0x82: {  	[sflag:s18] =	ssyncset.done $0x0  }
0x83: {  	[sflag:s18] =	ssyncadd.s32 $0xFFFFD800  }
0x84: {  	_ =	sfence.sel $0x180000  }
0x85: {  	[bflag:$0x0] =	sbarrier.arrive $0xFFFF  }
0x86: {  	_ =	strace $0x9000004D  }
0x87: {  	s0 =	stileid.u32;
	[bflag:$0x2] =	sbarrier.arrive $0xFFFF  }
0x88: {  	p0 =	sne.s32 s0, $0x0;
	s0 =	rddreg [dreg:$0x2]  }
0x89: {  	s0 =	sadd.s32 @!p0 $0x100000, s0  }
0x8a: {  	[sflag:s0] =	ssyncadd.tile.s32 @!p0 $0x1;
	_ =	shalt  }
.Lfunc_end2:
_tile_overlayer_lowered:
.L_overlay_start_2:
0x8b: {  	(tag) =	ssettag $0x2  }
0x8c: {  	s0 =	rddreg [dreg:$0x0];
	s2 =	stileid.u32  }
0x8d: {  	s1 =	rddreg [dreg:$0x1];
	p0 =	sne.s32 s2, $0x0  }
0x8e: {  	s3 =	rddreg [dreg:$0x2];
	[bflag:$0x3] =	sbarrier.arrive $0xFFFF;
	s2 =	simm.s32 @!p0 $0x1C05  }
0x8f: {  	[timem:s3], [sflag:s2] =	dma.local @!p0 [hbm:s0], s1  }
0x90: {  	s0 =	simm.s32 @!p0 $0x5  }
0x91: {  	_ =	swait.ge @!p0 [sflag:s0], s1  }
0x92: {  	s1 =	ssub.s32 @!p0 $0x0, s1;
	[sflag:s0] =	ssyncset.done @!p0 $0x0  }
0x93: {  	[sflag:s0] =	ssyncadd.s32 @!p0 s1  }
0x94: {  	[bflag:$0x3] =	sbarrier.arrive $0xFFFF  }
0x95: {  	_ =	shalt  }

// kernel: kernel.21.cloned.1.call-start
scs
__scs_entry_jumppad:
0x0: {  	(pc) =	sbr.rel $0x88, $3  }
0x1: {  	(tag) =	ssettag $0x0;
	lr =	simm.s32 $0x1  }
0x2: {  	[smem:$0x3F8F] =	sst lr;
	_ =	strace $0xD0000000  }
0x3: {  	_ = 	snop  }
0x4: {  	_ = 	snop  }
0x5: {  	_ = 	snop  }
0x6: {  	_ = 	snop  }
0x7: {  	_ = 	snop  }
__scs_overlays_trampoline_lowered:
0x8: {  	[smem:$0x3F9E] =	sst s0  }
0x9: {  	[smem:$0x3F9F] =	sst s1  }
0xa: {  	[smem:$0x3FA0] =	sst s2  }
0xb: {  	[smem:$0x3FA1] =	sst s3  }
0xc: {  	[smem:$0x3FA2] =	sst s4  }
0xd: {  	[smem:$0x3FA3] =	sst s5  }
0xe: {  	[smem:$0x3FA4] =	sst s6  }
0xf: {  	[smem:$0x3FA5] =	sst s7  }
0x10: {  	[smem:$0x3FA6] =	sst s8  }
0x11: {  	[smem:$0x3FA7] =	sst s9;
	s0 =	simm.s32 @!p0 $0x0  }
0x12: {  	s1 =	sld [smem:$0x3F8D];
	s0 =	simm.s32 @p0 $0x1  }
0x13: {  	[smem:$0x3FA8] =	sst s0;
	s0 =	simm.s32 @!p1 $0x0  }
0x14: {  	s2 =	sld [smem:$0x3F8C];
	s0 =	simm.s32 @p1 $0x1  }
0x15: {  	[smem:$0x3FA9] =	sst s0;
	s0 =	simm.s32 @!p2 $0x0  }
0x16: {  	s3 =	sld [smem:$0x3FDB];
	s0 =	simm.s32 @p2 $0x1  }
0x17: {  	s4 =	simm.s32 $0x1BF5;
	[smem:$0x3FAB] =	sst s0  }
0x18: {  	s0 =	sld [smem:$0x3F8E];
	_ =	swait.ge [sflag:s4], $0x0  }
0x19: {  	s7 =	sld [smem:$0x3F8F]  }
0x1a: {  	s8 =	sadd.s32 $0xFFFFE003, lr  }
0x1b: {  	s9 =	sadd.s32 $0xFFFFFEF7, lr;
	s5 =	simm.s32 $0xFFFFFFFF;
	p2 =	slt.u32 s8, $0xFFFFF086  }
0x1c: {  	p1 =	slt.u32 s9, $0xF7A;
	s5 =	simm.s32 @!p2 $0x0  }
0x1d: {  	s5 =	simm.s32 @p1 $0x1;
	p0 =	seq.s32 s7, s2  }
0x1e: {  	s7 =	smul.u32 @!p0 $0xF7A, s2;
	p2 =	seq.s32 @!p0 s5, $0x0  }
0x1f: {  	s9 =	smul.u32 $0xF7A, s1;
	s8 =	simm.s32 @!p0 $0x1BF5;
	p2 =	por !p2, p0  }
0x20: {  	[sflag:s8] =	ssyncset.s32 @!p0 $0xFFFFF086;
	s6 =	sadd.s32 @!p0 s3, s7;
	s7 =	simm.s32 @!p0 $0x108  }
0x21: {  	s3 =	sadd.s32 s3, s9;
	s6 =	sadd.s32 @!p0 $0x88, s6;
	s7 =	simm.s32 @p2 $0x1082  }
0x22: {  	[simem:s7], [sflag:s8] =	dma.local @!p0 [hbm:s6], $0xF7A  }
0x23: {  	s9 =	sor.u32 $0xD0000000, s2;
	s6 =	simm.s32 $0x108;
	_ =	swait.ge @!p0 [sflag:s8], $0x0  }
0x24: {  	s3 =	sadd.s32 $0x88, s3;
	s6 =	simm.s32 @!p1 $0x1082;
	[sflag:s4] =	ssyncset.s32 $0xFFFFF086  }
0x25: {  	[simem:s6], [sflag:s4] =	dma.local [hbm:s3], $0xF7A  }
0x26: {  	[smem:$0x3F8F] =	sst s1;
	(tag) =	ssettag s2;
	_ =	strace s9  }
0x27: {  	s1 =	sld [smem:$0x3F9F]  }
0x28: {  	s2 =	sld [smem:$0x3FA0]  }
0x29: {  	s4 =	sld [smem:$0x3FA2]  }
0x2a: {  	p0 =	seq.s32 s5, $0x0;
	s5 =	sld [smem:$0x3FA3]  }
0x2b: {  	s6 =	sld [smem:$0x3FA4]  }
0x2c: {  	s7 =	sld [smem:$0x3FA5]  }
0x2d: {  	s3 =	simm.s32 $0x108;
	s8 =	sld [smem:$0x3FA6]  }
0x2e: {  	s3 =	simm.s32 @!p0 $0x1082;
	s9 =	sld [smem:$0x3FA7]  }
0x2f: {  	lr =	sadd.s32 s0, s3;
	s0 =	sld [smem:$0x3F9E]  }
0x30: {  	s3 =	sld [smem:$0x3FA1]  }
0x31: {  	[smem:$0x3FAA] =	sst s10  }
0x32: {  	s10 =	sld [smem:$0x3FA8];
	_ =	sdelay $0x3  }
0x33: {  	p0 =	seq.s32 s10, $0x1;
	s10 =	sld [smem:$0x3FAA];
	_ =	sdelay $0x3  }
0x34: {  	[smem:$0x3FAA] =	sst s10  }
0x35: {  	s10 =	sld [smem:$0x3FA9];
	_ =	sdelay $0x3  }
0x36: {  	p1 =	seq.s32 s10, $0x1;
	s10 =	sld [smem:$0x3FAA];
	_ =	sdelay $0x3  }
0x37: {  	[smem:$0x3FAA] =	sst s10  }
0x38: {  	s10 =	sld [smem:$0x3FAB]  }
0x39: {  	_ = 	snop;
	(pc) =	sbr.ind lr, $3  }
0x3a: {  	_ = 	snop  }
0x3b: {  	_ = 	snop  }
0x3c: {  	p2 =	seq.s32 s10, $0x1;
	s10 =	sld [smem:$0x3FAA]  }
0x3d: {  	_ =	shalt  }
0x3e: {  	_ =	shalt  }
0x3f: {  	_ =	shalt  }
0x40: {  	_ =	shalt  }
0x41: {  	_ =	shalt  }
0x42: {  	_ =	shalt  }
0x43: {  	_ =	shalt  }
0x44: {  	_ =	shalt  }
0x45: {  	_ =	shalt  }
0x46: {  	_ =	shalt  }
0x47: {  	_ =	shalt  }
0x48: {  	_ =	shalt  }
0x49: {  	_ =	shalt  }
0x4a: {  	_ =	shalt  }
0x4b: {  	_ =	shalt  }
0x4c: {  	_ =	shalt  }
0x4d: {  	_ =	shalt  }
0x4e: {  	_ =	shalt  }
0x4f: {  	_ =	shalt  }
0x50: {  	_ =	shalt  }
0x51: {  	_ =	shalt  }
0x52: {  	_ =	shalt  }
0x53: {  	_ =	shalt  }
0x54: {  	_ =	shalt  }
0x55: {  	_ =	shalt  }
0x56: {  	_ =	shalt  }
0x57: {  	_ =	shalt  }
0x58: {  	_ =	shalt  }
0x59: {  	_ =	shalt  }
0x5a: {  	_ =	shalt  }
0x5b: {  	_ =	shalt  }
0x5c: {  	_ =	shalt  }
0x5d: {  	_ =	shalt  }
0x5e: {  	_ =	shalt  }
0x5f: {  	_ =	shalt  }
0x60: {  	_ =	shalt  }
0x61: {  	_ =	shalt  }
0x62: {  	_ =	shalt  }
0x63: {  	_ =	shalt  }
0x64: {  	_ =	shalt  }
0x65: {  	_ =	shalt  }
0x66: {  	_ =	shalt  }
0x67: {  	_ =	shalt  }
0x68: {  	_ =	shalt  }
0x69: {  	_ =	shalt  }
0x6a: {  	_ =	shalt  }
0x6b: {  	_ =	shalt  }
0x6c: {  	_ =	shalt  }
0x6d: {  	_ =	shalt  }
0x6e: {  	_ =	shalt  }
0x6f: {  	_ =	shalt  }
0x70: {  	_ =	shalt  }
0x71: {  	_ =	shalt  }
0x72: {  	_ =	shalt  }
0x73: {  	_ =	shalt  }
0x74: {  	_ =	shalt  }
0x75: {  	_ =	shalt  }
0x76: {  	_ =	shalt  }
0x77: {  	_ =	shalt  }
0x78: {  	_ =	shalt  }
0x79: {  	_ =	shalt  }
0x7a: {  	_ =	shalt  }
0x7b: {  	_ =	shalt  }
0x7c: {  	_ =	shalt  }
0x7d: {  	_ =	shalt  }
0x7e: {  	_ =	shalt  }
0x7f: {  	_ =	shalt  }
0x80: {  	_ =	shalt  }
0x81: {  	_ =	shalt  }
0x82: {  	_ =	shalt  }
0x83: {  	_ =	shalt  }
0x84: {  	_ =	shalt  }
0x85: {  	_ =	shalt  }
0x86: {  	_ =	shalt  }
0x87: {  	_ =	shalt  }
.Lfunc_end0:
.L_simem_size_0:
called_computation.3_lowered:
.L_overlay_start_0:
0x88: {  	s2 =	sld [smem:$0x3FD9]  }
0x89: {  	s3 =	sld [smem:$0x3FFE];
	_ =	sdelay $0x1  }
0x8a: {  	s1 =	srdreg.scid  }
0x8b: {  	s0 =	sand.u32 $0x1, s1  }
0x8c: {  	s16 =	sshll.u32 s0, $0xA;
	s2 =	sadd.s32 s3, s2  }
0x8d: {  	s2 =	sadd.s32 s2, s16  }
0x8e: {  	[smem:$0x3FB6] =	sst s2  }
0x8f: {  	_ = 	snop  }
0x90: {  	(tm) =	ssettm $0x1  }
0x91: {  	s17 =	sld [smem:$0x3FFB];
	_ =	sdelay $0x3  }
0x92: {  	_ =	strace s17  }
0x93: {  	s2 =	sld [smem:$0x3FFC];
	_ =	sdelay $0x3  }
0x94: {  	_ =	strace s2  }
0x95: {  	s2 =	sld [smem:$0x3FFD];
	_ =	sdelay $0x3  }
0x96: {  	_ =	strace s2  }
0x97: {  	_ =	strace $0x8FFFFFFF  }
0x98: {  	s18 =	sld [smem:$0x3FDB];
	_ =	sdelay $0x1  }
0x99: {  	s19 =	simm.s32 $_scs_section_size  }
0x9a: {  	s4 =	simm.s32 $_size__tile_overlayer_lowered;
	s5 =	simm.s32 $_tile_overlayer_lowered  }
0x9b: {  	s22 =	simm.s32 $0x1BFF;
	s21 =	sshll.u32 s5, $0x1;
	s2 =	sadd.s32 s19, s18  }
0x9c: {  	s6 =	simm.s32 $0x0;
	s20 =	sshll.u32 s4, $0x1;
	s4 =	sadd.s32 s21, s2  }
0x9d: {  	[timem:s6], [sflag:s22] =	dma.local [hbm:s4], s20  }
0x9e: {  	_ =	swait.ge [sflag:s22], s20  }
0x9f: {  	s3 =	ssub.s32 $0x0, s20;
	[sflag:s22] =	ssyncset.done $0x0  }
0xa0: {  	[sflag:s22] =	ssyncadd.s32 s3;
	_ =	sdelay $0x1  }
0xa1: {  	s23 =	simm.s32 $0x1B8B  }
0xa2: {  	_ =	swait.ge [sflag:s23], $0x1  }
0xa3: {  	[sflag:s23] =	ssyncset.done $0x0  }
0xa4: {  	s25 =	simm.s32 $0x1B8E;
	s24 =	sld [smem:$0x3FFE];
	[sflag:s23] =	ssyncadd.s32 $0xFFFFFFFF  }
0xa5: {  	s26 =	simm.s32 $execute0_lowered;
	[smem:$0x3FD2] =	sst s25  }
0xa6: {  	s4 =	sshll.u32 s26, $0x1;
	_ =	strace $0x8000004F;
	[dreg:$0x1] =	wrdreg $0xFFFFFFFF  }
0xa7: {  	s28 =	simm.s32 $_size_execute0_lowered;
	s2 =	sadd.s32 s2, s4;
	[dreg:$0x0] =	wrdreg $0x0  }
0xa8: {  	s4 =	sshll.u32 s28, $0x1;
	[dreg:$0x2] =	wrdreg s2  }
0xa9: {  	[dreg:$0x3] =	wrdreg s4  }
0xaa: {  	[dreg:$0x4] =	wrdreg $0xC0  }
0xab: {  	_ =	task [dreg:s6], $0x5FFFF  }
0xac: {  	[dreg:$0x1] =	wrdreg $0xFFFFFFFF  }
0xad: {  	[dreg:$0x0] =	wrdreg $0x60  }
0xae: {  	[dreg:$0x2] =	wrdreg s24  }
0xaf: {  	[dreg:$0x3] =	wrdreg $0xAF800  }
0xb0: {  	[dreg:$0x4] =	wrdreg $0x9  }
0xb1: {  	_ =	task.clear_ibuf [dreg:s6], $0x5FFFF;
	_ =	strace $0x9000004F  }
0xb2: {  	s29 =	simm.s32 $0x9;
	_ =	strace $0x80000051  }
0xb3: {  	_ =	swait.ge [sflag:s29], $0x1  }
0xb4: {  	[sflag:s29] =	ssyncadd.s32 $0xFFFFFFFF  }
0xb5: {  	_ =	strace $0x90000051  }
0xb6: {  	_ =	sfence  }
0xb7: {  	s30 =	sld [smem:$0x0];
	_ =	sdelay $0x2  }
0xb8: {  	s31 =	sshll.u32 s1, $0xD;
	s1 =	sshrl.u32 s1, $0x2  }
0xb9: {  	s3 =	sand.u32 $0x4000, s31;
	s1 =	sadd.s32 s1, s30  }
0xba: {  	s0 =	sor.u32 s3, s0;
	s1 =	sshll.u32 s1, $0x11  }
0xbb: {  	s0 =	sor.u32 s1, s0  }
0xbc: {  	s0 =	sadd.s32 $0x8F2B, s0  }
0xbd: {  	[sflag:s0] =	ssyncadd.remote.s32 $0x1  }
0xbe: {  	_ =	sfence.sel $0xFFFF  }
0xbf: {  	[dreg:$0x0] =	wrdreg $0xFFFFFFFF;
	(pc) =	sbr.abs _section_cstart, $3  }
0xc0: {  	[dreg:$0x1] =	wrdreg $0xFFFFFFFF  }
0xc1: {  	_ =	task.clear_ibuf [dreg:s6], $0x2FFFF;
	_ =	strace $0x9FFFFFFF  }
0xc2: {  	(tm) =	ssettm $0x7FFFFFFF  }
0xc3: {  	_ =	shalt  }
tec
execute0_lowered:
.L_overlay_start_1:
0x0: {  	(tag) =	ssettag $0x1  }
0x1: {  	s0 =	srdreg.scid;
	s7 =	rddreg [dreg:$0x0]  }
0x2: {  	s29 =	stileid.u32;
	s2 =	rddreg [dreg:$0x1]  }
0x3: {  	s3 =	simm.s32 $0x0;
	s19 =	simm.s32 $0x1;
	s20 =	simm.s32 $0x2780  }
0x4: {  	s21 =	simm.s32 $0x80;
	s22 =	simm.s32 $0x6F80;
	s23 =	simm.s32 $0x2B80  }
0x5: {  	s24 =	simm.s32 $0x3;
	s25 =	simm.s32 $0x2;
	s9 =	smul.u32 $0x14000, s29  }
0x6: {  	s26 =	simm.s32 $0x4;
	s28 =	simm.s32 $0x0;
	s30 =	smul.u32 $0x50000, s29  }
0x7: {  	s6 =	sand.u32 $0x1, s0;
	[smem:$0x7FF] =	sst s3;
	s14 =	smul.u32 $0x2780, s29  }
0x8: {  	s5 =	sadd.s32 $0xF800, s7;
	s1 =	sshll.u32 s6, $0x4;
	s8 =	smul.u32 $0x140000, s6  }
0x9: {  	s11 =	ssub.s32 $0x2, s6;
	s13 =	smul.u32 $0x27800, s6;
	s1 =	sor.u32 s29, s1  }
0xa: {  	_ =	strace $0x80000050;
	s31 =	sshrl.u32 s11, $0x1;
	s4 =	smul.u32 $0x2780, s1  }
0xb: {  	s8 =	sadd.s32 s9, s8;
	s9 =	sshrl.u32 s30, $0x2;
	s16 =	ssub.s32 s11, s31  }
0xc: {  	s17 =	sadd.s32 s14, s13;
	s8 =	sshrl.u32 s8, $0x3;
	s6 =	sadd.s32 s9, s2  }
0xd: {  	s13 =	sadd.s32 $0x80, s17;
	s14 =	smax.u32 s16, $0x1;
	s16 =	sadd.s32 $0x100, s17  }
0xe: {  	s17 =	simm.s32 $0x2F80;
	s12 =	sshrl.u32 s4, $0x3;
	s4 =	sadd.s32 $0x19600, s7  }
0xf: {  	s15 =	sadd.s32 s8, s7;
	s8 =	sadd.s32 $0x4000, s6;
	s9 =	sadd.s32 $0x8000, s6  }
0x10: {  	s11 =	sadd.s32 $0x10000, s6;
	s18 =	sshrl.u32 s13, $0x3;
	s10 =	sadd.s32 s12, s7  }
0x11: {  	s12 =	sadd.s32 s5, s12;
	s13 =	sadd.s32 $0x69C00, s15;
	s15 =	sadd.s32 s18, s5  }
0x12: {  	v0 =	vimm.f32 $0.0e+00;
	s18 =	simm.s32 $0x5;
	s7 =	sadd.s32 $0x5A00, s10;
	s10 =	sadd.s32 $0xC000, s6  }
.LBB2_1:
0x13: {  	[tilespmem:s3], [sflag:$0x1] =	stream.linear.gather [hbm4b:s7+s3], $0x2780, $0x38;
	[tilespmem:$0x1EF80] =	vst v63  }
0x14: {  	s29 =	simm.s32 $0x0;
	s30 =	simm.s32 $0x200  }
.LBB2_2:
0x15: {  	p0 =	sne.s32 s30, $0xFE00;
	[tilespmem:s29+$0x2FF0] =	vst v0  }
0x16: {  	[tilespmem:s29+$0x2F80] =	vst v0  }
0x17: {  	[tilespmem:s29+$0x2F90] =	vst v0  }
.Ltmp0:
0x18: {  	[tilespmem:s29+$0x2FA0] =	vst v0;
	(pc) =	sbr.rel @p0 .LBB2_2-.Ltmp0, $4  }
0x19: {  	[tilespmem:s29+$0x2FB0] =	vst v0  }
0x1a: {  	[tilespmem:s29+$0x2FC0] =	vst v0  }
0x1b: {  	[tilespmem:s29+$0x2FD0] =	vst v0  }
0x1c: {  	[tilespmem:s29+$0x2FE0] =	vst v0;
	s29 =	sshra.s32 s30, $0x2;
	s30 =	sadd.s32 $0x200, s30  }
0x1d: {  	[tilespmem:s29+$0x2FF0] =	vst v0  }
0x1e: {  	[tilespmem:s29+$0x2F80] =	vst v0  }
0x1f: {  	[tilespmem:s29+$0x2F90] =	vst v0  }
0x20: {  	[tilespmem:s29+$0x2FA0] =	vst v0  }
0x21: {  	[tilespmem:s29+$0x2FB0] =	vst v0  }
0x22: {  	[tilespmem:s29+$0x2FC0] =	vst v0  }
0x23: {  	[tilespmem:s29+$0x2FD0] =	vst v0  }
0x24: {  	[tilespmem:s29+$0x2FE0] =	vst v0  }
0x25: {  	[spmem:s6] =	stream.linear.scatter [tilespmem:s17], [sflag:$0x5], $0x4000, $0x38;
	[tilespmem:$0x1EF80] =	vst v63  }
0x26: {  	_ =	swait.ge [sflag:s18], $0x4000  }
0x27: {  	[sflag:s18] =	ssyncset.done $0x0  }
0x28: {  	[sflag:s18] =	ssyncadd.s32 $0xFFFFC000  }
0x29: {  	[spmem:s8] =	stream.linear.scatter [tilespmem:s17], [sflag:$0x5], $0x4000, $0x38;
	[tilespmem:$0x1EF80] =	vst v63  }
0x2a: {  	_ =	swait.ge [sflag:s18], $0x4000  }
0x2b: {  	[sflag:s18] =	ssyncset.done $0x0  }
0x2c: {  	[sflag:s18] =	ssyncadd.s32 $0xFFFFC000  }
0x2d: {  	[spmem:s9] =	stream.linear.scatter [tilespmem:s17], [sflag:$0x5], $0x4000, $0x38;
	[tilespmem:$0x1EF80] =	vst v63  }
0x2e: {  	_ =	swait.ge [sflag:s18], $0x4000  }
0x2f: {  	[sflag:s18] =	ssyncset.done $0x0  }
0x30: {  	[sflag:s18] =	ssyncadd.s32 $0xFFFFC000  }
0x31: {  	[spmem:s10] =	stream.linear.scatter [tilespmem:s17], [sflag:$0x5], $0x4000, $0x38;
	[tilespmem:$0x1EF80] =	vst v63  }
0x32: {  	_ =	swait.ge [sflag:s18], $0x4000  }
0x33: {  	[sflag:s18] =	ssyncset.done $0x0  }
0x34: {  	[sflag:s18] =	ssyncadd.s32 $0xFFFFC000  }
0x35: {  	[spmem:s11] =	stream.linear.scatter [tilespmem:s17], [sflag:$0x5], $0x4000, $0x38;
	[tilespmem:$0x1EF80] =	vst v63  }
0x36: {  	_ =	swait.ge [sflag:s18], $0x4000  }
0x37: {  	[sflag:s18] =	ssyncset.done $0x0  }
0x38: {  	[sflag:s18] =	ssyncadd.s32 $0xFFFFC000  }
0x39: {  	_ =	swait.ge [sflag:s19], $0x2780  }
0x3a: {  	[sflag:s19] =	ssyncset.done $0x0  }
0x3b: {  	[sflag:s19] =	ssyncadd.s32 $0xFFFFD880  }
0x3c: {  	s29 =	simm.s32 $0x80;
	s30 =	simm.s32 $0x0;
	[bflag:$0x0] =	sbarrier.arrive $0xFFFF  }
0x3d: {  	[tilespmem:s17], [sflag:$0x1] =	stream.indirect.gather [hbm4b:s4+s29], $0x80, s30, s29, $0xb8;
	[tilespmem:$0x1EF80] =	vst v63  }
0x3e: {  	_ = 	snop  }
0x3f: {  	[tilespmem:s20], [sflag:$0x3] =	stream.linear.gather [hbm4b:s12+s30], $0x80, $0x38;
	[tilespmem:$0x1EF80] =	vst v63  }
0x40: {  	_ = 	snop  }
0x41: {  	[tilespmem:s22], [sflag:$0x2] =	stream.indirect.gather [hbm4b:s4+s21], $0x80, s29, s21, $0xb8;
	[tilespmem:$0x1EF80] =	vst v63  }
0x42: {  	s30 =	sadd.s32 $0x0, s15  }
0x43: {  	[tilespmem:s23], [sflag:$0x4] =	stream.linear.gather [hbm4b:s30+s3], $0x80, $0x38;
	[tilespmem:$0x1EF80] =	vst v63  }
0x44: {  	_ =	swait.ge [sflag:s19], $0x4000  }
0x45: {  	[sflag:s19] =	ssyncset.done $0x0  }
0x46: {  	[sflag:s19] =	ssyncadd.s32 $0xFFFFC000  }
0x47: {  	_ =	swait.ge [sflag:s24], $0x80  }
0x48: {  	[sflag:s24] =	ssyncset.done $0x0  }
0x49: {  	[sflag:s24] =	ssyncadd.s32 $0xFFFFFF80  }
0x4a: {  	[spmem:s2] =	stream.indirect.scatter.add.f32 [tilespmem:s17], [sflag:$0x5], $0x80, s20, s21, $0xb8;
	[tilespmem:$0x1EF80] =	vst v63  }
0x4b: {  	_ =	swait.ge [sflag:s18], $0x4000  }
0x4c: {  	[sflag:s18] =	ssyncset.done $0x0  }
0x4d: {  	s31 =	sshrl.u32 s16, $0x3;
	s30 =	simm.s32 $0x100;
	[sflag:s18] =	ssyncadd.s32 $0xFFFFC000  }
0x4e: {  	[tilespmem:s17], [sflag:$0x1] =	stream.indirect.gather [hbm4b:s4+s21], $0x80, s30, s21, $0xb8;
	[tilespmem:$0x1EF80] =	vst v63  }
0x4f: {  	s30 =	sadd.s32 s5, s31  }
0x50: {  	[tilespmem:s20], [sflag:$0x3] =	stream.linear.gather [hbm4b:s30+s3], $0x80, $0x38;
	[tilespmem:$0x1EF80] =	vst v63  }
0x51: {  	_ =	swait.ge [sflag:s25], $0x4000  }
0x52: {  	[sflag:s25] =	ssyncset.done $0x0  }
0x53: {  	[sflag:s25] =	ssyncadd.s32 $0xFFFFC000  }
0x54: {  	_ =	swait.ge [sflag:s26], $0x80  }
0x55: {  	[sflag:s26] =	ssyncset.done $0x0  }
0x56: {  	[sflag:s26] =	ssyncadd.s32 $0xFFFFFF80  }
0x57: {  	[spmem:s2] =	stream.indirect.scatter.add.f32 [tilespmem:s22], [sflag:$0x5], $0x80, s23, s21, $0xb8;
	[tilespmem:$0x1EF80] =	vst v63  }
0x58: {  	_ =	swait.ge [sflag:s18], $0x4000  }
0x59: {  	s31 =	smov.u32 s16;
	s30 =	simm.s32 $0x20;
	[sflag:s18] =	ssyncset.done $0x0  }
.LBB2_4:
0x5a: {  	[sflag:s18] =	ssyncadd.s32 $0xFFFFC000;
	s29 =	sadd.s32 $0x100, s29;
	s31 =	sadd.s32 $0x100, s31  }
0x5b: {  	[tilespmem:s22], [sflag:$0x2] =	stream.indirect.gather [hbm4b:s4+s21], $0x80, s29, s21, $0xb8;
	[tilespmem:$0x1EF80] =	vst v63  }
0x5c: {  	s1 =	sadd.s32 s30, s15;
	p0 =	sne.s32 s30, $0x4C0;
	s30 =	sadd.s32 $0x20, s30  }
0x5d: {  	[tilespmem:s23], [sflag:$0x4] =	stream.linear.gather [hbm4b:s1+s3], $0x80, $0x38;
	[tilespmem:$0x1EF80] =	vst v63  }
0x5e: {  	_ =	swait.ge [sflag:s19], $0x4000  }
0x5f: {  	[sflag:s19] =	ssyncset.done $0x0  }
0x60: {  	[sflag:s19] =	ssyncadd.s32 $0xFFFFC000  }
0x61: {  	_ =	swait.ge [sflag:s24], $0x80  }
0x62: {  	[sflag:s24] =	ssyncset.done $0x0  }
0x63: {  	[sflag:s24] =	ssyncadd.s32 $0xFFFFFF80  }
0x64: {  	[spmem:s2] =	stream.indirect.scatter.add.f32 [tilespmem:s17], [sflag:$0x5], $0x80, s20, s21, $0xb8;
	[tilespmem:$0x1EF80] =	vst v63  }
0x65: {  	_ =	swait.ge [sflag:s18], $0x4000  }
0x66: {  	[sflag:s18] =	ssyncset.done $0x0  }
0x67: {  	s0 =	sshrl.u32 s31, $0x3;
	s1 =	sadd.s32 $0x80, s29;
	[sflag:s18] =	ssyncadd.s32 $0xFFFFC000  }
0x68: {  	[tilespmem:s17], [sflag:$0x1] =	stream.indirect.gather [hbm4b:s4+s21], $0x80, s1, s21, $0xb8;
	[tilespmem:$0x1EF80] =	vst v63  }
0x69: {  	s0 =	sadd.s32 s5, s0  }
0x6a: {  	[tilespmem:s20], [sflag:$0x3] =	stream.linear.gather [hbm4b:s0+s3], $0x80, $0x38;
	[tilespmem:$0x1EF80] =	vst v63  }
0x6b: {  	_ =	swait.ge [sflag:s25], $0x4000  }
0x6c: {  	[sflag:s25] =	ssyncset.done $0x0  }
0x6d: {  	[sflag:s25] =	ssyncadd.s32 $0xFFFFC000  }
0x6e: {  	_ =	swait.ge [sflag:s26], $0x80  }
.Ltmp1:
0x6f: {  	[sflag:s26] =	ssyncset.done $0x0;
	(pc) =	sbr.rel @p0 .LBB2_4-.Ltmp1, $4  }
0x70: {  	[sflag:s26] =	ssyncadd.s32 $0xFFFFFF80  }
0x71: {  	[spmem:s2] =	stream.indirect.scatter.add.f32 [tilespmem:s22], [sflag:$0x5], $0x80, s23, s21, $0xb8;
	[tilespmem:$0x1EF80] =	vst v63  }
0x72: {  	_ =	swait.ge [sflag:s18], $0x4000  }
0x73: {  	[sflag:s18] =	ssyncset.done $0x0  }
0x74: {  	[sflag:s18] =	ssyncadd.s32 $0xFFFFC000  }
0x75: {  	_ =	swait.ge [sflag:s19], $0x4000  }
0x76: {  	[sflag:s19] =	ssyncset.done $0x0  }
0x77: {  	[sflag:s19] =	ssyncadd.s32 $0xFFFFC000  }
0x78: {  	_ =	swait.ge [sflag:s24], $0x80  }
0x79: {  	[sflag:s24] =	ssyncset.done $0x0  }
0x7a: {  	[sflag:s24] =	ssyncadd.s32 $0xFFFFFF80  }
0x7b: {  	[spmem:s2] =	stream.indirect.scatter.add.f32 [tilespmem:s17], [sflag:$0x5], $0x80, s20, s21, $0xb8;
	[tilespmem:$0x1EF80] =	vst v63  }
0x7c: {  	s0 =	stileid.u32;
	_ =	swait.ge [sflag:s18], $0x4000  }
0x7d: {  	s1 =	sshrl.u32 s6, $0x3;
	s28 =	sadd.s32 $0x1, s28;
	[sflag:s18] =	ssyncset.done $0x0  }
0x7e: {  	s0 =	sshll.u32 s0, $0x6;
	p0 =	sne.s32 s28, s14;
	[sflag:s18] =	ssyncadd.s32 $0xFFFFC000  }
.Ltmp2:
0x7f: {  	s0 =	sor.u32 $0x1C05, s0;
	[bflag:$0x0] =	sbarrier.arrive $0xFFFF;
	(pc) =	sbr.rel @p0 .LBB2_1-.Ltmp2, $4  }
0x80: {  	[hbm:s13], [sflag:s0] =	dma.local [spmem:s1], $0x2800  }
0x81: {  	_ =	swait.ge [sflag:s18], $0x2800  }
0x82: {  	[sflag:s18] =	ssyncset.done $0x0  }
0x83: {  	[sflag:s18] =	ssyncadd.s32 $0xFFFFD800  }
0x84: {  	_ =	sfence.sel $0x180000  }
0x85: {  	[bflag:$0x0] =	sbarrier.arrive $0xFFFF  }
0x86: {  	_ =	strace $0x90000050  }
0x87: {  	s0 =	stileid.u32;
	[bflag:$0x2] =	sbarrier.arrive $0xFFFF  }
0x88: {  	p0 =	sne.s32 s0, $0x0;
	s0 =	rddreg [dreg:$0x2]  }
0x89: {  	s0 =	sadd.s32 @!p0 $0x100000, s0  }
0x8a: {  	[sflag:s0] =	ssyncadd.tile.s32 @!p0 $0x1;
	_ =	shalt  }
.Lfunc_end2:
_tile_overlayer_lowered:
.L_overlay_start_2:
0x8b: {  	(tag) =	ssettag $0x2  }
0x8c: {  	s0 =	rddreg [dreg:$0x0];
	s2 =	stileid.u32  }
0x8d: {  	s1 =	rddreg [dreg:$0x1];
	p0 =	sne.s32 s2, $0x0  }
0x8e: {  	s3 =	rddreg [dreg:$0x2];
	[bflag:$0x3] =	sbarrier.arrive $0xFFFF;
	s2 =	simm.s32 @!p0 $0x1C05  }
0x8f: {  	[timem:s3], [sflag:s2] =	dma.local @!p0 [hbm:s0], s1  }
0x90: {  	s0 =	simm.s32 @!p0 $0x5  }
0x91: {  	_ =	swait.ge @!p0 [sflag:s0], s1  }
0x92: {  	s1 =	ssub.s32 @!p0 $0x0, s1;
	[sflag:s0] =	ssyncset.done @!p0 $0x0  }
0x93: {  	[sflag:s0] =	ssyncadd.s32 @!p0 s1  }
0x94: {  	[bflag:$0x3] =	sbarrier.arrive $0xFFFF  }
0x95: {  	_ =	shalt  }

// kernel: kernel.24.cloned.1.call-start
scs
__scs_entry_jumppad:
0x0: {  	(pc) =	sbr.rel $0x88, $3  }
0x1: {  	(tag) =	ssettag $0x0;
	lr =	simm.s32 $0x1  }
0x2: {  	[smem:$0x3F8F] =	sst lr;
	_ =	strace $0xD0000000  }
0x3: {  	_ = 	snop  }
0x4: {  	_ = 	snop  }
0x5: {  	_ = 	snop  }
0x6: {  	_ = 	snop  }
0x7: {  	_ = 	snop  }
__scs_overlays_trampoline_lowered:
0x8: {  	[smem:$0x3F9E] =	sst s0  }
0x9: {  	[smem:$0x3F9F] =	sst s1  }
0xa: {  	[smem:$0x3FA0] =	sst s2  }
0xb: {  	[smem:$0x3FA1] =	sst s3  }
0xc: {  	[smem:$0x3FA2] =	sst s4  }
0xd: {  	[smem:$0x3FA3] =	sst s5  }
0xe: {  	[smem:$0x3FA4] =	sst s6  }
0xf: {  	[smem:$0x3FA5] =	sst s7  }
0x10: {  	[smem:$0x3FA6] =	sst s8  }
0x11: {  	[smem:$0x3FA7] =	sst s9;
	s0 =	simm.s32 @!p0 $0x0  }
0x12: {  	s1 =	sld [smem:$0x3F8D];
	s0 =	simm.s32 @p0 $0x1  }
0x13: {  	[smem:$0x3FA8] =	sst s0;
	s0 =	simm.s32 @!p1 $0x0  }
0x14: {  	s2 =	sld [smem:$0x3F8C];
	s0 =	simm.s32 @p1 $0x1  }
0x15: {  	[smem:$0x3FA9] =	sst s0;
	s0 =	simm.s32 @!p2 $0x0  }
0x16: {  	s3 =	sld [smem:$0x3FDB];
	s0 =	simm.s32 @p2 $0x1  }
0x17: {  	s4 =	simm.s32 $0x1BF5;
	[smem:$0x3FAB] =	sst s0  }
0x18: {  	s0 =	sld [smem:$0x3F8E];
	_ =	swait.ge [sflag:s4], $0x0  }
0x19: {  	s7 =	sld [smem:$0x3F8F]  }
0x1a: {  	s8 =	sadd.s32 $0xFFFFE003, lr  }
0x1b: {  	s9 =	sadd.s32 $0xFFFFFEF7, lr;
	s5 =	simm.s32 $0xFFFFFFFF;
	p2 =	slt.u32 s8, $0xFFFFF086  }
0x1c: {  	p1 =	slt.u32 s9, $0xF7A;
	s5 =	simm.s32 @!p2 $0x0  }
0x1d: {  	s5 =	simm.s32 @p1 $0x1;
	p0 =	seq.s32 s7, s2  }
0x1e: {  	s7 =	smul.u32 @!p0 $0xF7A, s2;
	p2 =	seq.s32 @!p0 s5, $0x0  }
0x1f: {  	s9 =	smul.u32 $0xF7A, s1;
	s8 =	simm.s32 @!p0 $0x1BF5;
	p2 =	por !p2, p0  }
0x20: {  	[sflag:s8] =	ssyncset.s32 @!p0 $0xFFFFF086;
	s6 =	sadd.s32 @!p0 s3, s7;
	s7 =	simm.s32 @!p0 $0x108  }
0x21: {  	s3 =	sadd.s32 s3, s9;
	s6 =	sadd.s32 @!p0 $0x88, s6;
	s7 =	simm.s32 @p2 $0x1082  }
0x22: {  	[simem:s7], [sflag:s8] =	dma.local @!p0 [hbm:s6], $0xF7A  }
0x23: {  	s9 =	sor.u32 $0xD0000000, s2;
	s6 =	simm.s32 $0x108;
	_ =	swait.ge @!p0 [sflag:s8], $0x0  }
0x24: {  	s3 =	sadd.s32 $0x88, s3;
	s6 =	simm.s32 @!p1 $0x1082;
	[sflag:s4] =	ssyncset.s32 $0xFFFFF086  }
0x25: {  	[simem:s6], [sflag:s4] =	dma.local [hbm:s3], $0xF7A  }
0x26: {  	[smem:$0x3F8F] =	sst s1;
	(tag) =	ssettag s2;
	_ =	strace s9  }
0x27: {  	s1 =	sld [smem:$0x3F9F]  }
0x28: {  	s2 =	sld [smem:$0x3FA0]  }
0x29: {  	s4 =	sld [smem:$0x3FA2]  }
0x2a: {  	p0 =	seq.s32 s5, $0x0;
	s5 =	sld [smem:$0x3FA3]  }
0x2b: {  	s6 =	sld [smem:$0x3FA4]  }
0x2c: {  	s7 =	sld [smem:$0x3FA5]  }
0x2d: {  	s3 =	simm.s32 $0x108;
	s8 =	sld [smem:$0x3FA6]  }
0x2e: {  	s3 =	simm.s32 @!p0 $0x1082;
	s9 =	sld [smem:$0x3FA7]  }
0x2f: {  	lr =	sadd.s32 s0, s3;
	s0 =	sld [smem:$0x3F9E]  }
0x30: {  	s3 =	sld [smem:$0x3FA1]  }
0x31: {  	[smem:$0x3FAA] =	sst s10  }
0x32: {  	s10 =	sld [smem:$0x3FA8];
	_ =	sdelay $0x3  }
0x33: {  	p0 =	seq.s32 s10, $0x1;
	s10 =	sld [smem:$0x3FAA];
	_ =	sdelay $0x3  }
0x34: {  	[smem:$0x3FAA] =	sst s10  }
0x35: {  	s10 =	sld [smem:$0x3FA9];
	_ =	sdelay $0x3  }
0x36: {  	p1 =	seq.s32 s10, $0x1;
	s10 =	sld [smem:$0x3FAA];
	_ =	sdelay $0x3  }
0x37: {  	[smem:$0x3FAA] =	sst s10  }
0x38: {  	s10 =	sld [smem:$0x3FAB]  }
0x39: {  	_ = 	snop;
	(pc) =	sbr.ind lr, $3  }
0x3a: {  	_ = 	snop  }
0x3b: {  	_ = 	snop  }
0x3c: {  	p2 =	seq.s32 s10, $0x1;
	s10 =	sld [smem:$0x3FAA]  }
0x3d: {  	_ =	shalt  }
0x3e: {  	_ =	shalt  }
0x3f: {  	_ =	shalt  }
0x40: {  	_ =	shalt  }
0x41: {  	_ =	shalt  }
0x42: {  	_ =	shalt  }
0x43: {  	_ =	shalt  }
0x44: {  	_ =	shalt  }
0x45: {  	_ =	shalt  }
0x46: {  	_ =	shalt  }
0x47: {  	_ =	shalt  }
0x48: {  	_ =	shalt  }
0x49: {  	_ =	shalt  }
0x4a: {  	_ =	shalt  }
0x4b: {  	_ =	shalt  }
0x4c: {  	_ =	shalt  }
0x4d: {  	_ =	shalt  }
0x4e: {  	_ =	shalt  }
0x4f: {  	_ =	shalt  }
0x50: {  	_ =	shalt  }
0x51: {  	_ =	shalt  }
0x52: {  	_ =	shalt  }
0x53: {  	_ =	shalt  }
0x54: {  	_ =	shalt  }
0x55: {  	_ =	shalt  }
0x56: {  	_ =	shalt  }
0x57: {  	_ =	shalt  }
0x58: {  	_ =	shalt  }
0x59: {  	_ =	shalt  }
0x5a: {  	_ =	shalt  }
0x5b: {  	_ =	shalt  }
0x5c: {  	_ =	shalt  }
0x5d: {  	_ =	shalt  }
0x5e: {  	_ =	shalt  }
0x5f: {  	_ =	shalt  }
0x60: {  	_ =	shalt  }
0x61: {  	_ =	shalt  }
0x62: {  	_ =	shalt  }
0x63: {  	_ =	shalt  }
0x64: {  	_ =	shalt  }
0x65: {  	_ =	shalt  }
0x66: {  	_ =	shalt  }
0x67: {  	_ =	shalt  }
0x68: {  	_ =	shalt  }
0x69: {  	_ =	shalt  }
0x6a: {  	_ =	shalt  }
0x6b: {  	_ =	shalt  }
0x6c: {  	_ =	shalt  }
0x6d: {  	_ =	shalt  }
0x6e: {  	_ =	shalt  }
0x6f: {  	_ =	shalt  }
0x70: {  	_ =	shalt  }
0x71: {  	_ =	shalt  }
0x72: {  	_ =	shalt  }
0x73: {  	_ =	shalt  }
0x74: {  	_ =	shalt  }
0x75: {  	_ =	shalt  }
0x76: {  	_ =	shalt  }
0x77: {  	_ =	shalt  }
0x78: {  	_ =	shalt  }
0x79: {  	_ =	shalt  }
0x7a: {  	_ =	shalt  }
0x7b: {  	_ =	shalt  }
0x7c: {  	_ =	shalt  }
0x7d: {  	_ =	shalt  }
0x7e: {  	_ =	shalt  }
0x7f: {  	_ =	shalt  }
0x80: {  	_ =	shalt  }
0x81: {  	_ =	shalt  }
0x82: {  	_ =	shalt  }
0x83: {  	_ =	shalt  }
0x84: {  	_ =	shalt  }
0x85: {  	_ =	shalt  }
0x86: {  	_ =	shalt  }
0x87: {  	_ =	shalt  }
.Lfunc_end0:
.L_simem_size_0:
called_computation.4_lowered:
.L_overlay_start_0:
0x88: {  	s2 =	sld [smem:$0x3FD9]  }
0x89: {  	s3 =	sld [smem:$0x3FFE];
	_ =	sdelay $0x1  }
0x8a: {  	s1 =	srdreg.scid  }
0x8b: {  	s0 =	sand.u32 $0x1, s1  }
0x8c: {  	s16 =	sshll.u32 s0, $0xA;
	s2 =	sadd.s32 s3, s2  }
0x8d: {  	s2 =	sadd.s32 s2, s16  }
0x8e: {  	[smem:$0x3FB6] =	sst s2  }
0x8f: {  	_ = 	snop  }
0x90: {  	(tm) =	ssettm $0x1  }
0x91: {  	s17 =	sld [smem:$0x3FFB];
	_ =	sdelay $0x3  }
0x92: {  	_ =	strace s17  }
0x93: {  	s2 =	sld [smem:$0x3FFC];
	_ =	sdelay $0x3  }
0x94: {  	_ =	strace s2  }
0x95: {  	s2 =	sld [smem:$0x3FFD];
	_ =	sdelay $0x3  }
0x96: {  	_ =	strace s2  }
0x97: {  	_ =	strace $0x8FFFFFFF  }
0x98: {  	s18 =	sld [smem:$0x3FDB];
	_ =	sdelay $0x1  }
0x99: {  	s19 =	simm.s32 $_scs_section_size  }
0x9a: {  	s4 =	simm.s32 $_size__tile_overlayer_lowered;
	s5 =	simm.s32 $_tile_overlayer_lowered  }
0x9b: {  	s22 =	simm.s32 $0x1BFF;
	s21 =	sshll.u32 s5, $0x1;
	s2 =	sadd.s32 s19, s18  }
0x9c: {  	s6 =	simm.s32 $0x0;
	s20 =	sshll.u32 s4, $0x1;
	s4 =	sadd.s32 s21, s2  }
0x9d: {  	[timem:s6], [sflag:s22] =	dma.local [hbm:s4], s20  }
0x9e: {  	_ =	swait.ge [sflag:s22], s20  }
0x9f: {  	s3 =	ssub.s32 $0x0, s20;
	[sflag:s22] =	ssyncset.done $0x0  }
0xa0: {  	[sflag:s22] =	ssyncadd.s32 s3;
	_ =	sdelay $0x1  }
0xa1: {  	s23 =	simm.s32 $0x1B8B  }
0xa2: {  	_ =	swait.ge [sflag:s23], $0x1  }
0xa3: {  	[sflag:s23] =	ssyncset.done $0x0  }
0xa4: {  	s25 =	simm.s32 $0x1B8E;
	s24 =	sld [smem:$0x3FFE];
	[sflag:s23] =	ssyncadd.s32 $0xFFFFFFFF  }
0xa5: {  	s26 =	simm.s32 $execute0_lowered;
	[smem:$0x3FD2] =	sst s25  }
0xa6: {  	s4 =	sshll.u32 s26, $0x1;
	_ =	strace $0x80000052;
	[dreg:$0x1] =	wrdreg $0xFFFFFFFF  }
0xa7: {  	s28 =	simm.s32 $_size_execute0_lowered;
	s2 =	sadd.s32 s2, s4;
	[dreg:$0x0] =	wrdreg $0x0  }
0xa8: {  	s4 =	sshll.u32 s28, $0x1;
	[dreg:$0x2] =	wrdreg s2  }
0xa9: {  	[dreg:$0x3] =	wrdreg s4  }
0xaa: {  	[dreg:$0x4] =	wrdreg $0xC0  }
0xab: {  	_ =	task [dreg:s6], $0x5FFFF  }
0xac: {  	[dreg:$0x1] =	wrdreg $0xFFFFFFFF  }
0xad: {  	[dreg:$0x0] =	wrdreg $0x60  }
0xae: {  	[dreg:$0x2] =	wrdreg s24  }
0xaf: {  	[dreg:$0x3] =	wrdreg $0xAF800  }
0xb0: {  	[dreg:$0x4] =	wrdreg $0x9  }
0xb1: {  	_ =	task.clear_ibuf [dreg:s6], $0x5FFFF;
	_ =	strace $0x90000052  }
0xb2: {  	s29 =	simm.s32 $0x9;
	_ =	strace $0x80000054  }
0xb3: {  	_ =	swait.ge [sflag:s29], $0x1  }
0xb4: {  	[sflag:s29] =	ssyncadd.s32 $0xFFFFFFFF  }
0xb5: {  	_ =	strace $0x90000054  }
0xb6: {  	_ =	sfence  }
0xb7: {  	s30 =	sld [smem:$0x0];
	_ =	sdelay $0x2  }
0xb8: {  	s31 =	sshll.u32 s1, $0xD;
	s1 =	sshrl.u32 s1, $0x2  }
0xb9: {  	s3 =	sand.u32 $0x4000, s31;
	s1 =	sadd.s32 s1, s30  }
0xba: {  	s0 =	sor.u32 s3, s0;
	s1 =	sshll.u32 s1, $0x11  }
0xbb: {  	s0 =	sor.u32 s1, s0  }
0xbc: {  	s0 =	sadd.s32 $0x8F2B, s0  }
0xbd: {  	[sflag:s0] =	ssyncadd.remote.s32 $0x1  }
0xbe: {  	_ =	sfence.sel $0xFFFF  }
0xbf: {  	[dreg:$0x0] =	wrdreg $0xFFFFFFFF;
	(pc) =	sbr.abs _section_cstart, $3  }
0xc0: {  	[dreg:$0x1] =	wrdreg $0xFFFFFFFF  }
0xc1: {  	_ =	task.clear_ibuf [dreg:s6], $0x2FFFF;
	_ =	strace $0x9FFFFFFF  }
0xc2: {  	(tm) =	ssettm $0x7FFFFFFF  }
0xc3: {  	_ =	shalt  }
tec
execute0_lowered:
.L_overlay_start_1:
0x0: {  	(tag) =	ssettag $0x1  }
0x1: {  	s0 =	srdreg.scid;
	s7 =	rddreg [dreg:$0x0]  }
0x2: {  	s29 =	stileid.u32;
	s2 =	rddreg [dreg:$0x1]  }
0x3: {  	s3 =	simm.s32 $0x0;
	s19 =	simm.s32 $0x1;
	s20 =	simm.s32 $0x2780  }
0x4: {  	s21 =	simm.s32 $0x80;
	s22 =	simm.s32 $0x6F80;
	s23 =	simm.s32 $0x2B80  }
0x5: {  	s24 =	simm.s32 $0x3;
	s25 =	simm.s32 $0x2;
	s9 =	smul.u32 $0x14000, s29  }
0x6: {  	s26 =	simm.s32 $0x4;
	s28 =	simm.s32 $0x0;
	s30 =	smul.u32 $0x50000, s29  }
0x7: {  	s6 =	sand.u32 $0x1, s0;
	[smem:$0x7FF] =	sst s3;
	s14 =	smul.u32 $0x2780, s29  }
0x8: {  	s5 =	sadd.s32 $0xF800, s7;
	s1 =	sshll.u32 s6, $0x4;
	s8 =	smul.u32 $0x140000, s6  }
0x9: {  	s11 =	ssub.s32 $0x2, s6;
	s13 =	smul.u32 $0x27800, s6;
	s1 =	sor.u32 s29, s1  }
0xa: {  	_ =	strace $0x80000053;
	s31 =	sshrl.u32 s11, $0x1;
	s4 =	smul.u32 $0x2780, s1  }
0xb: {  	s8 =	sadd.s32 s9, s8;
	s9 =	sshrl.u32 s30, $0x2;
	s16 =	ssub.s32 s11, s31  }
0xc: {  	s17 =	sadd.s32 s14, s13;
	s8 =	sshrl.u32 s8, $0x3;
	s6 =	sadd.s32 s9, s2  }
0xd: {  	s13 =	sadd.s32 $0x80, s17;
	s14 =	smax.u32 s16, $0x1;
	s16 =	sadd.s32 $0x100, s17  }
0xe: {  	s17 =	simm.s32 $0x2F80;
	s12 =	sshrl.u32 s4, $0x3;
	s4 =	sadd.s32 $0x19600, s7  }
0xf: {  	s15 =	sadd.s32 s8, s7;
	s8 =	sadd.s32 $0x4000, s6;
	s9 =	sadd.s32 $0x8000, s6  }
0x10: {  	s11 =	sadd.s32 $0x10000, s6;
	s18 =	sshrl.u32 s13, $0x3;
	s10 =	sadd.s32 s12, s7  }
0x11: {  	s12 =	sadd.s32 s5, s12;
	s13 =	sadd.s32 $0x69C00, s15;
	s15 =	sadd.s32 s18, s5  }
0x12: {  	v0 =	vimm.f32 $0.0e+00;
	s18 =	simm.s32 $0x5;
	s7 =	sadd.s32 $0x5A00, s10;
	s10 =	sadd.s32 $0xC000, s6  }
.LBB2_1:
0x13: {  	[tilespmem:s3], [sflag:$0x1] =	stream.linear.gather [hbm4b:s7+s3], $0x2780, $0x38;
	[tilespmem:$0x1EF80] =	vst v63  }
0x14: {  	s29 =	simm.s32 $0x0;
	s30 =	simm.s32 $0x200  }
.LBB2_2:
0x15: {  	p0 =	sne.s32 s30, $0xFE00;
	[tilespmem:s29+$0x2FF0] =	vst v0  }
0x16: {  	[tilespmem:s29+$0x2F80] =	vst v0  }
0x17: {  	[tilespmem:s29+$0x2F90] =	vst v0  }
.Ltmp0:
0x18: {  	[tilespmem:s29+$0x2FA0] =	vst v0;
	(pc) =	sbr.rel @p0 .LBB2_2-.Ltmp0, $4  }
0x19: {  	[tilespmem:s29+$0x2FB0] =	vst v0  }
0x1a: {  	[tilespmem:s29+$0x2FC0] =	vst v0  }
0x1b: {  	[tilespmem:s29+$0x2FD0] =	vst v0  }
0x1c: {  	[tilespmem:s29+$0x2FE0] =	vst v0;
	s29 =	sshra.s32 s30, $0x2;
	s30 =	sadd.s32 $0x200, s30  }
0x1d: {  	[tilespmem:s29+$0x2FF0] =	vst v0  }
0x1e: {  	[tilespmem:s29+$0x2F80] =	vst v0  }
0x1f: {  	[tilespmem:s29+$0x2F90] =	vst v0  }
0x20: {  	[tilespmem:s29+$0x2FA0] =	vst v0  }
0x21: {  	[tilespmem:s29+$0x2FB0] =	vst v0  }
0x22: {  	[tilespmem:s29+$0x2FC0] =	vst v0  }
0x23: {  	[tilespmem:s29+$0x2FD0] =	vst v0  }
0x24: {  	[tilespmem:s29+$0x2FE0] =	vst v0  }
0x25: {  	[spmem:s6] =	stream.linear.scatter [tilespmem:s17], [sflag:$0x5], $0x4000, $0x38;
	[tilespmem:$0x1EF80] =	vst v63  }
0x26: {  	_ =	swait.ge [sflag:s18], $0x4000  }
0x27: {  	[sflag:s18] =	ssyncset.done $0x0  }
0x28: {  	[sflag:s18] =	ssyncadd.s32 $0xFFFFC000  }
0x29: {  	[spmem:s8] =	stream.linear.scatter [tilespmem:s17], [sflag:$0x5], $0x4000, $0x38;
	[tilespmem:$0x1EF80] =	vst v63  }
0x2a: {  	_ =	swait.ge [sflag:s18], $0x4000  }
0x2b: {  	[sflag:s18] =	ssyncset.done $0x0  }
0x2c: {  	[sflag:s18] =	ssyncadd.s32 $0xFFFFC000  }
0x2d: {  	[spmem:s9] =	stream.linear.scatter [tilespmem:s17], [sflag:$0x5], $0x4000, $0x38;
	[tilespmem:$0x1EF80] =	vst v63  }
0x2e: {  	_ =	swait.ge [sflag:s18], $0x4000  }
0x2f: {  	[sflag:s18] =	ssyncset.done $0x0  }
0x30: {  	[sflag:s18] =	ssyncadd.s32 $0xFFFFC000  }
0x31: {  	[spmem:s10] =	stream.linear.scatter [tilespmem:s17], [sflag:$0x5], $0x4000, $0x38;
	[tilespmem:$0x1EF80] =	vst v63  }
0x32: {  	_ =	swait.ge [sflag:s18], $0x4000  }
0x33: {  	[sflag:s18] =	ssyncset.done $0x0  }
0x34: {  	[sflag:s18] =	ssyncadd.s32 $0xFFFFC000  }
0x35: {  	[spmem:s11] =	stream.linear.scatter [tilespmem:s17], [sflag:$0x5], $0x4000, $0x38;
	[tilespmem:$0x1EF80] =	vst v63  }
0x36: {  	_ =	swait.ge [sflag:s18], $0x4000  }
0x37: {  	[sflag:s18] =	ssyncset.done $0x0  }
0x38: {  	[sflag:s18] =	ssyncadd.s32 $0xFFFFC000  }
0x39: {  	_ =	swait.ge [sflag:s19], $0x2780  }
0x3a: {  	[sflag:s19] =	ssyncset.done $0x0  }
0x3b: {  	[sflag:s19] =	ssyncadd.s32 $0xFFFFD880  }
0x3c: {  	s29 =	simm.s32 $0x80;
	s30 =	simm.s32 $0x0;
	[bflag:$0x0] =	sbarrier.arrive $0xFFFF  }
0x3d: {  	[tilespmem:s17], [sflag:$0x1] =	stream.indirect.gather [hbm4b:s4+s29], $0x80, s30, s29, $0xb8;
	[tilespmem:$0x1EF80] =	vst v63  }
0x3e: {  	_ = 	snop  }
0x3f: {  	[tilespmem:s20], [sflag:$0x3] =	stream.linear.gather [hbm4b:s12+s30], $0x80, $0x38;
	[tilespmem:$0x1EF80] =	vst v63  }
0x40: {  	_ = 	snop  }
0x41: {  	[tilespmem:s22], [sflag:$0x2] =	stream.indirect.gather [hbm4b:s4+s21], $0x80, s29, s21, $0xb8;
	[tilespmem:$0x1EF80] =	vst v63  }
0x42: {  	s30 =	sadd.s32 $0x0, s15  }
0x43: {  	[tilespmem:s23], [sflag:$0x4] =	stream.linear.gather [hbm4b:s30+s3], $0x80, $0x38;
	[tilespmem:$0x1EF80] =	vst v63  }
0x44: {  	_ =	swait.ge [sflag:s19], $0x4000  }
0x45: {  	[sflag:s19] =	ssyncset.done $0x0  }
0x46: {  	[sflag:s19] =	ssyncadd.s32 $0xFFFFC000  }
0x47: {  	_ =	swait.ge [sflag:s24], $0x80  }
0x48: {  	[sflag:s24] =	ssyncset.done $0x0  }
0x49: {  	[sflag:s24] =	ssyncadd.s32 $0xFFFFFF80  }
0x4a: {  	[spmem:s2] =	stream.indirect.scatter.add.f32 [tilespmem:s17], [sflag:$0x5], $0x80, s20, s21, $0xb8;
	[tilespmem:$0x1EF80] =	vst v63  }
0x4b: {  	_ =	swait.ge [sflag:s18], $0x4000  }
0x4c: {  	[sflag:s18] =	ssyncset.done $0x0  }
0x4d: {  	s31 =	sshrl.u32 s16, $0x3;
	s30 =	simm.s32 $0x100;
	[sflag:s18] =	ssyncadd.s32 $0xFFFFC000  }
0x4e: {  	[tilespmem:s17], [sflag:$0x1] =	stream.indirect.gather [hbm4b:s4+s21], $0x80, s30, s21, $0xb8;
	[tilespmem:$0x1EF80] =	vst v63  }
0x4f: {  	s30 =	sadd.s32 s5, s31  }
0x50: {  	[tilespmem:s20], [sflag:$0x3] =	stream.linear.gather [hbm4b:s30+s3], $0x80, $0x38;
	[tilespmem:$0x1EF80] =	vst v63  }
0x51: {  	_ =	swait.ge [sflag:s25], $0x4000  }
0x52: {  	[sflag:s25] =	ssyncset.done $0x0  }
0x53: {  	[sflag:s25] =	ssyncadd.s32 $0xFFFFC000  }
0x54: {  	_ =	swait.ge [sflag:s26], $0x80  }
0x55: {  	[sflag:s26] =	ssyncset.done $0x0  }
0x56: {  	[sflag:s26] =	ssyncadd.s32 $0xFFFFFF80  }
0x57: {  	[spmem:s2] =	stream.indirect.scatter.add.f32 [tilespmem:s22], [sflag:$0x5], $0x80, s23, s21, $0xb8;
	[tilespmem:$0x1EF80] =	vst v63  }
0x58: {  	_ =	swait.ge [sflag:s18], $0x4000  }
0x59: {  	s31 =	smov.u32 s16;
	s30 =	simm.s32 $0x20;
	[sflag:s18] =	ssyncset.done $0x0  }
.LBB2_4:
0x5a: {  	[sflag:s18] =	ssyncadd.s32 $0xFFFFC000;
	s29 =	sadd.s32 $0x100, s29;
	s31 =	sadd.s32 $0x100, s31  }
0x5b: {  	[tilespmem:s22], [sflag:$0x2] =	stream.indirect.gather [hbm4b:s4+s21], $0x80, s29, s21, $0xb8;
	[tilespmem:$0x1EF80] =	vst v63  }
0x5c: {  	s1 =	sadd.s32 s30, s15;
	p0 =	sne.s32 s30, $0x4C0;
	s30 =	sadd.s32 $0x20, s30  }
0x5d: {  	[tilespmem:s23], [sflag:$0x4] =	stream.linear.gather [hbm4b:s1+s3], $0x80, $0x38;
	[tilespmem:$0x1EF80] =	vst v63  }
0x5e: {  	_ =	swait.ge [sflag:s19], $0x4000  }
0x5f: {  	[sflag:s19] =	ssyncset.done $0x0  }
0x60: {  	[sflag:s19] =	ssyncadd.s32 $0xFFFFC000  }
0x61: {  	_ =	swait.ge [sflag:s24], $0x80  }
0x62: {  	[sflag:s24] =	ssyncset.done $0x0  }
0x63: {  	[sflag:s24] =	ssyncadd.s32 $0xFFFFFF80  }
0x64: {  	[spmem:s2] =	stream.indirect.scatter.add.f32 [tilespmem:s17], [sflag:$0x5], $0x80, s20, s21, $0xb8;
	[tilespmem:$0x1EF80] =	vst v63  }
0x65: {  	_ =	swait.ge [sflag:s18], $0x4000  }
0x66: {  	[sflag:s18] =	ssyncset.done $0x0  }
0x67: {  	s0 =	sshrl.u32 s31, $0x3;
	s1 =	sadd.s32 $0x80, s29;
	[sflag:s18] =	ssyncadd.s32 $0xFFFFC000  }
0x68: {  	[tilespmem:s17], [sflag:$0x1] =	stream.indirect.gather [hbm4b:s4+s21], $0x80, s1, s21, $0xb8;
	[tilespmem:$0x1EF80] =	vst v63  }
0x69: {  	s0 =	sadd.s32 s5, s0  }
0x6a: {  	[tilespmem:s20], [sflag:$0x3] =	stream.linear.gather [hbm4b:s0+s3], $0x80, $0x38;
	[tilespmem:$0x1EF80] =	vst v63  }
0x6b: {  	_ =	swait.ge [sflag:s25], $0x4000  }
0x6c: {  	[sflag:s25] =	ssyncset.done $0x0  }
0x6d: {  	[sflag:s25] =	ssyncadd.s32 $0xFFFFC000  }
0x6e: {  	_ =	swait.ge [sflag:s26], $0x80  }
.Ltmp1:
0x6f: {  	[sflag:s26] =	ssyncset.done $0x0;
	(pc) =	sbr.rel @p0 .LBB2_4-.Ltmp1, $4  }
0x70: {  	[sflag:s26] =	ssyncadd.s32 $0xFFFFFF80  }
0x71: {  	[spmem:s2] =	stream.indirect.scatter.add.f32 [tilespmem:s22], [sflag:$0x5], $0x80, s23, s21, $0xb8;
	[tilespmem:$0x1EF80] =	vst v63  }
0x72: {  	_ =	swait.ge [sflag:s18], $0x4000  }
0x73: {  	[sflag:s18] =	ssyncset.done $0x0  }
0x74: {  	[sflag:s18] =	ssyncadd.s32 $0xFFFFC000  }
0x75: {  	_ =	swait.ge [sflag:s19], $0x4000  }
0x76: {  	[sflag:s19] =	ssyncset.done $0x0  }
0x77: {  	[sflag:s19] =	ssyncadd.s32 $0xFFFFC000  }
0x78: {  	_ =	swait.ge [sflag:s24], $0x80  }
0x79: {  	[sflag:s24] =	ssyncset.done $0x0  }
0x7a: {  	[sflag:s24] =	ssyncadd.s32 $0xFFFFFF80  }
0x7b: {  	[spmem:s2] =	stream.indirect.scatter.add.f32 [tilespmem:s17], [sflag:$0x5], $0x80, s20, s21, $0xb8;
	[tilespmem:$0x1EF80] =	vst v63  }
0x7c: {  	s0 =	stileid.u32;
	_ =	swait.ge [sflag:s18], $0x4000  }
0x7d: {  	s1 =	sshrl.u32 s6, $0x3;
	s28 =	sadd.s32 $0x1, s28;
	[sflag:s18] =	ssyncset.done $0x0  }
0x7e: {  	s0 =	sshll.u32 s0, $0x6;
	p0 =	sne.s32 s28, s14;
	[sflag:s18] =	ssyncadd.s32 $0xFFFFC000  }
.Ltmp2:
0x7f: {  	s0 =	sor.u32 $0x1C05, s0;
	[bflag:$0x0] =	sbarrier.arrive $0xFFFF;
	(pc) =	sbr.rel @p0 .LBB2_1-.Ltmp2, $4  }
0x80: {  	[hbm:s13], [sflag:s0] =	dma.local [spmem:s1], $0x2800  }
0x81: {  	_ =	swait.ge [sflag:s18], $0x2800  }
0x82: {  	[sflag:s18] =	ssyncset.done $0x0  }
0x83: {  	[sflag:s18] =	ssyncadd.s32 $0xFFFFD800  }
0x84: {  	_ =	sfence.sel $0x180000  }
0x85: {  	[bflag:$0x0] =	sbarrier.arrive $0xFFFF  }
0x86: {  	_ =	strace $0x90000053  }
0x87: {  	s0 =	stileid.u32;
	[bflag:$0x2] =	sbarrier.arrive $0xFFFF  }
0x88: {  	p0 =	sne.s32 s0, $0x0;
	s0 =	rddreg [dreg:$0x2]  }
0x89: {  	s0 =	sadd.s32 @!p0 $0x100000, s0  }
0x8a: {  	[sflag:s0] =	ssyncadd.tile.s32 @!p0 $0x1;
	_ =	shalt  }
.Lfunc_end2:
_tile_overlayer_lowered:
.L_overlay_start_2:
0x8b: {  	(tag) =	ssettag $0x2  }
0x8c: {  	s0 =	rddreg [dreg:$0x0];
	s2 =	stileid.u32  }
0x8d: {  	s1 =	rddreg [dreg:$0x1];
	p0 =	sne.s32 s2, $0x0  }
0x8e: {  	s3 =	rddreg [dreg:$0x2];
	[bflag:$0x3] =	sbarrier.arrive $0xFFFF;
	s2 =	simm.s32 @!p0 $0x1C05  }
0x8f: {  	[timem:s3], [sflag:s2] =	dma.local @!p0 [hbm:s0], s1  }
0x90: {  	s0 =	simm.s32 @!p0 $0x5  }
0x91: {  	_ =	swait.ge @!p0 [sflag:s0], s1  }
0x92: {  	s1 =	ssub.s32 @!p0 $0x0, s1;
	[sflag:s0] =	ssyncset.done @!p0 $0x0  }
0x93: {  	[sflag:s0] =	ssyncadd.s32 @!p0 s1  }
0x94: {  	[bflag:$0x3] =	sbarrier.arrive $0xFFFF  }
0x95: {  	_ =	shalt  }

</sc_bundles>
